<compile_context>
chip_gen: v7x
topology: tpu7x:2x2x1
jax: 0.10.2.dev20260603
libtpu: 0.0.44.dev20260713+nightly
codegen_flags: <defaults>
</compile_context>

<pallas_src>
import functools

import jax
import jax.numpy as jnp
from jax import lax
from jax.experimental import pallas as pl
from jax.experimental.pallas import tpu as pltpu
from jax.experimental.pallas import tpu_sc as plsc

N_NODES = 10000
N_PAD = 10240
IN_DIM = 128
HID_DIM = 256
OUT_DIM = 128
N_EDGES = 320000

NW = 32
EPW = N_EDGES // NW

_MESH = plsc.VectorSubcoreMesh(
    core_axis_name="c", subcore_axis_name="s", num_cores=2, num_subcores=16
)
_SC_PARAMS = pltpu.CompilerParams(
    needs_layout_passes=False, use_tc_tiling_on_sc=False
)


def _wid():
    return lax.axis_index("s") * 2 + lax.axis_index("c")


@functools.partial(
    pl.kernel,
    mesh=_MESH,
    compiler_params=_SC_PARAMS,
    out_type=(
        jax.ShapeDtypeStruct((NW, N_PAD), jnp.float32),
        jax.ShapeDtypeStruct((N_EDGES,), jnp.int32),
    ),
    scratch_types=[
        pltpu.VMEM((EPW,), jnp.int32),
        pltpu.VMEM((EPW,), jnp.int32),
        pltpu.VMEM((EPW,), jnp.int32),
        pltpu.VMEM((N_PAD,), jnp.float32),
    ],
)
def _hist_sc(ei_hbm, hist_hbm, ep_hbm, sbuf, dbuf, pbuf, acc):
    wid = _wid()
    zero16 = jnp.zeros((16,), jnp.float32)

    def zbody(i, _):
        acc[pl.ds(i * 16, 16)] = zero16
        return 0

    lax.fori_loop(0, N_PAD // 16, zbody, 0)
    base = pl.multiple_of(wid * EPW, 8)
    pltpu.sync_copy(ei_hbm.at[0, pl.ds(base, EPW)], sbuf)
    pltpu.sync_copy(ei_hbm.at[1, pl.ds(base, EPW)], dbuf)
    ones = jnp.full((16,), 1.0, jnp.float32)
    s16v = jnp.full((16,), 16, jnp.int32)

    def body(k, _):
        sv = sbuf[pl.ds(k * 16, 16)]
        dv = dbuf[pl.ds(k * 16, 16)]
        pbuf[pl.ds(k * 16, 16)] = sv + lax.shift_left(dv, s16v)
        plsc.addupdate_scatter(acc, [dv], ones)
        return 0

    lax.fori_loop(0, EPW // 16, body, 0)
    pltpu.sync_copy(acc, hist_hbm.at[wid])
    pltpu.sync_copy(pbuf, ep_hbm.at[pl.ds(base, EPW)])


def _mm_pack(scaled, p_ref):
    half = scaled.shape[0] // 2
    lo = lax.bitcast_convert_type(
        scaled[:half].astype(jnp.bfloat16), jnp.uint16
    ).astype(jnp.uint32)
    hi = lax.bitcast_convert_type(
        scaled[half:].astype(jnp.bfloat16), jnp.uint16
    ).astype(jnp.uint32)
    p_ref[...] = lax.bitcast_convert_type(lo | (hi << 16), jnp.int32)


def _dot(w_ref, t_ref):
    return lax.dot_general(
        w_ref[...],
        t_ref[...],
        (((1,), (0,)), ((), ())),
        preferred_element_type=jnp.float32,
        precision=lax.Precision.HIGHEST,
    )


def _mm1_body(w_ref, t_ref, hist_ref, p_ref, dis_ref):
    deg = jnp.sum(hist_ref[...], axis=0) + 1.0
    dis = 1.0 / jnp.sqrt(deg)
    dis_ref[...] = dis
    _mm_pack(_dot(w_ref, t_ref) * dis[None, :], p_ref)


def _unpack(p):
    u = lax.bitcast_convert_type(p, jnp.uint32)
    lo = lax.bitcast_convert_type(u << 16, jnp.float32)
    hi = lax.bitcast_convert_type(u & jnp.uint32(0xFFFF0000), jnp.float32)
    return jnp.concatenate([lo, hi], axis=0)


def _mm_scale1(wt, t, hist):
    mout, kdim = wt.shape
    nb = 2048
    return pl.pallas_call(
        _mm1_body,
        grid=(N_PAD // nb,),
        in_specs=[
            pl.BlockSpec((mout, kdim), lambda i: (0, 0)),
            pl.BlockSpec((kdim, nb), lambda i: (0, i)),
            pl.BlockSpec((NW, nb), lambda i: (0, i)),
        ],
        out_specs=[
            pl.BlockSpec((mout // 2, nb), lambda i: (0, i)),
            pl.BlockSpec((nb,), lambda i: (i,)),
        ],
        out_shape=[
            jax.ShapeDtypeStruct((mout // 2, N_PAD), jnp.int32),
            jax.ShapeDtypeStruct((N_PAD,), jnp.float32),
        ],
    )(wt, t, hist)


def _make_agg(mout, cpt, echunk, unroll, num_cores=2, edge0=0, nedges=N_EDGES):
    pr = (mout // 2) // (num_cores * 16)
    nchunk = nedges // echunk
    mesh = plsc.VectorSubcoreMesh(
        core_axis_name="c", subcore_axis_name="s", num_cores=num_cores,
        num_subcores=16,
    )

    @functools.partial(
        pl.kernel,
        mesh=mesh,
        compiler_params=_SC_PARAMS,
        out_type=jax.ShapeDtypeStruct((mout, N_PAD), jnp.float32),
        scratch_types=[
            pltpu.VMEM((pr, N_PAD), jnp.int32),
            pltpu.VMEM((cpt, N_PAD), jnp.float32),
            pltpu.VMEM((echunk,), jnp.int32),
            pltpu.VMEM((echunk,), jnp.int32),
            pltpu.SemaphoreType.DMA,
            pltpu.SemaphoreType.DMA,
            pltpu.SemaphoreType.DMA,
        ],
    )
    def agg(tbl_hbm, ep_hbm, out_hbm, tbl_v, acc_v, ebuf0, ebuf1, sem0, sem1, tsem):
        wid = lax.axis_index("s") * num_cores + lax.axis_index("c")
        p0 = wid * pr
        pltpu.make_async_copy(tbl_hbm.at[pl.ds(p0, pr)], tbl_v, tsem).start()
        zero16 = jnp.zeros((16,), jnp.float32)

        def zbody(i, _):
            for r in range(cpt):
                acc_v[r, pl.ds(i * 16, 16)] = zero16
            return 0

        lax.fori_loop(0, N_PAD // 16, zbody, 0)
        pltpu.make_async_copy(tbl_hbm.at[pl.ds(p0, pr)], tbl_v, tsem).wait()

        pvecs = [jnp.full((16,), p, jnp.int32) for p in range(pr)]
        rvecs = [jnp.full((16,), r, jnp.int32) for r in range(cpt)]
        m16 = jnp.full((16,), 0xFFFF, jnp.int32)
        mhi = jnp.full((16,), -65536, jnp.int32)
        s16v = jnp.full((16,), 16, jnp.int32)
        bufs = [(ebuf0, sem0), (ebuf1, sem1)]

        def _issue(ci, buf, sem):
            off = pl.multiple_of(edge0 + ci * echunk, 8)
            pltpu.make_async_copy(ep_hbm.at[pl.ds(off, echunk)], buf, sem).start()

        def _process(ebuf):
            def gather_grp(k):
                dvecs = []
                words = []
                for u in range(unroll):
                    epv = ebuf[pl.ds((k * unroll + u) * 16, 16)]
                    s16 = lax.bitwise_and(epv, m16)
                    dvecs.append(lax.shift_right_logical(epv, 16))
                    for p in range(pr):
                        words.append(plsc.load_gather(tbl_v, [pvecs[p], s16]))
                return tuple(dvecs) + tuple(words)

            def scatter_grp(carry):
                for u in range(unroll):
                    d16 = carry[u]
                    for p in range(pr):
                        w = carry[unroll + u * pr + p]
                        vlo = plsc.bitcast(lax.shift_left(w, s16v), jnp.float32)
                        vhi = plsc.bitcast(lax.bitwise_and(w, mhi), jnp.float32)
                        plsc.addupdate_scatter(acc_v, [rvecs[p], d16], vlo)
                        plsc.addupdate_scatter(acc_v, [rvecs[pr + p], d16], vhi)

            def body(k, carry):
                nxt = gather_grp(k)
                scatter_grp(carry)
                return nxt

            last = lax.fori_loop(1, echunk // 16 // unroll, body, gather_grp(0))
            scatter_grp(last)

        _issue(0, ebuf0, sem0)
        _issue(1, ebuf1, sem1)

        def pair(g, _):
            for par, (buf, sem) in enumerate(bufs):
                ci = 2 * g + par
                pltpu.make_async_copy(ep_hbm.at[pl.ds(0, echunk)], buf, sem).wait()
                _process(buf)
                nci = ci + 2

                @pl.when(nci < nchunk)
                def _():
                    _issue(nci, buf, sem)

            return 0

        lax.fori_loop(0, nchunk // 2, pair, 0)
        pltpu.sync_copy(acc_v.at[pl.ds(0, pr)], out_hbm.at[pl.ds(p0, pr)])
        pltpu.sync_copy(
            acc_v.at[pl.ds(pr, pr)], out_hbm.at[pl.ds(mout // 2 + p0, pr)]
        )

    return agg


_agg1 = _make_agg(HID_DIM, 8, 3200, 4)
_agg2 = _make_agg(OUT_DIM, 4, 16000, 8)


def _bnmm_body(a_ref, hp_ref, dis_ref, bias_ref, g_ref, be_ref, w_ref, p_ref):
    hs = _unpack(hp_ref[...])
    dis = dis_ref[...]
    a = dis[None, :] * (a_ref[...] + hs) + bias_ref[...][:, None]
    col = lax.broadcasted_iota(jnp.int32, (HID_DIM, N_PAD), 1)
    m = (col < N_NODES).astype(jnp.float32)
    am = a * m
    s1 = jnp.sum(am, axis=1)
    s2 = jnp.sum(am * am, axis=1)
    mean = s1 / N_NODES
    var = s2 / N_NODES - mean * mean
    rstd = 1.0 / jnp.sqrt(var + 1e-5)
    zn = (a - mean[:, None]) * rstd[:, None] * g_ref[...][:, None] + be_ref[...][:, None]
    z = jnp.maximum(zn, 0.0)
    prod = lax.dot_general(
        w_ref[...],
        z,
        (((1,), (0,)), ((), ())),
        preferred_element_type=jnp.float32,
        precision=lax.Precision.HIGHEST,
    )
    _mm_pack(prod * dis[None, :], p_ref)


def _bn_mm2(acc, h1p, dis, b1, gamma1, beta1, wt):
    return pl.pallas_call(
        _bnmm_body,
        out_shape=jax.ShapeDtypeStruct((OUT_DIM // 2, N_PAD), jnp.int32),
    )(acc, h1p, dis, b1, gamma1, beta1, wt)


def _final_body(acc_ref, hp_ref, dis_ref, bias_ref, o_ref):
    hs = _unpack(hp_ref[...])
    v = dis_ref[...][None, :] * (acc_ref[...] + hs) + bias_ref[...][:, None]
    o_ref[...] = v.T


def _final(acc, hp, dis, b2):
    nb = 2048
    return pl.pallas_call(
        _final_body,
        grid=(N_PAD // nb,),
        in_specs=[
            pl.BlockSpec((OUT_DIM, nb), lambda i: (0, i)),
            pl.BlockSpec((OUT_DIM // 2, nb), lambda i: (0, i)),
            pl.BlockSpec((nb,), lambda i: (i,)),
            pl.BlockSpec((OUT_DIM,), lambda i: (0,)),
        ],
        out_specs=pl.BlockSpec((nb, OUT_DIM), lambda i: (i, 0)),
        out_shape=jax.ShapeDtypeStruct((N_PAD, OUT_DIM), jnp.float32),
    )(acc, hp, dis, b2)


def kernel(x, edge_index, W1, b1, gamma1, beta1, W2, b2):
    ei = edge_index.astype(jnp.int32)
    hist, ep = _hist_sc(ei)

    xt = jnp.zeros((IN_DIM, N_PAD), jnp.float32).at[:, :N_NODES].set(x.T)
    h1p, dis = _mm_scale1(W1.T, xt, hist)

    acc1 = _agg1(h1p, ep)
    h2p = _bn_mm2(acc1, h1p, dis, b1, gamma1, beta1, W2.T)
    acc2 = _agg2(h2p, ep)
    out = _final(acc2, h2p, dis, b2)
    return out[:N_NODES]

# --- scband reference (transcript-rebuilt; emitter-appended) ---
"""Pipeline reference for scband-single-policy-net-gnn-15479062135289 (READ-ONLY COPY).

The authoritative reference and input builder live on the scoring server;
editing this copy changes nothing except your own understanding.
"""

import jax, jax.numpy as jnp
import numpy as np

N_NODES = 10000
IN_DIM = 128
HID_DIM = 256
OUT_DIM = 128
N_EDGES = 320000


def setup_inputs(seed: int = 0) -> dict:
    key = jax.random.key(seed)
    ks = jax.random.split(key, 8)
    x = jax.random.normal(ks[0], (N_NODES, IN_DIM), dtype=jnp.float32)
    edge_index = jax.random.randint(ks[1], (2, N_EDGES), 0, N_NODES, dtype=jnp.int64)
    # Glorot-ish init for linear weights of the two GCNConv layers
    W1 = jax.random.normal(ks[2], (IN_DIM, HID_DIM), dtype=jnp.float32) * (1.0 / np.sqrt(IN_DIM))
    b1 = jnp.zeros((HID_DIM,), dtype=jnp.float32)
    gamma1 = jnp.ones((HID_DIM,), dtype=jnp.float32)
    beta1 = jnp.zeros((HID_DIM,), dtype=jnp.float32)
    W2 = jax.random.normal(ks[3], (HID_DIM, OUT_DIM), dtype=jnp.float32) * (1.0 / np.sqrt(HID_DIM))
    b2 = jnp.zeros((OUT_DIM,), dtype=jnp.float32)
    return {"x": x, "edge_index": edge_index, "W1": W1, "b1": b1,
            "gamma1": gamma1, "beta1": beta1, "W2": W2, "b2": b2}


def _gcn_conv(x, src, dst, W, b, n_nodes):
    # GCNConv with added self-loops and symmetric normalization D^-1/2 A D^-1/2
    loop = jnp.arange(n_nodes, dtype=src.dtype)
    s = jnp.concatenate([src, loop])
    d = jnp.concatenate([dst, loop])
    ones = jnp.ones((s.shape[0],), dtype=x.dtype)
    deg = jax.ops.segment_sum(ones, d, num_segments=n_nodes)
    deg_inv_sqrt = jnp.where(deg > 0, 1.0 / jnp.sqrt(deg), 0.0)
    norm = deg_inv_sqrt[s] * deg_inv_sqrt[d]
    h = x @ W
    msg = h[s] * norm[:, None]
    out = jax.ops.segment_sum(msg, d, num_segments=n_nodes)
    return out + b


def _batch_norm(h, gamma, beta, eps=1e-5):
    mean = jnp.mean(h, axis=0, keepdims=True)
    var = jnp.var(h, axis=0, keepdims=True)
    return (h - mean) / jnp.sqrt(var + eps) * gamma + beta


def reference(x, edge_index, W1, b1, gamma1, beta1, W2, b2):
    n_nodes = x.shape[0]
    src, dst = edge_index[0], edge_index[1]
    # layer 1: GCNConv -> BatchNorm -> ReLU (dropout is identity in eval)
    h = _gcn_conv(x, src, dst, W1, b1, n_nodes)
    h = _batch_norm(h, gamma1, beta1)
    h = jax.nn.relu(h)
    # layer 2 (output): GCNConv
    out = _gcn_conv(h, src, dst, W2, b2, n_nodes)
    return out

if __name__ == "__main__":
    import jax
    _d = setup_inputs()
    print(jax.jit(kernel)(*tuple(_d.values())))

</pallas_src>

<mosaic_0001>
#map = affine_map<(d0, d1) -> (0, 0)>
#map1 = affine_map<(d0, d1) -> (0)>
module attributes {stable_mosaic.version = 14 : i64} {
  func.func @agg(%arg0: i32, %arg1: i32, %arg2: memref<128x10240xi32, #tpu.memory_space<hbm>>, %arg3: memref<320000xi32, #tpu.memory_space<hbm>>, %arg4: memref<256x10240xf32, #tpu.memory_space<hbm>>, %arg5: memref<4x10240xi32, #tpu.memory_space<vmem>>, %arg6: memref<8x10240xf32, #tpu.memory_space<vmem>>, %arg7: memref<3200xi32, #tpu.memory_space<vmem>>, %arg8: memref<3200xi32, #tpu.memory_space<vmem>>, %arg9: memref<!tpu.dma_semaphore, #tpu.memory_space<semaphore_mem>>, %arg10: memref<!tpu.dma_semaphore, #tpu.memory_space<semaphore_mem>>, %arg11: memref<!tpu.dma_semaphore, #tpu.memory_space<semaphore_mem>>) attributes {dimension_semantics = [#tpu.dimension_semantics<core_parallel>, #tpu.dimension_semantics<subcore_parallel>], iteration_bounds = array<i64: 2, 16>, scalar_prefetch = 0 : i64, scratch_operands = 7 : i64, tpu.core_type = #tpu.core_type<sc_vector_subcore>, window_params = [{transform_indices = #map}, {transform_indices = #map1}, {transform_indices = #map}]} {
    %mul3A = arith.constant 2 : i32
    %mul3A_0 = arith.muli %arg1, %mul3A : i32
    %add3A = arith.addi %mul3A_0, %arg0 : i32
    %mul3A_1 = arith.constant 4 : i32
    %mul3A_2 = arith.muli %add3A, %mul3A_1 : i32
    %dma_start3A = arith.constant 0 : i32
    %dma_start3A_3 = tpu.memref_slice %arg2[%mul3A_2, %dma_start3A] : memref<128x10240xi32, #tpu.memory_space<hbm>> -> memref<4x10240xi32, #tpu.memory_space<hbm>>
    %dma_start3A_4 = arith.constant 0 : i32
    %dma_start3A_5 = tpu.memref_slice %arg2[%mul3A_2, %dma_start3A_4] : memref<128x10240xi32, #tpu.memory_space<hbm>> -> memref<4x10240xi32, #tpu.memory_space<hbm>>
    tpu.enqueue_dma source(%dma_start3A_5 : memref<4x10240xi32, #tpu.memory_space<hbm>>) target(%arg5 : memref<4x10240xi32, #tpu.memory_space<vmem>>) target_semaphore(%arg11 : memref<!tpu.dma_semaphore, #tpu.memory_space<semaphore_mem>>)
    %broadcast_in_dim3A = arith.constant 0.000000e+00 : f32
    %broadcast_in_dim3A_6 = vector.broadcast %broadcast_in_dim3A : f32 to vector<16xf32>
    %scan3A = arith.constant 0 : i32
    %scan3A_7 = arith.constant 0 : i32
    %scan3A_8 = arith.constant 640 : i32
    %scan3A_9 = arith.addi %scan3A_7, %scan3A_8 : i32
    %scan3A_10 = arith.constant 1 : i32
    %scan3A_11 = scf.for %scan3A_62 = %scan3A_7 to %scan3A_9 step %scan3A_10 iter_args(%scan3A_63 = %scan3A) -> (i32)  : i32 {
      %mul3A_64 = arith.constant 16 : i32
      %mul3A_65 = arith.muli %scan3A_62, %mul3A_64 : i32
      %swap3A = arith.constant 0 : i32
      %swap3A_66 = arith.index_cast %swap3A : i32 to index
      %swap3A_67 = arith.index_cast %mul3A_65 : i32 to index
      %swap3A_68 = tpu.vector_load %arg6[%swap3A_66, %swap3A_67] {strides = array<i32>} : memref<8x10240xf32, #tpu.memory_space<vmem>>, vector<16xf32>,
      tpu.vector_store %arg6[%swap3A_66, %swap3A_67], %broadcast_in_dim3A_6 {strides = array<i32>} : memref<8x10240xf32, #tpu.memory_space<vmem>>, vector<16xf32>,
      %mul3A_69 = arith.constant 16 : i32
      %mul3A_70 = arith.muli %scan3A_62, %mul3A_69 : i32
      %swap3A_71 = arith.constant 1 : i32
      %swap3A_72 = arith.index_cast %swap3A_71 : i32 to index
      %swap3A_73 = arith.index_cast %mul3A_70 : i32 to index
      %swap3A_74 = tpu.vector_load %arg6[%swap3A_72, %swap3A_73] {strides = array<i32>} : memref<8x10240xf32, #tpu.memory_space<vmem>>, vector<16xf32>,
      tpu.vector_store %arg6[%swap3A_72, %swap3A_73], %broadcast_in_dim3A_6 {strides = array<i32>} : memref<8x10240xf32, #tpu.memory_space<vmem>>, vector<16xf32>,
      %mul3A_75 = arith.constant 16 : i32
      %mul3A_76 = arith.muli %scan3A_62, %mul3A_75 : i32
      %swap3A_77 = arith.constant 2 : i32
      %swap3A_78 = arith.index_cast %swap3A_77 : i32 to index
      %swap3A_79 = arith.index_cast %mul3A_76 : i32 to index
      %swap3A_80 = tpu.vector_load %arg6[%swap3A_78, %swap3A_79] {strides = array<i32>} : memref<8x10240xf32, #tpu.memory_space<vmem>>, vector<16xf32>,
      tpu.vector_store %arg6[%swap3A_78, %swap3A_79], %broadcast_in_dim3A_6 {strides = array<i32>} : memref<8x10240xf32, #tpu.memory_space<vmem>>, vector<16xf32>,
      %mul3A_81 = arith.constant 16 : i32
      %mul3A_82 = arith.muli %scan3A_62, %mul3A_81 : i32
      %swap3A_83 = arith.constant 3 : i32
      %swap3A_84 = arith.index_cast %swap3A_83 : i32 to index
      %swap3A_85 = arith.index_cast %mul3A_82 : i32 to index
      %swap3A_86 = tpu.vector_load %arg6[%swap3A_84, %swap3A_85] {strides = array<i32>} : memref<8x10240xf32, #tpu.memory_space<vmem>>, vector<16xf32>,
      tpu.vector_store %arg6[%swap3A_84, %swap3A_85], %broadcast_in_dim3A_6 {strides = array<i32>} : memref<8x10240xf32, #tpu.memory_space<vmem>>, vector<16xf32>,
      %mul3A_87 = arith.constant 16 : i32
      %mul3A_88 = arith.muli %scan3A_62, %mul3A_87 : i32
      %swap3A_89 = arith.constant 4 : i32
      %swap3A_90 = arith.index_cast %swap3A_89 : i32 to index
      %swap3A_91 = arith.index_cast %mul3A_88 : i32 to index
      %swap3A_92 = tpu.vector_load %arg6[%swap3A_90, %swap3A_91] {strides = array<i32>} : memref<8x10240xf32, #tpu.memory_space<vmem>>, vector<16xf32>,
      tpu.vector_store %arg6[%swap3A_90, %swap3A_91], %broadcast_in_dim3A_6 {strides = array<i32>} : memref<8x10240xf32, #tpu.memory_space<vmem>>, vector<16xf32>,
      %mul3A_93 = arith.constant 16 : i32
      %mul3A_94 = arith.muli %scan3A_62, %mul3A_93 : i32
      %swap3A_95 = arith.constant 5 : i32
      %swap3A_96 = arith.index_cast %swap3A_95 : i32 to index
      %swap3A_97 = arith.index_cast %mul3A_94 : i32 to index
      %swap3A_98 = tpu.vector_load %arg6[%swap3A_96, %swap3A_97] {strides = array<i32>} : memref<8x10240xf32, #tpu.memory_space<vmem>>, vector<16xf32>,
      tpu.vector_store %arg6[%swap3A_96, %swap3A_97], %broadcast_in_dim3A_6 {strides = array<i32>} : memref<8x10240xf32, #tpu.memory_space<vmem>>, vector<16xf32>,
      %mul3A_99 = arith.constant 16 : i32
      %mul3A_100 = arith.muli %scan3A_62, %mul3A_99 : i32
      %swap3A_101 = arith.constant 6 : i32
      %swap3A_102 = arith.index_cast %swap3A_101 : i32 to index
      %swap3A_103 = arith.index_cast %mul3A_100 : i32 to index
      %swap3A_104 = tpu.vector_load %arg6[%swap3A_102, %swap3A_103] {strides = array<i32>} : memref<8x10240xf32, #tpu.memory_space<vmem>>, vector<16xf32>,
      tpu.vector_store %arg6[%swap3A_102, %swap3A_103], %broadcast_in_dim3A_6 {strides = array<i32>} : memref<8x10240xf32, #tpu.memory_space<vmem>>, vector<16xf32>,
      %mul3A_105 = arith.constant 16 : i32
      %mul3A_106 = arith.muli %scan3A_62, %mul3A_105 : i32
      %swap3A_107 = arith.constant 7 : i32
      %swap3A_108 = arith.index_cast %swap3A_107 : i32 to index
      %swap3A_109 = arith.index_cast %mul3A_106 : i32 to index
      %swap3A_110 = tpu.vector_load %arg6[%swap3A_108, %swap3A_109] {strides = array<i32>} : memref<8x10240xf32, #tpu.memory_space<vmem>>, vector<16xf32>,
      tpu.vector_store %arg6[%swap3A_108, %swap3A_109], %broadcast_in_dim3A_6 {strides = array<i32>} : memref<8x10240xf32, #tpu.memory_space<vmem>>, vector<16xf32>,
      %scan3A_111 = arith.constant 0 : i32
      scf.yield %scan3A_111 : i32
    }
    %scan3A_12 = arith.constant 640 : i32
    %dma_wait3A = arith.constant 0 : i32
    %dma_wait3A_13 = tpu.memref_slice %arg2[%mul3A_2, %dma_wait3A] : memref<128x10240xi32, #tpu.memory_space<hbm>> -> memref<4x10240xi32, #tpu.memory_space<hbm>>
    %dma_wait3A_14 = arith.constant 0 : i32
    %dma_wait3A_15 = tpu.memref_slice %arg2[%mul3A_2, %dma_wait3A_14] : memref<128x10240xi32, #tpu.memory_space<hbm>> -> memref<4x10240xi32, #tpu.memory_space<hbm>>
    tpu.wait_dma2 semaphore(%arg11 : memref<!tpu.dma_semaphore, #tpu.memory_space<semaphore_mem>>) src(%dma_wait3A_15 : memref<4x10240xi32, #tpu.memory_space<hbm>>) dst(%arg5 : memref<4x10240xi32, #tpu.memory_space<vmem>>)
    %broadcast_in_dim3A_16 = arith.constant 0 : i32
    %broadcast_in_dim3A_17 = vector.broadcast %broadcast_in_dim3A_16 : i32 to vector<16xi32>
    %broadcast_in_dim3A_18 = arith.constant 1 : i32
    %broadcast_in_dim3A_19 = vector.broadcast %broadcast_in_dim3A_18 : i32 to vector<16xi32>
    %broadcast_in_dim3A_20 = arith.constant 2 : i32
    %broadcast_in_dim3A_21 = vector.broadcast %broadcast_in_dim3A_20 : i32 to vector<16xi32>
    %broadcast_in_dim3A_22 = arith.constant 3 : i32
    %broadcast_in_dim3A_23 = vector.broadcast %broadcast_in_dim3A_22 : i32 to vector<16xi32>
    %broadcast_in_dim3A_24 = arith.constant 0 : i32
    %broadcast_in_dim3A_25 = vector.broadcast %broadcast_in_dim3A_24 : i32 to vector<16xi32>
    %broadcast_in_dim3A_26 = arith.constant 1 : i32
    %broadcast_in_dim3A_27 = vector.broadcast %broadcast_in_dim3A_26 : i32 to vector<16xi32>
    %broadcast_in_dim3A_28 = arith.constant 2 : i32
    %broadcast_in_dim3A_29 = vector.broadcast %broadcast_in_dim3A_28 : i32 to vector<16xi32>
    %broadcast_in_dim3A_30 = arith.constant 3 : i32
    %broadcast_in_dim3A_31 = vector.broadcast %broadcast_in_dim3A_30 : i32 to vector<16xi32>
    %broadcast_in_dim3A_32 = arith.constant 4 : i32
    %broadcast_in_dim3A_33 = vector.broadcast %broadcast_in_dim3A_32 : i32 to vector<16xi32>
    %broadcast_in_dim3A_34 = arith.constant 5 : i32
    %broadcast_in_dim3A_35 = vector.broadcast %broadcast_in_dim3A_34 : i32 to vector<16xi32>
    %broadcast_in_dim3A_36 = arith.constant 6 : i32
    %broadcast_in_dim3A_37 = vector.broadcast %broadcast_in_dim3A_36 : i32 to vector<16xi32>
    %broadcast_in_dim3A_38 = arith.constant 7 : i32
    %broadcast_in_dim3A_39 = vector.broadcast %broadcast_in_dim3A_38 : i32 to vector<16xi32>
    %broadcast_in_dim3A_40 = arith.constant 65535 : i32
    %broadcast_in_dim3A_41 = vector.broadcast %broadcast_in_dim3A_40 : i32 to vector<16xi32>
    %broadcast_in_dim3A_42 = arith.constant -65536 : i32
    %broadcast_in_dim3A_43 = vector.broadcast %broadcast_in_dim3A_42 : i32 to vector<16xi32>
    %broadcast_in_dim3A_44 = arith.constant 16 : i32
    %broadcast_in_dim3A_45 = vector.broadcast %broadcast_in_dim3A_44 : i32 to vector<16xi32>
    %multiple_of3A = arith.constant 0 : i32
    %multiple_of3A_46 = tpu.assume_multiple %multiple_of3A, 8 : i32
    %dma_start3A_47 = tpu.memref_slice %arg3[%multiple_of3A_46] : memref<320000xi32, #tpu.memory_space<hbm>> -> memref<3200xi32, #tpu.memory_space<hbm>>
    %dma_start3A_48 = tpu.memref_slice %arg3[%multiple_of3A_46] : memref<320000xi32, #tpu.memory_space<hbm>> -> memref<3200xi32, #tpu.memory_space<hbm>>
    tpu.enqueue_dma source(%dma_start3A_48 : memref<3200xi32, #tpu.memory_space<hbm>>) target(%arg7 : memref<3200xi32, #tpu.memory_space<vmem>>) target_semaphore(%arg9 : memref<!tpu.dma_semaphore, #tpu.memory_space<semaphore_mem>>)
    %multiple_of3A_49 = arith.constant 3200 : i32
    %multiple_of3A_50 = tpu.assume_multiple %multiple_of3A_49, 8 : i32
    %dma_start3A_51 = tpu.memref_slice %arg3[%multiple_of3A_50] : memref<320000xi32, #tpu.memory_space<hbm>> -> memref<3200xi32, #tpu.memory_space<hbm>>
    %dma_start3A_52 = tpu.memref_slice %arg3[%multiple_of3A_50] : memref<320000xi32, #tpu.memory_space<hbm>> -> memref<3200xi32, #tpu.memory_space<hbm>>
    tpu.enqueue_dma source(%dma_start3A_52 : memref<3200xi32, #tpu.memory_space<hbm>>) target(%arg8 : memref<3200xi32, #tpu.memory_space<vmem>>) target_semaphore(%arg10 : memref<!tpu.dma_semaphore, #tpu.memory_space<semaphore_mem>>)
    %scan3A_53 = arith.constant 0 : i32
    %scan3A_54 = arith.constant 0 : i32
    %scan3A_55 = arith.constant 50 : i32
    %scan3A_56 = arith.addi %scan3A_54, %scan3A_55 : i32
    %scan3A_57 = arith.constant 1 : i32
    %scan3A_58 = scf.for %scan3A_62 = %scan3A_54 to %scan3A_56 step %scan3A_57 iter_args(%scan3A_63 = %scan3A_53) -> (i32)  : i32 {
      %mul3A_64 = arith.constant 2 : i32
      %mul3A_65 = arith.muli %mul3A_64, %scan3A_62 : i32
      %add3A_66 = arith.constant 0 : i32
      %add3A_67 = arith.addi %mul3A_65, %add3A_66 : i32
      %dma_wait3A_68 = arith.constant 0 : i32
      %dma_wait3A_69 = tpu.memref_slice %arg3[%dma_wait3A_68] : memref<320000xi32, #tpu.memory_space<hbm>> -> memref<3200xi32, #tpu.memory_space<hbm>>
      %dma_wait3A_70 = arith.constant 0 : i32
      %dma_wait3A_71 = tpu.memref_slice %arg3[%dma_wait3A_70] : memref<320000xi32, #tpu.memory_space<hbm>> -> memref<3200xi32, #tpu.memory_space<hbm>>
      tpu.wait_dma2 semaphore(%arg9 : memref<!tpu.dma_semaphore, #tpu.memory_space<semaphore_mem>>) src(%dma_wait3A_71 : memref<3200xi32, #tpu.memory_space<hbm>>) dst(%arg7 : memref<3200xi32, #tpu.memory_space<vmem>>)
      %get3A = arith.constant 0 : index
      %get3A_72 = tpu.vector_load %arg7[%get3A] {strides = array<i32>} : memref<3200xi32, #tpu.memory_space<vmem>>, vector<16xi32>,
      %and3A = arith.andi %get3A_72, %broadcast_in_dim3A_41 : vector<16xi32>
      %shift_right_logical3A = arith.constant 16 : i32
      %shift_right_logical3A_73 = vector.broadcast %shift_right_logical3A : i32 to vector<16xi32>
      %shift_right_logical3A_74 = arith.shrui %get3A_72, %shift_right_logical3A_73 : vector<16xi32>
      %gather3A = tpu.vector_load_idx %arg5[%broadcast_in_dim3A_17, %and3A] : memref<4x10240xi32, #tpu.memory_space<vmem>>[vector<16xi32>, vector<16xi32>], vector<16xi32>,
      %gather3A_75 = tpu.vector_load_idx %arg5[%broadcast_in_dim3A_19, %and3A] : memref<4x10240xi32, #tpu.memory_space<vmem>>[vector<16xi32>, vector<16xi32>], vector<16xi32>,
      %gather3A_76 = tpu.vector_load_idx %arg5[%broadcast_in_dim3A_21, %and3A] : memref<4x10240xi32, #tpu.memory_space<vmem>>[vector<16xi32>, vector<16xi32>], vector<16xi32>,
      %gather3A_77 = tpu.vector_load_idx %arg5[%broadcast_in_dim3A_23, %and3A] : memref<4x10240xi32, #tpu.memory_space<vmem>>[vector<16xi32>, vector<16xi32>], vector<16xi32>,
      %get3A_78 = arith.constant 16 : index
      %get3A_79 = tpu.vector_load %arg7[%get3A_78] {strides = array<i32>} : memref<3200xi32, #tpu.memory_space<vmem>>, vector<16xi32>,
      %and3A_80 = arith.andi %get3A_79, %broadcast_in_dim3A_41 : vector<16xi32>
      %shift_right_logical3A_81 = arith.constant 16 : i32
      %shift_right_logical3A_82 = vector.broadcast %shift_right_logical3A_81 : i32 to vector<16xi32>
      %shift_right_logical3A_83 = arith.shrui %get3A_79, %shift_right_logical3A_82 : vector<16xi32>
      %gather3A_84 = tpu.vector_load_idx %arg5[%broadcast_in_dim3A_17, %and3A_80] : memref<4x10240xi32, #tpu.memory_space<vmem>>[vector<16xi32>, vector<16xi32>], vector<16xi32>,
      %gather3A_85 = tpu.vector_load_idx %arg5[%broadcast_in_dim3A_19, %and3A_80] : memref<4x10240xi32, #tpu.memory_space<vmem>>[vector<16xi32>, vector<16xi32>], vector<16xi32>,
      %gather3A_86 = tpu.vector_load_idx %arg5[%broadcast_in_dim3A_21, %and3A_80] : memref<4x10240xi32, #tpu.memory_space<vmem>>[vector<16xi32>, vector<16xi32>], vector<16xi32>,
      %gather3A_87 = tpu.vector_load_idx %arg5[%broadcast_in_dim3A_23, %and3A_80] : memref<4x10240xi32, #tpu.memory_space<vmem>>[vector<16xi32>, vector<16xi32>], vector<16xi32>,
      %get3A_88 = arith.constant 32 : index
      %get3A_89 = tpu.vector_load %arg7[%get3A_88] {strides = array<i32>} : memref<3200xi32, #tpu.memory_space<vmem>>, vector<16xi32>,
      %and3A_90 = arith.andi %get3A_89, %broadcast_in_dim3A_41 : vector<16xi32>
      %shift_right_logical3A_91 = arith.constant 16 : i32
      %shift_right_logical3A_92 = vector.broadcast %shift_right_logical3A_91 : i32 to vector<16xi32>
      %shift_right_logical3A_93 = arith.shrui %get3A_89, %shift_right_logical3A_92 : vector<16xi32>
      %gather3A_94 = tpu.vector_load_idx %arg5[%broadcast_in_dim3A_17, %and3A_90] : memref<4x10240xi32, #tpu.memory_space<vmem>>[vector<16xi32>, vector<16xi32>], vector<16xi32>,
      %gather3A_95 = tpu.vector_load_idx %arg5[%broadcast_in_dim3A_19, %and3A_90] : memref<4x10240xi32, #tpu.memory_space<vmem>>[vector<16xi32>, vector<16xi32>], vector<16xi32>,
      %gather3A_96 = tpu.vector_load_idx %arg5[%broadcast_in_dim3A_21, %and3A_90] : memref<4x10240xi32, #tpu.memory_space<vmem>>[vector<16xi32>, vector<16xi32>], vector<16xi32>,
      %gather3A_97 = tpu.vector_load_idx %arg5[%broadcast_in_dim3A_23, %and3A_90] : memref<4x10240xi32, #tpu.memory_space<vmem>>[vector<16xi32>, vector<16xi32>], vector<16xi32>,
      %get3A_98 = arith.constant 48 : index
      %get3A_99 = tpu.vector_load %arg7[%get3A_98] {strides = array<i32>} : memref<3200xi32, #tpu.memory_space<vmem>>, vector<16xi32>,
      %and3A_100 = arith.andi %get3A_99, %broadcast_in_dim3A_41 : vector<16xi32>
      %shift_right_logical3A_101 = arith.constant 16 : i32
      %shift_right_logical3A_102 = vector.broadcast %shift_right_logical3A_101 : i32 to vector<16xi32>
      %shift_right_logical3A_103 = arith.shrui %get3A_99, %shift_right_logical3A_102 : vector<16xi32>
      %gather3A_104 = tpu.vector_load_idx %arg5[%broadcast_in_dim3A_17, %and3A_100] : memref<4x10240xi32, #tpu.memory_space<vmem>>[vector<16xi32>, vector<16xi32>], vector<16xi32>,
      %gather3A_105 = tpu.vector_load_idx %arg5[%broadcast_in_dim3A_19, %and3A_100] : memref<4x10240xi32, #tpu.memory_space<vmem>>[vector<16xi32>, vector<16xi32>], vector<16xi32>,
      %gather3A_106 = tpu.vector_load_idx %arg5[%broadcast_in_dim3A_21, %and3A_100] : memref<4x10240xi32, #tpu.memory_space<vmem>>[vector<16xi32>, vector<16xi32>], vector<16xi32>,
      %gather3A_107 = tpu.vector_load_idx %arg5[%broadcast_in_dim3A_23, %and3A_100] : memref<4x10240xi32, #tpu.memory_space<vmem>>[vector<16xi32>, vector<16xi32>], vector<16xi32>,
      %scan3A_108 = arith.constant 1 : i32
      %scan3A_109 = arith.constant 49 : i32
      %scan3A_110 = arith.addi %scan3A_108, %scan3A_109 : i32
      %scan3A_111 = arith.constant 1 : i32
      %scan3A_112:20 = scf.for %scan3A_306 = %scan3A_108 to %scan3A_110 step %scan3A_111 iter_args(%scan3A_307 = %shift_right_logical3A_74, %scan3A_308 = %shift_right_logical3A_83, %scan3A_309 = %shift_right_logical3A_93, %scan3A_310 = %shift_right_logical3A_103, %scan3A_311 = %gather3A, %scan3A_312 = %gather3A_75, %scan3A_313 = %gather3A_76, %scan3A_314 = %gather3A_77, %scan3A_315 = %gather3A_84, %scan3A_316 = %gather3A_85, %scan3A_317 = %gather3A_86, %scan3A_318 = %gather3A_87, %scan3A_319 = %gather3A_94, %scan3A_320 = %gather3A_95, %scan3A_321 = %gather3A_96, %scan3A_322 = %gather3A_97, %scan3A_323 = %gather3A_104, %scan3A_324 = %gather3A_105, %scan3A_325 = %gather3A_106, %scan3A_326 = %gather3A_107) -> (vector<16xi32>, vector<16xi32>, vector<16xi32>, vector<16xi32>, vector<16xi32>, vector<16xi32>, vector<16xi32>, vector<16xi32>, vector<16xi32>, vector<16xi32>, vector<16xi32>, vector<16xi32>, vector<16xi32>, vector<16xi32>, vector<16xi32>, vector<16xi32>, vector<16xi32>, vector<16xi32>, vector<16xi32>, vector<16xi32>)  : i32 {
        %mul3A_327 = arith.constant 4 : i32
        %mul3A_328 = arith.muli %scan3A_306, %mul3A_327 : i32
        %add3A_329 = arith.constant 0 : i32
        %add3A_330 = arith.addi %mul3A_328, %add3A_329 : i32
        %mul3A_331 = arith.constant 16 : i32
        %mul3A_332 = arith.muli %add3A_330, %mul3A_331 : i32
        %get3A_333 = arith.index_cast %mul3A_332 : i32 to index
        %get3A_334 = tpu.vector_load %arg7[%get3A_333] {strides = array<i32>} : memref<3200xi32, #tpu.memory_space<vmem>>, vector<16xi32>,
        %and3A_335 = arith.andi %get3A_334, %broadcast_in_dim3A_41 : vector<16xi32>
        %shift_right_logical3A_336 = arith.constant 16 : i32
        %shift_right_logical3A_337 = vector.broadcast %shift_right_logical3A_336 : i32 to vector<16xi32>
        %shift_right_logical3A_338 = arith.shrui %get3A_334, %shift_right_logical3A_337 : vector<16xi32>
        %gather3A_339 = tpu.vector_load_idx %arg5[%broadcast_in_dim3A_17, %and3A_335] : memref<4x10240xi32, #tpu.memory_space<vmem>>[vector<16xi32>, vector<16xi32>], vector<16xi32>,
        %gather3A_340 = tpu.vector_load_idx %arg5[%broadcast_in_dim3A_19, %and3A_335] : memref<4x10240xi32, #tpu.memory_space<vmem>>[vector<16xi32>, vector<16xi32>], vector<16xi32>,
        %gather3A_341 = tpu.vector_load_idx %arg5[%broadcast_in_dim3A_21, %and3A_335] : memref<4x10240xi32, #tpu.memory_space<vmem>>[vector<16xi32>, vector<16xi32>], vector<16xi32>,
        %gather3A_342 = tpu.vector_load_idx %arg5[%broadcast_in_dim3A_23, %and3A_335] : memref<4x10240xi32, #tpu.memory_space<vmem>>[vector<16xi32>, vector<16xi32>], vector<16xi32>,
        %mul3A_343 = arith.constant 4 : i32
        %mul3A_344 = arith.muli %scan3A_306, %mul3A_343 : i32
        %add3A_345 = arith.constant 1 : i32
        %add3A_346 = arith.addi %mul3A_344, %add3A_345 : i32
        %mul3A_347 = arith.constant 16 : i32
        %mul3A_348 = arith.muli %add3A_346, %mul3A_347 : i32
        %get3A_349 = arith.index_cast %mul3A_348 : i32 to index
        %get3A_350 = tpu.vector_load %arg7[%get3A_349] {strides = array<i32>} : memref<3200xi32, #tpu.memory_space<vmem>>, vector<16xi32>,
        %and3A_351 = arith.andi %get3A_350, %broadcast_in_dim3A_41 : vector<16xi32>
        %shift_right_logical3A_352 = arith.constant 16 : i32
        %shift_right_logical3A_353 = vector.broadcast %shift_right_logical3A_352 : i32 to vector<16xi32>
        %shift_right_logical3A_354 = arith.shrui %get3A_350, %shift_right_logical3A_353 : vector<16xi32>
        %gather3A_355 = tpu.vector_load_idx %arg5[%broadcast_in_dim3A_17, %and3A_351] : memref<4x10240xi32, #tpu.memory_space<vmem>>[vector<16xi32>, vector<16xi32>], vector<16xi32>,
        %gather3A_356 = tpu.vector_load_idx %arg5[%broadcast_in_dim3A_19, %and3A_351] : memref<4x10240xi32, #tpu.memory_space<vmem>>[vector<16xi32>, vector<16xi32>], vector<16xi32>,
        %gather3A_357 = tpu.vector_load_idx %arg5[%broadcast_in_dim3A_21, %and3A_351] : memref<4x10240xi32, #tpu.memory_space<vmem>>[vector<16xi32>, vector<16xi32>], vector<16xi32>,
        %gather3A_358 = tpu.vector_load_idx %arg5[%broadcast_in_dim3A_23, %and3A_351] : memref<4x10240xi32, #tpu.memory_space<vmem>>[vector<16xi32>, vector<16xi32>], vector<16xi32>,
        %mul3A_359 = arith.constant 4 : i32
        %mul3A_360 = arith.muli %scan3A_306, %mul3A_359 : i32
        %add3A_361 = arith.constant 2 : i32
        %add3A_362 = arith.addi %mul3A_360, %add3A_361 : i32
        %mul3A_363 = arith.constant 16 : i32
        %mul3A_364 = arith.muli %add3A_362, %mul3A_363 : i32
        %get3A_365 = arith.index_cast %mul3A_364 : i32 to index
        %get3A_366 = tpu.vector_load %arg7[%get3A_365] {strides = array<i32>} : memref<3200xi32, #tpu.memory_space<vmem>>, vector<16xi32>,
        %and3A_367 = arith.andi %get3A_366, %broadcast_in_dim3A_41 : vector<16xi32>
        %shift_right_logical3A_368 = arith.constant 16 : i32
        %shift_right_logical3A_369 = vector.broadcast %shift_right_logical3A_368 : i32 to vector<16xi32>
        %shift_right_logical3A_370 = arith.shrui %get3A_366, %shift_right_logical3A_369 : vector<16xi32>
        %gather3A_371 = tpu.vector_load_idx %arg5[%broadcast_in_dim3A_17, %and3A_367] : memref<4x10240xi32, #tpu.memory_space<vmem>>[vector<16xi32>, vector<16xi32>], vector<16xi32>,
        %gather3A_372 = tpu.vector_load_idx %arg5[%broadcast_in_dim3A_19, %and3A_367] : memref<4x10240xi32, #tpu.memory_space<vmem>>[vector<16xi32>, vector<16xi32>], vector<16xi32>,
        %gather3A_373 = tpu.vector_load_idx %arg5[%broadcast_in_dim3A_21, %and3A_367] : memref<4x10240xi32, #tpu.memory_space<vmem>>[vector<16xi32>, vector<16xi32>], vector<16xi32>,
        %gather3A_374 = tpu.vector_load_idx %arg5[%broadcast_in_dim3A_23, %and3A_367] : memref<4x10240xi32, #tpu.memory_space<vmem>>[vector<16xi32>, vector<16xi32>], vector<16xi32>,
        %mul3A_375 = arith.constant 4 : i32
        %mul3A_376 = arith.muli %scan3A_306, %mul3A_375 : i32
        %add3A_377 = arith.constant 3 : i32
        %add3A_378 = arith.addi %mul3A_376, %add3A_377 : i32
        %mul3A_379 = arith.constant 16 : i32
        %mul3A_380 = arith.muli %add3A_378, %mul3A_379 : i32
        %get3A_381 = arith.index_cast %mul3A_380 : i32 to index
        %get3A_382 = tpu.vector_load %arg7[%get3A_381] {strides = array<i32>} : memref<3200xi32, #tpu.memory_space<vmem>>, vector<16xi32>,
        %and3A_383 = arith.andi %get3A_382, %broadcast_in_dim3A_41 : vector<16xi32>
        %shift_right_logical3A_384 = arith.constant 16 : i32
        %shift_right_logical3A_385 = vector.broadcast %shift_right_logical3A_384 : i32 to vector<16xi32>
        %shift_right_logical3A_386 = arith.shrui %get3A_382, %shift_right_logical3A_385 : vector<16xi32>
        %gather3A_387 = tpu.vector_load_idx %arg5[%broadcast_in_dim3A_17, %and3A_383] : memref<4x10240xi32, #tpu.memory_space<vmem>>[vector<16xi32>, vector<16xi32>], vector<16xi32>,
        %gather3A_388 = tpu.vector_load_idx %arg5[%broadcast_in_dim3A_19, %and3A_383] : memref<4x10240xi32, #tpu.memory_space<vmem>>[vector<16xi32>, vector<16xi32>], vector<16xi32>,
        %gather3A_389 = tpu.vector_load_idx %arg5[%broadcast_in_dim3A_21, %and3A_383] : memref<4x10240xi32, #tpu.memory_space<vmem>>[vector<16xi32>, vector<16xi32>], vector<16xi32>,
        %gather3A_390 = tpu.vector_load_idx %arg5[%broadcast_in_dim3A_23, %and3A_383] : memref<4x10240xi32, #tpu.memory_space<vmem>>[vector<16xi32>, vector<16xi32>], vector<16xi32>,
        %shift_left3A_391 = arith.shli %scan3A_311, %broadcast_in_dim3A_45 : vector<16xi32>
        %bitcast3A_392 = vector.bitcast %shift_left3A_391 : vector<16xi32> to vector<16xf32>
        %and3A_393 = arith.andi %scan3A_311, %broadcast_in_dim3A_43 : vector<16xi32>
        %bitcast3A_394 = vector.bitcast %and3A_393 : vector<16xi32> to vector<16xf32>
        tpu.vector_store_idx %arg6[%broadcast_in_dim3A_25, %scan3A_307], %bitcast3A_392 {add = true} : memref<8x10240xf32, #tpu.memory_space<vmem>>[vector<16xi32>, vector<16xi32>], vector<16xf32>,
        tpu.vector_store_idx %arg6[%broadcast_in_dim3A_33, %scan3A_307], %bitcast3A_394 {add = true} : memref<8x10240xf32, #tpu.memory_space<vmem>>[vector<16xi32>, vector<16xi32>], vector<16xf32>,
        %shift_left3A_395 = arith.shli %scan3A_312, %broadcast_in_dim3A_45 : vector<16xi32>
        %bitcast3A_396 = vector.bitcast %shift_left3A_395 : vector<16xi32> to vector<16xf32>
        %and3A_397 = arith.andi %scan3A_312, %broadcast_in_dim3A_43 : vector<16xi32>
        %bitcast3A_398 = vector.bitcast %and3A_397 : vector<16xi32> to vector<16xf32>
        tpu.vector_store_idx %arg6[%broadcast_in_dim3A_27, %scan3A_307], %bitcast3A_396 {add = true} : memref<8x10240xf32, #tpu.memory_space<vmem>>[vector<16xi32>, vector<16xi32>], vector<16xf32>,
        tpu.vector_store_idx %arg6[%broadcast_in_dim3A_35, %scan3A_307], %bitcast3A_398 {add = true} : memref<8x10240xf32, #tpu.memory_space<vmem>>[vector<16xi32>, vector<16xi32>], vector<16xf32>,
        %shift_left3A_399 = arith.shli %scan3A_313, %broadcast_in_dim3A_45 : vector<16xi32>
        %bitcast3A_400 = vector.bitcast %shift_left3A_399 : vector<16xi32> to vector<16xf32>
        %and3A_401 = arith.andi %scan3A_313, %broadcast_in_dim3A_43 : vector<16xi32>
        %bitcast3A_402 = vector.bitcast %and3A_401 : vector<16xi32> to vector<16xf32>
        tpu.vector_store_idx %arg6[%broadcast_in_dim3A_29, %scan3A_307], %bitcast3A_400 {add = true} : memref<8x10240xf32, #tpu.memory_space<vmem>>[vector<16xi32>, vector<16xi32>], vector<16xf32>,
        tpu.vector_store_idx %arg6[%broadcast_in_dim3A_37, %scan3A_307], %bitcast3A_402 {add = true} : memref<8x10240xf32, #tpu.memory_space<vmem>>[vector<16xi32>, vector<16xi32>], vector<16xf32>,
        %shift_left3A_403 = arith.shli %scan3A_314, %broadcast_in_dim3A_45 : vector<16xi32>
        %bitcast3A_404 = vector.bitcast %shift_left3A_403 : vector<16xi32> to vector<16xf32>
        %and3A_405 = arith.andi %scan3A_314, %broadcast_in_dim3A_43 : vector<16xi32>
        %bitcast3A_406 = vector.bitcast %and3A_405 : vector<16xi32> to vector<16xf32>
        tpu.vector_store_idx %arg6[%broadcast_in_dim3A_31, %scan3A_307], %bitcast3A_404 {add = true} : memref<8x10240xf32, #tpu.memory_space<vmem>>[vector<16xi32>, vector<16xi32>], vector<16xf32>,
        tpu.vector_store_idx %arg6[%broadcast_in_dim3A_39, %scan3A_307], %bitcast3A_406 {add = true} : memref<8x10240xf32, #tpu.memory_space<vmem>>[vector<16xi32>, vector<16xi32>], vector<16xf32>,
        %shift_left3A_407 = arith.shli %scan3A_315, %broadcast_in_dim3A_45 : vector<16xi32>
        %bitcast3A_408 = vector.bitcast %shift_left3A_407 : vector<16xi32> to vector<16xf32>
        %and3A_409 = arith.andi %scan3A_315, %broadcast_in_dim3A_43 : vector<16xi32>
        %bitcast3A_410 = vector.bitcast %and3A_409 : vector<16xi32> to vector<16xf32>
        tpu.vector_store_idx %arg6[%broadcast_in_dim3A_25, %scan3A_308], %bitcast3A_408 {add = true} : memref<8x10240xf32, #tpu.memory_space<vmem>>[vector<16xi32>, vector<16xi32>], vector<16xf32>,
        tpu.vector_store_idx %arg6[%broadcast_in_dim3A_33, %scan3A_308], %bitcast3A_410 {add = true} : memref<8x10240xf32, #tpu.memory_space<vmem>>[vector<16xi32>, vector<16xi32>], vector<16xf32>,
        %shift_left3A_411 = arith.shli %scan3A_316, %broadcast_in_dim3A_45 : vector<16xi32>
        %bitcast3A_412 = vector.bitcast %shift_left3A_411 : vector<16xi32> to vector<16xf32>
        %and3A_413 = arith.andi %scan3A_316, %broadcast_in_dim3A_43 : vector<16xi32>
        %bitcast3A_414 = vector.bitcast %and3A_413 : vector<16xi32> to vector<16xf32>
        tpu.vector_store_idx %arg6[%broadcast_in_dim3A_27, %scan3A_308], %bitcast3A_412 {add = true} : memref<8x10240xf32, #tpu.memory_space<vmem>>[vector<16xi32>, vector<16xi32>], vector<16xf32>,
        tpu.vector_store_idx %arg6[%broadcast_in_dim3A_35, %scan3A_308], %bitcast3A_414 {add = true} : memref<8x10240xf32, #tpu.memory_space<vmem>>[vector<16xi32>, vector<16xi32>], vector<16xf32>,
        %shift_left3A_415 = arith.shli %scan3A_317, %broadcast_in_dim3A_45 : vector<16xi32>
        %bitcast3A_416 = vector.bitcast %shift_left3A_415 : vector<16xi32> to vector<16xf32>
        %and3A_417 = arith.andi %scan3A_317, %broadcast_in_dim3A_43 : vector<16xi32>
        %bitcast3A_418 = vector.bitcast %and3A_417 : vector<16xi32> to vector<16xf32>
        tpu.vector_store_idx %arg6[%broadcast_in_dim3A_29, %scan3A_308], %bitcast3A_416 {add = true} : memref<8x10240xf32, #tpu.memory_space<vmem>>[vector<16xi32>, vector<16xi32>], vector<16xf32>,
        tpu.vector_store_idx %arg6[%broadcast_in_dim3A_37, %scan3A_308], %bitcast3A_418 {add = true} : memref<8x10240xf32, #tpu.memory_space<vmem>>[vector<16xi32>, vector<16xi32>], vector<16xf32>,
        %shift_left3A_419 = arith.shli %scan3A_318, %broadcast_in_dim3A_45 : vector<16xi32>
        %bitcast3A_420 = vector.bitcast %shift_left3A_419 : vector<16xi32> to vector<16xf32>
        %and3A_421 = arith.andi %scan3A_318, %broadcast_in_dim3A_43 : vector<16xi32>
        %bitcast3A_422 = vector.bitcast %and3A_421 : vector<16xi32> to vector<16xf32>
        tpu.vector_store_idx %arg6[%broadcast_in_dim3A_31, %scan3A_308], %bitcast3A_420 {add = true} : memref<8x10240xf32, #tpu.memory_space<vmem>>[vector<16xi32>, vector<16xi32>], vector<16xf32>,
        tpu.vector_store_idx %arg6[%broadcast_in_dim3A_39, %scan3A_308], %bitcast3A_422 {add = true} : memref<8x10240xf32, #tpu.memory_space<vmem>>[vector<16xi32>, vector<16xi32>], vector<16xf32>,
        %shift_left3A_423 = arith.shli %scan3A_319, %broadcast_in_dim3A_45 : vector<16xi32>
        %bitcast3A_424 = vector.bitcast %shift_left3A_423 : vector<16xi32> to vector<16xf32>
        %and3A_425 = arith.andi %scan3A_319, %broadcast_in_dim3A_43 : vector<16xi32>
        %bitcast3A_426 = vector.bitcast %and3A_425 : vector<16xi32> to vector<16xf32>
        tpu.vector_store_idx %arg6[%broadcast_in_dim3A_25, %scan3A_309], %bitcast3A_424 {add = true} : memref<8x10240xf32, #tpu.memory_space<vmem>>[vector<16xi32>, vector<16xi32>], vector<16xf32>,
        tpu.vector_store_idx %arg6[%broadcast_in_dim3A_33, %scan3A_309], %bitcast3A_426 {add = true} : memref<8x10240xf32, #tpu.memory_space<vmem>>[vector<16xi32>, vector<16xi32>], vector<16xf32>,
        %shift_left3A_427 = arith.shli %scan3A_320, %broadcast_in_dim3A_45 : vector<16xi32>
        %bitcast3A_428 = vector.bitcast %shift_left3A_427 : vector<16xi32> to vector<16xf32>
        %and3A_429 = arith.andi %scan3A_320, %broadcast_in_dim3A_43 : vector<16xi32>
        %bitcast3A_430 = vector.bitcast %and3A_429 : vector<16xi32> to vector<16xf32>
        tpu.vector_store_idx %arg6[%broadcast_in_dim3A_27, %scan3A_309], %bitcast3A_428 {add = true} : memref<8x10240xf32, #tpu.memory_space<vmem>>[vector<16xi32>, vector<16xi32>], vector<16xf32>,
        tpu.vector_store_idx %arg6[%broadcast_in_dim3A_35, %scan3A_309], %bitcast3A_430 {add = true} : memref<8x10240xf32, #tpu.memory_space<vmem>>[vector<16xi32>, vector<16xi32>], vector<16xf32>,
        %shift_left3A_431 = arith.shli %scan3A_321, %broadcast_in_dim3A_45 : vector<16xi32>
        %bitcast3A_432 = vector.bitcast %shift_left3A_431 : vector<16xi32> to vector<16xf32>
        %and3A_433 = arith.andi %scan3A_321, %broadcast_in_dim3A_43 : vector<16xi32>
        %bitcast3A_434 = vector.bitcast %and3A_433 : vector<16xi32> to vector<16xf32>
        tpu.vector_store_idx %arg6[%broadcast_in_dim3A_29, %scan3A_309], %bitcast3A_432 {add = true} : memref<8x10240xf32, #tpu.memory_space<vmem>>[vector<16xi32>, vector<16xi32>], vector<16xf32>,
        tpu.vector_store_idx %arg6[%broadcast_in_dim3A_37, %scan3A_309], %bitcast3A_434 {add = true} : memref<8x10240xf32, #tpu.memory_space<vmem>>[vector<16xi32>, vector<16xi32>], vector<16xf32>,
        %shift_left3A_435 = arith.shli %scan3A_322, %broadcast_in_dim3A_45 : vector<16xi32>
        %bitcast3A_436 = vector.bitcast %shift_left3A_435 : vector<16xi32> to vector<16xf32>
        %and3A_437 = arith.andi %scan3A_322, %broadcast_in_dim3A_43 : vector<16xi32>
        %bitcast3A_438 = vector.bitcast %and3A_437 : vector<16xi32> to vector<16xf32>
        tpu.vector_store_idx %arg6[%broadcast_in_dim3A_31, %scan3A_309], %bitcast3A_436 {add = true} : memref<8x10240xf32, #tpu.memory_space<vmem>>[vector<16xi32>, vector<16xi32>], vector<16xf32>,
        tpu.vector_store_idx %arg6[%broadcast_in_dim3A_39, %scan3A_309], %bitcast3A_438 {add = true} : memref<8x10240xf32, #tpu.memory_space<vmem>>[vector<16xi32>, vector<16xi32>], vector<16xf32>,
        %shift_left3A_439 = arith.shli %scan3A_323, %broadcast_in_dim3A_45 : vector<16xi32>
        %bitcast3A_440 = vector.bitcast %shift_left3A_439 : vector<16xi32> to vector<16xf32>
        %and3A_441 = arith.andi %scan3A_323, %broadcast_in_dim3A_43 : vector<16xi32>
        %bitcast3A_442 = vector.bitcast %and3A_441 : vector<16xi32> to vector<16xf32>
        tpu.vector_store_idx %arg6[%broadcast_in_dim3A_25, %scan3A_310], %bitcast3A_440 {add = true} : memref<8x10240xf32, #tpu.memory_space<vmem>>[vector<16xi32>, vector<16xi32>], vector<16xf32>,
        tpu.vector_store_idx %arg6[%broadcast_in_dim3A_33, %scan3A_310], %bitcast3A_442 {add = true} : memref<8x10240xf32, #tpu.memory_space<vmem>>[vector<16xi32>, vector<16xi32>], vector<16xf32>,
        %shift_left3A_443 = arith.shli %scan3A_324, %broadcast_in_dim3A_45 : vector<16xi32>
        %bitcast3A_444 = vector.bitcast %shift_left3A_443 : vector<16xi32> to vector<16xf32>
        %and3A_445 = arith.andi %scan3A_324, %broadcast_in_dim3A_43 : vector<16xi32>
        %bitcast3A_446 = vector.bitcast %and3A_445 : vector<16xi32> to vector<16xf32>
        tpu.vector_store_idx %arg6[%broadcast_in_dim3A_27, %scan3A_310], %bitcast3A_444 {add = true} : memref<8x10240xf32, #tpu.memory_space<vmem>>[vector<16xi32>, vector<16xi32>], vector<16xf32>,
        tpu.vector_store_idx %arg6[%broadcast_in_dim3A_35, %scan3A_310], %bitcast3A_446 {add = true} : memref<8x10240xf32, #tpu.memory_space<vmem>>[vector<16xi32>, vector<16xi32>], vector<16xf32>,
        %shift_left3A_447 = arith.shli %scan3A_325, %broadcast_in_dim3A_45 : vector<16xi32>
        %bitcast3A_448 = vector.bitcast %shift_left3A_447 : vector<16xi32> to vector<16xf32>
        %and3A_449 = arith.andi %scan3A_325, %broadcast_in_dim3A_43 : vector<16xi32>
        %bitcast3A_450 = vector.bitcast %and3A_449 : vector<16xi32> to vector<16xf32>
        tpu.vector_store_idx %arg6[%broadcast_in_dim3A_29, %scan3A_310], %bitcast3A_448 {add = true} : memref<8x10240xf32, #tpu.memory_space<vmem>>[vector<16xi32>, vector<16xi32>], vector<16xf32>,
        tpu.vector_store_idx %arg6[%broadcast_in_dim3A_37, %scan3A_310], %bitcast3A_450 {add = true} : memref<8x10240xf32, #tpu.memory_space<vmem>>[vector<16xi32>, vector<16xi32>], vector<16xf32>,
        %shift_left3A_451 = arith.shli %scan3A_326, %broadcast_in_dim3A_45 : vector<16xi32>
        %bitcast3A_452 = vector.bitcast %shift_left3A_451 : vector<16xi32> to vector<16xf32>
        %and3A_453 = arith.andi %scan3A_326, %broadcast_in_dim3A_43 : vector<16xi32>
        %bitcast3A_454 = vector.bitcast %and3A_453 : vector<16xi32> to vector<16xf32>
        tpu.vector_store_idx %arg6[%broadcast_in_dim3A_31, %scan3A_310], %bitcast3A_452 {add = true} : memref<8x10240xf32, #tpu.memory_space<vmem>>[vector<16xi32>, vector<16xi32>], vector<16xf32>,
        tpu.vector_store_idx %arg6[%broadcast_in_dim3A_39, %scan3A_310], %bitcast3A_454 {add = true} : memref<8x10240xf32, #tpu.memory_space<vmem>>[vector<16xi32>, vector<16xi32>], vector<16xf32>,
        scf.yield %shift_right_logical3A_338, %shift_right_logical3A_354, %shift_right_logical3A_370, %shift_right_logical3A_386, %gather3A_339, %gather3A_340, %gather3A_341, %gather3A_342, %gather3A_355, %gather3A_356, %gather3A_357, %gather3A_358, %gather3A_371, %gather3A_372, %gather3A_373, %gather3A_374, %gather3A_387, %gather3A_388, %gather3A_389, %gather3A_390 : vector<16xi32>, vector<16xi32>, vector<16xi32>, vector<16xi32>, vector<16xi32>, vector<16xi32>, vector<16xi32>, vector<16xi32>, vector<16xi32>, vector<16xi32>, vector<16xi32>, vector<16xi32>, vector<16xi32>, vector<16xi32>, vector<16xi32>, vector<16xi32>, vector<16xi32>, vector<16xi32>, vector<16xi32>, vector<16xi32>
      }
      %scan3A_113 = arith.constant 49 : i32
      %shift_left3A = arith.shli %scan3A_112#4, %broadcast_in_dim3A_45 : vector<16xi32>
      %bitcast3A = vector.bitcast %shift_left3A : vector<16xi32> to vector<16xf32>
      %and3A_114 = arith.andi %scan3A_112#4, %broadcast_in_dim3A_43 : vector<16xi32>
      %bitcast3A_115 = vector.bitcast %and3A_114 : vector<16xi32> to vector<16xf32>
      tpu.vector_store_idx %arg6[%broadcast_in_dim3A_25, %scan3A_112#0], %bitcast3A {add = true} : memref<8x10240xf32, #tpu.memory_space<vmem>>[vector<16xi32>, vector<16xi32>], vector<16xf32>,
      tpu.vector_store_idx %arg6[%broadcast_in_dim3A_33, %scan3A_112#0], %bitcast3A_115 {add = true} : memref<8x10240xf32, #tpu.memory_space<vmem>>[vector<16xi32>, vector<16xi32>], vector<16xf32>,
      %shift_left3A_116 = arith.shli %scan3A_112#5, %broadcast_in_dim3A_45 : vector<16xi32>
      %bitcast3A_117 = vector.bitcast %shift_left3A_116 : vector<16xi32> to vector<16xf32>
      %and3A_118 = arith.andi %scan3A_112#5, %broadcast_in_dim3A_43 : vector<16xi32>
      %bitcast3A_119 = vector.bitcast %and3A_118 : vector<16xi32> to vector<16xf32>
      tpu.vector_store_idx %arg6[%broadcast_in_dim3A_27, %scan3A_112#0], %bitcast3A_117 {add = true} : memref<8x10240xf32, #tpu.memory_space<vmem>>[vector<16xi32>, vector<16xi32>], vector<16xf32>,
      tpu.vector_store_idx %arg6[%broadcast_in_dim3A_35, %scan3A_112#0], %bitcast3A_119 {add = true} : memref<8x10240xf32, #tpu.memory_space<vmem>>[vector<16xi32>, vector<16xi32>], vector<16xf32>,
      %shift_left3A_120 = arith.shli %scan3A_112#6, %broadcast_in_dim3A_45 : vector<16xi32>
      %bitcast3A_121 = vector.bitcast %shift_left3A_120 : vector<16xi32> to vector<16xf32>
      %and3A_122 = arith.andi %scan3A_112#6, %broadcast_in_dim3A_43 : vector<16xi32>
      %bitcast3A_123 = vector.bitcast %and3A_122 : vector<16xi32> to vector<16xf32>
      tpu.vector_store_idx %arg6[%broadcast_in_dim3A_29, %scan3A_112#0], %bitcast3A_121 {add = true} : memref<8x10240xf32, #tpu.memory_space<vmem>>[vector<16xi32>, vector<16xi32>], vector<16xf32>,
      tpu.vector_store_idx %arg6[%broadcast_in_dim3A_37, %scan3A_112#0], %bitcast3A_123 {add = true} : memref<8x10240xf32, #tpu.memory_space<vmem>>[vector<16xi32>, vector<16xi32>], vector<16xf32>,
      %shift_left3A_124 = arith.shli %scan3A_112#7, %broadcast_in_dim3A_45 : vector<16xi32>
      %bitcast3A_125 = vector.bitcast %shift_left3A_124 : vector<16xi32> to vector<16xf32>
      %and3A_126 = arith.andi %scan3A_112#7, %broadcast_in_dim3A_43 : vector<16xi32>
      %bitcast3A_127 = vector.bitcast %and3A_126 : vector<16xi32> to vector<16xf32>
      tpu.vector_store_idx %arg6[%broadcast_in_dim3A_31, %scan3A_112#0], %bitcast3A_125 {add = true} : memref<8x10240xf32, #tpu.memory_space<vmem>>[vector<16xi32>, vector<16xi32>], vector<16xf32>,
      tpu.vector_store_idx %arg6[%broadcast_in_dim3A_39, %scan3A_112#0], %bitcast3A_127 {add = true} : memref<8x10240xf32, #tpu.memory_space<vmem>>[vector<16xi32>, vector<16xi32>], vector<16xf32>,
      %shift_left3A_128 = arith.shli %scan3A_112#8, %broadcast_in_dim3A_45 : vector<16xi32>
      %bitcast3A_129 = vector.bitcast %shift_left3A_128 : vector<16xi32> to vector<16xf32>
      %and3A_130 = arith.andi %scan3A_112#8, %broadcast_in_dim3A_43 : vector<16xi32>
      %bitcast3A_131 = vector.bitcast %and3A_130 : vector<16xi32> to vector<16xf32>
      tpu.vector_store_idx %arg6[%broadcast_in_dim3A_25, %scan3A_112#1], %bitcast3A_129 {add = true} : memref<8x10240xf32, #tpu.memory_space<vmem>>[vector<16xi32>, vector<16xi32>], vector<16xf32>,
      tpu.vector_store_idx %arg6[%broadcast_in_dim3A_33, %scan3A_112#1], %bitcast3A_131 {add = true} : memref<8x10240xf32, #tpu.memory_space<vmem>>[vector<16xi32>, vector<16xi32>], vector<16xf32>,
      %shift_left3A_132 = arith.shli %scan3A_112#9, %broadcast_in_dim3A_45 : vector<16xi32>
      %bitcast3A_133 = vector.bitcast %shift_left3A_132 : vector<16xi32> to vector<16xf32>
      %and3A_134 = arith.andi %scan3A_112#9, %broadcast_in_dim3A_43 : vector<16xi32>
      %bitcast3A_135 = vector.bitcast %and3A_134 : vector<16xi32> to vector<16xf32>
      tpu.vector_store_idx %arg6[%broadcast_in_dim3A_27, %scan3A_112#1], %bitcast3A_133 {add = true} : memref<8x10240xf32, #tpu.memory_space<vmem>>[vector<16xi32>, vector<16xi32>], vector<16xf32>,
      tpu.vector_store_idx %arg6[%broadcast_in_dim3A_35, %scan3A_112#1], %bitcast3A_135 {add = true} : memref<8x10240xf32, #tpu.memory_space<vmem>>[vector<16xi32>, vector<16xi32>], vector<16xf32>,
      %shift_left3A_136 = arith.shli %scan3A_112#10, %broadcast_in_dim3A_45 : vector<16xi32>
      %bitcast3A_137 = vector.bitcast %shift_left3A_136 : vector<16xi32> to vector<16xf32>
      %and3A_138 = arith.andi %scan3A_112#10, %broadcast_in_dim3A_43 : vector<16xi32>
      %bitcast3A_139 = vector.bitcast %and3A_138 : vector<16xi32> to vector<16xf32>
      tpu.vector_store_idx %arg6[%broadcast_in_dim3A_29, %scan3A_112#1], %bitcast3A_137 {add = true} : memref<8x10240xf32, #tpu.memory_space<vmem>>[vector<16xi32>, vector<16xi32>], vector<16xf32>,
      tpu.vector_store_idx %arg6[%broadcast_in_dim3A_37, %scan3A_112#1], %bitcast3A_139 {add = true} : memref<8x10240xf32, #tpu.memory_space<vmem>>[vector<16xi32>, vector<16xi32>], vector<16xf32>,
      %shift_left3A_140 = arith.shli %scan3A_112#11, %broadcast_in_dim3A_45 : vector<16xi32>
      %bitcast3A_141 = vector.bitcast %shift_left3A_140 : vector<16xi32> to vector<16xf32>
      %and3A_142 = arith.andi %scan3A_112#11, %broadcast_in_dim3A_43 : vector<16xi32>
      %bitcast3A_143 = vector.bitcast %and3A_142 : vector<16xi32> to vector<16xf32>
      tpu.vector_store_idx %arg6[%broadcast_in_dim3A_31, %scan3A_112#1], %bitcast3A_141 {add = true} : memref<8x10240xf32, #tpu.memory_space<vmem>>[vector<16xi32>, vector<16xi32>], vector<16xf32>,
      tpu.vector_store_idx %arg6[%broadcast_in_dim3A_39, %scan3A_112#1], %bitcast3A_143 {add = true} : memref<8x10240xf32, #tpu.memory_space<vmem>>[vector<16xi32>, vector<16xi32>], vector<16xf32>,
      %shift_left3A_144 = arith.shli %scan3A_112#12, %broadcast_in_dim3A_45 : vector<16xi32>
      %bitcast3A_145 = vector.bitcast %shift_left3A_144 : vector<16xi32> to vector<16xf32>
      %and3A_146 = arith.andi %scan3A_112#12, %broadcast_in_dim3A_43 : vector<16xi32>
      %bitcast3A_147 = vector.bitcast %and3A_146 : vector<16xi32> to vector<16xf32>
      tpu.vector_store_idx %arg6[%broadcast_in_dim3A_25, %scan3A_112#2], %bitcast3A_145 {add = true} : memref<8x10240xf32, #tpu.memory_space<vmem>>[vector<16xi32>, vector<16xi32>], vector<16xf32>,
      tpu.vector_store_idx %arg6[%broadcast_in_dim3A_33, %scan3A_112#2], %bitcast3A_147 {add = true} : memref<8x10240xf32, #tpu.memory_space<vmem>>[vector<16xi32>, vector<16xi32>], vector<16xf32>,
      %shift_left3A_148 = arith.shli %scan3A_112#13, %broadcast_in_dim3A_45 : vector<16xi32>
      %bitcast3A_149 = vector.bitcast %shift_left3A_148 : vector<16xi32> to vector<16xf32>
      %and3A_150 = arith.andi %scan3A_112#13, %broadcast_in_dim3A_43 : vector<16xi32>
      %bitcast3A_151 = vector.bitcast %and3A_150 : vector<16xi32> to vector<16xf32>
      tpu.vector_store_idx %arg6[%broadcast_in_dim3A_27, %scan3A_112#2], %bitcast3A_149 {add = true} : memref<8x10240xf32, #tpu.memory_space<vmem>>[vector<16xi32>, vector<16xi32>], vector<16xf32>,
      tpu.vector_store_idx %arg6[%broadcast_in_dim3A_35, %scan3A_112#2], %bitcast3A_151 {add = true} : memref<8x10240xf32, #tpu.memory_space<vmem>>[vector<16xi32>, vector<16xi32>], vector<16xf32>,
      %shift_left3A_152 = arith.shli %scan3A_112#14, %broadcast_in_dim3A_45 : vector<16xi32>
      %bitcast3A_153 = vector.bitcast %shift_left3A_152 : vector<16xi32> to vector<16xf32>
      %and3A_154 = arith.andi %scan3A_112#14, %broadcast_in_dim3A_43 : vector<16xi32>
      %bitcast3A_155 = vector.bitcast %and3A_154 : vector<16xi32> to vector<16xf32>
      tpu.vector_store_idx %arg6[%broadcast_in_dim3A_29, %scan3A_112#2], %bitcast3A_153 {add = true} : memref<8x10240xf32, #tpu.memory_space<vmem>>[vector<16xi32>, vector<16xi32>], vector<16xf32>,
      tpu.vector_store_idx %arg6[%broadcast_in_dim3A_37, %scan3A_112#2], %bitcast3A_155 {add = true} : memref<8x10240xf32, #tpu.memory_space<vmem>>[vector<16xi32>, vector<16xi32>], vector<16xf32>,
      %shift_left3A_156 = arith.shli %scan3A_112#15, %broadcast_in_dim3A_45 : vector<16xi32>
      %bitcast3A_157 = vector.bitcast %shift_left3A_156 : vector<16xi32> to vector<16xf32>
      %and3A_158 = arith.andi %scan3A_112#15, %broadcast_in_dim3A_43 : vector<16xi32>
      %bitcast3A_159 = vector.bitcast %and3A_158 : vector<16xi32> to vector<16xf32>
      tpu.vector_store_idx %arg6[%broadcast_in_dim3A_31, %scan3A_112#2], %bitcast3A_157 {add = true} : memref<8x10240xf32, #tpu.memory_space<vmem>>[vector<16xi32>, vector<16xi32>], vector<16xf32>,
      tpu.vector_store_idx %arg6[%broadcast_in_dim3A_39, %scan3A_112#2], %bitcast3A_159 {add = true} : memref<8x10240xf32, #tpu.memory_space<vmem>>[vector<16xi32>, vector<16xi32>], vector<16xf32>,
      %shift_left3A_160 = arith.shli %scan3A_112#16, %broadcast_in_dim3A_45 : vector<16xi32>
      %bitcast3A_161 = vector.bitcast %shift_left3A_160 : vector<16xi32> to vector<16xf32>
      %and3A_162 = arith.andi %scan3A_112#16, %broadcast_in_dim3A_43 : vector<16xi32>
      %bitcast3A_163 = vector.bitcast %and3A_162 : vector<16xi32> to vector<16xf32>
      tpu.vector_store_idx %arg6[%broadcast_in_dim3A_25, %scan3A_112#3], %bitcast3A_161 {add = true} : memref<8x10240xf32, #tpu.memory_space<vmem>>[vector<16xi32>, vector<16xi32>], vector<16xf32>,
      tpu.vector_store_idx %arg6[%broadcast_in_dim3A_33, %scan3A_112#3], %bitcast3A_163 {add = true} : memref<8x10240xf32, #tpu.memory_space<vmem>>[vector<16xi32>, vector<16xi32>], vector<16xf32>,
      %shift_left3A_164 = arith.shli %scan3A_112#17, %broadcast_in_dim3A_45 : vector<16xi32>
      %bitcast3A_165 = vector.bitcast %shift_left3A_164 : vector<16xi32> to vector<16xf32>
      %and3A_166 = arith.andi %scan3A_112#17, %broadcast_in_dim3A_43 : vector<16xi32>
      %bitcast3A_167 = vector.bitcast %and3A_166 : vector<16xi32> to vector<16xf32>
      tpu.vector_store_idx %arg6[%broadcast_in_dim3A_27, %scan3A_112#3], %bitcast3A_165 {add = true} : memref<8x10240xf32, #tpu.memory_space<vmem>>[vector<16xi32>, vector<16xi32>], vector<16xf32>,
      tpu.vector_store_idx %arg6[%broadcast_in_dim3A_35, %scan3A_112#3], %bitcast3A_167 {add = true} : memref<8x10240xf32, #tpu.memory_space<vmem>>[vector<16xi32>, vector<16xi32>], vector<16xf32>,
      %shift_left3A_168 = arith.shli %scan3A_112#18, %broadcast_in_dim3A_45 : vector<16xi32>
      %bitcast3A_169 = vector.bitcast %shift_left3A_168 : vector<16xi32> to vector<16xf32>
      %and3A_170 = arith.andi %scan3A_112#18, %broadcast_in_dim3A_43 : vector<16xi32>
      %bitcast3A_171 = vector.bitcast %and3A_170 : vector<16xi32> to vector<16xf32>
      tpu.vector_store_idx %arg6[%broadcast_in_dim3A_29, %scan3A_112#3], %bitcast3A_169 {add = true} : memref<8x10240xf32, #tpu.memory_space<vmem>>[vector<16xi32>, vector<16xi32>], vector<16xf32>,
      tpu.vector_store_idx %arg6[%broadcast_in_dim3A_37, %scan3A_112#3], %bitcast3A_171 {add = true} : memref<8x10240xf32, #tpu.memory_space<vmem>>[vector<16xi32>, vector<16xi32>], vector<16xf32>,
      %shift_left3A_172 = arith.shli %scan3A_112#19, %broadcast_in_dim3A_45 : vector<16xi32>
      %bitcast3A_173 = vector.bitcast %shift_left3A_172 : vector<16xi32> to vector<16xf32>
      %and3A_174 = arith.andi %scan3A_112#19, %broadcast_in_dim3A_43 : vector<16xi32>
      %bitcast3A_175 = vector.bitcast %and3A_174 : vector<16xi32> to vector<16xf32>
      tpu.vector_store_idx %arg6[%broadcast_in_dim3A_31, %scan3A_112#3], %bitcast3A_173 {add = true} : memref<8x10240xf32, #tpu.memory_space<vmem>>[vector<16xi32>, vector<16xi32>], vector<16xf32>,
      tpu.vector_store_idx %arg6[%broadcast_in_dim3A_39, %scan3A_112#3], %bitcast3A_175 {add = true} : memref<8x10240xf32, #tpu.memory_space<vmem>>[vector<16xi32>, vector<16xi32>], vector<16xf32>,
      %add3A_176 = arith.constant 2 : i32
      %add3A_177 = arith.addi %add3A_67, %add3A_176 : i32
      %lt3A = arith.constant 100 : i32
      %lt3A_178 = arith.cmpi slt, %add3A_177, %lt3A : i32
      %convert_element_type3A = arith.extui %lt3A_178 : i1 to i32
      %cond3A = arith.constant 0 : i32
      %cond3A_179 = arith.cmpi ne, %convert_element_type3A, %cond3A : i32
      scf.if %cond3A_179 {
        %mul3A_306 = arith.constant 3200 : i32
        %mul3A_307 = arith.muli %add3A_177, %mul3A_306 : i32
        %add3A_308 = arith.constant 0 : i32
        %add3A_309 = arith.addi %add3A_308, %mul3A_307 : i32
        %multiple_of3A_310 = tpu.assume_multiple %add3A_309, 8 : i32
        %dma_start3A_311 = tpu.memref_slice %arg3[%multiple_of3A_310] : memref<320000xi32, #tpu.memory_space<hbm>> -> memref<3200xi32, #tpu.memory_space<hbm>>
        %dma_start3A_312 = tpu.memref_slice %arg3[%multiple_of3A_310] : memref<320000xi32, #tpu.memory_space<hbm>> -> memref<3200xi32, #tpu.memory_space<hbm>>
        tpu.enqueue_dma source(%dma_start3A_312 : memref<3200xi32, #tpu.memory_space<hbm>>) target(%arg7 : memref<3200xi32, #tpu.memory_space<vmem>>) target_semaphore(%arg9 : memref<!tpu.dma_semaphore, #tpu.memory_space<semaphore_mem>>)
      } else {
      }
      %mul3A_180 = arith.constant 2 : i32
      %mul3A_181 = arith.muli %mul3A_180, %scan3A_62 : i32
      %add3A_182 = arith.constant 1 : i32
      %add3A_183 = arith.addi %mul3A_181, %add3A_182 : i32
      %dma_wait3A_184 = arith.constant 0 : i32
      %dma_wait3A_185 = tpu.memref_slice %arg3[%dma_wait3A_184] : memref<320000xi32, #tpu.memory_space<hbm>> -> memref<3200xi32, #tpu.memory_space<hbm>>
      %dma_wait3A_186 = arith.constant 0 : i32
      %dma_wait3A_187 = tpu.memref_slice %arg3[%dma_wait3A_186] : memref<320000xi32, #tpu.memory_space<hbm>> -> memref<3200xi32, #tpu.memory_space<hbm>>
      tpu.wait_dma2 semaphore(%arg10 : memref<!tpu.dma_semaphore, #tpu.memory_space<semaphore_mem>>) src(%dma_wait3A_187 : memref<3200xi32, #tpu.memory_space<hbm>>) dst(%arg8 : memref<3200xi32, #tpu.memory_space<vmem>>)
      %get3A_188 = arith.constant 0 : index
      %get3A_189 = tpu.vector_load %arg8[%get3A_188] {strides = array<i32>} : memref<3200xi32, #tpu.memory_space<vmem>>, vector<16xi32>,
      %and3A_190 = arith.andi %get3A_189, %broadcast_in_dim3A_41 : vector<16xi32>
      %shift_right_logical3A_191 = arith.constant 16 : i32
      %shift_right_logical3A_192 = vector.broadcast %shift_right_logical3A_191 : i32 to vector<16xi32>
      %shift_right_logical3A_193 = arith.shrui %get3A_189, %shift_right_logical3A_192 : vector<16xi32>
      %gather3A_194 = tpu.vector_load_idx %arg5[%broadcast_in_dim3A_17, %and3A_190] : memref<4x10240xi32, #tpu.memory_space<vmem>>[vector<16xi32>, vector<16xi32>], vector<16xi32>,
      %gather3A_195 = tpu.vector_load_idx %arg5[%broadcast_in_dim3A_19, %and3A_190] : memref<4x10240xi32, #tpu.memory_space<vmem>>[vector<16xi32>, vector<16xi32>], vector<16xi32>,
      %gather3A_196 = tpu.vector_load_idx %arg5[%broadcast_in_dim3A_21, %and3A_190] : memref<4x10240xi32, #tpu.memory_space<vmem>>[vector<16xi32>, vector<16xi32>], vector<16xi32>,
      %gather3A_197 = tpu.vector_load_idx %arg5[%broadcast_in_dim3A_23, %and3A_190] : memref<4x10240xi32, #tpu.memory_space<vmem>>[vector<16xi32>, vector<16xi32>], vector<16xi32>,
      %get3A_198 = arith.constant 16 : index
      %get3A_199 = tpu.vector_load %arg8[%get3A_198] {strides = array<i32>} : memref<3200xi32, #tpu.memory_space<vmem>>, vector<16xi32>,
      %and3A_200 = arith.andi %get3A_199, %broadcast_in_dim3A_41 : vector<16xi32>
      %shift_right_logical3A_201 = arith.constant 16 : i32
      %shift_right_logical3A_202 = vector.broadcast %shift_right_logical3A_201 : i32 to vector<16xi32>
      %shift_right_logical3A_203 = arith.shrui %get3A_199, %shift_right_logical3A_202 : vector<16xi32>
      %gather3A_204 = tpu.vector_load_idx %arg5[%broadcast_in_dim3A_17, %and3A_200] : memref<4x10240xi32, #tpu.memory_space<vmem>>[vector<16xi32>, vector<16xi32>], vector<16xi32>,
      %gather3A_205 = tpu.vector_load_idx %arg5[%broadcast_in_dim3A_19, %and3A_200] : memref<4x10240xi32, #tpu.memory_space<vmem>>[vector<16xi32>, vector<16xi32>], vector<16xi32>,
      %gather3A_206 = tpu.vector_load_idx %arg5[%broadcast_in_dim3A_21, %and3A_200] : memref<4x10240xi32, #tpu.memory_space<vmem>>[vector<16xi32>, vector<16xi32>], vector<16xi32>,
      %gather3A_207 = tpu.vector_load_idx %arg5[%broadcast_in_dim3A_23, %and3A_200] : memref<4x10240xi32, #tpu.memory_space<vmem>>[vector<16xi32>, vector<16xi32>], vector<16xi32>,
      %get3A_208 = arith.constant 32 : index
      %get3A_209 = tpu.vector_load %arg8[%get3A_208] {strides = array<i32>} : memref<3200xi32, #tpu.memory_space<vmem>>, vector<16xi32>,
      %and3A_210 = arith.andi %get3A_209, %broadcast_in_dim3A_41 : vector<16xi32>
      %shift_right_logical3A_211 = arith.constant 16 : i32
      %shift_right_logical3A_212 = vector.broadcast %shift_right_logical3A_211 : i32 to vector<16xi32>
      %shift_right_logical3A_213 = arith.shrui %get3A_209, %shift_right_logical3A_212 : vector<16xi32>
      %gather3A_214 = tpu.vector_load_idx %arg5[%broadcast_in_dim3A_17, %and3A_210] : memref<4x10240xi32, #tpu.memory_space<vmem>>[vector<16xi32>, vector<16xi32>], vector<16xi32>,
      %gather3A_215 = tpu.vector_load_idx %arg5[%broadcast_in_dim3A_19, %and3A_210] : memref<4x10240xi32, #tpu.memory_space<vmem>>[vector<16xi32>, vector<16xi32>], vector<16xi32>,
      %gather3A_216 = tpu.vector_load_idx %arg5[%broadcast_in_dim3A_21, %and3A_210] : memref<4x10240xi32, #tpu.memory_space<vmem>>[vector<16xi32>, vector<16xi32>], vector<16xi32>,
      %gather3A_217 = tpu.vector_load_idx %arg5[%broadcast_in_dim3A_23, %and3A_210] : memref<4x10240xi32, #tpu.memory_space<vmem>>[vector<16xi32>, vector<16xi32>], vector<16xi32>,
      %get3A_218 = arith.constant 48 : index
      %get3A_219 = tpu.vector_load %arg8[%get3A_218] {strides = array<i32>} : memref<3200xi32, #tpu.memory_space<vmem>>, vector<16xi32>,
      %and3A_220 = arith.andi %get3A_219, %broadcast_in_dim3A_41 : vector<16xi32>
      %shift_right_logical3A_221 = arith.constant 16 : i32
      %shift_right_logical3A_222 = vector.broadcast %shift_right_logical3A_221 : i32 to vector<16xi32>
      %shift_right_logical3A_223 = arith.shrui %get3A_219, %shift_right_logical3A_222 : vector<16xi32>
      %gather3A_224 = tpu.vector_load_idx %arg5[%broadcast_in_dim3A_17, %and3A_220] : memref<4x10240xi32, #tpu.memory_space<vmem>>[vector<16xi32>, vector<16xi32>], vector<16xi32>,
      %gather3A_225 = tpu.vector_load_idx %arg5[%broadcast_in_dim3A_19, %and3A_220] : memref<4x10240xi32, #tpu.memory_space<vmem>>[vector<16xi32>, vector<16xi32>], vector<16xi32>,
      %gather3A_226 = tpu.vector_load_idx %arg5[%broadcast_in_dim3A_21, %and3A_220] : memref<4x10240xi32, #tpu.memory_space<vmem>>[vector<16xi32>, vector<16xi32>], vector<16xi32>,
      %gather3A_227 = tpu.vector_load_idx %arg5[%broadcast_in_dim3A_23, %and3A_220] : memref<4x10240xi32, #tpu.memory_space<vmem>>[vector<16xi32>, vector<16xi32>], vector<16xi32>,
      %scan3A_228 = arith.constant 1 : i32
      %scan3A_229 = arith.constant 49 : i32
      %scan3A_230 = arith.addi %scan3A_228, %scan3A_229 : i32
      %scan3A_231 = arith.constant 1 : i32
      %scan3A_232:20 = scf.for %scan3A_306 = %scan3A_228 to %scan3A_230 step %scan3A_231 iter_args(%scan3A_307 = %shift_right_logical3A_193, %scan3A_308 = %shift_right_logical3A_203, %scan3A_309 = %shift_right_logical3A_213, %scan3A_310 = %shift_right_logical3A_223, %scan3A_311 = %gather3A_194, %scan3A_312 = %gather3A_195, %scan3A_313 = %gather3A_196, %scan3A_314 = %gather3A_197, %scan3A_315 = %gather3A_204, %scan3A_316 = %gather3A_205, %scan3A_317 = %gather3A_206, %scan3A_318 = %gather3A_207, %scan3A_319 = %gather3A_214, %scan3A_320 = %gather3A_215, %scan3A_321 = %gather3A_216, %scan3A_322 = %gather3A_217, %scan3A_323 = %gather3A_224, %scan3A_324 = %gather3A_225, %scan3A_325 = %gather3A_226, %scan3A_326 = %gather3A_227) -> (vector<16xi32>, vector<16xi32>, vector<16xi32>, vector<16xi32>, vector<16xi32>, vector<16xi32>, vector<16xi32>, vector<16xi32>, vector<16xi32>, vector<16xi32>, vector<16xi32>, vector<16xi32>, vector<16xi32>, vector<16xi32>, vector<16xi32>, vector<16xi32>, vector<16xi32>, vector<16xi32>, vector<16xi32>, vector<16xi32>)  : i32 {
        %mul3A_327 = arith.constant 4 : i32
        %mul3A_328 = arith.muli %scan3A_306, %mul3A_327 : i32
        %add3A_329 = arith.constant 0 : i32
        %add3A_330 = arith.addi %mul3A_328, %add3A_329 : i32
        %mul3A_331 = arith.constant 16 : i32
        %mul3A_332 = arith.muli %add3A_330, %mul3A_331 : i32
        %get3A_333 = arith.index_cast %mul3A_332 : i32 to index
        %get3A_334 = tpu.vector_load %arg8[%get3A_333] {strides = array<i32>} : memref<3200xi32, #tpu.memory_space<vmem>>, vector<16xi32>,
        %and3A_335 = arith.andi %get3A_334, %broadcast_in_dim3A_41 : vector<16xi32>
        %shift_right_logical3A_336 = arith.constant 16 : i32
        %shift_right_logical3A_337 = vector.broadcast %shift_right_logical3A_336 : i32 to vector<16xi32>
        %shift_right_logical3A_338 = arith.shrui %get3A_334, %shift_right_logical3A_337 : vector<16xi32>
        %gather3A_339 = tpu.vector_load_idx %arg5[%broadcast_in_dim3A_17, %and3A_335] : memref<4x10240xi32, #tpu.memory_space<vmem>>[vector<16xi32>, vector<16xi32>], vector<16xi32>,
        %gather3A_340 = tpu.vector_load_idx %arg5[%broadcast_in_dim3A_19, %and3A_335] : memref<4x10240xi32, #tpu.memory_space<vmem>>[vector<16xi32>, vector<16xi32>], vector<16xi32>,
        %gather3A_341 = tpu.vector_load_idx %arg5[%broadcast_in_dim3A_21, %and3A_335] : memref<4x10240xi32, #tpu.memory_space<vmem>>[vector<16xi32>, vector<16xi32>], vector<16xi32>,
        %gather3A_342 = tpu.vector_load_idx %arg5[%broadcast_in_dim3A_23, %and3A_335] : memref<4x10240xi32, #tpu.memory_space<vmem>>[vector<16xi32>, vector<16xi32>], vector<16xi32>,
        %mul3A_343 = arith.constant 4 : i32
        %mul3A_344 = arith.muli %scan3A_306, %mul3A_343 : i32
        %add3A_345 = arith.constant 1 : i32
        %add3A_346 = arith.addi %mul3A_344, %add3A_345 : i32
        %mul3A_347 = arith.constant 16 : i32
        %mul3A_348 = arith.muli %add3A_346, %mul3A_347 : i32
        %get3A_349 = arith.index_cast %mul3A_348 : i32 to index
        %get3A_350 = tpu.vector_load %arg8[%get3A_349] {strides = array<i32>} : memref<3200xi32, #tpu.memory_space<vmem>>, vector<16xi32>,
        %and3A_351 = arith.andi %get3A_350, %broadcast_in_dim3A_41 : vector<16xi32>
        %shift_right_logical3A_352 = arith.constant 16 : i32
        %shift_right_logical3A_353 = vector.broadcast %shift_right_logical3A_352 : i32 to vector<16xi32>
        %shift_right_logical3A_354 = arith.shrui %get3A_350, %shift_right_logical3A_353 : vector<16xi32>
        %gather3A_355 = tpu.vector_load_idx %arg5[%broadcast_in_dim3A_17, %and3A_351] : memref<4x10240xi32, #tpu.memory_space<vmem>>[vector<16xi32>, vector<16xi32>], vector<16xi32>,
        %gather3A_356 = tpu.vector_load_idx %arg5[%broadcast_in_dim3A_19, %and3A_351] : memref<4x10240xi32, #tpu.memory_space<vmem>>[vector<16xi32>, vector<16xi32>], vector<16xi32>,
        %gather3A_357 = tpu.vector_load_idx %arg5[%broadcast_in_dim3A_21, %and3A_351] : memref<4x10240xi32, #tpu.memory_space<vmem>>[vector<16xi32>, vector<16xi32>], vector<16xi32>,
        %gather3A_358 = tpu.vector_load_idx %arg5[%broadcast_in_dim3A_23, %and3A_351] : memref<4x10240xi32, #tpu.memory_space<vmem>>[vector<16xi32>, vector<16xi32>], vector<16xi32>,
        %mul3A_359 = arith.constant 4 : i32
        %mul3A_360 = arith.muli %scan3A_306, %mul3A_359 : i32
        %add3A_361 = arith.constant 2 : i32
        %add3A_362 = arith.addi %mul3A_360, %add3A_361 : i32
        %mul3A_363 = arith.constant 16 : i32
        %mul3A_364 = arith.muli %add3A_362, %mul3A_363 : i32
        %get3A_365 = arith.index_cast %mul3A_364 : i32 to index
        %get3A_366 = tpu.vector_load %arg8[%get3A_365] {strides = array<i32>} : memref<3200xi32, #tpu.memory_space<vmem>>, vector<16xi32>,
        %and3A_367 = arith.andi %get3A_366, %broadcast_in_dim3A_41 : vector<16xi32>
        %shift_right_logical3A_368 = arith.constant 16 : i32
        %shift_right_logical3A_369 = vector.broadcast %shift_right_logical3A_368 : i32 to vector<16xi32>
        %shift_right_logical3A_370 = arith.shrui %get3A_366, %shift_right_logical3A_369 : vector<16xi32>
        %gather3A_371 = tpu.vector_load_idx %arg5[%broadcast_in_dim3A_17, %and3A_367] : memref<4x10240xi32, #tpu.memory_space<vmem>>[vector<16xi32>, vector<16xi32>], vector<16xi32>,
        %gather3A_372 = tpu.vector_load_idx %arg5[%broadcast_in_dim3A_19, %and3A_367] : memref<4x10240xi32, #tpu.memory_space<vmem>>[vector<16xi32>, vector<16xi32>], vector<16xi32>,
        %gather3A_373 = tpu.vector_load_idx %arg5[%broadcast_in_dim3A_21, %and3A_367] : memref<4x10240xi32, #tpu.memory_space<vmem>>[vector<16xi32>, vector<16xi32>], vector<16xi32>,
        %gather3A_374 = tpu.vector_load_idx %arg5[%broadcast_in_dim3A_23, %and3A_367] : memref<4x10240xi32, #tpu.memory_space<vmem>>[vector<16xi32>, vector<16xi32>], vector<16xi32>,
        %mul3A_375 = arith.constant 4 : i32
        %mul3A_376 = arith.muli %scan3A_306, %mul3A_375 : i32
        %add3A_377 = arith.constant 3 : i32
        %add3A_378 = arith.addi %mul3A_376, %add3A_377 : i32
        %mul3A_379 = arith.constant 16 : i32
        %mul3A_380 = arith.muli %add3A_378, %mul3A_379 : i32
        %get3A_381 = arith.index_cast %mul3A_380 : i32 to index
        %get3A_382 = tpu.vector_load %arg8[%get3A_381] {strides = array<i32>} : memref<3200xi32, #tpu.memory_space<vmem>>, vector<16xi32>,
        %and3A_383 = arith.andi %get3A_382, %broadcast_in_dim3A_41 : vector<16xi32>
        %shift_right_logical3A_384 = arith.constant 16 : i32
        %shift_right_logical3A_385 = vector.broadcast %shift_right_logical3A_384 : i32 to vector<16xi32>
        %shift_right_logical3A_386 = arith.shrui %get3A_382, %shift_right_logical3A_385 : vector<16xi32>
        %gather3A_387 = tpu.vector_load_idx %arg5[%broadcast_in_dim3A_17, %and3A_383] : memref<4x10240xi32, #tpu.memory_space<vmem>>[vector<16xi32>, vector<16xi32>], vector<16xi32>,
        %gather3A_388 = tpu.vector_load_idx %arg5[%broadcast_in_dim3A_19, %and3A_383] : memref<4x10240xi32, #tpu.memory_space<vmem>>[vector<16xi32>, vector<16xi32>], vector<16xi32>,
        %gather3A_389 = tpu.vector_load_idx %arg5[%broadcast_in_dim3A_21, %and3A_383] : memref<4x10240xi32, #tpu.memory_space<vmem>>[vector<16xi32>, vector<16xi32>], vector<16xi32>,
        %gather3A_390 = tpu.vector_load_idx %arg5[%broadcast_in_dim3A_23, %and3A_383] : memref<4x10240xi32, #tpu.memory_space<vmem>>[vector<16xi32>, vector<16xi32>], vector<16xi32>,
        %shift_left3A_391 = arith.shli %scan3A_311, %broadcast_in_dim3A_45 : vector<16xi32>
        %bitcast3A_392 = vector.bitcast %shift_left3A_391 : vector<16xi32> to vector<16xf32>
        %and3A_393 = arith.andi %scan3A_311, %broadcast_in_dim3A_43 : vector<16xi32>
        %bitcast3A_394 = vector.bitcast %and3A_393 : vector<16xi32> to vector<16xf32>
        tpu.vector_store_idx %arg6[%broadcast_in_dim3A_25, %scan3A_307], %bitcast3A_392 {add = true} : memref<8x10240xf32, #tpu.memory_space<vmem>>[vector<16xi32>, vector<16xi32>], vector<16xf32>,
        tpu.vector_store_idx %arg6[%broadcast_in_dim3A_33, %scan3A_307], %bitcast3A_394 {add = true} : memref<8x10240xf32, #tpu.memory_space<vmem>>[vector<16xi32>, vector<16xi32>], vector<16xf32>,
        %shift_left3A_395 = arith.shli %scan3A_312, %broadcast_in_dim3A_45 : vector<16xi32>
        %bitcast3A_396 = vector.bitcast %shift_left3A_395 : vector<16xi32> to vector<16xf32>
        %and3A_397 = arith.andi %scan3A_312, %broadcast_in_dim3A_43 : vector<16xi32>
        %bitcast3A_398 = vector.bitcast %and3A_397 : vector<16xi32> to vector<16xf32>
        tpu.vector_store_idx %arg6[%broadcast_in_dim3A_27, %scan3A_307], %bitcast3A_396 {add = true} : memref<8x10240xf32, #tpu.memory_space<vmem>>[vector<16xi32>, vector<16xi32>], vector<16xf32>,
        tpu.vector_store_idx %arg6[%broadcast_in_dim3A_35, %scan3A_307], %bitcast3A_398 {add = true} : memref<8x10240xf32, #tpu.memory_space<vmem>>[vector<16xi32>, vector<16xi32>], vector<16xf32>,
        %shift_left3A_399 = arith.shli %scan3A_313, %broadcast_in_dim3A_45 : vector<16xi32>
        %bitcast3A_400 = vector.bitcast %shift_left3A_399 : vector<16xi32> to vector<16xf32>
        %and3A_401 = arith.andi %scan3A_313, %broadcast_in_dim3A_43 : vector<16xi32>
        %bitcast3A_402 = vector.bitcast %and3A_401 : vector<16xi32> to vector<16xf32>
        tpu.vector_store_idx %arg6[%broadcast_in_dim3A_29, %scan3A_307], %bitcast3A_400 {add = true} : memref<8x10240xf32, #tpu.memory_space<vmem>>[vector<16xi32>, vector<16xi32>], vector<16xf32>,
        tpu.vector_store_idx %arg6[%broadcast_in_dim3A_37, %scan3A_307], %bitcast3A_402 {add = true} : memref<8x10240xf32, #tpu.memory_space<vmem>>[vector<16xi32>, vector<16xi32>], vector<16xf32>,
        %shift_left3A_403 = arith.shli %scan3A_314, %broadcast_in_dim3A_45 : vector<16xi32>
        %bitcast3A_404 = vector.bitcast %shift_left3A_403 : vector<16xi32> to vector<16xf32>
        %and3A_405 = arith.andi %scan3A_314, %broadcast_in_dim3A_43 : vector<16xi32>
        %bitcast3A_406 = vector.bitcast %and3A_405 : vector<16xi32> to vector<16xf32>
        tpu.vector_store_idx %arg6[%broadcast_in_dim3A_31, %scan3A_307], %bitcast3A_404 {add = true} : memref<8x10240xf32, #tpu.memory_space<vmem>>[vector<16xi32>, vector<16xi32>], vector<16xf32>,
        tpu.vector_store_idx %arg6[%broadcast_in_dim3A_39, %scan3A_307], %bitcast3A_406 {add = true} : memref<8x10240xf32, #tpu.memory_space<vmem>>[vector<16xi32>, vector<16xi32>], vector<16xf32>,
        %shift_left3A_407 = arith.shli %scan3A_315, %broadcast_in_dim3A_45 : vector<16xi32>
        %bitcast3A_408 = vector.bitcast %shift_left3A_407 : vector<16xi32> to vector<16xf32>
        %and3A_409 = arith.andi %scan3A_315, %broadcast_in_dim3A_43 : vector<16xi32>
        %bitcast3A_410 = vector.bitcast %and3A_409 : vector<16xi32> to vector<16xf32>
        tpu.vector_store_idx %arg6[%broadcast_in_dim3A_25, %scan3A_308], %bitcast3A_408 {add = true} : memref<8x10240xf32, #tpu.memory_space<vmem>>[vector<16xi32>, vector<16xi32>], vector<16xf32>,
        tpu.vector_store_idx %arg6[%broadcast_in_dim3A_33, %scan3A_308], %bitcast3A_410 {add = true} : memref<8x10240xf32, #tpu.memory_space<vmem>>[vector<16xi32>, vector<16xi32>], vector<16xf32>,
        %shift_left3A_411 = arith.shli %scan3A_316, %broadcast_in_dim3A_45 : vector<16xi32>
        %bitcast3A_412 = vector.bitcast %shift_left3A_411 : vector<16xi32> to vector<16xf32>
        %and3A_413 = arith.andi %scan3A_316, %broadcast_in_dim3A_43 : vector<16xi32>
        %bitcast3A_414 = vector.bitcast %and3A_413 : vector<16xi32> to vector<16xf32>
        tpu.vector_store_idx %arg6[%broadcast_in_dim3A_27, %scan3A_308], %bitcast3A_412 {add = true} : memref<8x10240xf32, #tpu.memory_space<vmem>>[vector<16xi32>, vector<16xi32>], vector<16xf32>,
        tpu.vector_store_idx %arg6[%broadcast_in_dim3A_35, %scan3A_308], %bitcast3A_414 {add = true} : memref<8x10240xf32, #tpu.memory_space<vmem>>[vector<16xi32>, vector<16xi32>], vector<16xf32>,
        %shift_left3A_415 = arith.shli %scan3A_317, %broadcast_in_dim3A_45 : vector<16xi32>
        %bitcast3A_416 = vector.bitcast %shift_left3A_415 : vector<16xi32> to vector<16xf32>
        %and3A_417 = arith.andi %scan3A_317, %broadcast_in_dim3A_43 : vector<16xi32>
        %bitcast3A_418 = vector.bitcast %and3A_417 : vector<16xi32> to vector<16xf32>
        tpu.vector_store_idx %arg6[%broadcast_in_dim3A_29, %scan3A_308], %bitcast3A_416 {add = true} : memref<8x10240xf32, #tpu.memory_space<vmem>>[vector<16xi32>, vector<16xi32>], vector<16xf32>,
        tpu.vector_store_idx %arg6[%broadcast_in_dim3A_37, %scan3A_308], %bitcast3A_418 {add = true} : memref<8x10240xf32, #tpu.memory_space<vmem>>[vector<16xi32>, vector<16xi32>], vector<16xf32>,
        %shift_left3A_419 = arith.shli %scan3A_318, %broadcast_in_dim3A_45 : vector<16xi32>
        %bitcast3A_420 = vector.bitcast %shift_left3A_419 : vector<16xi32> to vector<16xf32>
        %and3A_421 = arith.andi %scan3A_318, %broadcast_in_dim3A_43 : vector<16xi32>
        %bitcast3A_422 = vector.bitcast %and3A_421 : vector<16xi32> to vector<16xf32>
        tpu.vector_store_idx %arg6[%broadcast_in_dim3A_31, %scan3A_308], %bitcast3A_420 {add = true} : memref<8x10240xf32, #tpu.memory_space<vmem>>[vector<16xi32>, vector<16xi32>], vector<16xf32>,
        tpu.vector_store_idx %arg6[%broadcast_in_dim3A_39, %scan3A_308], %bitcast3A_422 {add = true} : memref<8x10240xf32, #tpu.memory_space<vmem>>[vector<16xi32>, vector<16xi32>], vector<16xf32>,
        %shift_left3A_423 = arith.shli %scan3A_319, %broadcast_in_dim3A_45 : vector<16xi32>
        %bitcast3A_424 = vector.bitcast %shift_left3A_423 : vector<16xi32> to vector<16xf32>
        %and3A_425 = arith.andi %scan3A_319, %broadcast_in_dim3A_43 : vector<16xi32>
        %bitcast3A_426 = vector.bitcast %and3A_425 : vector<16xi32> to vector<16xf32>
        tpu.vector_store_idx %arg6[%broadcast_in_dim3A_25, %scan3A_309], %bitcast3A_424 {add = true} : memref<8x10240xf32, #tpu.memory_space<vmem>>[vector<16xi32>, vector<16xi32>], vector<16xf32>,
        tpu.vector_store_idx %arg6[%broadcast_in_dim3A_33, %scan3A_309], %bitcast3A_426 {add = true} : memref<8x10240xf32, #tpu.memory_space<vmem>>[vector<16xi32>, vector<16xi32>], vector<16xf32>,
        %shift_left3A_427 = arith.shli %scan3A_320, %broadcast_in_dim3A_45 : vector<16xi32>
        %bitcast3A_428 = vector.bitcast %shift_left3A_427 : vector<16xi32> to vector<16xf32>
        %and3A_429 = arith.andi %scan3A_320, %broadcast_in_dim3A_43 : vector<16xi32>
        %bitcast3A_430 = vector.bitcast %and3A_429 : vector<16xi32> to vector<16xf32>
        tpu.vector_store_idx %arg6[%broadcast_in_dim3A_27, %scan3A_309], %bitcast3A_428 {add = true} : memref<8x10240xf32, #tpu.memory_space<vmem>>[vector<16xi32>, vector<16xi32>], vector<16xf32>,
        tpu.vector_store_idx %arg6[%broadcast_in_dim3A_35, %scan3A_309], %bitcast3A_430 {add = true} : memref<8x10240xf32, #tpu.memory_space<vmem>>[vector<16xi32>, vector<16xi32>], vector<16xf32>,
        %shift_left3A_431 = arith.shli %scan3A_321, %broadcast_in_dim3A_45 : vector<16xi32>
        %bitcast3A_432 = vector.bitcast %shift_left3A_431 : vector<16xi32> to vector<16xf32>
        %and3A_433 = arith.andi %scan3A_321, %broadcast_in_dim3A_43 : vector<16xi32>
        %bitcast3A_434 = vector.bitcast %and3A_433 : vector<16xi32> to vector<16xf32>
        tpu.vector_store_idx %arg6[%broadcast_in_dim3A_29, %scan3A_309], %bitcast3A_432 {add = true} : memref<8x10240xf32, #tpu.memory_space<vmem>>[vector<16xi32>, vector<16xi32>], vector<16xf32>,
        tpu.vector_store_idx %arg6[%broadcast_in_dim3A_37, %scan3A_309], %bitcast3A_434 {add = true} : memref<8x10240xf32, #tpu.memory_space<vmem>>[vector<16xi32>, vector<16xi32>], vector<16xf32>,
        %shift_left3A_435 = arith.shli %scan3A_322, %broadcast_in_dim3A_45 : vector<16xi32>
        %bitcast3A_436 = vector.bitcast %shift_left3A_435 : vector<16xi32> to vector<16xf32>
        %and3A_437 = arith.andi %scan3A_322, %broadcast_in_dim3A_43 : vector<16xi32>
        %bitcast3A_438 = vector.bitcast %and3A_437 : vector<16xi32> to vector<16xf32>
        tpu.vector_store_idx %arg6[%broadcast_in_dim3A_31, %scan3A_309], %bitcast3A_436 {add = true} : memref<8x10240xf32, #tpu.memory_space<vmem>>[vector<16xi32>, vector<16xi32>], vector<16xf32>,
        tpu.vector_store_idx %arg6[%broadcast_in_dim3A_39, %scan3A_309], %bitcast3A_438 {add = true} : memref<8x10240xf32, #tpu.memory_space<vmem>>[vector<16xi32>, vector<16xi32>], vector<16xf32>,
        %shift_left3A_439 = arith.shli %scan3A_323, %broadcast_in_dim3A_45 : vector<16xi32>
        %bitcast3A_440 = vector.bitcast %shift_left3A_439 : vector<16xi32> to vector<16xf32>
        %and3A_441 = arith.andi %scan3A_323, %broadcast_in_dim3A_43 : vector<16xi32>
        %bitcast3A_442 = vector.bitcast %and3A_441 : vector<16xi32> to vector<16xf32>
        tpu.vector_store_idx %arg6[%broadcast_in_dim3A_25, %scan3A_310], %bitcast3A_440 {add = true} : memref<8x10240xf32, #tpu.memory_space<vmem>>[vector<16xi32>, vector<16xi32>], vector<16xf32>,
        tpu.vector_store_idx %arg6[%broadcast_in_dim3A_33, %scan3A_310], %bitcast3A_442 {add = true} : memref<8x10240xf32, #tpu.memory_space<vmem>>[vector<16xi32>, vector<16xi32>], vector<16xf32>,
        %shift_left3A_443 = arith.shli %scan3A_324, %broadcast_in_dim3A_45 : vector<16xi32>
        %bitcast3A_444 = vector.bitcast %shift_left3A_443 : vector<16xi32> to vector<16xf32>
        %and3A_445 = arith.andi %scan3A_324, %broadcast_in_dim3A_43 : vector<16xi32>
        %bitcast3A_446 = vector.bitcast %and3A_445 : vector<16xi32> to vector<16xf32>
        tpu.vector_store_idx %arg6[%broadcast_in_dim3A_27, %scan3A_310], %bitcast3A_444 {add = true} : memref<8x10240xf32, #tpu.memory_space<vmem>>[vector<16xi32>, vector<16xi32>], vector<16xf32>,
        tpu.vector_store_idx %arg6[%broadcast_in_dim3A_35, %scan3A_310], %bitcast3A_446 {add = true} : memref<8x10240xf32, #tpu.memory_space<vmem>>[vector<16xi32>, vector<16xi32>], vector<16xf32>,
        %shift_left3A_447 = arith.shli %scan3A_325, %broadcast_in_dim3A_45 : vector<16xi32>
        %bitcast3A_448 = vector.bitcast %shift_left3A_447 : vector<16xi32> to vector<16xf32>
        %and3A_449 = arith.andi %scan3A_325, %broadcast_in_dim3A_43 : vector<16xi32>
        %bitcast3A_450 = vector.bitcast %and3A_449 : vector<16xi32> to vector<16xf32>
        tpu.vector_store_idx %arg6[%broadcast_in_dim3A_29, %scan3A_310], %bitcast3A_448 {add = true} : memref<8x10240xf32, #tpu.memory_space<vmem>>[vector<16xi32>, vector<16xi32>], vector<16xf32>,
        tpu.vector_store_idx %arg6[%broadcast_in_dim3A_37, %scan3A_310], %bitcast3A_450 {add = true} : memref<8x10240xf32, #tpu.memory_space<vmem>>[vector<16xi32>, vector<16xi32>], vector<16xf32>,
        %shift_left3A_451 = arith.shli %scan3A_326, %broadcast_in_dim3A_45 : vector<16xi32>
        %bitcast3A_452 = vector.bitcast %shift_left3A_451 : vector<16xi32> to vector<16xf32>
        %and3A_453 = arith.andi %scan3A_326, %broadcast_in_dim3A_43 : vector<16xi32>
        %bitcast3A_454 = vector.bitcast %and3A_453 : vector<16xi32> to vector<16xf32>
        tpu.vector_store_idx %arg6[%broadcast_in_dim3A_31, %scan3A_310], %bitcast3A_452 {add = true} : memref<8x10240xf32, #tpu.memory_space<vmem>>[vector<16xi32>, vector<16xi32>], vector<16xf32>,
        tpu.vector_store_idx %arg6[%broadcast_in_dim3A_39, %scan3A_310], %bitcast3A_454 {add = true} : memref<8x10240xf32, #tpu.memory_space<vmem>>[vector<16xi32>, vector<16xi32>], vector<16xf32>,
        scf.yield %shift_right_logical3A_338, %shift_right_logical3A_354, %shift_right_logical3A_370, %shift_right_logical3A_386, %gather3A_339, %gather3A_340, %gather3A_341, %gather3A_342, %gather3A_355, %gather3A_356, %gather3A_357, %gather3A_358, %gather3A_371, %gather3A_372, %gather3A_373, %gather3A_374, %gather3A_387, %gather3A_388, %gather3A_389, %gather3A_390 : vector<16xi32>, vector<16xi32>, vector<16xi32>, vector<16xi32>, vector<16xi32>, vector<16xi32>, vector<16xi32>, vector<16xi32>, vector<16xi32>, vector<16xi32>, vector<16xi32>, vector<16xi32>, vector<16xi32>, vector<16xi32>, vector<16xi32>, vector<16xi32>, vector<16xi32>, vector<16xi32>, vector<16xi32>, vector<16xi32>
      }
      %scan3A_233 = arith.constant 49 : i32
      %shift_left3A_234 = arith.shli %scan3A_232#4, %broadcast_in_dim3A_45 : vector<16xi32>
      %bitcast3A_235 = vector.bitcast %shift_left3A_234 : vector<16xi32> to vector<16xf32>
      %and3A_236 = arith.andi %scan3A_232#4, %broadcast_in_dim3A_43 : vector<16xi32>
      %bitcast3A_237 = vector.bitcast %and3A_236 : vector<16xi32> to vector<16xf32>
      tpu.vector_store_idx %arg6[%broadcast_in_dim3A_25, %scan3A_232#0], %bitcast3A_235 {add = true} : memref<8x10240xf32, #tpu.memory_space<vmem>>[vector<16xi32>, vector<16xi32>], vector<16xf32>,
      tpu.vector_store_idx %arg6[%broadcast_in_dim3A_33, %scan3A_232#0], %bitcast3A_237 {add = true} : memref<8x10240xf32, #tpu.memory_space<vmem>>[vector<16xi32>, vector<16xi32>], vector<16xf32>,
      %shift_left3A_238 = arith.shli %scan3A_232#5, %broadcast_in_dim3A_45 : vector<16xi32>
      %bitcast3A_239 = vector.bitcast %shift_left3A_238 : vector<16xi32> to vector<16xf32>
      %and3A_240 = arith.andi %scan3A_232#5, %broadcast_in_dim3A_43 : vector<16xi32>
      %bitcast3A_241 = vector.bitcast %and3A_240 : vector<16xi32> to vector<16xf32>
      tpu.vector_store_idx %arg6[%broadcast_in_dim3A_27, %scan3A_232#0], %bitcast3A_239 {add = true} : memref<8x10240xf32, #tpu.memory_space<vmem>>[vector<16xi32>, vector<16xi32>], vector<16xf32>,
      tpu.vector_store_idx %arg6[%broadcast_in_dim3A_35, %scan3A_232#0], %bitcast3A_241 {add = true} : memref<8x10240xf32, #tpu.memory_space<vmem>>[vector<16xi32>, vector<16xi32>], vector<16xf32>,
      %shift_left3A_242 = arith.shli %scan3A_232#6, %broadcast_in_dim3A_45 : vector<16xi32>
      %bitcast3A_243 = vector.bitcast %shift_left3A_242 : vector<16xi32> to vector<16xf32>
      %and3A_244 = arith.andi %scan3A_232#6, %broadcast_in_dim3A_43 : vector<16xi32>
      %bitcast3A_245 = vector.bitcast %and3A_244 : vector<16xi32> to vector<16xf32>
      tpu.vector_store_idx %arg6[%broadcast_in_dim3A_29, %scan3A_232#0], %bitcast3A_243 {add = true} : memref<8x10240xf32, #tpu.memory_space<vmem>>[vector<16xi32>, vector<16xi32>], vector<16xf32>,
      tpu.vector_store_idx %arg6[%broadcast_in_dim3A_37, %scan3A_232#0], %bitcast3A_245 {add = true} : memref<8x10240xf32, #tpu.memory_space<vmem>>[vector<16xi32>, vector<16xi32>], vector<16xf32>,
      %shift_left3A_246 = arith.shli %scan3A_232#7, %broadcast_in_dim3A_45 : vector<16xi32>
      %bitcast3A_247 = vector.bitcast %shift_left3A_246 : vector<16xi32> to vector<16xf32>
      %and3A_248 = arith.andi %scan3A_232#7, %broadcast_in_dim3A_43 : vector<16xi32>
      %bitcast3A_249 = vector.bitcast %and3A_248 : vector<16xi32> to vector<16xf32>
      tpu.vector_store_idx %arg6[%broadcast_in_dim3A_31, %scan3A_232#0], %bitcast3A_247 {add = true} : memref<8x10240xf32, #tpu.memory_space<vmem>>[vector<16xi32>, vector<16xi32>], vector<16xf32>,
      tpu.vector_store_idx %arg6[%broadcast_in_dim3A_39, %scan3A_232#0], %bitcast3A_249 {add = true} : memref<8x10240xf32, #tpu.memory_space<vmem>>[vector<16xi32>, vector<16xi32>], vector<16xf32>,
      %shift_left3A_250 = arith.shli %scan3A_232#8, %broadcast_in_dim3A_45 : vector<16xi32>
      %bitcast3A_251 = vector.bitcast %shift_left3A_250 : vector<16xi32> to vector<16xf32>
      %and3A_252 = arith.andi %scan3A_232#8, %broadcast_in_dim3A_43 : vector<16xi32>
      %bitcast3A_253 = vector.bitcast %and3A_252 : vector<16xi32> to vector<16xf32>
      tpu.vector_store_idx %arg6[%broadcast_in_dim3A_25, %scan3A_232#1], %bitcast3A_251 {add = true} : memref<8x10240xf32, #tpu.memory_space<vmem>>[vector<16xi32>, vector<16xi32>], vector<16xf32>,
      tpu.vector_store_idx %arg6[%broadcast_in_dim3A_33, %scan3A_232#1], %bitcast3A_253 {add = true} : memref<8x10240xf32, #tpu.memory_space<vmem>>[vector<16xi32>, vector<16xi32>], vector<16xf32>,
      %shift_left3A_254 = arith.shli %scan3A_232#9, %broadcast_in_dim3A_45 : vector<16xi32>
      %bitcast3A_255 = vector.bitcast %shift_left3A_254 : vector<16xi32> to vector<16xf32>
      %and3A_256 = arith.andi %scan3A_232#9, %broadcast_in_dim3A_43 : vector<16xi32>
      %bitcast3A_257 = vector.bitcast %and3A_256 : vector<16xi32> to vector<16xf32>
      tpu.vector_store_idx %arg6[%broadcast_in_dim3A_27, %scan3A_232#1], %bitcast3A_255 {add = true} : memref<8x10240xf32, #tpu.memory_space<vmem>>[vector<16xi32>, vector<16xi32>], vector<16xf32>,
      tpu.vector_store_idx %arg6[%broadcast_in_dim3A_35, %scan3A_232#1], %bitcast3A_257 {add = true} : memref<8x10240xf32, #tpu.memory_space<vmem>>[vector<16xi32>, vector<16xi32>], vector<16xf32>,
      %shift_left3A_258 = arith.shli %scan3A_232#10, %broadcast_in_dim3A_45 : vector<16xi32>
      %bitcast3A_259 = vector.bitcast %shift_left3A_258 : vector<16xi32> to vector<16xf32>
      %and3A_260 = arith.andi %scan3A_232#10, %broadcast_in_dim3A_43 : vector<16xi32>
      %bitcast3A_261 = vector.bitcast %and3A_260 : vector<16xi32> to vector<16xf32>
      tpu.vector_store_idx %arg6[%broadcast_in_dim3A_29, %scan3A_232#1], %bitcast3A_259 {add = true} : memref<8x10240xf32, #tpu.memory_space<vmem>>[vector<16xi32>, vector<16xi32>], vector<16xf32>,
      tpu.vector_store_idx %arg6[%broadcast_in_dim3A_37, %scan3A_232#1], %bitcast3A_261 {add = true} : memref<8x10240xf32, #tpu.memory_space<vmem>>[vector<16xi32>, vector<16xi32>], vector<16xf32>,
      %shift_left3A_262 = arith.shli %scan3A_232#11, %broadcast_in_dim3A_45 : vector<16xi32>
      %bitcast3A_263 = vector.bitcast %shift_left3A_262 : vector<16xi32> to vector<16xf32>
      %and3A_264 = arith.andi %scan3A_232#11, %broadcast_in_dim3A_43 : vector<16xi32>
      %bitcast3A_265 = vector.bitcast %and3A_264 : vector<16xi32> to vector<16xf32>
      tpu.vector_store_idx %arg6[%broadcast_in_dim3A_31, %scan3A_232#1], %bitcast3A_263 {add = true} : memref<8x10240xf32, #tpu.memory_space<vmem>>[vector<16xi32>, vector<16xi32>], vector<16xf32>,
      tpu.vector_store_idx %arg6[%broadcast_in_dim3A_39, %scan3A_232#1], %bitcast3A_265 {add = true} : memref<8x10240xf32, #tpu.memory_space<vmem>>[vector<16xi32>, vector<16xi32>], vector<16xf32>,
      %shift_left3A_266 = arith.shli %scan3A_232#12, %broadcast_in_dim3A_45 : vector<16xi32>
      %bitcast3A_267 = vector.bitcast %shift_left3A_266 : vector<16xi32> to vector<16xf32>
      %and3A_268 = arith.andi %scan3A_232#12, %broadcast_in_dim3A_43 : vector<16xi32>
      %bitcast3A_269 = vector.bitcast %and3A_268 : vector<16xi32> to vector<16xf32>
      tpu.vector_store_idx %arg6[%broadcast_in_dim3A_25, %scan3A_232#2], %bitcast3A_267 {add = true} : memref<8x10240xf32, #tpu.memory_space<vmem>>[vector<16xi32>, vector<16xi32>], vector<16xf32>,
      tpu.vector_store_idx %arg6[%broadcast_in_dim3A_33, %scan3A_232#2], %bitcast3A_269 {add = true} : memref<8x10240xf32, #tpu.memory_space<vmem>>[vector<16xi32>, vector<16xi32>], vector<16xf32>,
      %shift_left3A_270 = arith.shli %scan3A_232#13, %broadcast_in_dim3A_45 : vector<16xi32>
      %bitcast3A_271 = vector.bitcast %shift_left3A_270 : vector<16xi32> to vector<16xf32>
      %and3A_272 = arith.andi %scan3A_232#13, %broadcast_in_dim3A_43 : vector<16xi32>
      %bitcast3A_273 = vector.bitcast %and3A_272 : vector<16xi32> to vector<16xf32>
      tpu.vector_store_idx %arg6[%broadcast_in_dim3A_27, %scan3A_232#2], %bitcast3A_271 {add = true} : memref<8x10240xf32, #tpu.memory_space<vmem>>[vector<16xi32>, vector<16xi32>], vector<16xf32>,
      tpu.vector_store_idx %arg6[%broadcast_in_dim3A_35, %scan3A_232#2], %bitcast3A_273 {add = true} : memref<8x10240xf32, #tpu.memory_space<vmem>>[vector<16xi32>, vector<16xi32>], vector<16xf32>,
      %shift_left3A_274 = arith.shli %scan3A_232#14, %broadcast_in_dim3A_45 : vector<16xi32>
      %bitcast3A_275 = vector.bitcast %shift_left3A_274 : vector<16xi32> to vector<16xf32>
      %and3A_276 = arith.andi %scan3A_232#14, %broadcast_in_dim3A_43 : vector<16xi32>
      %bitcast3A_277 = vector.bitcast %and3A_276 : vector<16xi32> to vector<16xf32>
      tpu.vector_store_idx %arg6[%broadcast_in_dim3A_29, %scan3A_232#2], %bitcast3A_275 {add = true} : memref<8x10240xf32, #tpu.memory_space<vmem>>[vector<16xi32>, vector<16xi32>], vector<16xf32>,
      tpu.vector_store_idx %arg6[%broadcast_in_dim3A_37, %scan3A_232#2], %bitcast3A_277 {add = true} : memref<8x10240xf32, #tpu.memory_space<vmem>>[vector<16xi32>, vector<16xi32>], vector<16xf32>,
      %shift_left3A_278 = arith.shli %scan3A_232#15, %broadcast_in_dim3A_45 : vector<16xi32>
      %bitcast3A_279 = vector.bitcast %shift_left3A_278 : vector<16xi32> to vector<16xf32>
      %and3A_280 = arith.andi %scan3A_232#15, %broadcast_in_dim3A_43 : vector<16xi32>
      %bitcast3A_281 = vector.bitcast %and3A_280 : vector<16xi32> to vector<16xf32>
      tpu.vector_store_idx %arg6[%broadcast_in_dim3A_31, %scan3A_232#2], %bitcast3A_279 {add = true} : memref<8x10240xf32, #tpu.memory_space<vmem>>[vector<16xi32>, vector<16xi32>], vector<16xf32>,
      tpu.vector_store_idx %arg6[%broadcast_in_dim3A_39, %scan3A_232#2], %bitcast3A_281 {add = true} : memref<8x10240xf32, #tpu.memory_space<vmem>>[vector<16xi32>, vector<16xi32>], vector<16xf32>,
      %shift_left3A_282 = arith.shli %scan3A_232#16, %broadcast_in_dim3A_45 : vector<16xi32>
      %bitcast3A_283 = vector.bitcast %shift_left3A_282 : vector<16xi32> to vector<16xf32>
      %and3A_284 = arith.andi %scan3A_232#16, %broadcast_in_dim3A_43 : vector<16xi32>
      %bitcast3A_285 = vector.bitcast %and3A_284 : vector<16xi32> to vector<16xf32>
      tpu.vector_store_idx %arg6[%broadcast_in_dim3A_25, %scan3A_232#3], %bitcast3A_283 {add = true} : memref<8x10240xf32, #tpu.memory_space<vmem>>[vector<16xi32>, vector<16xi32>], vector<16xf32>,
      tpu.vector_store_idx %arg6[%broadcast_in_dim3A_33, %scan3A_232#3], %bitcast3A_285 {add = true} : memref<8x10240xf32, #tpu.memory_space<vmem>>[vector<16xi32>, vector<16xi32>], vector<16xf32>,
      %shift_left3A_286 = arith.shli %scan3A_232#17, %broadcast_in_dim3A_45 : vector<16xi32>
      %bitcast3A_287 = vector.bitcast %shift_left3A_286 : vector<16xi32> to vector<16xf32>
      %and3A_288 = arith.andi %scan3A_232#17, %broadcast_in_dim3A_43 : vector<16xi32>
      %bitcast3A_289 = vector.bitcast %and3A_288 : vector<16xi32> to vector<16xf32>
      tpu.vector_store_idx %arg6[%broadcast_in_dim3A_27, %scan3A_232#3], %bitcast3A_287 {add = true} : memref<8x10240xf32, #tpu.memory_space<vmem>>[vector<16xi32>, vector<16xi32>], vector<16xf32>,
      tpu.vector_store_idx %arg6[%broadcast_in_dim3A_35, %scan3A_232#3], %bitcast3A_289 {add = true} : memref<8x10240xf32, #tpu.memory_space<vmem>>[vector<16xi32>, vector<16xi32>], vector<16xf32>,
      %shift_left3A_290 = arith.shli %scan3A_232#18, %broadcast_in_dim3A_45 : vector<16xi32>
      %bitcast3A_291 = vector.bitcast %shift_left3A_290 : vector<16xi32> to vector<16xf32>
      %and3A_292 = arith.andi %scan3A_232#18, %broadcast_in_dim3A_43 : vector<16xi32>
      %bitcast3A_293 = vector.bitcast %and3A_292 : vector<16xi32> to vector<16xf32>
      tpu.vector_store_idx %arg6[%broadcast_in_dim3A_29, %scan3A_232#3], %bitcast3A_291 {add = true} : memref<8x10240xf32, #tpu.memory_space<vmem>>[vector<16xi32>, vector<16xi32>], vector<16xf32>,
      tpu.vector_store_idx %arg6[%broadcast_in_dim3A_37, %scan3A_232#3], %bitcast3A_293 {add = true} : memref<8x10240xf32, #tpu.memory_space<vmem>>[vector<16xi32>, vector<16xi32>], vector<16xf32>,
      %shift_left3A_294 = arith.shli %scan3A_232#19, %broadcast_in_dim3A_45 : vector<16xi32>
      %bitcast3A_295 = vector.bitcast %shift_left3A_294 : vector<16xi32> to vector<16xf32>
      %and3A_296 = arith.andi %scan3A_232#19, %broadcast_in_dim3A_43 : vector<16xi32>
      %bitcast3A_297 = vector.bitcast %and3A_296 : vector<16xi32> to vector<16xf32>
      tpu.vector_store_idx %arg6[%broadcast_in_dim3A_31, %scan3A_232#3], %bitcast3A_295 {add = true} : memref<8x10240xf32, #tpu.memory_space<vmem>>[vector<16xi32>, vector<16xi32>], vector<16xf32>,
      tpu.vector_store_idx %arg6[%broadcast_in_dim3A_39, %scan3A_232#3], %bitcast3A_297 {add = true} : memref<8x10240xf32, #tpu.memory_space<vmem>>[vector<16xi32>, vector<16xi32>], vector<16xf32>,
      %add3A_298 = arith.constant 2 : i32
      %add3A_299 = arith.addi %add3A_183, %add3A_298 : i32
      %lt3A_300 = arith.constant 100 : i32
      %lt3A_301 = arith.cmpi slt, %add3A_299, %lt3A_300 : i32
      %convert_element_type3A_302 = arith.extui %lt3A_301 : i1 to i32
      %cond3A_303 = arith.constant 0 : i32
      %cond3A_304 = arith.cmpi ne, %convert_element_type3A_302, %cond3A_303 : i32
      scf.if %cond3A_304 {
        %mul3A_306 = arith.constant 3200 : i32
        %mul3A_307 = arith.muli %add3A_299, %mul3A_306 : i32
        %add3A_308 = arith.constant 0 : i32
        %add3A_309 = arith.addi %add3A_308, %mul3A_307 : i32
        %multiple_of3A_310 = tpu.assume_multiple %add3A_309, 8 : i32
        %dma_start3A_311 = tpu.memref_slice %arg3[%multiple_of3A_310] : memref<320000xi32, #tpu.memory_space<hbm>> -> memref<3200xi32, #tpu.memory_space<hbm>>
        %dma_start3A_312 = tpu.memref_slice %arg3[%multiple_of3A_310] : memref<320000xi32, #tpu.memory_space<hbm>> -> memref<3200xi32, #tpu.memory_space<hbm>>
        tpu.enqueue_dma source(%dma_start3A_312 : memref<3200xi32, #tpu.memory_space<hbm>>) target(%arg8 : memref<3200xi32, #tpu.memory_space<vmem>>) target_semaphore(%arg10 : memref<!tpu.dma_semaphore, #tpu.memory_space<semaphore_mem>>)
      } else {
      }
      %scan3A_305 = arith.constant 0 : i32
      scf.yield %scan3A_305 : i32
    }
    %scan3A_59 = arith.constant 50 : i32
    "tpu.region"() ({
      %run_scoped3A = tpu.sem_alloc : memref<!tpu.dma_semaphore, #tpu.memory_space<semaphore_mem>>
      %dma_start3A_62 = arith.constant 0 : i32
      %dma_start3A_63 = arith.constant 0 : i32
      %dma_start3A_64 = tpu.memref_slice %arg6[%dma_start3A_62, %dma_start3A_63] : memref<8x10240xf32, #tpu.memory_space<vmem>> -> memref<4x10240xf32, #tpu.memory_space<vmem>>
      %dma_start3A_65 = arith.constant 0 : i32
      %dma_start3A_66 = tpu.memref_slice %arg4[%mul3A_2, %dma_start3A_65] : memref<256x10240xf32, #tpu.memory_space<hbm>> -> memref<4x10240xf32, #tpu.memory_space<hbm>>
      %dma_start3A_67 = arith.constant 0 : i32
      %dma_start3A_68 = tpu.memref_slice %arg4[%mul3A_2, %dma_start3A_67] : memref<256x10240xf32, #tpu.memory_space<hbm>> -> memref<4x10240xf32, #tpu.memory_space<hbm>>
      %dma_start3A_69 = arith.constant 0 : i32
      %dma_start3A_70 = arith.constant 0 : i32
      %dma_start3A_71 = tpu.memref_slice %arg6[%dma_start3A_69, %dma_start3A_70] : memref<8x10240xf32, #tpu.memory_space<vmem>> -> memref<4x10240xf32, #tpu.memory_space<vmem>>
      tpu.enqueue_dma source(%dma_start3A_71 : memref<4x10240xf32, #tpu.memory_space<vmem>>) target(%dma_start3A_68 : memref<4x10240xf32, #tpu.memory_space<hbm>>) target_semaphore(%run_scoped3A : memref<!tpu.dma_semaphore, #tpu.memory_space<semaphore_mem>>)
      %dma_wait3A_72 = arith.constant 0 : i32
      %dma_wait3A_73 = arith.constant 0 : i32
      %dma_wait3A_74 = tpu.memref_slice %arg6[%dma_wait3A_72, %dma_wait3A_73] : memref<8x10240xf32, #tpu.memory_space<vmem>> -> memref<4x10240xf32, #tpu.memory_space<vmem>>
      %dma_wait3A_75 = arith.constant 0 : i32
      %dma_wait3A_76 = tpu.memref_slice %arg4[%mul3A_2, %dma_wait3A_75] : memref<256x10240xf32, #tpu.memory_space<hbm>> -> memref<4x10240xf32, #tpu.memory_space<hbm>>
      %dma_wait3A_77 = arith.constant 0 : i32
      %dma_wait3A_78 = tpu.memref_slice %arg4[%mul3A_2, %dma_wait3A_77] : memref<256x10240xf32, #tpu.memory_space<hbm>> -> memref<4x10240xf32, #tpu.memory_space<hbm>>
      %dma_wait3A_79 = arith.constant 0 : i32
      %dma_wait3A_80 = arith.constant 0 : i32
      %dma_wait3A_81 = tpu.memref_slice %arg6[%dma_wait3A_79, %dma_wait3A_80] : memref<8x10240xf32, #tpu.memory_space<vmem>> -> memref<4x10240xf32, #tpu.memory_space<vmem>>
      tpu.wait_dma2 semaphore(%run_scoped3A : memref<!tpu.dma_semaphore, #tpu.memory_space<semaphore_mem>>) src(%dma_wait3A_81 : memref<4x10240xf32, #tpu.memory_space<vmem>>) dst(%dma_wait3A_78 : memref<4x10240xf32, #tpu.memory_space<hbm>>)
      tpu.yield
    }) : () -> ()
    %add3A_60 = arith.constant 128 : i32
    %add3A_61 = arith.addi %add3A_60, %mul3A_2 : i32
    "tpu.region"() ({
      %run_scoped3A = tpu.sem_alloc : memref<!tpu.dma_semaphore, #tpu.memory_space<semaphore_mem>>
      %dma_start3A_62 = arith.constant 4 : i32
      %dma_start3A_63 = arith.constant 0 : i32
      %dma_start3A_64 = tpu.memref_slice %arg6[%dma_start3A_62, %dma_start3A_63] : memref<8x10240xf32, #tpu.memory_space<vmem>> -> memref<4x10240xf32, #tpu.memory_space<vmem>>
      %dma_start3A_65 = arith.constant 0 : i32
      %dma_start3A_66 = tpu.memref_slice %arg4[%add3A_61, %dma_start3A_65] : memref<256x10240xf32, #tpu.memory_space<hbm>> -> memref<4x10240xf32, #tpu.memory_space<hbm>>
      %dma_start3A_67 = arith.constant 0 : i32
      %dma_start3A_68 = tpu.memref_slice %arg4[%add3A_61, %dma_start3A_67] : memref<256x10240xf32, #tpu.memory_space<hbm>> -> memref<4x10240xf32, #tpu.memory_space<hbm>>
      %dma_start3A_69 = arith.constant 4 : i32
      %dma_start3A_70 = arith.constant 0 : i32
      %dma_start3A_71 = tpu.memref_slice %arg6[%dma_start3A_69, %dma_start3A_70] : memref<8x10240xf32, #tpu.memory_space<vmem>> -> memref<4x10240xf32, #tpu.memory_space<vmem>>
      tpu.enqueue_dma source(%dma_start3A_71 : memref<4x10240xf32, #tpu.memory_space<vmem>>) target(%dma_start3A_68 : memref<4x10240xf32, #tpu.memory_space<hbm>>) target_semaphore(%run_scoped3A : memref<!tpu.dma_semaphore, #tpu.memory_space<semaphore_mem>>)
      %dma_wait3A_72 = arith.constant 4 : i32
      %dma_wait3A_73 = arith.constant 0 : i32
      %dma_wait3A_74 = tpu.memref_slice %arg6[%dma_wait3A_72, %dma_wait3A_73] : memref<8x10240xf32, #tpu.memory_space<vmem>> -> memref<4x10240xf32, #tpu.memory_space<vmem>>
      %dma_wait3A_75 = arith.constant 0 : i32
      %dma_wait3A_76 = tpu.memref_slice %arg4[%add3A_61, %dma_wait3A_75] : memref<256x10240xf32, #tpu.memory_space<hbm>> -> memref<4x10240xf32, #tpu.memory_space<hbm>>
      %dma_wait3A_77 = arith.constant 0 : i32
      %dma_wait3A_78 = tpu.memref_slice %arg4[%add3A_61, %dma_wait3A_77] : memref<256x10240xf32, #tpu.memory_space<hbm>> -> memref<4x10240xf32, #tpu.memory_space<hbm>>
      %dma_wait3A_79 = arith.constant 4 : i32
      %dma_wait3A_80 = arith.constant 0 : i32
      %dma_wait3A_81 = tpu.memref_slice %arg6[%dma_wait3A_79, %dma_wait3A_80] : memref<8x10240xf32, #tpu.memory_space<vmem>> -> memref<4x10240xf32, #tpu.memory_space<vmem>>
      tpu.wait_dma2 semaphore(%run_scoped3A : memref<!tpu.dma_semaphore, #tpu.memory_space<semaphore_mem>>) src(%dma_wait3A_81 : memref<4x10240xf32, #tpu.memory_space<vmem>>) dst(%dma_wait3A_78 : memref<4x10240xf32, #tpu.memory_space<hbm>>)
      tpu.yield
    }) : () -> ()
    return
  }
}

#map = affine_map<(d0, d1) -> (0, 0)>
#map1 = affine_map<(d0, d1) -> (0)>
module attributes {stable_mosaic.version = 14 : i64} {
  func.func @_hist_sc(%arg0: i32, %arg1: i32, %arg2: memref<2x320000xi32, #tpu.memory_space<hbm>>, %arg3: memref<32x10240xf32, #tpu.memory_space<hbm>>, %arg4: memref<320000xi32, #tpu.memory_space<hbm>>, %arg5: memref<10000xi32, #tpu.memory_space<vmem>>, %arg6: memref<10000xi32, #tpu.memory_space<vmem>>, %arg7: memref<10000xi32, #tpu.memory_space<vmem>>, %arg8: memref<10240xf32, #tpu.memory_space<vmem>>) attributes {dimension_semantics = [#tpu.dimension_semantics<core_parallel>, #tpu.dimension_semantics<subcore_parallel>], iteration_bounds = array<i64: 2, 16>, scalar_prefetch = 0 : i64, scratch_operands = 4 : i64, tpu.core_type = #tpu.core_type<sc_vector_subcore>, window_params = [{transform_indices = #map}, {transform_indices = #map}, {transform_indices = #map1}]} {
    %mul3A = arith.constant 2 : i32
    %mul3A_0 = arith.muli %arg1, %mul3A : i32
    %add3A = arith.addi %mul3A_0, %arg0 : i32
    %broadcast_in_dim3A = arith.constant 0.000000e+00 : f32
    %broadcast_in_dim3A_1 = vector.broadcast %broadcast_in_dim3A : f32 to vector<16xf32>
    %scan3A = arith.constant 0 : i32
    %scan3A_2 = arith.constant 0 : i32
    %scan3A_3 = arith.constant 640 : i32
    %scan3A_4 = arith.addi %scan3A_2, %scan3A_3 : i32
    %scan3A_5 = arith.constant 1 : i32
    %scan3A_6 = scf.for %scan3A_22 = %scan3A_2 to %scan3A_4 step %scan3A_5 iter_args(%scan3A_23 = %scan3A) -> (i32)  : i32 {
      %mul3A_24 = arith.constant 16 : i32
      %mul3A_25 = arith.muli %scan3A_22, %mul3A_24 : i32
      %swap3A = arith.index_cast %mul3A_25 : i32 to index
      %swap3A_26 = tpu.vector_load %arg8[%swap3A] {strides = array<i32>} : memref<10240xf32, #tpu.memory_space<vmem>>, vector<16xf32>,
      tpu.vector_store %arg8[%swap3A], %broadcast_in_dim3A_1 {strides = array<i32>} : memref<10240xf32, #tpu.memory_space<vmem>>, vector<16xf32>,
      %scan3A_27 = arith.constant 0 : i32
      scf.yield %scan3A_27 : i32
    }
    %scan3A_7 = arith.constant 640 : i32
    %mul3A_8 = arith.constant 10000 : i32
    %mul3A_9 = arith.muli %add3A, %mul3A_8 : i32
    %multiple_of3A = tpu.assume_multiple %mul3A_9, 8 : i32
    %run_scoped3A = arith.constant 0 : i32
    "tpu.region"() ({
      %run_scoped3A_22 = tpu.sem_alloc : memref<!tpu.dma_semaphore, #tpu.memory_space<semaphore_mem>>
      %dma_start3A = tpu.memref_slice %arg2[%run_scoped3A, %multiple_of3A] : memref<2x320000xi32, #tpu.memory_space<hbm>> -> memref<1x10000xi32, #tpu.memory_space<hbm>>
      %dma_start3A_23 = tpu.memref_squeeze %dma_start3A : memref<1x10000xi32, #tpu.memory_space<hbm>> -> memref<10000xi32, #tpu.memory_space<hbm>>
      %dma_start3A_24 = tpu.memref_slice %arg2[%run_scoped3A, %multiple_of3A] : memref<2x320000xi32, #tpu.memory_space<hbm>> -> memref<1x10000xi32, #tpu.memory_space<hbm>>
      %dma_start3A_25 = tpu.memref_squeeze %dma_start3A_24 : memref<1x10000xi32, #tpu.memory_space<hbm>> -> memref<10000xi32, #tpu.memory_space<hbm>>
      tpu.enqueue_dma source(%dma_start3A_25 : memref<10000xi32, #tpu.memory_space<hbm>>) target(%arg5 : memref<10000xi32, #tpu.memory_space<vmem>>) target_semaphore(%run_scoped3A_22 : memref<!tpu.dma_semaphore, #tpu.memory_space<semaphore_mem>>)
      %dma_wait3A = tpu.memref_slice %arg2[%run_scoped3A, %multiple_of3A] : memref<2x320000xi32, #tpu.memory_space<hbm>> -> memref<1x10000xi32, #tpu.memory_space<hbm>>
      %dma_wait3A_26 = tpu.memref_squeeze %dma_wait3A : memref<1x10000xi32, #tpu.memory_space<hbm>> -> memref<10000xi32, #tpu.memory_space<hbm>>
      %dma_wait3A_27 = tpu.memref_slice %arg2[%run_scoped3A, %multiple_of3A] : memref<2x320000xi32, #tpu.memory_space<hbm>> -> memref<1x10000xi32, #tpu.memory_space<hbm>>
      %dma_wait3A_28 = tpu.memref_squeeze %dma_wait3A_27 : memref<1x10000xi32, #tpu.memory_space<hbm>> -> memref<10000xi32, #tpu.memory_space<hbm>>
      tpu.wait_dma2 semaphore(%run_scoped3A_22 : memref<!tpu.dma_semaphore, #tpu.memory_space<semaphore_mem>>) src(%dma_wait3A_28 : memref<10000xi32, #tpu.memory_space<hbm>>) dst(%arg5 : memref<10000xi32, #tpu.memory_space<vmem>>)
      tpu.yield
    }) : () -> ()
    %run_scoped3A_10 = arith.constant 1 : i32
    "tpu.region"() ({
      %run_scoped3A_22 = tpu.sem_alloc : memref<!tpu.dma_semaphore, #tpu.memory_space<semaphore_mem>>
      %dma_start3A = tpu.memref_slice %arg2[%run_scoped3A_10, %multiple_of3A] : memref<2x320000xi32, #tpu.memory_space<hbm>> -> memref<1x10000xi32, #tpu.memory_space<hbm>>
      %dma_start3A_23 = tpu.memref_squeeze %dma_start3A : memref<1x10000xi32, #tpu.memory_space<hbm>> -> memref<10000xi32, #tpu.memory_space<hbm>>
      %dma_start3A_24 = tpu.memref_slice %arg2[%run_scoped3A_10, %multiple_of3A] : memref<2x320000xi32, #tpu.memory_space<hbm>> -> memref<1x10000xi32, #tpu.memory_space<hbm>>
      %dma_start3A_25 = tpu.memref_squeeze %dma_start3A_24 : memref<1x10000xi32, #tpu.memory_space<hbm>> -> memref<10000xi32, #tpu.memory_space<hbm>>
      tpu.enqueue_dma source(%dma_start3A_25 : memref<10000xi32, #tpu.memory_space<hbm>>) target(%arg6 : memref<10000xi32, #tpu.memory_space<vmem>>) target_semaphore(%run_scoped3A_22 : memref<!tpu.dma_semaphore, #tpu.memory_space<semaphore_mem>>)
      %dma_wait3A = tpu.memref_slice %arg2[%run_scoped3A_10, %multiple_of3A] : memref<2x320000xi32, #tpu.memory_space<hbm>> -> memref<1x10000xi32, #tpu.memory_space<hbm>>
      %dma_wait3A_26 = tpu.memref_squeeze %dma_wait3A : memref<1x10000xi32, #tpu.memory_space<hbm>> -> memref<10000xi32, #tpu.memory_space<hbm>>
      %dma_wait3A_27 = tpu.memref_slice %arg2[%run_scoped3A_10, %multiple_of3A] : memref<2x320000xi32, #tpu.memory_space<hbm>> -> memref<1x10000xi32, #tpu.memory_space<hbm>>
      %dma_wait3A_28 = tpu.memref_squeeze %dma_wait3A_27 : memref<1x10000xi32, #tpu.memory_space<hbm>> -> memref<10000xi32, #tpu.memory_space<hbm>>
      tpu.wait_dma2 semaphore(%run_scoped3A_22 : memref<!tpu.dma_semaphore, #tpu.memory_space<semaphore_mem>>) src(%dma_wait3A_28 : memref<10000xi32, #tpu.memory_space<hbm>>) dst(%arg6 : memref<10000xi32, #tpu.memory_space<vmem>>)
      tpu.yield
    }) : () -> ()
    %broadcast_in_dim3A_11 = arith.constant 1.000000e+00 : f32
    %broadcast_in_dim3A_12 = vector.broadcast %broadcast_in_dim3A_11 : f32 to vector<16xf32>
    %broadcast_in_dim3A_13 = arith.constant 16 : i32
    %broadcast_in_dim3A_14 = vector.broadcast %broadcast_in_dim3A_13 : i32 to vector<16xi32>
    %scan3A_15 = arith.constant 0 : i32
    %scan3A_16 = arith.constant 0 : i32
    %scan3A_17 = arith.constant 625 : i32
    %scan3A_18 = arith.addi %scan3A_16, %scan3A_17 : i32
    %scan3A_19 = arith.constant 1 : i32
    %scan3A_20 = scf.for %scan3A_22 = %scan3A_16 to %scan3A_18 step %scan3A_19 iter_args(%scan3A_23 = %scan3A_15) -> (i32)  : i32 {
      %mul3A_24 = arith.constant 16 : i32
      %mul3A_25 = arith.muli %scan3A_22, %mul3A_24 : i32
      %get3A = arith.index_cast %mul3A_25 : i32 to index
      %get3A_26 = tpu.vector_load %arg5[%get3A] {strides = array<i32>} : memref<10000xi32, #tpu.memory_space<vmem>>, vector<16xi32>,
      %mul3A_27 = arith.constant 16 : i32
      %mul3A_28 = arith.muli %scan3A_22, %mul3A_27 : i32
      %get3A_29 = arith.index_cast %mul3A_28 : i32 to index
      %get3A_30 = tpu.vector_load %arg6[%get3A_29] {strides = array<i32>} : memref<10000xi32, #tpu.memory_space<vmem>>, vector<16xi32>,
      %shift_left3A = arith.shli %get3A_30, %broadcast_in_dim3A_14 : vector<16xi32>
      %add3A_31 = arith.addi %get3A_26, %shift_left3A : vector<16xi32>
      %mul3A_32 = arith.constant 16 : i32
      %mul3A_33 = arith.muli %scan3A_22, %mul3A_32 : i32
      %swap3A = arith.index_cast %mul3A_33 : i32 to index
      %swap3A_34 = tpu.vector_load %arg7[%swap3A] {strides = array<i32>} : memref<10000xi32, #tpu.memory_space<vmem>>, vector<16xi32>,
      tpu.vector_store %arg7[%swap3A], %add3A_31 {strides = array<i32>} : memref<10000xi32, #tpu.memory_space<vmem>>, vector<16xi32>,
      tpu.vector_store_idx %arg8[%get3A_30], %broadcast_in_dim3A_12 {add = true} : memref<10240xf32, #tpu.memory_space<vmem>>[vector<16xi32>], vector<16xf32>,
      %scan3A_35 = arith.constant 0 : i32
      scf.yield %scan3A_35 : i32
    }
    %scan3A_21 = arith.constant 625 : i32
    "tpu.region"() ({
      %run_scoped3A_22 = tpu.sem_alloc : memref<!tpu.dma_semaphore, #tpu.memory_space<semaphore_mem>>
      %dma_start3A = arith.constant 0 : i32
      %dma_start3A_23 = tpu.memref_slice %arg3[%add3A, %dma_start3A] : memref<32x10240xf32, #tpu.memory_space<hbm>> -> memref<1x10240xf32, #tpu.memory_space<hbm>>
      %dma_start3A_24 = tpu.memref_squeeze %dma_start3A_23 : memref<1x10240xf32, #tpu.memory_space<hbm>> -> memref<10240xf32, #tpu.memory_space<hbm>>
      %dma_start3A_25 = arith.constant 0 : i32
      %dma_start3A_26 = tpu.memref_slice %arg3[%add3A, %dma_start3A_25] : memref<32x10240xf32, #tpu.memory_space<hbm>> -> memref<1x10240xf32, #tpu.memory_space<hbm>>
      %dma_start3A_27 = tpu.memref_squeeze %dma_start3A_26 : memref<1x10240xf32, #tpu.memory_space<hbm>> -> memref<10240xf32, #tpu.memory_space<hbm>>
      tpu.enqueue_dma source(%arg8 : memref<10240xf32, #tpu.memory_space<vmem>>) target(%dma_start3A_27 : memref<10240xf32, #tpu.memory_space<hbm>>) target_semaphore(%run_scoped3A_22 : memref<!tpu.dma_semaphore, #tpu.memory_space<semaphore_mem>>)
      %dma_wait3A = arith.constant 0 : i32
      %dma_wait3A_28 = tpu.memref_slice %arg3[%add3A, %dma_wait3A] : memref<32x10240xf32, #tpu.memory_space<hbm>> -> memref<1x10240xf32, #tpu.memory_space<hbm>>
      %dma_wait3A_29 = tpu.memref_squeeze %dma_wait3A_28 : memref<1x10240xf32, #tpu.memory_space<hbm>> -> memref<10240xf32, #tpu.memory_space<hbm>>
      %dma_wait3A_30 = arith.constant 0 : i32
      %dma_wait3A_31 = tpu.memref_slice %arg3[%add3A, %dma_wait3A_30] : memref<32x10240xf32, #tpu.memory_space<hbm>> -> memref<1x10240xf32, #tpu.memory_space<hbm>>
      %dma_wait3A_32 = tpu.memref_squeeze %dma_wait3A_31 : memref<1x10240xf32, #tpu.memory_space<hbm>> -> memref<10240xf32, #tpu.memory_space<hbm>>
      tpu.wait_dma2 semaphore(%run_scoped3A_22 : memref<!tpu.dma_semaphore, #tpu.memory_space<semaphore_mem>>) src(%arg8 : memref<10240xf32, #tpu.memory_space<vmem>>) dst(%dma_wait3A_32 : memref<10240xf32, #tpu.memory_space<hbm>>)
      tpu.yield
    }) : () -> ()
    "tpu.region"() ({
      %run_scoped3A_22 = tpu.sem_alloc : memref<!tpu.dma_semaphore, #tpu.memory_space<semaphore_mem>>
      %dma_start3A = tpu.memref_slice %arg4[%multiple_of3A] : memref<320000xi32, #tpu.memory_space<hbm>> -> memref<10000xi32, #tpu.memory_space<hbm>>
      %dma_start3A_23 = tpu.memref_slice %arg4[%multiple_of3A] : memref<320000xi32, #tpu.memory_space<hbm>> -> memref<10000xi32, #tpu.memory_space<hbm>>
      tpu.enqueue_dma source(%arg7 : memref<10000xi32, #tpu.memory_space<vmem>>) target(%dma_start3A_23 : memref<10000xi32, #tpu.memory_space<hbm>>) target_semaphore(%run_scoped3A_22 : memref<!tpu.dma_semaphore, #tpu.memory_space<semaphore_mem>>)
      %dma_wait3A = tpu.memref_slice %arg4[%multiple_of3A] : memref<320000xi32, #tpu.memory_space<hbm>> -> memref<10000xi32, #tpu.memory_space<hbm>>
      %dma_wait3A_24 = tpu.memref_slice %arg4[%multiple_of3A] : memref<320000xi32, #tpu.memory_space<hbm>> -> memref<10000xi32, #tpu.memory_space<hbm>>
      tpu.wait_dma2 semaphore(%run_scoped3A_22 : memref<!tpu.dma_semaphore, #tpu.memory_space<semaphore_mem>>) src(%arg7 : memref<10000xi32, #tpu.memory_space<vmem>>) dst(%dma_wait3A_24 : memref<10000xi32, #tpu.memory_space<hbm>>)
      tpu.yield
    }) : () -> ()
    return
  }
}

#map = affine_map<(d0, d1) -> (0, 0)>
#map1 = affine_map<(d0, d1) -> (0)>
module attributes {stable_mosaic.version = 14 : i64} {
  func.func @agg(%arg0: i32, %arg1: i32, %arg2: memref<64x10240xi32, #tpu.memory_space<hbm>>, %arg3: memref<320000xi32, #tpu.memory_space<hbm>>, %arg4: memref<128x10240xf32, #tpu.memory_space<hbm>>, %arg5: memref<2x10240xi32, #tpu.memory_space<vmem>>, %arg6: memref<4x10240xf32, #tpu.memory_space<vmem>>, %arg7: memref<16000xi32, #tpu.memory_space<vmem>>, %arg8: memref<16000xi32, #tpu.memory_space<vmem>>, %arg9: memref<!tpu.dma_semaphore, #tpu.memory_space<semaphore_mem>>, %arg10: memref<!tpu.dma_semaphore, #tpu.memory_space<semaphore_mem>>, %arg11: memref<!tpu.dma_semaphore, #tpu.memory_space<semaphore_mem>>) attributes {dimension_semantics = [#tpu.dimension_semantics<core_parallel>, #tpu.dimension_semantics<subcore_parallel>], iteration_bounds = array<i64: 2, 16>, scalar_prefetch = 0 : i64, scratch_operands = 7 : i64, tpu.core_type = #tpu.core_type<sc_vector_subcore>, window_params = [{transform_indices = #map}, {transform_indices = #map1}, {transform_indices = #map}]} {
    %mul3A = arith.constant 2 : i32
    %mul3A_0 = arith.muli %arg1, %mul3A : i32
    %add3A = arith.addi %mul3A_0, %arg0 : i32
    %mul3A_1 = arith.constant 2 : i32
    %mul3A_2 = arith.muli %add3A, %mul3A_1 : i32
    %dma_start3A = arith.constant 0 : i32
    %dma_start3A_3 = tpu.memref_slice %arg2[%mul3A_2, %dma_start3A] : memref<64x10240xi32, #tpu.memory_space<hbm>> -> memref<2x10240xi32, #tpu.memory_space<hbm>>
    %dma_start3A_4 = arith.constant 0 : i32
    %dma_start3A_5 = tpu.memref_slice %arg2[%mul3A_2, %dma_start3A_4] : memref<64x10240xi32, #tpu.memory_space<hbm>> -> memref<2x10240xi32, #tpu.memory_space<hbm>>
    tpu.enqueue_dma source(%dma_start3A_5 : memref<2x10240xi32, #tpu.memory_space<hbm>>) target(%arg5 : memref<2x10240xi32, #tpu.memory_space<vmem>>) target_semaphore(%arg11 : memref<!tpu.dma_semaphore, #tpu.memory_space<semaphore_mem>>)
    %broadcast_in_dim3A = arith.constant 0.000000e+00 : f32
    %broadcast_in_dim3A_6 = vector.broadcast %broadcast_in_dim3A : f32 to vector<16xf32>
    %scan3A = arith.constant 0 : i32
    %scan3A_7 = arith.constant 0 : i32
    %scan3A_8 = arith.constant 640 : i32
    %scan3A_9 = arith.addi %scan3A_7, %scan3A_8 : i32
    %scan3A_10 = arith.constant 1 : i32
    %scan3A_11 = scf.for %scan3A_50 = %scan3A_7 to %scan3A_9 step %scan3A_10 iter_args(%scan3A_51 = %scan3A) -> (i32)  : i32 {
      %mul3A_52 = arith.constant 16 : i32
      %mul3A_53 = arith.muli %scan3A_50, %mul3A_52 : i32
      %swap3A = arith.constant 0 : i32
      %swap3A_54 = arith.index_cast %swap3A : i32 to index
      %swap3A_55 = arith.index_cast %mul3A_53 : i32 to index
      %swap3A_56 = tpu.vector_load %arg6[%swap3A_54, %swap3A_55] {strides = array<i32>} : memref<4x10240xf32, #tpu.memory_space<vmem>>, vector<16xf32>,
      tpu.vector_store %arg6[%swap3A_54, %swap3A_55], %broadcast_in_dim3A_6 {strides = array<i32>} : memref<4x10240xf32, #tpu.memory_space<vmem>>, vector<16xf32>,
      %mul3A_57 = arith.constant 16 : i32
      %mul3A_58 = arith.muli %scan3A_50, %mul3A_57 : i32
      %swap3A_59 = arith.constant 1 : i32
      %swap3A_60 = arith.index_cast %swap3A_59 : i32 to index
      %swap3A_61 = arith.index_cast %mul3A_58 : i32 to index
      %swap3A_62 = tpu.vector_load %arg6[%swap3A_60, %swap3A_61] {strides = array<i32>} : memref<4x10240xf32, #tpu.memory_space<vmem>>, vector<16xf32>,
      tpu.vector_store %arg6[%swap3A_60, %swap3A_61], %broadcast_in_dim3A_6 {strides = array<i32>} : memref<4x10240xf32, #tpu.memory_space<vmem>>, vector<16xf32>,
      %mul3A_63 = arith.constant 16 : i32
      %mul3A_64 = arith.muli %scan3A_50, %mul3A_63 : i32
      %swap3A_65 = arith.constant 2 : i32
      %swap3A_66 = arith.index_cast %swap3A_65 : i32 to index
      %swap3A_67 = arith.index_cast %mul3A_64 : i32 to index
      %swap3A_68 = tpu.vector_load %arg6[%swap3A_66, %swap3A_67] {strides = array<i32>} : memref<4x10240xf32, #tpu.memory_space<vmem>>, vector<16xf32>,
      tpu.vector_store %arg6[%swap3A_66, %swap3A_67], %broadcast_in_dim3A_6 {strides = array<i32>} : memref<4x10240xf32, #tpu.memory_space<vmem>>, vector<16xf32>,
      %mul3A_69 = arith.constant 16 : i32
      %mul3A_70 = arith.muli %scan3A_50, %mul3A_69 : i32
      %swap3A_71 = arith.constant 3 : i32
      %swap3A_72 = arith.index_cast %swap3A_71 : i32 to index
      %swap3A_73 = arith.index_cast %mul3A_70 : i32 to index
      %swap3A_74 = tpu.vector_load %arg6[%swap3A_72, %swap3A_73] {strides = array<i32>} : memref<4x10240xf32, #tpu.memory_space<vmem>>, vector<16xf32>,
      tpu.vector_store %arg6[%swap3A_72, %swap3A_73], %broadcast_in_dim3A_6 {strides = array<i32>} : memref<4x10240xf32, #tpu.memory_space<vmem>>, vector<16xf32>,
      %scan3A_75 = arith.constant 0 : i32
      scf.yield %scan3A_75 : i32
    }
    %scan3A_12 = arith.constant 640 : i32
    %dma_wait3A = arith.constant 0 : i32
    %dma_wait3A_13 = tpu.memref_slice %arg2[%mul3A_2, %dma_wait3A] : memref<64x10240xi32, #tpu.memory_space<hbm>> -> memref<2x10240xi32, #tpu.memory_space<hbm>>
    %dma_wait3A_14 = arith.constant 0 : i32
    %dma_wait3A_15 = tpu.memref_slice %arg2[%mul3A_2, %dma_wait3A_14] : memref<64x10240xi32, #tpu.memory_space<hbm>> -> memref<2x10240xi32, #tpu.memory_space<hbm>>
    tpu.wait_dma2 semaphore(%arg11 : memref<!tpu.dma_semaphore, #tpu.memory_space<semaphore_mem>>) src(%dma_wait3A_15 : memref<2x10240xi32, #tpu.memory_space<hbm>>) dst(%arg5 : memref<2x10240xi32, #tpu.memory_space<vmem>>)
    %broadcast_in_dim3A_16 = arith.constant 0 : i32
    %broadcast_in_dim3A_17 = vector.broadcast %broadcast_in_dim3A_16 : i32 to vector<16xi32>
    %broadcast_in_dim3A_18 = arith.constant 1 : i32
    %broadcast_in_dim3A_19 = vector.broadcast %broadcast_in_dim3A_18 : i32 to vector<16xi32>
    %broadcast_in_dim3A_20 = arith.constant 0 : i32
    %broadcast_in_dim3A_21 = vector.broadcast %broadcast_in_dim3A_20 : i32 to vector<16xi32>
    %broadcast_in_dim3A_22 = arith.constant 1 : i32
    %broadcast_in_dim3A_23 = vector.broadcast %broadcast_in_dim3A_22 : i32 to vector<16xi32>
    %broadcast_in_dim3A_24 = arith.constant 2 : i32
    %broadcast_in_dim3A_25 = vector.broadcast %broadcast_in_dim3A_24 : i32 to vector<16xi32>
    %broadcast_in_dim3A_26 = arith.constant 3 : i32
    %broadcast_in_dim3A_27 = vector.broadcast %broadcast_in_dim3A_26 : i32 to vector<16xi32>
    %broadcast_in_dim3A_28 = arith.constant 65535 : i32
    %broadcast_in_dim3A_29 = vector.broadcast %broadcast_in_dim3A_28 : i32 to vector<16xi32>
    %broadcast_in_dim3A_30 = arith.constant -65536 : i32
    %broadcast_in_dim3A_31 = vector.broadcast %broadcast_in_dim3A_30 : i32 to vector<16xi32>
    %broadcast_in_dim3A_32 = arith.constant 16 : i32
    %broadcast_in_dim3A_33 = vector.broadcast %broadcast_in_dim3A_32 : i32 to vector<16xi32>
    %multiple_of3A = arith.constant 0 : i32
    %multiple_of3A_34 = tpu.assume_multiple %multiple_of3A, 8 : i32
    %dma_start3A_35 = tpu.memref_slice %arg3[%multiple_of3A_34] : memref<320000xi32, #tpu.memory_space<hbm>> -> memref<16000xi32, #tpu.memory_space<hbm>>
    %dma_start3A_36 = tpu.memref_slice %arg3[%multiple_of3A_34] : memref<320000xi32, #tpu.memory_space<hbm>> -> memref<16000xi32, #tpu.memory_space<hbm>>
    tpu.enqueue_dma source(%dma_start3A_36 : memref<16000xi32, #tpu.memory_space<hbm>>) target(%arg7 : memref<16000xi32, #tpu.memory_space<vmem>>) target_semaphore(%arg9 : memref<!tpu.dma_semaphore, #tpu.memory_space<semaphore_mem>>)
    %multiple_of3A_37 = arith.constant 16000 : i32
    %multiple_of3A_38 = tpu.assume_multiple %multiple_of3A_37, 8 : i32
    %dma_start3A_39 = tpu.memref_slice %arg3[%multiple_of3A_38] : memref<320000xi32, #tpu.memory_space<hbm>> -> memref<16000xi32, #tpu.memory_space<hbm>>
    %dma_start3A_40 = tpu.memref_slice %arg3[%multiple_of3A_38] : memref<320000xi32, #tpu.memory_space<hbm>> -> memref<16000xi32, #tpu.memory_space<hbm>>
    tpu.enqueue_dma source(%dma_start3A_40 : memref<16000xi32, #tpu.memory_space<hbm>>) target(%arg8 : memref<16000xi32, #tpu.memory_space<vmem>>) target_semaphore(%arg10 : memref<!tpu.dma_semaphore, #tpu.memory_space<semaphore_mem>>)
    %scan3A_41 = arith.constant 0 : i32
    %scan3A_42 = arith.constant 0 : i32
    %scan3A_43 = arith.constant 10 : i32
    %scan3A_44 = arith.addi %scan3A_42, %scan3A_43 : i32
    %scan3A_45 = arith.constant 1 : i32
    %scan3A_46 = scf.for %scan3A_50 = %scan3A_42 to %scan3A_44 step %scan3A_45 iter_args(%scan3A_51 = %scan3A_41) -> (i32)  : i32 {
      %mul3A_52 = arith.constant 2 : i32
      %mul3A_53 = arith.muli %mul3A_52, %scan3A_50 : i32
      %add3A_54 = arith.constant 0 : i32
      %add3A_55 = arith.addi %mul3A_53, %add3A_54 : i32
      %dma_wait3A_56 = arith.constant 0 : i32
      %dma_wait3A_57 = tpu.memref_slice %arg3[%dma_wait3A_56] : memref<320000xi32, #tpu.memory_space<hbm>> -> memref<16000xi32, #tpu.memory_space<hbm>>
      %dma_wait3A_58 = arith.constant 0 : i32
      %dma_wait3A_59 = tpu.memref_slice %arg3[%dma_wait3A_58] : memref<320000xi32, #tpu.memory_space<hbm>> -> memref<16000xi32, #tpu.memory_space<hbm>>
      tpu.wait_dma2 semaphore(%arg9 : memref<!tpu.dma_semaphore, #tpu.memory_space<semaphore_mem>>) src(%dma_wait3A_59 : memref<16000xi32, #tpu.memory_space<hbm>>) dst(%arg7 : memref<16000xi32, #tpu.memory_space<vmem>>)
      %get3A = arith.constant 0 : index
      %get3A_60 = tpu.vector_load %arg7[%get3A] {strides = array<i32>} : memref<16000xi32, #tpu.memory_space<vmem>>, vector<16xi32>,
      %and3A = arith.andi %get3A_60, %broadcast_in_dim3A_29 : vector<16xi32>
      %shift_right_logical3A = arith.constant 16 : i32
      %shift_right_logical3A_61 = vector.broadcast %shift_right_logical3A : i32 to vector<16xi32>
      %shift_right_logical3A_62 = arith.shrui %get3A_60, %shift_right_logical3A_61 : vector<16xi32>
      %gather3A = tpu.vector_load_idx %arg5[%broadcast_in_dim3A_17, %and3A] : memref<2x10240xi32, #tpu.memory_space<vmem>>[vector<16xi32>, vector<16xi32>], vector<16xi32>,
      %gather3A_63 = tpu.vector_load_idx %arg5[%broadcast_in_dim3A_19, %and3A] : memref<2x10240xi32, #tpu.memory_space<vmem>>[vector<16xi32>, vector<16xi32>], vector<16xi32>,
      %get3A_64 = arith.constant 16 : index
      %get3A_65 = tpu.vector_load %arg7[%get3A_64] {strides = array<i32>} : memref<16000xi32, #tpu.memory_space<vmem>>, vector<16xi32>,
      %and3A_66 = arith.andi %get3A_65, %broadcast_in_dim3A_29 : vector<16xi32>
      %shift_right_logical3A_67 = arith.constant 16 : i32
      %shift_right_logical3A_68 = vector.broadcast %shift_right_logical3A_67 : i32 to vector<16xi32>
      %shift_right_logical3A_69 = arith.shrui %get3A_65, %shift_right_logical3A_68 : vector<16xi32>
      %gather3A_70 = tpu.vector_load_idx %arg5[%broadcast_in_dim3A_17, %and3A_66] : memref<2x10240xi32, #tpu.memory_space<vmem>>[vector<16xi32>, vector<16xi32>], vector<16xi32>,
      %gather3A_71 = tpu.vector_load_idx %arg5[%broadcast_in_dim3A_19, %and3A_66] : memref<2x10240xi32, #tpu.memory_space<vmem>>[vector<16xi32>, vector<16xi32>], vector<16xi32>,
      %get3A_72 = arith.constant 32 : index
      %get3A_73 = tpu.vector_load %arg7[%get3A_72] {strides = array<i32>} : memref<16000xi32, #tpu.memory_space<vmem>>, vector<16xi32>,
      %and3A_74 = arith.andi %get3A_73, %broadcast_in_dim3A_29 : vector<16xi32>
      %shift_right_logical3A_75 = arith.constant 16 : i32
      %shift_right_logical3A_76 = vector.broadcast %shift_right_logical3A_75 : i32 to vector<16xi32>
      %shift_right_logical3A_77 = arith.shrui %get3A_73, %shift_right_logical3A_76 : vector<16xi32>
      %gather3A_78 = tpu.vector_load_idx %arg5[%broadcast_in_dim3A_17, %and3A_74] : memref<2x10240xi32, #tpu.memory_space<vmem>>[vector<16xi32>, vector<16xi32>], vector<16xi32>,
      %gather3A_79 = tpu.vector_load_idx %arg5[%broadcast_in_dim3A_19, %and3A_74] : memref<2x10240xi32, #tpu.memory_space<vmem>>[vector<16xi32>, vector<16xi32>], vector<16xi32>,
      %get3A_80 = arith.constant 48 : index
      %get3A_81 = tpu.vector_load %arg7[%get3A_80] {strides = array<i32>} : memref<16000xi32, #tpu.memory_space<vmem>>, vector<16xi32>,
      %and3A_82 = arith.andi %get3A_81, %broadcast_in_dim3A_29 : vector<16xi32>
      %shift_right_logical3A_83 = arith.constant 16 : i32
      %shift_right_logical3A_84 = vector.broadcast %shift_right_logical3A_83 : i32 to vector<16xi32>
      %shift_right_logical3A_85 = arith.shrui %get3A_81, %shift_right_logical3A_84 : vector<16xi32>
      %gather3A_86 = tpu.vector_load_idx %arg5[%broadcast_in_dim3A_17, %and3A_82] : memref<2x10240xi32, #tpu.memory_space<vmem>>[vector<16xi32>, vector<16xi32>], vector<16xi32>,
      %gather3A_87 = tpu.vector_load_idx %arg5[%broadcast_in_dim3A_19, %and3A_82] : memref<2x10240xi32, #tpu.memory_space<vmem>>[vector<16xi32>, vector<16xi32>], vector<16xi32>,
      %get3A_88 = arith.constant 64 : index
      %get3A_89 = tpu.vector_load %arg7[%get3A_88] {strides = array<i32>} : memref<16000xi32, #tpu.memory_space<vmem>>, vector<16xi32>,
      %and3A_90 = arith.andi %get3A_89, %broadcast_in_dim3A_29 : vector<16xi32>
      %shift_right_logical3A_91 = arith.constant 16 : i32
      %shift_right_logical3A_92 = vector.broadcast %shift_right_logical3A_91 : i32 to vector<16xi32>
      %shift_right_logical3A_93 = arith.shrui %get3A_89, %shift_right_logical3A_92 : vector<16xi32>
      %gather3A_94 = tpu.vector_load_idx %arg5[%broadcast_in_dim3A_17, %and3A_90] : memref<2x10240xi32, #tpu.memory_space<vmem>>[vector<16xi32>, vector<16xi32>], vector<16xi32>,
      %gather3A_95 = tpu.vector_load_idx %arg5[%broadcast_in_dim3A_19, %and3A_90] : memref<2x10240xi32, #tpu.memory_space<vmem>>[vector<16xi32>, vector<16xi32>], vector<16xi32>,
      %get3A_96 = arith.constant 80 : index
      %get3A_97 = tpu.vector_load %arg7[%get3A_96] {strides = array<i32>} : memref<16000xi32, #tpu.memory_space<vmem>>, vector<16xi32>,
      %and3A_98 = arith.andi %get3A_97, %broadcast_in_dim3A_29 : vector<16xi32>
      %shift_right_logical3A_99 = arith.constant 16 : i32
      %shift_right_logical3A_100 = vector.broadcast %shift_right_logical3A_99 : i32 to vector<16xi32>
      %shift_right_logical3A_101 = arith.shrui %get3A_97, %shift_right_logical3A_100 : vector<16xi32>
      %gather3A_102 = tpu.vector_load_idx %arg5[%broadcast_in_dim3A_17, %and3A_98] : memref<2x10240xi32, #tpu.memory_space<vmem>>[vector<16xi32>, vector<16xi32>], vector<16xi32>,
      %gather3A_103 = tpu.vector_load_idx %arg5[%broadcast_in_dim3A_19, %and3A_98] : memref<2x10240xi32, #tpu.memory_space<vmem>>[vector<16xi32>, vector<16xi32>], vector<16xi32>,
      %get3A_104 = arith.constant 96 : index
      %get3A_105 = tpu.vector_load %arg7[%get3A_104] {strides = array<i32>} : memref<16000xi32, #tpu.memory_space<vmem>>, vector<16xi32>,
      %and3A_106 = arith.andi %get3A_105, %broadcast_in_dim3A_29 : vector<16xi32>
      %shift_right_logical3A_107 = arith.constant 16 : i32
      %shift_right_logical3A_108 = vector.broadcast %shift_right_logical3A_107 : i32 to vector<16xi32>
      %shift_right_logical3A_109 = arith.shrui %get3A_105, %shift_right_logical3A_108 : vector<16xi32>
      %gather3A_110 = tpu.vector_load_idx %arg5[%broadcast_in_dim3A_17, %and3A_106] : memref<2x10240xi32, #tpu.memory_space<vmem>>[vector<16xi32>, vector<16xi32>], vector<16xi32>,
      %gather3A_111 = tpu.vector_load_idx %arg5[%broadcast_in_dim3A_19, %and3A_106] : memref<2x10240xi32, #tpu.memory_space<vmem>>[vector<16xi32>, vector<16xi32>], vector<16xi32>,
      %get3A_112 = arith.constant 112 : index
      %get3A_113 = tpu.vector_load %arg7[%get3A_112] {strides = array<i32>} : memref<16000xi32, #tpu.memory_space<vmem>>, vector<16xi32>,
      %and3A_114 = arith.andi %get3A_113, %broadcast_in_dim3A_29 : vector<16xi32>
      %shift_right_logical3A_115 = arith.constant 16 : i32
      %shift_right_logical3A_116 = vector.broadcast %shift_right_logical3A_115 : i32 to vector<16xi32>
      %shift_right_logical3A_117 = arith.shrui %get3A_113, %shift_right_logical3A_116 : vector<16xi32>
      %gather3A_118 = tpu.vector_load_idx %arg5[%broadcast_in_dim3A_17, %and3A_114] : memref<2x10240xi32, #tpu.memory_space<vmem>>[vector<16xi32>, vector<16xi32>], vector<16xi32>,
      %gather3A_119 = tpu.vector_load_idx %arg5[%broadcast_in_dim3A_19, %and3A_114] : memref<2x10240xi32, #tpu.memory_space<vmem>>[vector<16xi32>, vector<16xi32>], vector<16xi32>,
      %scan3A_120 = arith.constant 1 : i32
      %scan3A_121 = arith.constant 124 : i32
      %scan3A_122 = arith.addi %scan3A_120, %scan3A_121 : i32
      %scan3A_123 = arith.constant 1 : i32
      %scan3A_124:24 = scf.for %scan3A_342 = %scan3A_120 to %scan3A_122 step %scan3A_123 iter_args(%scan3A_343 = %shift_right_logical3A_62, %scan3A_344 = %shift_right_logical3A_69, %scan3A_345 = %shift_right_logical3A_77, %scan3A_346 = %shift_right_logical3A_85, %scan3A_347 = %shift_right_logical3A_93, %scan3A_348 = %shift_right_logical3A_101, %scan3A_349 = %shift_right_logical3A_109, %scan3A_350 = %shift_right_logical3A_117, %scan3A_351 = %gather3A, %scan3A_352 = %gather3A_63, %scan3A_353 = %gather3A_70, %scan3A_354 = %gather3A_71, %scan3A_355 = %gather3A_78, %scan3A_356 = %gather3A_79, %scan3A_357 = %gather3A_86, %scan3A_358 = %gather3A_87, %scan3A_359 = %gather3A_94, %scan3A_360 = %gather3A_95, %scan3A_361 = %gather3A_102, %scan3A_362 = %gather3A_103, %scan3A_363 = %gather3A_110, %scan3A_364 = %gather3A_111, %scan3A_365 = %gather3A_118, %scan3A_366 = %gather3A_119) -> (vector<16xi32>, vector<16xi32>, vector<16xi32>, vector<16xi32>, vector<16xi32>, vector<16xi32>, vector<16xi32>, vector<16xi32>, vector<16xi32>, vector<16xi32>, vector<16xi32>, vector<16xi32>, vector<16xi32>, vector<16xi32>, vector<16xi32>, vector<16xi32>, vector<16xi32>, vector<16xi32>, vector<16xi32>, vector<16xi32>, vector<16xi32>, vector<16xi32>, vector<16xi32>, vector<16xi32>)  : i32 {
        %mul3A_367 = arith.constant 8 : i32
        %mul3A_368 = arith.muli %scan3A_342, %mul3A_367 : i32
        %add3A_369 = arith.constant 0 : i32
        %add3A_370 = arith.addi %mul3A_368, %add3A_369 : i32
        %mul3A_371 = arith.constant 16 : i32
        %mul3A_372 = arith.muli %add3A_370, %mul3A_371 : i32
        %get3A_373 = arith.index_cast %mul3A_372 : i32 to index
        %get3A_374 = tpu.vector_load %arg7[%get3A_373] {strides = array<i32>} : memref<16000xi32, #tpu.memory_space<vmem>>, vector<16xi32>,
        %and3A_375 = arith.andi %get3A_374, %broadcast_in_dim3A_29 : vector<16xi32>
        %shift_right_logical3A_376 = arith.constant 16 : i32
        %shift_right_logical3A_377 = vector.broadcast %shift_right_logical3A_376 : i32 to vector<16xi32>
        %shift_right_logical3A_378 = arith.shrui %get3A_374, %shift_right_logical3A_377 : vector<16xi32>
        %gather3A_379 = tpu.vector_load_idx %arg5[%broadcast_in_dim3A_17, %and3A_375] : memref<2x10240xi32, #tpu.memory_space<vmem>>[vector<16xi32>, vector<16xi32>], vector<16xi32>,
        %gather3A_380 = tpu.vector_load_idx %arg5[%broadcast_in_dim3A_19, %and3A_375] : memref<2x10240xi32, #tpu.memory_space<vmem>>[vector<16xi32>, vector<16xi32>], vector<16xi32>,
        %mul3A_381 = arith.constant 8 : i32
        %mul3A_382 = arith.muli %scan3A_342, %mul3A_381 : i32
        %add3A_383 = arith.constant 1 : i32
        %add3A_384 = arith.addi %mul3A_382, %add3A_383 : i32
        %mul3A_385 = arith.constant 16 : i32
        %mul3A_386 = arith.muli %add3A_384, %mul3A_385 : i32
        %get3A_387 = arith.index_cast %mul3A_386 : i32 to index
        %get3A_388 = tpu.vector_load %arg7[%get3A_387] {strides = array<i32>} : memref<16000xi32, #tpu.memory_space<vmem>>, vector<16xi32>,
        %and3A_389 = arith.andi %get3A_388, %broadcast_in_dim3A_29 : vector<16xi32>
        %shift_right_logical3A_390 = arith.constant 16 : i32
        %shift_right_logical3A_391 = vector.broadcast %shift_right_logical3A_390 : i32 to vector<16xi32>
        %shift_right_logical3A_392 = arith.shrui %get3A_388, %shift_right_logical3A_391 : vector<16xi32>
        %gather3A_393 = tpu.vector_load_idx %arg5[%broadcast_in_dim3A_17, %and3A_389] : memref<2x10240xi32, #tpu.memory_space<vmem>>[vector<16xi32>, vector<16xi32>], vector<16xi32>,
        %gather3A_394 = tpu.vector_load_idx %arg5[%broadcast_in_dim3A_19, %and3A_389] : memref<2x10240xi32, #tpu.memory_space<vmem>>[vector<16xi32>, vector<16xi32>], vector<16xi32>,
        %mul3A_395 = arith.constant 8 : i32
        %mul3A_396 = arith.muli %scan3A_342, %mul3A_395 : i32
        %add3A_397 = arith.constant 2 : i32
        %add3A_398 = arith.addi %mul3A_396, %add3A_397 : i32
        %mul3A_399 = arith.constant 16 : i32
        %mul3A_400 = arith.muli %add3A_398, %mul3A_399 : i32
        %get3A_401 = arith.index_cast %mul3A_400 : i32 to index
        %get3A_402 = tpu.vector_load %arg7[%get3A_401] {strides = array<i32>} : memref<16000xi32, #tpu.memory_space<vmem>>, vector<16xi32>,
        %and3A_403 = arith.andi %get3A_402, %broadcast_in_dim3A_29 : vector<16xi32>
        %shift_right_logical3A_404 = arith.constant 16 : i32
        %shift_right_logical3A_405 = vector.broadcast %shift_right_logical3A_404 : i32 to vector<16xi32>
        %shift_right_logical3A_406 = arith.shrui %get3A_402, %shift_right_logical3A_405 : vector<16xi32>
        %gather3A_407 = tpu.vector_load_idx %arg5[%broadcast_in_dim3A_17, %and3A_403] : memref<2x10240xi32, #tpu.memory_space<vmem>>[vector<16xi32>, vector<16xi32>], vector<16xi32>,
        %gather3A_408 = tpu.vector_load_idx %arg5[%broadcast_in_dim3A_19, %and3A_403] : memref<2x10240xi32, #tpu.memory_space<vmem>>[vector<16xi32>, vector<16xi32>], vector<16xi32>,
        %mul3A_409 = arith.constant 8 : i32
        %mul3A_410 = arith.muli %scan3A_342, %mul3A_409 : i32
        %add3A_411 = arith.constant 3 : i32
        %add3A_412 = arith.addi %mul3A_410, %add3A_411 : i32
        %mul3A_413 = arith.constant 16 : i32
        %mul3A_414 = arith.muli %add3A_412, %mul3A_413 : i32
        %get3A_415 = arith.index_cast %mul3A_414 : i32 to index
        %get3A_416 = tpu.vector_load %arg7[%get3A_415] {strides = array<i32>} : memref<16000xi32, #tpu.memory_space<vmem>>, vector<16xi32>,
        %and3A_417 = arith.andi %get3A_416, %broadcast_in_dim3A_29 : vector<16xi32>
        %shift_right_logical3A_418 = arith.constant 16 : i32
        %shift_right_logical3A_419 = vector.broadcast %shift_right_logical3A_418 : i32 to vector<16xi32>
        %shift_right_logical3A_420 = arith.shrui %get3A_416, %shift_right_logical3A_419 : vector<16xi32>
        %gather3A_421 = tpu.vector_load_idx %arg5[%broadcast_in_dim3A_17, %and3A_417] : memref<2x10240xi32, #tpu.memory_space<vmem>>[vector<16xi32>, vector<16xi32>], vector<16xi32>,
        %gather3A_422 = tpu.vector_load_idx %arg5[%broadcast_in_dim3A_19, %and3A_417] : memref<2x10240xi32, #tpu.memory_space<vmem>>[vector<16xi32>, vector<16xi32>], vector<16xi32>,
        %mul3A_423 = arith.constant 8 : i32
        %mul3A_424 = arith.muli %scan3A_342, %mul3A_423 : i32
        %add3A_425 = arith.constant 4 : i32
        %add3A_426 = arith.addi %mul3A_424, %add3A_425 : i32
        %mul3A_427 = arith.constant 16 : i32
        %mul3A_428 = arith.muli %add3A_426, %mul3A_427 : i32
        %get3A_429 = arith.index_cast %mul3A_428 : i32 to index
        %get3A_430 = tpu.vector_load %arg7[%get3A_429] {strides = array<i32>} : memref<16000xi32, #tpu.memory_space<vmem>>, vector<16xi32>,
        %and3A_431 = arith.andi %get3A_430, %broadcast_in_dim3A_29 : vector<16xi32>
        %shift_right_logical3A_432 = arith.constant 16 : i32
        %shift_right_logical3A_433 = vector.broadcast %shift_right_logical3A_432 : i32 to vector<16xi32>
        %shift_right_logical3A_434 = arith.shrui %get3A_430, %shift_right_logical3A_433 : vector<16xi32>
        %gather3A_435 = tpu.vector_load_idx %arg5[%broadcast_in_dim3A_17, %and3A_431] : memref<2x10240xi32, #tpu.memory_space<vmem>>[vector<16xi32>, vector<16xi32>], vector<16xi32>,
        %gather3A_436 = tpu.vector_load_idx %arg5[%broadcast_in_dim3A_19, %and3A_431] : memref<2x10240xi32, #tpu.memory_space<vmem>>[vector<16xi32>, vector<16xi32>], vector<16xi32>,
        %mul3A_437 = arith.constant 8 : i32
        %mul3A_438 = arith.muli %scan3A_342, %mul3A_437 : i32
        %add3A_439 = arith.constant 5 : i32
        %add3A_440 = arith.addi %mul3A_438, %add3A_439 : i32
        %mul3A_441 = arith.constant 16 : i32
        %mul3A_442 = arith.muli %add3A_440, %mul3A_441 : i32
        %get3A_443 = arith.index_cast %mul3A_442 : i32 to index
        %get3A_444 = tpu.vector_load %arg7[%get3A_443] {strides = array<i32>} : memref<16000xi32, #tpu.memory_space<vmem>>, vector<16xi32>,
        %and3A_445 = arith.andi %get3A_444, %broadcast_in_dim3A_29 : vector<16xi32>
        %shift_right_logical3A_446 = arith.constant 16 : i32
        %shift_right_logical3A_447 = vector.broadcast %shift_right_logical3A_446 : i32 to vector<16xi32>
        %shift_right_logical3A_448 = arith.shrui %get3A_444, %shift_right_logical3A_447 : vector<16xi32>
        %gather3A_449 = tpu.vector_load_idx %arg5[%broadcast_in_dim3A_17, %and3A_445] : memref<2x10240xi32, #tpu.memory_space<vmem>>[vector<16xi32>, vector<16xi32>], vector<16xi32>,
        %gather3A_450 = tpu.vector_load_idx %arg5[%broadcast_in_dim3A_19, %and3A_445] : memref<2x10240xi32, #tpu.memory_space<vmem>>[vector<16xi32>, vector<16xi32>], vector<16xi32>,
        %mul3A_451 = arith.constant 8 : i32
        %mul3A_452 = arith.muli %scan3A_342, %mul3A_451 : i32
        %add3A_453 = arith.constant 6 : i32
        %add3A_454 = arith.addi %mul3A_452, %add3A_453 : i32
        %mul3A_455 = arith.constant 16 : i32
        %mul3A_456 = arith.muli %add3A_454, %mul3A_455 : i32
        %get3A_457 = arith.index_cast %mul3A_456 : i32 to index
        %get3A_458 = tpu.vector_load %arg7[%get3A_457] {strides = array<i32>} : memref<16000xi32, #tpu.memory_space<vmem>>, vector<16xi32>,
        %and3A_459 = arith.andi %get3A_458, %broadcast_in_dim3A_29 : vector<16xi32>
        %shift_right_logical3A_460 = arith.constant 16 : i32
        %shift_right_logical3A_461 = vector.broadcast %shift_right_logical3A_460 : i32 to vector<16xi32>
        %shift_right_logical3A_462 = arith.shrui %get3A_458, %shift_right_logical3A_461 : vector<16xi32>
        %gather3A_463 = tpu.vector_load_idx %arg5[%broadcast_in_dim3A_17, %and3A_459] : memref<2x10240xi32, #tpu.memory_space<vmem>>[vector<16xi32>, vector<16xi32>], vector<16xi32>,
        %gather3A_464 = tpu.vector_load_idx %arg5[%broadcast_in_dim3A_19, %and3A_459] : memref<2x10240xi32, #tpu.memory_space<vmem>>[vector<16xi32>, vector<16xi32>], vector<16xi32>,
        %mul3A_465 = arith.constant 8 : i32
        %mul3A_466 = arith.muli %scan3A_342, %mul3A_465 : i32
        %add3A_467 = arith.constant 7 : i32
        %add3A_468 = arith.addi %mul3A_466, %add3A_467 : i32
        %mul3A_469 = arith.constant 16 : i32
        %mul3A_470 = arith.muli %add3A_468, %mul3A_469 : i32
        %get3A_471 = arith.index_cast %mul3A_470 : i32 to index
        %get3A_472 = tpu.vector_load %arg7[%get3A_471] {strides = array<i32>} : memref<16000xi32, #tpu.memory_space<vmem>>, vector<16xi32>,
        %and3A_473 = arith.andi %get3A_472, %broadcast_in_dim3A_29 : vector<16xi32>
        %shift_right_logical3A_474 = arith.constant 16 : i32
        %shift_right_logical3A_475 = vector.broadcast %shift_right_logical3A_474 : i32 to vector<16xi32>
        %shift_right_logical3A_476 = arith.shrui %get3A_472, %shift_right_logical3A_475 : vector<16xi32>
        %gather3A_477 = tpu.vector_load_idx %arg5[%broadcast_in_dim3A_17, %and3A_473] : memref<2x10240xi32, #tpu.memory_space<vmem>>[vector<16xi32>, vector<16xi32>], vector<16xi32>,
        %gather3A_478 = tpu.vector_load_idx %arg5[%broadcast_in_dim3A_19, %and3A_473] : memref<2x10240xi32, #tpu.memory_space<vmem>>[vector<16xi32>, vector<16xi32>], vector<16xi32>,
        %shift_left3A_479 = arith.shli %scan3A_351, %broadcast_in_dim3A_33 : vector<16xi32>
        %bitcast3A_480 = vector.bitcast %shift_left3A_479 : vector<16xi32> to vector<16xf32>
        %and3A_481 = arith.andi %scan3A_351, %broadcast_in_dim3A_31 : vector<16xi32>
        %bitcast3A_482 = vector.bitcast %and3A_481 : vector<16xi32> to vector<16xf32>
        tpu.vector_store_idx %arg6[%broadcast_in_dim3A_21, %scan3A_343], %bitcast3A_480 {add = true} : memref<4x10240xf32, #tpu.memory_space<vmem>>[vector<16xi32>, vector<16xi32>], vector<16xf32>,
        tpu.vector_store_idx %arg6[%broadcast_in_dim3A_25, %scan3A_343], %bitcast3A_482 {add = true} : memref<4x10240xf32, #tpu.memory_space<vmem>>[vector<16xi32>, vector<16xi32>], vector<16xf32>,
        %shift_left3A_483 = arith.shli %scan3A_352, %broadcast_in_dim3A_33 : vector<16xi32>
        %bitcast3A_484 = vector.bitcast %shift_left3A_483 : vector<16xi32> to vector<16xf32>
        %and3A_485 = arith.andi %scan3A_352, %broadcast_in_dim3A_31 : vector<16xi32>
        %bitcast3A_486 = vector.bitcast %and3A_485 : vector<16xi32> to vector<16xf32>
        tpu.vector_store_idx %arg6[%broadcast_in_dim3A_23, %scan3A_343], %bitcast3A_484 {add = true} : memref<4x10240xf32, #tpu.memory_space<vmem>>[vector<16xi32>, vector<16xi32>], vector<16xf32>,
        tpu.vector_store_idx %arg6[%broadcast_in_dim3A_27, %scan3A_343], %bitcast3A_486 {add = true} : memref<4x10240xf32, #tpu.memory_space<vmem>>[vector<16xi32>, vector<16xi32>], vector<16xf32>,
        %shift_left3A_487 = arith.shli %scan3A_353, %broadcast_in_dim3A_33 : vector<16xi32>
        %bitcast3A_488 = vector.bitcast %shift_left3A_487 : vector<16xi32> to vector<16xf32>
        %and3A_489 = arith.andi %scan3A_353, %broadcast_in_dim3A_31 : vector<16xi32>
        %bitcast3A_490 = vector.bitcast %and3A_489 : vector<16xi32> to vector<16xf32>
        tpu.vector_store_idx %arg6[%broadcast_in_dim3A_21, %scan3A_344], %bitcast3A_488 {add = true} : memref<4x10240xf32, #tpu.memory_space<vmem>>[vector<16xi32>, vector<16xi32>], vector<16xf32>,
        tpu.vector_store_idx %arg6[%broadcast_in_dim3A_25, %scan3A_344], %bitcast3A_490 {add = true} : memref<4x10240xf32, #tpu.memory_space<vmem>>[vector<16xi32>, vector<16xi32>], vector<16xf32>,
        %shift_left3A_491 = arith.shli %scan3A_354, %broadcast_in_dim3A_33 : vector<16xi32>
        %bitcast3A_492 = vector.bitcast %shift_left3A_491 : vector<16xi32> to vector<16xf32>
        %and3A_493 = arith.andi %scan3A_354, %broadcast_in_dim3A_31 : vector<16xi32>
        %bitcast3A_494 = vector.bitcast %and3A_493 : vector<16xi32> to vector<16xf32>
        tpu.vector_store_idx %arg6[%broadcast_in_dim3A_23, %scan3A_344], %bitcast3A_492 {add = true} : memref<4x10240xf32, #tpu.memory_space<vmem>>[vector<16xi32>, vector<16xi32>], vector<16xf32>,
        tpu.vector_store_idx %arg6[%broadcast_in_dim3A_27, %scan3A_344], %bitcast3A_494 {add = true} : memref<4x10240xf32, #tpu.memory_space<vmem>>[vector<16xi32>, vector<16xi32>], vector<16xf32>,
        %shift_left3A_495 = arith.shli %scan3A_355, %broadcast_in_dim3A_33 : vector<16xi32>
        %bitcast3A_496 = vector.bitcast %shift_left3A_495 : vector<16xi32> to vector<16xf32>
        %and3A_497 = arith.andi %scan3A_355, %broadcast_in_dim3A_31 : vector<16xi32>
        %bitcast3A_498 = vector.bitcast %and3A_497 : vector<16xi32> to vector<16xf32>
        tpu.vector_store_idx %arg6[%broadcast_in_dim3A_21, %scan3A_345], %bitcast3A_496 {add = true} : memref<4x10240xf32, #tpu.memory_space<vmem>>[vector<16xi32>, vector<16xi32>], vector<16xf32>,
        tpu.vector_store_idx %arg6[%broadcast_in_dim3A_25, %scan3A_345], %bitcast3A_498 {add = true} : memref<4x10240xf32, #tpu.memory_space<vmem>>[vector<16xi32>, vector<16xi32>], vector<16xf32>,
        %shift_left3A_499 = arith.shli %scan3A_356, %broadcast_in_dim3A_33 : vector<16xi32>
        %bitcast3A_500 = vector.bitcast %shift_left3A_499 : vector<16xi32> to vector<16xf32>
        %and3A_501 = arith.andi %scan3A_356, %broadcast_in_dim3A_31 : vector<16xi32>
        %bitcast3A_502 = vector.bitcast %and3A_501 : vector<16xi32> to vector<16xf32>
        tpu.vector_store_idx %arg6[%broadcast_in_dim3A_23, %scan3A_345], %bitcast3A_500 {add = true} : memref<4x10240xf32, #tpu.memory_space<vmem>>[vector<16xi32>, vector<16xi32>], vector<16xf32>,
        tpu.vector_store_idx %arg6[%broadcast_in_dim3A_27, %scan3A_345], %bitcast3A_502 {add = true} : memref<4x10240xf32, #tpu.memory_space<vmem>>[vector<16xi32>, vector<16xi32>], vector<16xf32>,
        %shift_left3A_503 = arith.shli %scan3A_357, %broadcast_in_dim3A_33 : vector<16xi32>
        %bitcast3A_504 = vector.bitcast %shift_left3A_503 : vector<16xi32> to vector<16xf32>
        %and3A_505 = arith.andi %scan3A_357, %broadcast_in_dim3A_31 : vector<16xi32>
        %bitcast3A_506 = vector.bitcast %and3A_505 : vector<16xi32> to vector<16xf32>
        tpu.vector_store_idx %arg6[%broadcast_in_dim3A_21, %scan3A_346], %bitcast3A_504 {add = true} : memref<4x10240xf32, #tpu.memory_space<vmem>>[vector<16xi32>, vector<16xi32>], vector<16xf32>,
        tpu.vector_store_idx %arg6[%broadcast_in_dim3A_25, %scan3A_346], %bitcast3A_506 {add = true} : memref<4x10240xf32, #tpu.memory_space<vmem>>[vector<16xi32>, vector<16xi32>], vector<16xf32>,
        %shift_left3A_507 = arith.shli %scan3A_358, %broadcast_in_dim3A_33 : vector<16xi32>
        %bitcast3A_508 = vector.bitcast %shift_left3A_507 : vector<16xi32> to vector<16xf32>
        %and3A_509 = arith.andi %scan3A_358, %broadcast_in_dim3A_31 : vector<16xi32>
        %bitcast3A_510 = vector.bitcast %and3A_509 : vector<16xi32> to vector<16xf32>
        tpu.vector_store_idx %arg6[%broadcast_in_dim3A_23, %scan3A_346], %bitcast3A_508 {add = true} : memref<4x10240xf32, #tpu.memory_space<vmem>>[vector<16xi32>, vector<16xi32>], vector<16xf32>,
        tpu.vector_store_idx %arg6[%broadcast_in_dim3A_27, %scan3A_346], %bitcast3A_510 {add = true} : memref<4x10240xf32, #tpu.memory_space<vmem>>[vector<16xi32>, vector<16xi32>], vector<16xf32>,
        %shift_left3A_511 = arith.shli %scan3A_359, %broadcast_in_dim3A_33 : vector<16xi32>
        %bitcast3A_512 = vector.bitcast %shift_left3A_511 : vector<16xi32> to vector<16xf32>
        %and3A_513 = arith.andi %scan3A_359, %broadcast_in_dim3A_31 : vector<16xi32>
        %bitcast3A_514 = vector.bitcast %and3A_513 : vector<16xi32> to vector<16xf32>
        tpu.vector_store_idx %arg6[%broadcast_in_dim3A_21, %scan3A_347], %bitcast3A_512 {add = true} : memref<4x10240xf32, #tpu.memory_space<vmem>>[vector<16xi32>, vector<16xi32>], vector<16xf32>,
        tpu.vector_store_idx %arg6[%broadcast_in_dim3A_25, %scan3A_347], %bitcast3A_514 {add = true} : memref<4x10240xf32, #tpu.memory_space<vmem>>[vector<16xi32>, vector<16xi32>], vector<16xf32>,
        %shift_left3A_515 = arith.shli %scan3A_360, %broadcast_in_dim3A_33 : vector<16xi32>
        %bitcast3A_516 = vector.bitcast %shift_left3A_515 : vector<16xi32> to vector<16xf32>
        %and3A_517 = arith.andi %scan3A_360, %broadcast_in_dim3A_31 : vector<16xi32>
        %bitcast3A_518 = vector.bitcast %and3A_517 : vector<16xi32> to vector<16xf32>
        tpu.vector_store_idx %arg6[%broadcast_in_dim3A_23, %scan3A_347], %bitcast3A_516 {add = true} : memref<4x10240xf32, #tpu.memory_space<vmem>>[vector<16xi32>, vector<16xi32>], vector<16xf32>,
        tpu.vector_store_idx %arg6[%broadcast_in_dim3A_27, %scan3A_347], %bitcast3A_518 {add = true} : memref<4x10240xf32, #tpu.memory_space<vmem>>[vector<16xi32>, vector<16xi32>], vector<16xf32>,
        %shift_left3A_519 = arith.shli %scan3A_361, %broadcast_in_dim3A_33 : vector<16xi32>
        %bitcast3A_520 = vector.bitcast %shift_left3A_519 : vector<16xi32> to vector<16xf32>
        %and3A_521 = arith.andi %scan3A_361, %broadcast_in_dim3A_31 : vector<16xi32>
        %bitcast3A_522 = vector.bitcast %and3A_521 : vector<16xi32> to vector<16xf32>
        tpu.vector_store_idx %arg6[%broadcast_in_dim3A_21, %scan3A_348], %bitcast3A_520 {add = true} : memref<4x10240xf32, #tpu.memory_space<vmem>>[vector<16xi32>, vector<16xi32>], vector<16xf32>,
        tpu.vector_store_idx %arg6[%broadcast_in_dim3A_25, %scan3A_348], %bitcast3A_522 {add = true} : memref<4x10240xf32, #tpu.memory_space<vmem>>[vector<16xi32>, vector<16xi32>], vector<16xf32>,
        %shift_left3A_523 = arith.shli %scan3A_362, %broadcast_in_dim3A_33 : vector<16xi32>
        %bitcast3A_524 = vector.bitcast %shift_left3A_523 : vector<16xi32> to vector<16xf32>
        %and3A_525 = arith.andi %scan3A_362, %broadcast_in_dim3A_31 : vector<16xi32>
        %bitcast3A_526 = vector.bitcast %and3A_525 : vector<16xi32> to vector<16xf32>
        tpu.vector_store_idx %arg6[%broadcast_in_dim3A_23, %scan3A_348], %bitcast3A_524 {add = true} : memref<4x10240xf32, #tpu.memory_space<vmem>>[vector<16xi32>, vector<16xi32>], vector<16xf32>,
        tpu.vector_store_idx %arg6[%broadcast_in_dim3A_27, %scan3A_348], %bitcast3A_526 {add = true} : memref<4x10240xf32, #tpu.memory_space<vmem>>[vector<16xi32>, vector<16xi32>], vector<16xf32>,
        %shift_left3A_527 = arith.shli %scan3A_363, %broadcast_in_dim3A_33 : vector<16xi32>
        %bitcast3A_528 = vector.bitcast %shift_left3A_527 : vector<16xi32> to vector<16xf32>
        %and3A_529 = arith.andi %scan3A_363, %broadcast_in_dim3A_31 : vector<16xi32>
        %bitcast3A_530 = vector.bitcast %and3A_529 : vector<16xi32> to vector<16xf32>
        tpu.vector_store_idx %arg6[%broadcast_in_dim3A_21, %scan3A_349], %bitcast3A_528 {add = true} : memref<4x10240xf32, #tpu.memory_space<vmem>>[vector<16xi32>, vector<16xi32>], vector<16xf32>,
        tpu.vector_store_idx %arg6[%broadcast_in_dim3A_25, %scan3A_349], %bitcast3A_530 {add = true} : memref<4x10240xf32, #tpu.memory_space<vmem>>[vector<16xi32>, vector<16xi32>], vector<16xf32>,
        %shift_left3A_531 = arith.shli %scan3A_364, %broadcast_in_dim3A_33 : vector<16xi32>
        %bitcast3A_532 = vector.bitcast %shift_left3A_531 : vector<16xi32> to vector<16xf32>
        %and3A_533 = arith.andi %scan3A_364, %broadcast_in_dim3A_31 : vector<16xi32>
        %bitcast3A_534 = vector.bitcast %and3A_533 : vector<16xi32> to vector<16xf32>
        tpu.vector_store_idx %arg6[%broadcast_in_dim3A_23, %scan3A_349], %bitcast3A_532 {add = true} : memref<4x10240xf32, #tpu.memory_space<vmem>>[vector<16xi32>, vector<16xi32>], vector<16xf32>,
        tpu.vector_store_idx %arg6[%broadcast_in_dim3A_27, %scan3A_349], %bitcast3A_534 {add = true} : memref<4x10240xf32, #tpu.memory_space<vmem>>[vector<16xi32>, vector<16xi32>], vector<16xf32>,
        %shift_left3A_535 = arith.shli %scan3A_365, %broadcast_in_dim3A_33 : vector<16xi32>
        %bitcast3A_536 = vector.bitcast %shift_left3A_535 : vector<16xi32> to vector<16xf32>
        %and3A_537 = arith.andi %scan3A_365, %broadcast_in_dim3A_31 : vector<16xi32>
        %bitcast3A_538 = vector.bitcast %and3A_537 : vector<16xi32> to vector<16xf32>
        tpu.vector_store_idx %arg6[%broadcast_in_dim3A_21, %scan3A_350], %bitcast3A_536 {add = true} : memref<4x10240xf32, #tpu.memory_space<vmem>>[vector<16xi32>, vector<16xi32>], vector<16xf32>,
        tpu.vector_store_idx %arg6[%broadcast_in_dim3A_25, %scan3A_350], %bitcast3A_538 {add = true} : memref<4x10240xf32, #tpu.memory_space<vmem>>[vector<16xi32>, vector<16xi32>], vector<16xf32>,
        %shift_left3A_539 = arith.shli %scan3A_366, %broadcast_in_dim3A_33 : vector<16xi32>
        %bitcast3A_540 = vector.bitcast %shift_left3A_539 : vector<16xi32> to vector<16xf32>
        %and3A_541 = arith.andi %scan3A_366, %broadcast_in_dim3A_31 : vector<16xi32>
        %bitcast3A_542 = vector.bitcast %and3A_541 : vector<16xi32> to vector<16xf32>
        tpu.vector_store_idx %arg6[%broadcast_in_dim3A_23, %scan3A_350], %bitcast3A_540 {add = true} : memref<4x10240xf32, #tpu.memory_space<vmem>>[vector<16xi32>, vector<16xi32>], vector<16xf32>,
        tpu.vector_store_idx %arg6[%broadcast_in_dim3A_27, %scan3A_350], %bitcast3A_542 {add = true} : memref<4x10240xf32, #tpu.memory_space<vmem>>[vector<16xi32>, vector<16xi32>], vector<16xf32>,
        scf.yield %shift_right_logical3A_378, %shift_right_logical3A_392, %shift_right_logical3A_406, %shift_right_logical3A_420, %shift_right_logical3A_434, %shift_right_logical3A_448, %shift_right_logical3A_462, %shift_right_logical3A_476, %gather3A_379, %gather3A_380, %gather3A_393, %gather3A_394, %gather3A_407, %gather3A_408, %gather3A_421, %gather3A_422, %gather3A_435, %gather3A_436, %gather3A_449, %gather3A_450, %gather3A_463, %gather3A_464, %gather3A_477, %gather3A_478 : vector<16xi32>, vector<16xi32>, vector<16xi32>, vector<16xi32>, vector<16xi32>, vector<16xi32>, vector<16xi32>, vector<16xi32>, vector<16xi32>, vector<16xi32>, vector<16xi32>, vector<16xi32>, vector<16xi32>, vector<16xi32>, vector<16xi32>, vector<16xi32>, vector<16xi32>, vector<16xi32>, vector<16xi32>, vector<16xi32>, vector<16xi32>, vector<16xi32>, vector<16xi32>, vector<16xi32>
      }
      %scan3A_125 = arith.constant 124 : i32
      %shift_left3A = arith.shli %scan3A_124#8, %broadcast_in_dim3A_33 : vector<16xi32>
      %bitcast3A = vector.bitcast %shift_left3A : vector<16xi32> to vector<16xf32>
      %and3A_126 = arith.andi %scan3A_124#8, %broadcast_in_dim3A_31 : vector<16xi32>
      %bitcast3A_127 = vector.bitcast %and3A_126 : vector<16xi32> to vector<16xf32>
      tpu.vector_store_idx %arg6[%broadcast_in_dim3A_21, %scan3A_124#0], %bitcast3A {add = true} : memref<4x10240xf32, #tpu.memory_space<vmem>>[vector<16xi32>, vector<16xi32>], vector<16xf32>,
      tpu.vector_store_idx %arg6[%broadcast_in_dim3A_25, %scan3A_124#0], %bitcast3A_127 {add = true} : memref<4x10240xf32, #tpu.memory_space<vmem>>[vector<16xi32>, vector<16xi32>], vector<16xf32>,
      %shift_left3A_128 = arith.shli %scan3A_124#9, %broadcast_in_dim3A_33 : vector<16xi32>
      %bitcast3A_129 = vector.bitcast %shift_left3A_128 : vector<16xi32> to vector<16xf32>
      %and3A_130 = arith.andi %scan3A_124#9, %broadcast_in_dim3A_31 : vector<16xi32>
      %bitcast3A_131 = vector.bitcast %and3A_130 : vector<16xi32> to vector<16xf32>
      tpu.vector_store_idx %arg6[%broadcast_in_dim3A_23, %scan3A_124#0], %bitcast3A_129 {add = true} : memref<4x10240xf32, #tpu.memory_space<vmem>>[vector<16xi32>, vector<16xi32>], vector<16xf32>,
      tpu.vector_store_idx %arg6[%broadcast_in_dim3A_27, %scan3A_124#0], %bitcast3A_131 {add = true} : memref<4x10240xf32, #tpu.memory_space<vmem>>[vector<16xi32>, vector<16xi32>], vector<16xf32>,
      %shift_left3A_132 = arith.shli %scan3A_124#10, %broadcast_in_dim3A_33 : vector<16xi32>
      %bitcast3A_133 = vector.bitcast %shift_left3A_132 : vector<16xi32> to vector<16xf32>
      %and3A_134 = arith.andi %scan3A_124#10, %broadcast_in_dim3A_31 : vector<16xi32>
      %bitcast3A_135 = vector.bitcast %and3A_134 : vector<16xi32> to vector<16xf32>
      tpu.vector_store_idx %arg6[%broadcast_in_dim3A_21, %scan3A_124#1], %bitcast3A_133 {add = true} : memref<4x10240xf32, #tpu.memory_space<vmem>>[vector<16xi32>, vector<16xi32>], vector<16xf32>,
      tpu.vector_store_idx %arg6[%broadcast_in_dim3A_25, %scan3A_124#1], %bitcast3A_135 {add = true} : memref<4x10240xf32, #tpu.memory_space<vmem>>[vector<16xi32>, vector<16xi32>], vector<16xf32>,
      %shift_left3A_136 = arith.shli %scan3A_124#11, %broadcast_in_dim3A_33 : vector<16xi32>
      %bitcast3A_137 = vector.bitcast %shift_left3A_136 : vector<16xi32> to vector<16xf32>
      %and3A_138 = arith.andi %scan3A_124#11, %broadcast_in_dim3A_31 : vector<16xi32>
      %bitcast3A_139 = vector.bitcast %and3A_138 : vector<16xi32> to vector<16xf32>
      tpu.vector_store_idx %arg6[%broadcast_in_dim3A_23, %scan3A_124#1], %bitcast3A_137 {add = true} : memref<4x10240xf32, #tpu.memory_space<vmem>>[vector<16xi32>, vector<16xi32>], vector<16xf32>,
      tpu.vector_store_idx %arg6[%broadcast_in_dim3A_27, %scan3A_124#1], %bitcast3A_139 {add = true} : memref<4x10240xf32, #tpu.memory_space<vmem>>[vector<16xi32>, vector<16xi32>], vector<16xf32>,
      %shift_left3A_140 = arith.shli %scan3A_124#12, %broadcast_in_dim3A_33 : vector<16xi32>
      %bitcast3A_141 = vector.bitcast %shift_left3A_140 : vector<16xi32> to vector<16xf32>
      %and3A_142 = arith.andi %scan3A_124#12, %broadcast_in_dim3A_31 : vector<16xi32>
      %bitcast3A_143 = vector.bitcast %and3A_142 : vector<16xi32> to vector<16xf32>
      tpu.vector_store_idx %arg6[%broadcast_in_dim3A_21, %scan3A_124#2], %bitcast3A_141 {add = true} : memref<4x10240xf32, #tpu.memory_space<vmem>>[vector<16xi32>, vector<16xi32>], vector<16xf32>,
      tpu.vector_store_idx %arg6[%broadcast_in_dim3A_25, %scan3A_124#2], %bitcast3A_143 {add = true} : memref<4x10240xf32, #tpu.memory_space<vmem>>[vector<16xi32>, vector<16xi32>], vector<16xf32>,
      %shift_left3A_144 = arith.shli %scan3A_124#13, %broadcast_in_dim3A_33 : vector<16xi32>
      %bitcast3A_145 = vector.bitcast %shift_left3A_144 : vector<16xi32> to vector<16xf32>
      %and3A_146 = arith.andi %scan3A_124#13, %broadcast_in_dim3A_31 : vector<16xi32>
      %bitcast3A_147 = vector.bitcast %and3A_146 : vector<16xi32> to vector<16xf32>
      tpu.vector_store_idx %arg6[%broadcast_in_dim3A_23, %scan3A_124#2], %bitcast3A_145 {add = true} : memref<4x10240xf32, #tpu.memory_space<vmem>>[vector<16xi32>, vector<16xi32>], vector<16xf32>,
      tpu.vector_store_idx %arg6[%broadcast_in_dim3A_27, %scan3A_124#2], %bitcast3A_147 {add = true} : memref<4x10240xf32, #tpu.memory_space<vmem>>[vector<16xi32>, vector<16xi32>], vector<16xf32>,
      %shift_left3A_148 = arith.shli %scan3A_124#14, %broadcast_in_dim3A_33 : vector<16xi32>
      %bitcast3A_149 = vector.bitcast %shift_left3A_148 : vector<16xi32> to vector<16xf32>
      %and3A_150 = arith.andi %scan3A_124#14, %broadcast_in_dim3A_31 : vector<16xi32>
      %bitcast3A_151 = vector.bitcast %and3A_150 : vector<16xi32> to vector<16xf32>
      tpu.vector_store_idx %arg6[%broadcast_in_dim3A_21, %scan3A_124#3], %bitcast3A_149 {add = true} : memref<4x10240xf32, #tpu.memory_space<vmem>>[vector<16xi32>, vector<16xi32>], vector<16xf32>,
      tpu.vector_store_idx %arg6[%broadcast_in_dim3A_25, %scan3A_124#3], %bitcast3A_151 {add = true} : memref<4x10240xf32, #tpu.memory_space<vmem>>[vector<16xi32>, vector<16xi32>], vector<16xf32>,
      %shift_left3A_152 = arith.shli %scan3A_124#15, %broadcast_in_dim3A_33 : vector<16xi32>
      %bitcast3A_153 = vector.bitcast %shift_left3A_152 : vector<16xi32> to vector<16xf32>
      %and3A_154 = arith.andi %scan3A_124#15, %broadcast_in_dim3A_31 : vector<16xi32>
      %bitcast3A_155 = vector.bitcast %and3A_154 : vector<16xi32> to vector<16xf32>
      tpu.vector_store_idx %arg6[%broadcast_in_dim3A_23, %scan3A_124#3], %bitcast3A_153 {add = true} : memref<4x10240xf32, #tpu.memory_space<vmem>>[vector<16xi32>, vector<16xi32>], vector<16xf32>,
      tpu.vector_store_idx %arg6[%broadcast_in_dim3A_27, %scan3A_124#3], %bitcast3A_155 {add = true} : memref<4x10240xf32, #tpu.memory_space<vmem>>[vector<16xi32>, vector<16xi32>], vector<16xf32>,
      %shift_left3A_156 = arith.shli %scan3A_124#16, %broadcast_in_dim3A_33 : vector<16xi32>
      %bitcast3A_157 = vector.bitcast %shift_left3A_156 : vector<16xi32> to vector<16xf32>
      %and3A_158 = arith.andi %scan3A_124#16, %broadcast_in_dim3A_31 : vector<16xi32>
      %bitcast3A_159 = vector.bitcast %and3A_158 : vector<16xi32> to vector<16xf32>
      tpu.vector_store_idx %arg6[%broadcast_in_dim3A_21, %scan3A_124#4], %bitcast3A_157 {add = true} : memref<4x10240xf32, #tpu.memory_space<vmem>>[vector<16xi32>, vector<16xi32>], vector<16xf32>,
      tpu.vector_store_idx %arg6[%broadcast_in_dim3A_25, %scan3A_124#4], %bitcast3A_159 {add = true} : memref<4x10240xf32, #tpu.memory_space<vmem>>[vector<16xi32>, vector<16xi32>], vector<16xf32>,
      %shift_left3A_160 = arith.shli %scan3A_124#17, %broadcast_in_dim3A_33 : vector<16xi32>
      %bitcast3A_161 = vector.bitcast %shift_left3A_160 : vector<16xi32> to vector<16xf32>
      %and3A_162 = arith.andi %scan3A_124#17, %broadcast_in_dim3A_31 : vector<16xi32>
      %bitcast3A_163 = vector.bitcast %and3A_162 : vector<16xi32> to vector<16xf32>
      tpu.vector_store_idx %arg6[%broadcast_in_dim3A_23, %scan3A_124#4], %bitcast3A_161 {add = true} : memref<4x10240xf32, #tpu.memory_space<vmem>>[vector<16xi32>, vector<16xi32>], vector<16xf32>,
      tpu.vector_store_idx %arg6[%broadcast_in_dim3A_27, %scan3A_124#4], %bitcast3A_163 {add = true} : memref<4x10240xf32, #tpu.memory_space<vmem>>[vector<16xi32>, vector<16xi32>], vector<16xf32>,
      %shift_left3A_164 = arith.shli %scan3A_124#18, %broadcast_in_dim3A_33 : vector<16xi32>
      %bitcast3A_165 = vector.bitcast %shift_left3A_164 : vector<16xi32> to vector<16xf32>
      %and3A_166 = arith.andi %scan3A_124#18, %broadcast_in_dim3A_31 : vector<16xi32>
      %bitcast3A_167 = vector.bitcast %and3A_166 : vector<16xi32> to vector<16xf32>
      tpu.vector_store_idx %arg6[%broadcast_in_dim3A_21, %scan3A_124#5], %bitcast3A_165 {add = true} : memref<4x10240xf32, #tpu.memory_space<vmem>>[vector<16xi32>, vector<16xi32>], vector<16xf32>,
      tpu.vector_store_idx %arg6[%broadcast_in_dim3A_25, %scan3A_124#5], %bitcast3A_167 {add = true} : memref<4x10240xf32, #tpu.memory_space<vmem>>[vector<16xi32>, vector<16xi32>], vector<16xf32>,
      %shift_left3A_168 = arith.shli %scan3A_124#19, %broadcast_in_dim3A_33 : vector<16xi32>
      %bitcast3A_169 = vector.bitcast %shift_left3A_168 : vector<16xi32> to vector<16xf32>
      %and3A_170 = arith.andi %scan3A_124#19, %broadcast_in_dim3A_31 : vector<16xi32>
      %bitcast3A_171 = vector.bitcast %and3A_170 : vector<16xi32> to vector<16xf32>
      tpu.vector_store_idx %arg6[%broadcast_in_dim3A_23, %scan3A_124#5], %bitcast3A_169 {add = true} : memref<4x10240xf32, #tpu.memory_space<vmem>>[vector<16xi32>, vector<16xi32>], vector<16xf32>,
      tpu.vector_store_idx %arg6[%broadcast_in_dim3A_27, %scan3A_124#5], %bitcast3A_171 {add = true} : memref<4x10240xf32, #tpu.memory_space<vmem>>[vector<16xi32>, vector<16xi32>], vector<16xf32>,
      %shift_left3A_172 = arith.shli %scan3A_124#20, %broadcast_in_dim3A_33 : vector<16xi32>
      %bitcast3A_173 = vector.bitcast %shift_left3A_172 : vector<16xi32> to vector<16xf32>
      %and3A_174 = arith.andi %scan3A_124#20, %broadcast_in_dim3A_31 : vector<16xi32>
      %bitcast3A_175 = vector.bitcast %and3A_174 : vector<16xi32> to vector<16xf32>
      tpu.vector_store_idx %arg6[%broadcast_in_dim3A_21, %scan3A_124#6], %bitcast3A_173 {add = true} : memref<4x10240xf32, #tpu.memory_space<vmem>>[vector<16xi32>, vector<16xi32>], vector<16xf32>,
      tpu.vector_store_idx %arg6[%broadcast_in_dim3A_25, %scan3A_124#6], %bitcast3A_175 {add = true} : memref<4x10240xf32, #tpu.memory_space<vmem>>[vector<16xi32>, vector<16xi32>], vector<16xf32>,
      %shift_left3A_176 = arith.shli %scan3A_124#21, %broadcast_in_dim3A_33 : vector<16xi32>
      %bitcast3A_177 = vector.bitcast %shift_left3A_176 : vector<16xi32> to vector<16xf32>
      %and3A_178 = arith.andi %scan3A_124#21, %broadcast_in_dim3A_31 : vector<16xi32>
      %bitcast3A_179 = vector.bitcast %and3A_178 : vector<16xi32> to vector<16xf32>
      tpu.vector_store_idx %arg6[%broadcast_in_dim3A_23, %scan3A_124#6], %bitcast3A_177 {add = true} : memref<4x10240xf32, #tpu.memory_space<vmem>>[vector<16xi32>, vector<16xi32>], vector<16xf32>,
      tpu.vector_store_idx %arg6[%broadcast_in_dim3A_27, %scan3A_124#6], %bitcast3A_179 {add = true} : memref<4x10240xf32, #tpu.memory_space<vmem>>[vector<16xi32>, vector<16xi32>], vector<16xf32>,
      %shift_left3A_180 = arith.shli %scan3A_124#22, %broadcast_in_dim3A_33 : vector<16xi32>
      %bitcast3A_181 = vector.bitcast %shift_left3A_180 : vector<16xi32> to vector<16xf32>
      %and3A_182 = arith.andi %scan3A_124#22, %broadcast_in_dim3A_31 : vector<16xi32>
      %bitcast3A_183 = vector.bitcast %and3A_182 : vector<16xi32> to vector<16xf32>
      tpu.vector_store_idx %arg6[%broadcast_in_dim3A_21, %scan3A_124#7], %bitcast3A_181 {add = true} : memref<4x10240xf32, #tpu.memory_space<vmem>>[vector<16xi32>, vector<16xi32>], vector<16xf32>,
      tpu.vector_store_idx %arg6[%broadcast_in_dim3A_25, %scan3A_124#7], %bitcast3A_183 {add = true} : memref<4x10240xf32, #tpu.memory_space<vmem>>[vector<16xi32>, vector<16xi32>], vector<16xf32>,
      %shift_left3A_184 = arith.shli %scan3A_124#23, %broadcast_in_dim3A_33 : vector<16xi32>
      %bitcast3A_185 = vector.bitcast %shift_left3A_184 : vector<16xi32> to vector<16xf32>
      %and3A_186 = arith.andi %scan3A_124#23, %broadcast_in_dim3A_31 : vector<16xi32>
      %bitcast3A_187 = vector.bitcast %and3A_186 : vector<16xi32> to vector<16xf32>
      tpu.vector_store_idx %arg6[%broadcast_in_dim3A_23, %scan3A_124#7], %bitcast3A_185 {add = true} : memref<4x10240xf32, #tpu.memory_space<vmem>>[vector<16xi32>, vector<16xi32>], vector<16xf32>,
      tpu.vector_store_idx %arg6[%broadcast_in_dim3A_27, %scan3A_124#7], %bitcast3A_187 {add = true} : memref<4x10240xf32, #tpu.memory_space<vmem>>[vector<16xi32>, vector<16xi32>], vector<16xf32>,
      %add3A_188 = arith.constant 2 : i32
      %add3A_189 = arith.addi %add3A_55, %add3A_188 : i32
      %lt3A = arith.constant 20 : i32
      %lt3A_190 = arith.cmpi slt, %add3A_189, %lt3A : i32
      %convert_element_type3A = arith.extui %lt3A_190 : i1 to i32
      %cond3A = arith.constant 0 : i32
      %cond3A_191 = arith.cmpi ne, %convert_element_type3A, %cond3A : i32
      scf.if %cond3A_191 {
        %mul3A_342 = arith.constant 16000 : i32
        %mul3A_343 = arith.muli %add3A_189, %mul3A_342 : i32
        %add3A_344 = arith.constant 0 : i32
        %add3A_345 = arith.addi %add3A_344, %mul3A_343 : i32
        %multiple_of3A_346 = tpu.assume_multiple %add3A_345, 8 : i32
        %dma_start3A_347 = tpu.memref_slice %arg3[%multiple_of3A_346] : memref<320000xi32, #tpu.memory_space<hbm>> -> memref<16000xi32, #tpu.memory_space<hbm>>
        %dma_start3A_348 = tpu.memref_slice %arg3[%multiple_of3A_346] : memref<320000xi32, #tpu.memory_space<hbm>> -> memref<16000xi32, #tpu.memory_space<hbm>>
        tpu.enqueue_dma source(%dma_start3A_348 : memref<16000xi32, #tpu.memory_space<hbm>>) target(%arg7 : memref<16000xi32, #tpu.memory_space<vmem>>) target_semaphore(%arg9 : memref<!tpu.dma_semaphore, #tpu.memory_space<semaphore_mem>>)
      } else {
      }
      %mul3A_192 = arith.constant 2 : i32
      %mul3A_193 = arith.muli %mul3A_192, %scan3A_50 : i32
      %add3A_194 = arith.constant 1 : i32
      %add3A_195 = arith.addi %mul3A_193, %add3A_194 : i32
      %dma_wait3A_196 = arith.constant 0 : i32
      %dma_wait3A_197 = tpu.memref_slice %arg3[%dma_wait3A_196] : memref<320000xi32, #tpu.memory_space<hbm>> -> memref<16000xi32, #tpu.memory_space<hbm>>
      %dma_wait3A_198 = arith.constant 0 : i32
      %dma_wait3A_199 = tpu.memref_slice %arg3[%dma_wait3A_198] : memref<320000xi32, #tpu.memory_space<hbm>> -> memref<16000xi32, #tpu.memory_space<hbm>>
      tpu.wait_dma2 semaphore(%arg10 : memref<!tpu.dma_semaphore, #tpu.memory_space<semaphore_mem>>) src(%dma_wait3A_199 : memref<16000xi32, #tpu.memory_space<hbm>>) dst(%arg8 : memref<16000xi32, #tpu.memory_space<vmem>>)
      %get3A_200 = arith.constant 0 : index
      %get3A_201 = tpu.vector_load %arg8[%get3A_200] {strides = array<i32>} : memref<16000xi32, #tpu.memory_space<vmem>>, vector<16xi32>,
      %and3A_202 = arith.andi %get3A_201, %broadcast_in_dim3A_29 : vector<16xi32>
      %shift_right_logical3A_203 = arith.constant 16 : i32
      %shift_right_logical3A_204 = vector.broadcast %shift_right_logical3A_203 : i32 to vector<16xi32>
      %shift_right_logical3A_205 = arith.shrui %get3A_201, %shift_right_logical3A_204 : vector<16xi32>
      %gather3A_206 = tpu.vector_load_idx %arg5[%broadcast_in_dim3A_17, %and3A_202] : memref<2x10240xi32, #tpu.memory_space<vmem>>[vector<16xi32>, vector<16xi32>], vector<16xi32>,
      %gather3A_207 = tpu.vector_load_idx %arg5[%broadcast_in_dim3A_19, %and3A_202] : memref<2x10240xi32, #tpu.memory_space<vmem>>[vector<16xi32>, vector<16xi32>], vector<16xi32>,
      %get3A_208 = arith.constant 16 : index
      %get3A_209 = tpu.vector_load %arg8[%get3A_208] {strides = array<i32>} : memref<16000xi32, #tpu.memory_space<vmem>>, vector<16xi32>,
      %and3A_210 = arith.andi %get3A_209, %broadcast_in_dim3A_29 : vector<16xi32>
      %shift_right_logical3A_211 = arith.constant 16 : i32
      %shift_right_logical3A_212 = vector.broadcast %shift_right_logical3A_211 : i32 to vector<16xi32>
      %shift_right_logical3A_213 = arith.shrui %get3A_209, %shift_right_logical3A_212 : vector<16xi32>
      %gather3A_214 = tpu.vector_load_idx %arg5[%broadcast_in_dim3A_17, %and3A_210] : memref<2x10240xi32, #tpu.memory_space<vmem>>[vector<16xi32>, vector<16xi32>], vector<16xi32>,
      %gather3A_215 = tpu.vector_load_idx %arg5[%broadcast_in_dim3A_19, %and3A_210] : memref<2x10240xi32, #tpu.memory_space<vmem>>[vector<16xi32>, vector<16xi32>], vector<16xi32>,
      %get3A_216 = arith.constant 32 : index
      %get3A_217 = tpu.vector_load %arg8[%get3A_216] {strides = array<i32>} : memref<16000xi32, #tpu.memory_space<vmem>>, vector<16xi32>,
      %and3A_218 = arith.andi %get3A_217, %broadcast_in_dim3A_29 : vector<16xi32>
      %shift_right_logical3A_219 = arith.constant 16 : i32
      %shift_right_logical3A_220 = vector.broadcast %shift_right_logical3A_219 : i32 to vector<16xi32>
      %shift_right_logical3A_221 = arith.shrui %get3A_217, %shift_right_logical3A_220 : vector<16xi32>
      %gather3A_222 = tpu.vector_load_idx %arg5[%broadcast_in_dim3A_17, %and3A_218] : memref<2x10240xi32, #tpu.memory_space<vmem>>[vector<16xi32>, vector<16xi32>], vector<16xi32>,
      %gather3A_223 = tpu.vector_load_idx %arg5[%broadcast_in_dim3A_19, %and3A_218] : memref<2x10240xi32, #tpu.memory_space<vmem>>[vector<16xi32>, vector<16xi32>], vector<16xi32>,
      %get3A_224 = arith.constant 48 : index
      %get3A_225 = tpu.vector_load %arg8[%get3A_224] {strides = array<i32>} : memref<16000xi32, #tpu.memory_space<vmem>>, vector<16xi32>,
      %and3A_226 = arith.andi %get3A_225, %broadcast_in_dim3A_29 : vector<16xi32>
      %shift_right_logical3A_227 = arith.constant 16 : i32
      %shift_right_logical3A_228 = vector.broadcast %shift_right_logical3A_227 : i32 to vector<16xi32>
      %shift_right_logical3A_229 = arith.shrui %get3A_225, %shift_right_logical3A_228 : vector<16xi32>
      %gather3A_230 = tpu.vector_load_idx %arg5[%broadcast_in_dim3A_17, %and3A_226] : memref<2x10240xi32, #tpu.memory_space<vmem>>[vector<16xi32>, vector<16xi32>], vector<16xi32>,
      %gather3A_231 = tpu.vector_load_idx %arg5[%broadcast_in_dim3A_19, %and3A_226] : memref<2x10240xi32, #tpu.memory_space<vmem>>[vector<16xi32>, vector<16xi32>], vector<16xi32>,
      %get3A_232 = arith.constant 64 : index
      %get3A_233 = tpu.vector_load %arg8[%get3A_232] {strides = array<i32>} : memref<16000xi32, #tpu.memory_space<vmem>>, vector<16xi32>,
      %and3A_234 = arith.andi %get3A_233, %broadcast_in_dim3A_29 : vector<16xi32>
      %shift_right_logical3A_235 = arith.constant 16 : i32
      %shift_right_logical3A_236 = vector.broadcast %shift_right_logical3A_235 : i32 to vector<16xi32>
      %shift_right_logical3A_237 = arith.shrui %get3A_233, %shift_right_logical3A_236 : vector<16xi32>
      %gather3A_238 = tpu.vector_load_idx %arg5[%broadcast_in_dim3A_17, %and3A_234] : memref<2x10240xi32, #tpu.memory_space<vmem>>[vector<16xi32>, vector<16xi32>], vector<16xi32>,
      %gather3A_239 = tpu.vector_load_idx %arg5[%broadcast_in_dim3A_19, %and3A_234] : memref<2x10240xi32, #tpu.memory_space<vmem>>[vector<16xi32>, vector<16xi32>], vector<16xi32>,
      %get3A_240 = arith.constant 80 : index
      %get3A_241 = tpu.vector_load %arg8[%get3A_240] {strides = array<i32>} : memref<16000xi32, #tpu.memory_space<vmem>>, vector<16xi32>,
      %and3A_242 = arith.andi %get3A_241, %broadcast_in_dim3A_29 : vector<16xi32>
      %shift_right_logical3A_243 = arith.constant 16 : i32
      %shift_right_logical3A_244 = vector.broadcast %shift_right_logical3A_243 : i32 to vector<16xi32>
      %shift_right_logical3A_245 = arith.shrui %get3A_241, %shift_right_logical3A_244 : vector<16xi32>
      %gather3A_246 = tpu.vector_load_idx %arg5[%broadcast_in_dim3A_17, %and3A_242] : memref<2x10240xi32, #tpu.memory_space<vmem>>[vector<16xi32>, vector<16xi32>], vector<16xi32>,
      %gather3A_247 = tpu.vector_load_idx %arg5[%broadcast_in_dim3A_19, %and3A_242] : memref<2x10240xi32, #tpu.memory_space<vmem>>[vector<16xi32>, vector<16xi32>], vector<16xi32>,
      %get3A_248 = arith.constant 96 : index
      %get3A_249 = tpu.vector_load %arg8[%get3A_248] {strides = array<i32>} : memref<16000xi32, #tpu.memory_space<vmem>>, vector<16xi32>,
      %and3A_250 = arith.andi %get3A_249, %broadcast_in_dim3A_29 : vector<16xi32>
      %shift_right_logical3A_251 = arith.constant 16 : i32
      %shift_right_logical3A_252 = vector.broadcast %shift_right_logical3A_251 : i32 to vector<16xi32>
      %shift_right_logical3A_253 = arith.shrui %get3A_249, %shift_right_logical3A_252 : vector<16xi32>
      %gather3A_254 = tpu.vector_load_idx %arg5[%broadcast_in_dim3A_17, %and3A_250] : memref<2x10240xi32, #tpu.memory_space<vmem>>[vector<16xi32>, vector<16xi32>], vector<16xi32>,
      %gather3A_255 = tpu.vector_load_idx %arg5[%broadcast_in_dim3A_19, %and3A_250] : memref<2x10240xi32, #tpu.memory_space<vmem>>[vector<16xi32>, vector<16xi32>], vector<16xi32>,
      %get3A_256 = arith.constant 112 : index
      %get3A_257 = tpu.vector_load %arg8[%get3A_256] {strides = array<i32>} : memref<16000xi32, #tpu.memory_space<vmem>>, vector<16xi32>,
      %and3A_258 = arith.andi %get3A_257, %broadcast_in_dim3A_29 : vector<16xi32>
      %shift_right_logical3A_259 = arith.constant 16 : i32
      %shift_right_logical3A_260 = vector.broadcast %shift_right_logical3A_259 : i32 to vector<16xi32>
      %shift_right_logical3A_261 = arith.shrui %get3A_257, %shift_right_logical3A_260 : vector<16xi32>
      %gather3A_262 = tpu.vector_load_idx %arg5[%broadcast_in_dim3A_17, %and3A_258] : memref<2x10240xi32, #tpu.memory_space<vmem>>[vector<16xi32>, vector<16xi32>], vector<16xi32>,
      %gather3A_263 = tpu.vector_load_idx %arg5[%broadcast_in_dim3A_19, %and3A_258] : memref<2x10240xi32, #tpu.memory_space<vmem>>[vector<16xi32>, vector<16xi32>], vector<16xi32>,
      %scan3A_264 = arith.constant 1 : i32
      %scan3A_265 = arith.constant 124 : i32
      %scan3A_266 = arith.addi %scan3A_264, %scan3A_265 : i32
      %scan3A_267 = arith.constant 1 : i32
      %scan3A_268:24 = scf.for %scan3A_342 = %scan3A_264 to %scan3A_266 step %scan3A_267 iter_args(%scan3A_343 = %shift_right_logical3A_205, %scan3A_344 = %shift_right_logical3A_213, %scan3A_345 = %shift_right_logical3A_221, %scan3A_346 = %shift_right_logical3A_229, %scan3A_347 = %shift_right_logical3A_237, %scan3A_348 = %shift_right_logical3A_245, %scan3A_349 = %shift_right_logical3A_253, %scan3A_350 = %shift_right_logical3A_261, %scan3A_351 = %gather3A_206, %scan3A_352 = %gather3A_207, %scan3A_353 = %gather3A_214, %scan3A_354 = %gather3A_215, %scan3A_355 = %gather3A_222, %scan3A_356 = %gather3A_223, %scan3A_357 = %gather3A_230, %scan3A_358 = %gather3A_231, %scan3A_359 = %gather3A_238, %scan3A_360 = %gather3A_239, %scan3A_361 = %gather3A_246, %scan3A_362 = %gather3A_247, %scan3A_363 = %gather3A_254, %scan3A_364 = %gather3A_255, %scan3A_365 = %gather3A_262, %scan3A_366 = %gather3A_263) -> (vector<16xi32>, vector<16xi32>, vector<16xi32>, vector<16xi32>, vector<16xi32>, vector<16xi32>, vector<16xi32>, vector<16xi32>, vector<16xi32>, vector<16xi32>, vector<16xi32>, vector<16xi32>, vector<16xi32>, vector<16xi32>, vector<16xi32>, vector<16xi32>, vector<16xi32>, vector<16xi32>, vector<16xi32>, vector<16xi32>, vector<16xi32>, vector<16xi32>, vector<16xi32>, vector<16xi32>)  : i32 {
        %mul3A_367 = arith.constant 8 : i32
        %mul3A_368 = arith.muli %scan3A_342, %mul3A_367 : i32
        %add3A_369 = arith.constant 0 : i32
        %add3A_370 = arith.addi %mul3A_368, %add3A_369 : i32
        %mul3A_371 = arith.constant 16 : i32
        %mul3A_372 = arith.muli %add3A_370, %mul3A_371 : i32
        %get3A_373 = arith.index_cast %mul3A_372 : i32 to index
        %get3A_374 = tpu.vector_load %arg8[%get3A_373] {strides = array<i32>} : memref<16000xi32, #tpu.memory_space<vmem>>, vector<16xi32>,
        %and3A_375 = arith.andi %get3A_374, %broadcast_in_dim3A_29 : vector<16xi32>
        %shift_right_logical3A_376 = arith.constant 16 : i32
        %shift_right_logical3A_377 = vector.broadcast %shift_right_logical3A_376 : i32 to vector<16xi32>
        %shift_right_logical3A_378 = arith.shrui %get3A_374, %shift_right_logical3A_377 : vector<16xi32>
        %gather3A_379 = tpu.vector_load_idx %arg5[%broadcast_in_dim3A_17, %and3A_375] : memref<2x10240xi32, #tpu.memory_space<vmem>>[vector<16xi32>, vector<16xi32>], vector<16xi32>,
        %gather3A_380 = tpu.vector_load_idx %arg5[%broadcast_in_dim3A_19, %and3A_375] : memref<2x10240xi32, #tpu.memory_space<vmem>>[vector<16xi32>, vector<16xi32>], vector<16xi32>,
        %mul3A_381 = arith.constant 8 : i32
        %mul3A_382 = arith.muli %scan3A_342, %mul3A_381 : i32
        %add3A_383 = arith.constant 1 : i32
        %add3A_384 = arith.addi %mul3A_382, %add3A_383 : i32
        %mul3A_385 = arith.constant 16 : i32
        %mul3A_386 = arith.muli %add3A_384, %mul3A_385 : i32
        %get3A_387 = arith.index_cast %mul3A_386 : i32 to index
        %get3A_388 = tpu.vector_load %arg8[%get3A_387] {strides = array<i32>} : memref<16000xi32, #tpu.memory_space<vmem>>, vector<16xi32>,
        %and3A_389 = arith.andi %get3A_388, %broadcast_in_dim3A_29 : vector<16xi32>
        %shift_right_logical3A_390 = arith.constant 16 : i32
        %shift_right_logical3A_391 = vector.broadcast %shift_right_logical3A_390 : i32 to vector<16xi32>
        %shift_right_logical3A_392 = arith.shrui %get3A_388, %shift_right_logical3A_391 : vector<16xi32>
        %gather3A_393 = tpu.vector_load_idx %arg5[%broadcast_in_dim3A_17, %and3A_389] : memref<2x10240xi32, #tpu.memory_space<vmem>>[vector<16xi32>, vector<16xi32>], vector<16xi32>,
        %gather3A_394 = tpu.vector_load_idx %arg5[%broadcast_in_dim3A_19, %and3A_389] : memref<2x10240xi32, #tpu.memory_space<vmem>>[vector<16xi32>, vector<16xi32>], vector<16xi32>,
        %mul3A_395 = arith.constant 8 : i32
        %mul3A_396 = arith.muli %scan3A_342, %mul3A_395 : i32
        %add3A_397 = arith.constant 2 : i32
        %add3A_398 = arith.addi %mul3A_396, %add3A_397 : i32
        %mul3A_399 = arith.constant 16 : i32
        %mul3A_400 = arith.muli %add3A_398, %mul3A_399 : i32
        %get3A_401 = arith.index_cast %mul3A_400 : i32 to index
        %get3A_402 = tpu.vector_load %arg8[%get3A_401] {strides = array<i32>} : memref<16000xi32, #tpu.memory_space<vmem>>, vector<16xi32>,
        %and3A_403 = arith.andi %get3A_402, %broadcast_in_dim3A_29 : vector<16xi32>
        %shift_right_logical3A_404 = arith.constant 16 : i32
        %shift_right_logical3A_405 = vector.broadcast %shift_right_logical3A_404 : i32 to vector<16xi32>
        %shift_right_logical3A_406 = arith.shrui %get3A_402, %shift_right_logical3A_405 : vector<16xi32>
        %gather3A_407 = tpu.vector_load_idx %arg5[%broadcast_in_dim3A_17, %and3A_403] : memref<2x10240xi32, #tpu.memory_space<vmem>>[vector<16xi32>, vector<16xi32>], vector<16xi32>,
        %gather3A_408 = tpu.vector_load_idx %arg5[%broadcast_in_dim3A_19, %and3A_403] : memref<2x10240xi32, #tpu.memory_space<vmem>>[vector<16xi32>, vector<16xi32>], vector<16xi32>,
        %mul3A_409 = arith.constant 8 : i32
        %mul3A_410 = arith.muli %scan3A_342, %mul3A_409 : i32
        %add3A_411 = arith.constant 3 : i32
        %add3A_412 = arith.addi %mul3A_410, %add3A_411 : i32
        %mul3A_413 = arith.constant 16 : i32
        %mul3A_414 = arith.muli %add3A_412, %mul3A_413 : i32
        %get3A_415 = arith.index_cast %mul3A_414 : i32 to index
        %get3A_416 = tpu.vector_load %arg8[%get3A_415] {strides = array<i32>} : memref<16000xi32, #tpu.memory_space<vmem>>, vector<16xi32>,
        %and3A_417 = arith.andi %get3A_416, %broadcast_in_dim3A_29 : vector<16xi32>
        %shift_right_logical3A_418 = arith.constant 16 : i32
        %shift_right_logical3A_419 = vector.broadcast %shift_right_logical3A_418 : i32 to vector<16xi32>
        %shift_right_logical3A_420 = arith.shrui %get3A_416, %shift_right_logical3A_419 : vector<16xi32>
        %gather3A_421 = tpu.vector_load_idx %arg5[%broadcast_in_dim3A_17, %and3A_417] : memref<2x10240xi32, #tpu.memory_space<vmem>>[vector<16xi32>, vector<16xi32>], vector<16xi32>,
        %gather3A_422 = tpu.vector_load_idx %arg5[%broadcast_in_dim3A_19, %and3A_417] : memref<2x10240xi32, #tpu.memory_space<vmem>>[vector<16xi32>, vector<16xi32>], vector<16xi32>,
        %mul3A_423 = arith.constant 8 : i32
        %mul3A_424 = arith.muli %scan3A_342, %mul3A_423 : i32
        %add3A_425 = arith.constant 4 : i32
        %add3A_426 = arith.addi %mul3A_424, %add3A_425 : i32
        %mul3A_427 = arith.constant 16 : i32
        %mul3A_428 = arith.muli %add3A_426, %mul3A_427 : i32
        %get3A_429 = arith.index_cast %mul3A_428 : i32 to index
        %get3A_430 = tpu.vector_load %arg8[%get3A_429] {strides = array<i32>} : memref<16000xi32, #tpu.memory_space<vmem>>, vector<16xi32>,
        %and3A_431 = arith.andi %get3A_430, %broadcast_in_dim3A_29 : vector<16xi32>
        %shift_right_logical3A_432 = arith.constant 16 : i32
        %shift_right_logical3A_433 = vector.broadcast %shift_right_logical3A_432 : i32 to vector<16xi32>
        %shift_right_logical3A_434 = arith.shrui %get3A_430, %shift_right_logical3A_433 : vector<16xi32>
        %gather3A_435 = tpu.vector_load_idx %arg5[%broadcast_in_dim3A_17, %and3A_431] : memref<2x10240xi32, #tpu.memory_space<vmem>>[vector<16xi32>, vector<16xi32>], vector<16xi32>,
        %gather3A_436 = tpu.vector_load_idx %arg5[%broadcast_in_dim3A_19, %and3A_431] : memref<2x10240xi32, #tpu.memory_space<vmem>>[vector<16xi32>, vector<16xi32>], vector<16xi32>,
        %mul3A_437 = arith.constant 8 : i32
        %mul3A_438 = arith.muli %scan3A_342, %mul3A_437 : i32
        %add3A_439 = arith.constant 5 : i32
        %add3A_440 = arith.addi %mul3A_438, %add3A_439 : i32
        %mul3A_441 = arith.constant 16 : i32
        %mul3A_442 = arith.muli %add3A_440, %mul3A_441 : i32
        %get3A_443 = arith.index_cast %mul3A_442 : i32 to index
        %get3A_444 = tpu.vector_load %arg8[%get3A_443] {strides = array<i32>} : memref<16000xi32, #tpu.memory_space<vmem>>, vector<16xi32>,
        %and3A_445 = arith.andi %get3A_444, %broadcast_in_dim3A_29 : vector<16xi32>
        %shift_right_logical3A_446 = arith.constant 16 : i32
        %shift_right_logical3A_447 = vector.broadcast %shift_right_logical3A_446 : i32 to vector<16xi32>
        %shift_right_logical3A_448 = arith.shrui %get3A_444, %shift_right_logical3A_447 : vector<16xi32>
        %gather3A_449 = tpu.vector_load_idx %arg5[%broadcast_in_dim3A_17, %and3A_445] : memref<2x10240xi32, #tpu.memory_space<vmem>>[vector<16xi32>, vector<16xi32>], vector<16xi32>,
        %gather3A_450 = tpu.vector_load_idx %arg5[%broadcast_in_dim3A_19, %and3A_445] : memref<2x10240xi32, #tpu.memory_space<vmem>>[vector<16xi32>, vector<16xi32>], vector<16xi32>,
        %mul3A_451 = arith.constant 8 : i32
        %mul3A_452 = arith.muli %scan3A_342, %mul3A_451 : i32
        %add3A_453 = arith.constant 6 : i32
        %add3A_454 = arith.addi %mul3A_452, %add3A_453 : i32
        %mul3A_455 = arith.constant 16 : i32
        %mul3A_456 = arith.muli %add3A_454, %mul3A_455 : i32
        %get3A_457 = arith.index_cast %mul3A_456 : i32 to index
        %get3A_458 = tpu.vector_load %arg8[%get3A_457] {strides = array<i32>} : memref<16000xi32, #tpu.memory_space<vmem>>, vector<16xi32>,
        %and3A_459 = arith.andi %get3A_458, %broadcast_in_dim3A_29 : vector<16xi32>
        %shift_right_logical3A_460 = arith.constant 16 : i32
        %shift_right_logical3A_461 = vector.broadcast %shift_right_logical3A_460 : i32 to vector<16xi32>
        %shift_right_logical3A_462 = arith.shrui %get3A_458, %shift_right_logical3A_461 : vector<16xi32>
        %gather3A_463 = tpu.vector_load_idx %arg5[%broadcast_in_dim3A_17, %and3A_459] : memref<2x10240xi32, #tpu.memory_space<vmem>>[vector<16xi32>, vector<16xi32>], vector<16xi32>,
        %gather3A_464 = tpu.vector_load_idx %arg5[%broadcast_in_dim3A_19, %and3A_459] : memref<2x10240xi32, #tpu.memory_space<vmem>>[vector<16xi32>, vector<16xi32>], vector<16xi32>,
        %mul3A_465 = arith.constant 8 : i32
        %mul3A_466 = arith.muli %scan3A_342, %mul3A_465 : i32
        %add3A_467 = arith.constant 7 : i32
        %add3A_468 = arith.addi %mul3A_466, %add3A_467 : i32
        %mul3A_469 = arith.constant 16 : i32
        %mul3A_470 = arith.muli %add3A_468, %mul3A_469 : i32
        %get3A_471 = arith.index_cast %mul3A_470 : i32 to index
        %get3A_472 = tpu.vector_load %arg8[%get3A_471] {strides = array<i32>} : memref<16000xi32, #tpu.memory_space<vmem>>, vector<16xi32>,
        %and3A_473 = arith.andi %get3A_472, %broadcast_in_dim3A_29 : vector<16xi32>
        %shift_right_logical3A_474 = arith.constant 16 : i32
        %shift_right_logical3A_475 = vector.broadcast %shift_right_logical3A_474 : i32 to vector<16xi32>
        %shift_right_logical3A_476 = arith.shrui %get3A_472, %shift_right_logical3A_475 : vector<16xi32>
        %gather3A_477 = tpu.vector_load_idx %arg5[%broadcast_in_dim3A_17, %and3A_473] : memref<2x10240xi32, #tpu.memory_space<vmem>>[vector<16xi32>, vector<16xi32>], vector<16xi32>,
        %gather3A_478 = tpu.vector_load_idx %arg5[%broadcast_in_dim3A_19, %and3A_473] : memref<2x10240xi32, #tpu.memory_space<vmem>>[vector<16xi32>, vector<16xi32>], vector<16xi32>,
        %shift_left3A_479 = arith.shli %scan3A_351, %broadcast_in_dim3A_33 : vector<16xi32>
        %bitcast3A_480 = vector.bitcast %shift_left3A_479 : vector<16xi32> to vector<16xf32>
        %and3A_481 = arith.andi %scan3A_351, %broadcast_in_dim3A_31 : vector<16xi32>
        %bitcast3A_482 = vector.bitcast %and3A_481 : vector<16xi32> to vector<16xf32>
        tpu.vector_store_idx %arg6[%broadcast_in_dim3A_21, %scan3A_343], %bitcast3A_480 {add = true} : memref<4x10240xf32, #tpu.memory_space<vmem>>[vector<16xi32>, vector<16xi32>], vector<16xf32>,
        tpu.vector_store_idx %arg6[%broadcast_in_dim3A_25, %scan3A_343], %bitcast3A_482 {add = true} : memref<4x10240xf32, #tpu.memory_space<vmem>>[vector<16xi32>, vector<16xi32>], vector<16xf32>,
        %shift_left3A_483 = arith.shli %scan3A_352, %broadcast_in_dim3A_33 : vector<16xi32>
        %bitcast3A_484 = vector.bitcast %shift_left3A_483 : vector<16xi32> to vector<16xf32>
        %and3A_485 = arith.andi %scan3A_352, %broadcast_in_dim3A_31 : vector<16xi32>
        %bitcast3A_486 = vector.bitcast %and3A_485 : vector<16xi32> to vector<16xf32>
        tpu.vector_store_idx %arg6[%broadcast_in_dim3A_23, %scan3A_343], %bitcast3A_484 {add = true} : memref<4x10240xf32, #tpu.memory_space<vmem>>[vector<16xi32>, vector<16xi32>], vector<16xf32>,
        tpu.vector_store_idx %arg6[%broadcast_in_dim3A_27, %scan3A_343], %bitcast3A_486 {add = true} : memref<4x10240xf32, #tpu.memory_space<vmem>>[vector<16xi32>, vector<16xi32>], vector<16xf32>,
        %shift_left3A_487 = arith.shli %scan3A_353, %broadcast_in_dim3A_33 : vector<16xi32>
        %bitcast3A_488 = vector.bitcast %shift_left3A_487 : vector<16xi32> to vector<16xf32>
        %and3A_489 = arith.andi %scan3A_353, %broadcast_in_dim3A_31 : vector<16xi32>
        %bitcast3A_490 = vector.bitcast %and3A_489 : vector<16xi32> to vector<16xf32>
        tpu.vector_store_idx %arg6[%broadcast_in_dim3A_21, %scan3A_344], %bitcast3A_488 {add = true} : memref<4x10240xf32, #tpu.memory_space<vmem>>[vector<16xi32>, vector<16xi32>], vector<16xf32>,
        tpu.vector_store_idx %arg6[%broadcast_in_dim3A_25, %scan3A_344], %bitcast3A_490 {add = true} : memref<4x10240xf32, #tpu.memory_space<vmem>>[vector<16xi32>, vector<16xi32>], vector<16xf32>,
        %shift_left3A_491 = arith.shli %scan3A_354, %broadcast_in_dim3A_33 : vector<16xi32>
        %bitcast3A_492 = vector.bitcast %shift_left3A_491 : vector<16xi32> to vector<16xf32>
        %and3A_493 = arith.andi %scan3A_354, %broadcast_in_dim3A_31 : vector<16xi32>
        %bitcast3A_494 = vector.bitcast %and3A_493 : vector<16xi32> to vector<16xf32>
        tpu.vector_store_idx %arg6[%broadcast_in_dim3A_23, %scan3A_344], %bitcast3A_492 {add = true} : memref<4x10240xf32, #tpu.memory_space<vmem>>[vector<16xi32>, vector<16xi32>], vector<16xf32>,
        tpu.vector_store_idx %arg6[%broadcast_in_dim3A_27, %scan3A_344], %bitcast3A_494 {add = true} : memref<4x10240xf32, #tpu.memory_space<vmem>>[vector<16xi32>, vector<16xi32>], vector<16xf32>,
        %shift_left3A_495 = arith.shli %scan3A_355, %broadcast_in_dim3A_33 : vector<16xi32>
        %bitcast3A_496 = vector.bitcast %shift_left3A_495 : vector<16xi32> to vector<16xf32>
        %and3A_497 = arith.andi %scan3A_355, %broadcast_in_dim3A_31 : vector<16xi32>
        %bitcast3A_498 = vector.bitcast %and3A_497 : vector<16xi32> to vector<16xf32>
        tpu.vector_store_idx %arg6[%broadcast_in_dim3A_21, %scan3A_345], %bitcast3A_496 {add = true} : memref<4x10240xf32, #tpu.memory_space<vmem>>[vector<16xi32>, vector<16xi32>], vector<16xf32>,
        tpu.vector_store_idx %arg6[%broadcast_in_dim3A_25, %scan3A_345], %bitcast3A_498 {add = true} : memref<4x10240xf32, #tpu.memory_space<vmem>>[vector<16xi32>, vector<16xi32>], vector<16xf32>,
        %shift_left3A_499 = arith.shli %scan3A_356, %broadcast_in_dim3A_33 : vector<16xi32>
        %bitcast3A_500 = vector.bitcast %shift_left3A_499 : vector<16xi32> to vector<16xf32>
        %and3A_501 = arith.andi %scan3A_356, %broadcast_in_dim3A_31 : vector<16xi32>
        %bitcast3A_502 = vector.bitcast %and3A_501 : vector<16xi32> to vector<16xf32>
        tpu.vector_store_idx %arg6[%broadcast_in_dim3A_23, %scan3A_345], %bitcast3A_500 {add = true} : memref<4x10240xf32, #tpu.memory_space<vmem>>[vector<16xi32>, vector<16xi32>], vector<16xf32>,
        tpu.vector_store_idx %arg6[%broadcast_in_dim3A_27, %scan3A_345], %bitcast3A_502 {add = true} : memref<4x10240xf32, #tpu.memory_space<vmem>>[vector<16xi32>, vector<16xi32>], vector<16xf32>,
        %shift_left3A_503 = arith.shli %scan3A_357, %broadcast_in_dim3A_33 : vector<16xi32>
        %bitcast3A_504 = vector.bitcast %shift_left3A_503 : vector<16xi32> to vector<16xf32>
        %and3A_505 = arith.andi %scan3A_357, %broadcast_in_dim3A_31 : vector<16xi32>
        %bitcast3A_506 = vector.bitcast %and3A_505 : vector<16xi32> to vector<16xf32>
        tpu.vector_store_idx %arg6[%broadcast_in_dim3A_21, %scan3A_346], %bitcast3A_504 {add = true} : memref<4x10240xf32, #tpu.memory_space<vmem>>[vector<16xi32>, vector<16xi32>], vector<16xf32>,
        tpu.vector_store_idx %arg6[%broadcast_in_dim3A_25, %scan3A_346], %bitcast3A_506 {add = true} : memref<4x10240xf32, #tpu.memory_space<vmem>>[vector<16xi32>, vector<16xi32>], vector<16xf32>,
        %shift_left3A_507 = arith.shli %scan3A_358, %broadcast_in_dim3A_33 : vector<16xi32>
        %bitcast3A_508 = vector.bitcast %shift_left3A_507 : vector<16xi32> to vector<16xf32>
        %and3A_509 = arith.andi %scan3A_358, %broadcast_in_dim3A_31 : vector<16xi32>
        %bitcast3A_510 = vector.bitcast %and3A_509 : vector<16xi32> to vector<16xf32>
        tpu.vector_store_idx %arg6[%broadcast_in_dim3A_23, %scan3A_346], %bitcast3A_508 {add = true} : memref<4x10240xf32, #tpu.memory_space<vmem>>[vector<16xi32>, vector<16xi32>], vector<16xf32>,
        tpu.vector_store_idx %arg6[%broadcast_in_dim3A_27, %scan3A_346], %bitcast3A_510 {add = true} : memref<4x10240xf32, #tpu.memory_space<vmem>>[vector<16xi32>, vector<16xi32>], vector<16xf32>,
        %shift_left3A_511 = arith.shli %scan3A_359, %broadcast_in_dim3A_33 : vector<16xi32>
        %bitcast3A_512 = vector.bitcast %shift_left3A_511 : vector<16xi32> to vector<16xf32>
        %and3A_513 = arith.andi %scan3A_359, %broadcast_in_dim3A_31 : vector<16xi32>
        %bitcast3A_514 = vector.bitcast %and3A_513 : vector<16xi32> to vector<16xf32>
        tpu.vector_store_idx %arg6[%broadcast_in_dim3A_21, %scan3A_347], %bitcast3A_512 {add = true} : memref<4x10240xf32, #tpu.memory_space<vmem>>[vector<16xi32>, vector<16xi32>], vector<16xf32>,
        tpu.vector_store_idx %arg6[%broadcast_in_dim3A_25, %scan3A_347], %bitcast3A_514 {add = true} : memref<4x10240xf32, #tpu.memory_space<vmem>>[vector<16xi32>, vector<16xi32>], vector<16xf32>,
        %shift_left3A_515 = arith.shli %scan3A_360, %broadcast_in_dim3A_33 : vector<16xi32>
        %bitcast3A_516 = vector.bitcast %shift_left3A_515 : vector<16xi32> to vector<16xf32>
        %and3A_517 = arith.andi %scan3A_360, %broadcast_in_dim3A_31 : vector<16xi32>
        %bitcast3A_518 = vector.bitcast %and3A_517 : vector<16xi32> to vector<16xf32>
        tpu.vector_store_idx %arg6[%broadcast_in_dim3A_23, %scan3A_347], %bitcast3A_516 {add = true} : memref<4x10240xf32, #tpu.memory_space<vmem>>[vector<16xi32>, vector<16xi32>], vector<16xf32>,
        tpu.vector_store_idx %arg6[%broadcast_in_dim3A_27, %scan3A_347], %bitcast3A_518 {add = true} : memref<4x10240xf32, #tpu.memory_space<vmem>>[vector<16xi32>, vector<16xi32>], vector<16xf32>,
        %shift_left3A_519 = arith.shli %scan3A_361, %broadcast_in_dim3A_33 : vector<16xi32>
        %bitcast3A_520 = vector.bitcast %shift_left3A_519 : vector<16xi32> to vector<16xf32>
        %and3A_521 = arith.andi %scan3A_361, %broadcast_in_dim3A_31 : vector<16xi32>
        %bitcast3A_522 = vector.bitcast %and3A_521 : vector<16xi32> to vector<16xf32>
        tpu.vector_store_idx %arg6[%broadcast_in_dim3A_21, %scan3A_348], %bitcast3A_520 {add = true} : memref<4x10240xf32, #tpu.memory_space<vmem>>[vector<16xi32>, vector<16xi32>], vector<16xf32>,
        tpu.vector_store_idx %arg6[%broadcast_in_dim3A_25, %scan3A_348], %bitcast3A_522 {add = true} : memref<4x10240xf32, #tpu.memory_space<vmem>>[vector<16xi32>, vector<16xi32>], vector<16xf32>,
        %shift_left3A_523 = arith.shli %scan3A_362, %broadcast_in_dim3A_33 : vector<16xi32>
        %bitcast3A_524 = vector.bitcast %shift_left3A_523 : vector<16xi32> to vector<16xf32>
        %and3A_525 = arith.andi %scan3A_362, %broadcast_in_dim3A_31 : vector<16xi32>
        %bitcast3A_526 = vector.bitcast %and3A_525 : vector<16xi32> to vector<16xf32>
        tpu.vector_store_idx %arg6[%broadcast_in_dim3A_23, %scan3A_348], %bitcast3A_524 {add = true} : memref<4x10240xf32, #tpu.memory_space<vmem>>[vector<16xi32>, vector<16xi32>], vector<16xf32>,
        tpu.vector_store_idx %arg6[%broadcast_in_dim3A_27, %scan3A_348], %bitcast3A_526 {add = true} : memref<4x10240xf32, #tpu.memory_space<vmem>>[vector<16xi32>, vector<16xi32>], vector<16xf32>,
        %shift_left3A_527 = arith.shli %scan3A_363, %broadcast_in_dim3A_33 : vector<16xi32>
        %bitcast3A_528 = vector.bitcast %shift_left3A_527 : vector<16xi32> to vector<16xf32>
        %and3A_529 = arith.andi %scan3A_363, %broadcast_in_dim3A_31 : vector<16xi32>
        %bitcast3A_530 = vector.bitcast %and3A_529 : vector<16xi32> to vector<16xf32>
        tpu.vector_store_idx %arg6[%broadcast_in_dim3A_21, %scan3A_349], %bitcast3A_528 {add = true} : memref<4x10240xf32, #tpu.memory_space<vmem>>[vector<16xi32>, vector<16xi32>], vector<16xf32>,
        tpu.vector_store_idx %arg6[%broadcast_in_dim3A_25, %scan3A_349], %bitcast3A_530 {add = true} : memref<4x10240xf32, #tpu.memory_space<vmem>>[vector<16xi32>, vector<16xi32>], vector<16xf32>,
        %shift_left3A_531 = arith.shli %scan3A_364, %broadcast_in_dim3A_33 : vector<16xi32>
        %bitcast3A_532 = vector.bitcast %shift_left3A_531 : vector<16xi32> to vector<16xf32>
        %and3A_533 = arith.andi %scan3A_364, %broadcast_in_dim3A_31 : vector<16xi32>
        %bitcast3A_534 = vector.bitcast %and3A_533 : vector<16xi32> to vector<16xf32>
        tpu.vector_store_idx %arg6[%broadcast_in_dim3A_23, %scan3A_349], %bitcast3A_532 {add = true} : memref<4x10240xf32, #tpu.memory_space<vmem>>[vector<16xi32>, vector<16xi32>], vector<16xf32>,
        tpu.vector_store_idx %arg6[%broadcast_in_dim3A_27, %scan3A_349], %bitcast3A_534 {add = true} : memref<4x10240xf32, #tpu.memory_space<vmem>>[vector<16xi32>, vector<16xi32>], vector<16xf32>,
        %shift_left3A_535 = arith.shli %scan3A_365, %broadcast_in_dim3A_33 : vector<16xi32>
        %bitcast3A_536 = vector.bitcast %shift_left3A_535 : vector<16xi32> to vector<16xf32>
        %and3A_537 = arith.andi %scan3A_365, %broadcast_in_dim3A_31 : vector<16xi32>
        %bitcast3A_538 = vector.bitcast %and3A_537 : vector<16xi32> to vector<16xf32>
        tpu.vector_store_idx %arg6[%broadcast_in_dim3A_21, %scan3A_350], %bitcast3A_536 {add = true} : memref<4x10240xf32, #tpu.memory_space<vmem>>[vector<16xi32>, vector<16xi32>], vector<16xf32>,
        tpu.vector_store_idx %arg6[%broadcast_in_dim3A_25, %scan3A_350], %bitcast3A_538 {add = true} : memref<4x10240xf32, #tpu.memory_space<vmem>>[vector<16xi32>, vector<16xi32>], vector<16xf32>,
        %shift_left3A_539 = arith.shli %scan3A_366, %broadcast_in_dim3A_33 : vector<16xi32>
        %bitcast3A_540 = vector.bitcast %shift_left3A_539 : vector<16xi32> to vector<16xf32>
        %and3A_541 = arith.andi %scan3A_366, %broadcast_in_dim3A_31 : vector<16xi32>
        %bitcast3A_542 = vector.bitcast %and3A_541 : vector<16xi32> to vector<16xf32>
        tpu.vector_store_idx %arg6[%broadcast_in_dim3A_23, %scan3A_350], %bitcast3A_540 {add = true} : memref<4x10240xf32, #tpu.memory_space<vmem>>[vector<16xi32>, vector<16xi32>], vector<16xf32>,
        tpu.vector_store_idx %arg6[%broadcast_in_dim3A_27, %scan3A_350], %bitcast3A_542 {add = true} : memref<4x10240xf32, #tpu.memory_space<vmem>>[vector<16xi32>, vector<16xi32>], vector<16xf32>,
        scf.yield %shift_right_logical3A_378, %shift_right_logical3A_392, %shift_right_logical3A_406, %shift_right_logical3A_420, %shift_right_logical3A_434, %shift_right_logical3A_448, %shift_right_logical3A_462, %shift_right_logical3A_476, %gather3A_379, %gather3A_380, %gather3A_393, %gather3A_394, %gather3A_407, %gather3A_408, %gather3A_421, %gather3A_422, %gather3A_435, %gather3A_436, %gather3A_449, %gather3A_450, %gather3A_463, %gather3A_464, %gather3A_477, %gather3A_478 : vector<16xi32>, vector<16xi32>, vector<16xi32>, vector<16xi32>, vector<16xi32>, vector<16xi32>, vector<16xi32>, vector<16xi32>, vector<16xi32>, vector<16xi32>, vector<16xi32>, vector<16xi32>, vector<16xi32>, vector<16xi32>, vector<16xi32>, vector<16xi32>, vector<16xi32>, vector<16xi32>, vector<16xi32>, vector<16xi32>, vector<16xi32>, vector<16xi32>, vector<16xi32>, vector<16xi32>
      }
      %scan3A_269 = arith.constant 124 : i32
      %shift_left3A_270 = arith.shli %scan3A_268#8, %broadcast_in_dim3A_33 : vector<16xi32>
      %bitcast3A_271 = vector.bitcast %shift_left3A_270 : vector<16xi32> to vector<16xf32>
      %and3A_272 = arith.andi %scan3A_268#8, %broadcast_in_dim3A_31 : vector<16xi32>
      %bitcast3A_273 = vector.bitcast %and3A_272 : vector<16xi32> to vector<16xf32>
      tpu.vector_store_idx %arg6[%broadcast_in_dim3A_21, %scan3A_268#0], %bitcast3A_271 {add = true} : memref<4x10240xf32, #tpu.memory_space<vmem>>[vector<16xi32>, vector<16xi32>], vector<16xf32>,
      tpu.vector_store_idx %arg6[%broadcast_in_dim3A_25, %scan3A_268#0], %bitcast3A_273 {add = true} : memref<4x10240xf32, #tpu.memory_space<vmem>>[vector<16xi32>, vector<16xi32>], vector<16xf32>,
      %shift_left3A_274 = arith.shli %scan3A_268#9, %broadcast_in_dim3A_33 : vector<16xi32>
      %bitcast3A_275 = vector.bitcast %shift_left3A_274 : vector<16xi32> to vector<16xf32>
      %and3A_276 = arith.andi %scan3A_268#9, %broadcast_in_dim3A_31 : vector<16xi32>
      %bitcast3A_277 = vector.bitcast %and3A_276 : vector<16xi32> to vector<16xf32>
      tpu.vector_store_idx %arg6[%broadcast_in_dim3A_23, %scan3A_268#0], %bitcast3A_275 {add = true} : memref<4x10240xf32, #tpu.memory_space<vmem>>[vector<16xi32>, vector<16xi32>], vector<16xf32>,
      tpu.vector_store_idx %arg6[%broadcast_in_dim3A_27, %scan3A_268#0], %bitcast3A_277 {add = true} : memref<4x10240xf32, #tpu.memory_space<vmem>>[vector<16xi32>, vector<16xi32>], vector<16xf32>,
      %shift_left3A_278 = arith.shli %scan3A_268#10, %broadcast_in_dim3A_33 : vector<16xi32>
      %bitcast3A_279 = vector.bitcast %shift_left3A_278 : vector<16xi32> to vector<16xf32>
      %and3A_280 = arith.andi %scan3A_268#10, %broadcast_in_dim3A_31 : vector<16xi32>
      %bitcast3A_281 = vector.bitcast %and3A_280 : vector<16xi32> to vector<16xf32>
      tpu.vector_store_idx %arg6[%broadcast_in_dim3A_21, %scan3A_268#1], %bitcast3A_279 {add = true} : memref<4x10240xf32, #tpu.memory_space<vmem>>[vector<16xi32>, vector<16xi32>], vector<16xf32>,
      tpu.vector_store_idx %arg6[%broadcast_in_dim3A_25, %scan3A_268#1], %bitcast3A_281 {add = true} : memref<4x10240xf32, #tpu.memory_space<vmem>>[vector<16xi32>, vector<16xi32>], vector<16xf32>,
      %shift_left3A_282 = arith.shli %scan3A_268#11, %broadcast_in_dim3A_33 : vector<16xi32>
      %bitcast3A_283 = vector.bitcast %shift_left3A_282 : vector<16xi32> to vector<16xf32>
      %and3A_284 = arith.andi %scan3A_268#11, %broadcast_in_dim3A_31 : vector<16xi32>
      %bitcast3A_285 = vector.bitcast %and3A_284 : vector<16xi32> to vector<16xf32>
      tpu.vector_store_idx %arg6[%broadcast_in_dim3A_23, %scan3A_268#1], %bitcast3A_283 {add = true} : memref<4x10240xf32, #tpu.memory_space<vmem>>[vector<16xi32>, vector<16xi32>], vector<16xf32>,
      tpu.vector_store_idx %arg6[%broadcast_in_dim3A_27, %scan3A_268#1], %bitcast3A_285 {add = true} : memref<4x10240xf32, #tpu.memory_space<vmem>>[vector<16xi32>, vector<16xi32>], vector<16xf32>,
      %shift_left3A_286 = arith.shli %scan3A_268#12, %broadcast_in_dim3A_33 : vector<16xi32>
      %bitcast3A_287 = vector.bitcast %shift_left3A_286 : vector<16xi32> to vector<16xf32>
      %and3A_288 = arith.andi %scan3A_268#12, %broadcast_in_dim3A_31 : vector<16xi32>
      %bitcast3A_289 = vector.bitcast %and3A_288 : vector<16xi32> to vector<16xf32>
      tpu.vector_store_idx %arg6[%broadcast_in_dim3A_21, %scan3A_268#2], %bitcast3A_287 {add = true} : memref<4x10240xf32, #tpu.memory_space<vmem>>[vector<16xi32>, vector<16xi32>], vector<16xf32>,
      tpu.vector_store_idx %arg6[%broadcast_in_dim3A_25, %scan3A_268#2], %bitcast3A_289 {add = true} : memref<4x10240xf32, #tpu.memory_space<vmem>>[vector<16xi32>, vector<16xi32>], vector<16xf32>,
      %shift_left3A_290 = arith.shli %scan3A_268#13, %broadcast_in_dim3A_33 : vector<16xi32>
      %bitcast3A_291 = vector.bitcast %shift_left3A_290 : vector<16xi32> to vector<16xf32>
      %and3A_292 = arith.andi %scan3A_268#13, %broadcast_in_dim3A_31 : vector<16xi32>
      %bitcast3A_293 = vector.bitcast %and3A_292 : vector<16xi32> to vector<16xf32>
      tpu.vector_store_idx %arg6[%broadcast_in_dim3A_23, %scan3A_268#2], %bitcast3A_291 {add = true} : memref<4x10240xf32, #tpu.memory_space<vmem>>[vector<16xi32>, vector<16xi32>], vector<16xf32>,
      tpu.vector_store_idx %arg6[%broadcast_in_dim3A_27, %scan3A_268#2], %bitcast3A_293 {add = true} : memref<4x10240xf32, #tpu.memory_space<vmem>>[vector<16xi32>, vector<16xi32>], vector<16xf32>,
      %shift_left3A_294 = arith.shli %scan3A_268#14, %broadcast_in_dim3A_33 : vector<16xi32>
      %bitcast3A_295 = vector.bitcast %shift_left3A_294 : vector<16xi32> to vector<16xf32>
      %and3A_296 = arith.andi %scan3A_268#14, %broadcast_in_dim3A_31 : vector<16xi32>
      %bitcast3A_297 = vector.bitcast %and3A_296 : vector<16xi32> to vector<16xf32>
      tpu.vector_store_idx %arg6[%broadcast_in_dim3A_21, %scan3A_268#3], %bitcast3A_295 {add = true} : memref<4x10240xf32, #tpu.memory_space<vmem>>[vector<16xi32>, vector<16xi32>], vector<16xf32>,
      tpu.vector_store_idx %arg6[%broadcast_in_dim3A_25, %scan3A_268#3], %bitcast3A_297 {add = true} : memref<4x10240xf32, #tpu.memory_space<vmem>>[vector<16xi32>, vector<16xi32>], vector<16xf32>,
      %shift_left3A_298 = arith.shli %scan3A_268#15, %broadcast_in_dim3A_33 : vector<16xi32>
      %bitcast3A_299 = vector.bitcast %shift_left3A_298 : vector<16xi32> to vector<16xf32>
      %and3A_300 = arith.andi %scan3A_268#15, %broadcast_in_dim3A_31 : vector<16xi32>
      %bitcast3A_301 = vector.bitcast %and3A_300 : vector<16xi32> to vector<16xf32>
      tpu.vector_store_idx %arg6[%broadcast_in_dim3A_23, %scan3A_268#3], %bitcast3A_299 {add = true} : memref<4x10240xf32, #tpu.memory_space<vmem>>[vector<16xi32>, vector<16xi32>], vector<16xf32>,
      tpu.vector_store_idx %arg6[%broadcast_in_dim3A_27, %scan3A_268#3], %bitcast3A_301 {add = true} : memref<4x10240xf32, #tpu.memory_space<vmem>>[vector<16xi32>, vector<16xi32>], vector<16xf32>,
      %shift_left3A_302 = arith.shli %scan3A_268#16, %broadcast_in_dim3A_33 : vector<16xi32>
      %bitcast3A_303 = vector.bitcast %shift_left3A_302 : vector<16xi32> to vector<16xf32>
      %and3A_304 = arith.andi %scan3A_268#16, %broadcast_in_dim3A_31 : vector<16xi32>
      %bitcast3A_305 = vector.bitcast %and3A_304 : vector<16xi32> to vector<16xf32>
      tpu.vector_store_idx %arg6[%broadcast_in_dim3A_21, %scan3A_268#4], %bitcast3A_303 {add = true} : memref<4x10240xf32, #tpu.memory_space<vmem>>[vector<16xi32>, vector<16xi32>], vector<16xf32>,
      tpu.vector_store_idx %arg6[%broadcast_in_dim3A_25, %scan3A_268#4], %bitcast3A_305 {add = true} : memref<4x10240xf32, #tpu.memory_space<vmem>>[vector<16xi32>, vector<16xi32>], vector<16xf32>,
      %shift_left3A_306 = arith.shli %scan3A_268#17, %broadcast_in_dim3A_33 : vector<16xi32>
      %bitcast3A_307 = vector.bitcast %shift_left3A_306 : vector<16xi32> to vector<16xf32>
      %and3A_308 = arith.andi %scan3A_268#17, %broadcast_in_dim3A_31 : vector<16xi32>
      %bitcast3A_309 = vector.bitcast %and3A_308 : vector<16xi32> to vector<16xf32>
      tpu.vector_store_idx %arg6[%broadcast_in_dim3A_23, %scan3A_268#4], %bitcast3A_307 {add = true} : memref<4x10240xf32, #tpu.memory_space<vmem>>[vector<16xi32>, vector<16xi32>], vector<16xf32>,
      tpu.vector_store_idx %arg6[%broadcast_in_dim3A_27, %scan3A_268#4], %bitcast3A_309 {add = true} : memref<4x10240xf32, #tpu.memory_space<vmem>>[vector<16xi32>, vector<16xi32>], vector<16xf32>,
      %shift_left3A_310 = arith.shli %scan3A_268#18, %broadcast_in_dim3A_33 : vector<16xi32>
      %bitcast3A_311 = vector.bitcast %shift_left3A_310 : vector<16xi32> to vector<16xf32>
      %and3A_312 = arith.andi %scan3A_268#18, %broadcast_in_dim3A_31 : vector<16xi32>
      %bitcast3A_313 = vector.bitcast %and3A_312 : vector<16xi32> to vector<16xf32>
      tpu.vector_store_idx %arg6[%broadcast_in_dim3A_21, %scan3A_268#5], %bitcast3A_311 {add = true} : memref<4x10240xf32, #tpu.memory_space<vmem>>[vector<16xi32>, vector<16xi32>], vector<16xf32>,
      tpu.vector_store_idx %arg6[%broadcast_in_dim3A_25, %scan3A_268#5], %bitcast3A_313 {add = true} : memref<4x10240xf32, #tpu.memory_space<vmem>>[vector<16xi32>, vector<16xi32>], vector<16xf32>,
      %shift_left3A_314 = arith.shli %scan3A_268#19, %broadcast_in_dim3A_33 : vector<16xi32>
      %bitcast3A_315 = vector.bitcast %shift_left3A_314 : vector<16xi32> to vector<16xf32>
      %and3A_316 = arith.andi %scan3A_268#19, %broadcast_in_dim3A_31 : vector<16xi32>
      %bitcast3A_317 = vector.bitcast %and3A_316 : vector<16xi32> to vector<16xf32>
      tpu.vector_store_idx %arg6[%broadcast_in_dim3A_23, %scan3A_268#5], %bitcast3A_315 {add = true} : memref<4x10240xf32, #tpu.memory_space<vmem>>[vector<16xi32>, vector<16xi32>], vector<16xf32>,
      tpu.vector_store_idx %arg6[%broadcast_in_dim3A_27, %scan3A_268#5], %bitcast3A_317 {add = true} : memref<4x10240xf32, #tpu.memory_space<vmem>>[vector<16xi32>, vector<16xi32>], vector<16xf32>,
      %shift_left3A_318 = arith.shli %scan3A_268#20, %broadcast_in_dim3A_33 : vector<16xi32>
      %bitcast3A_319 = vector.bitcast %shift_left3A_318 : vector<16xi32> to vector<16xf32>
      %and3A_320 = arith.andi %scan3A_268#20, %broadcast_in_dim3A_31 : vector<16xi32>
      %bitcast3A_321 = vector.bitcast %and3A_320 : vector<16xi32> to vector<16xf32>
      tpu.vector_store_idx %arg6[%broadcast_in_dim3A_21, %scan3A_268#6], %bitcast3A_319 {add = true} : memref<4x10240xf32, #tpu.memory_space<vmem>>[vector<16xi32>, vector<16xi32>], vector<16xf32>,
      tpu.vector_store_idx %arg6[%broadcast_in_dim3A_25, %scan3A_268#6], %bitcast3A_321 {add = true} : memref<4x10240xf32, #tpu.memory_space<vmem>>[vector<16xi32>, vector<16xi32>], vector<16xf32>,
      %shift_left3A_322 = arith.shli %scan3A_268#21, %broadcast_in_dim3A_33 : vector<16xi32>
      %bitcast3A_323 = vector.bitcast %shift_left3A_322 : vector<16xi32> to vector<16xf32>
      %and3A_324 = arith.andi %scan3A_268#21, %broadcast_in_dim3A_31 : vector<16xi32>
      %bitcast3A_325 = vector.bitcast %and3A_324 : vector<16xi32> to vector<16xf32>
      tpu.vector_store_idx %arg6[%broadcast_in_dim3A_23, %scan3A_268#6], %bitcast3A_323 {add = true} : memref<4x10240xf32, #tpu.memory_space<vmem>>[vector<16xi32>, vector<16xi32>], vector<16xf32>,
      tpu.vector_store_idx %arg6[%broadcast_in_dim3A_27, %scan3A_268#6], %bitcast3A_325 {add = true} : memref<4x10240xf32, #tpu.memory_space<vmem>>[vector<16xi32>, vector<16xi32>], vector<16xf32>,
      %shift_left3A_326 = arith.shli %scan3A_268#22, %broadcast_in_dim3A_33 : vector<16xi32>
      %bitcast3A_327 = vector.bitcast %shift_left3A_326 : vector<16xi32> to vector<16xf32>
      %and3A_328 = arith.andi %scan3A_268#22, %broadcast_in_dim3A_31 : vector<16xi32>
      %bitcast3A_329 = vector.bitcast %and3A_328 : vector<16xi32> to vector<16xf32>
      tpu.vector_store_idx %arg6[%broadcast_in_dim3A_21, %scan3A_268#7], %bitcast3A_327 {add = true} : memref<4x10240xf32, #tpu.memory_space<vmem>>[vector<16xi32>, vector<16xi32>], vector<16xf32>,
      tpu.vector_store_idx %arg6[%broadcast_in_dim3A_25, %scan3A_268#7], %bitcast3A_329 {add = true} : memref<4x10240xf32, #tpu.memory_space<vmem>>[vector<16xi32>, vector<16xi32>], vector<16xf32>,
      %shift_left3A_330 = arith.shli %scan3A_268#23, %broadcast_in_dim3A_33 : vector<16xi32>
      %bitcast3A_331 = vector.bitcast %shift_left3A_330 : vector<16xi32> to vector<16xf32>
      %and3A_332 = arith.andi %scan3A_268#23, %broadcast_in_dim3A_31 : vector<16xi32>
      %bitcast3A_333 = vector.bitcast %and3A_332 : vector<16xi32> to vector<16xf32>
      tpu.vector_store_idx %arg6[%broadcast_in_dim3A_23, %scan3A_268#7], %bitcast3A_331 {add = true} : memref<4x10240xf32, #tpu.memory_space<vmem>>[vector<16xi32>, vector<16xi32>], vector<16xf32>,
      tpu.vector_store_idx %arg6[%broadcast_in_dim3A_27, %scan3A_268#7], %bitcast3A_333 {add = true} : memref<4x10240xf32, #tpu.memory_space<vmem>>[vector<16xi32>, vector<16xi32>], vector<16xf32>,
      %add3A_334 = arith.constant 2 : i32
      %add3A_335 = arith.addi %add3A_195, %add3A_334 : i32
      %lt3A_336 = arith.constant 20 : i32
      %lt3A_337 = arith.cmpi slt, %add3A_335, %lt3A_336 : i32
      %convert_element_type3A_338 = arith.extui %lt3A_337 : i1 to i32
      %cond3A_339 = arith.constant 0 : i32
      %cond3A_340 = arith.cmpi ne, %convert_element_type3A_338, %cond3A_339 : i32
      scf.if %cond3A_340 {
        %mul3A_342 = arith.constant 16000 : i32
        %mul3A_343 = arith.muli %add3A_335, %mul3A_342 : i32
        %add3A_344 = arith.constant 0 : i32
        %add3A_345 = arith.addi %add3A_344, %mul3A_343 : i32
        %multiple_of3A_346 = tpu.assume_multiple %add3A_345, 8 : i32
        %dma_start3A_347 = tpu.memref_slice %arg3[%multiple_of3A_346] : memref<320000xi32, #tpu.memory_space<hbm>> -> memref<16000xi32, #tpu.memory_space<hbm>>
        %dma_start3A_348 = tpu.memref_slice %arg3[%multiple_of3A_346] : memref<320000xi32, #tpu.memory_space<hbm>> -> memref<16000xi32, #tpu.memory_space<hbm>>
        tpu.enqueue_dma source(%dma_start3A_348 : memref<16000xi32, #tpu.memory_space<hbm>>) target(%arg8 : memref<16000xi32, #tpu.memory_space<vmem>>) target_semaphore(%arg10 : memref<!tpu.dma_semaphore, #tpu.memory_space<semaphore_mem>>)
      } else {
      }
      %scan3A_341 = arith.constant 0 : i32
      scf.yield %scan3A_341 : i32
    }
    %scan3A_47 = arith.constant 10 : i32
    "tpu.region"() ({
      %run_scoped3A = tpu.sem_alloc : memref<!tpu.dma_semaphore, #tpu.memory_space<semaphore_mem>>
      %dma_start3A_50 = arith.constant 0 : i32
      %dma_start3A_51 = arith.constant 0 : i32
      %dma_start3A_52 = tpu.memref_slice %arg6[%dma_start3A_50, %dma_start3A_51] : memref<4x10240xf32, #tpu.memory_space<vmem>> -> memref<2x10240xf32, #tpu.memory_space<vmem>>
      %dma_start3A_53 = arith.constant 0 : i32
      %dma_start3A_54 = tpu.memref_slice %arg4[%mul3A_2, %dma_start3A_53] : memref<128x10240xf32, #tpu.memory_space<hbm>> -> memref<2x10240xf32, #tpu.memory_space<hbm>>
      %dma_start3A_55 = arith.constant 0 : i32
      %dma_start3A_56 = tpu.memref_slice %arg4[%mul3A_2, %dma_start3A_55] : memref<128x10240xf32, #tpu.memory_space<hbm>> -> memref<2x10240xf32, #tpu.memory_space<hbm>>
      %dma_start3A_57 = arith.constant 0 : i32
      %dma_start3A_58 = arith.constant 0 : i32
      %dma_start3A_59 = tpu.memref_slice %arg6[%dma_start3A_57, %dma_start3A_58] : memref<4x10240xf32, #tpu.memory_space<vmem>> -> memref<2x10240xf32, #tpu.memory_space<vmem>>
      tpu.enqueue_dma source(%dma_start3A_59 : memref<2x10240xf32, #tpu.memory_space<vmem>>) target(%dma_start3A_56 : memref<2x10240xf32, #tpu.memory_space<hbm>>) target_semaphore(%run_scoped3A : memref<!tpu.dma_semaphore, #tpu.memory_space<semaphore_mem>>)
      %dma_wait3A_60 = arith.constant 0 : i32
      %dma_wait3A_61 = arith.constant 0 : i32
      %dma_wait3A_62 = tpu.memref_slice %arg6[%dma_wait3A_60, %dma_wait3A_61] : memref<4x10240xf32, #tpu.memory_space<vmem>> -> memref<2x10240xf32, #tpu.memory_space<vmem>>
      %dma_wait3A_63 = arith.constant 0 : i32
      %dma_wait3A_64 = tpu.memref_slice %arg4[%mul3A_2, %dma_wait3A_63] : memref<128x10240xf32, #tpu.memory_space<hbm>> -> memref<2x10240xf32, #tpu.memory_space<hbm>>
      %dma_wait3A_65 = arith.constant 0 : i32
      %dma_wait3A_66 = tpu.memref_slice %arg4[%mul3A_2, %dma_wait3A_65] : memref<128x10240xf32, #tpu.memory_space<hbm>> -> memref<2x10240xf32, #tpu.memory_space<hbm>>
      %dma_wait3A_67 = arith.constant 0 : i32
      %dma_wait3A_68 = arith.constant 0 : i32
      %dma_wait3A_69 = tpu.memref_slice %arg6[%dma_wait3A_67, %dma_wait3A_68] : memref<4x10240xf32, #tpu.memory_space<vmem>> -> memref<2x10240xf32, #tpu.memory_space<vmem>>
      tpu.wait_dma2 semaphore(%run_scoped3A : memref<!tpu.dma_semaphore, #tpu.memory_space<semaphore_mem>>) src(%dma_wait3A_69 : memref<2x10240xf32, #tpu.memory_space<vmem>>) dst(%dma_wait3A_66 : memref<2x10240xf32, #tpu.memory_space<hbm>>)
      tpu.yield
    }) : () -> ()
    %add3A_48 = arith.constant 64 : i32
    %add3A_49 = arith.addi %add3A_48, %mul3A_2 : i32
    "tpu.region"() ({
      %run_scoped3A = tpu.sem_alloc : memref<!tpu.dma_semaphore, #tpu.memory_space<semaphore_mem>>
      %dma_start3A_50 = arith.constant 2 : i32
      %dma_start3A_51 = arith.constant 0 : i32
      %dma_start3A_52 = tpu.memref_slice %arg6[%dma_start3A_50, %dma_start3A_51] : memref<4x10240xf32, #tpu.memory_space<vmem>> -> memref<2x10240xf32, #tpu.memory_space<vmem>>
      %dma_start3A_53 = arith.constant 0 : i32
      %dma_start3A_54 = tpu.memref_slice %arg4[%add3A_49, %dma_start3A_53] : memref<128x10240xf32, #tpu.memory_space<hbm>> -> memref<2x10240xf32, #tpu.memory_space<hbm>>
      %dma_start3A_55 = arith.constant 0 : i32
      %dma_start3A_56 = tpu.memref_slice %arg4[%add3A_49, %dma_start3A_55] : memref<128x10240xf32, #tpu.memory_space<hbm>> -> memref<2x10240xf32, #tpu.memory_space<hbm>>
      %dma_start3A_57 = arith.constant 2 : i32
      %dma_start3A_58 = arith.constant 0 : i32
      %dma_start3A_59 = tpu.memref_slice %arg6[%dma_start3A_57, %dma_start3A_58] : memref<4x10240xf32, #tpu.memory_space<vmem>> -> memref<2x10240xf32, #tpu.memory_space<vmem>>
      tpu.enqueue_dma source(%dma_start3A_59 : memref<2x10240xf32, #tpu.memory_space<vmem>>) target(%dma_start3A_56 : memref<2x10240xf32, #tpu.memory_space<hbm>>) target_semaphore(%run_scoped3A : memref<!tpu.dma_semaphore, #tpu.memory_space<semaphore_mem>>)
      %dma_wait3A_60 = arith.constant 2 : i32
      %dma_wait3A_61 = arith.constant 0 : i32
      %dma_wait3A_62 = tpu.memref_slice %arg6[%dma_wait3A_60, %dma_wait3A_61] : memref<4x10240xf32, #tpu.memory_space<vmem>> -> memref<2x10240xf32, #tpu.memory_space<vmem>>
      %dma_wait3A_63 = arith.constant 0 : i32
      %dma_wait3A_64 = tpu.memref_slice %arg4[%add3A_49, %dma_wait3A_63] : memref<128x10240xf32, #tpu.memory_space<hbm>> -> memref<2x10240xf32, #tpu.memory_space<hbm>>
      %dma_wait3A_65 = arith.constant 0 : i32
      %dma_wait3A_66 = tpu.memref_slice %arg4[%add3A_49, %dma_wait3A_65] : memref<128x10240xf32, #tpu.memory_space<hbm>> -> memref<2x10240xf32, #tpu.memory_space<hbm>>
      %dma_wait3A_67 = arith.constant 2 : i32
      %dma_wait3A_68 = arith.constant 0 : i32
      %dma_wait3A_69 = tpu.memref_slice %arg6[%dma_wait3A_67, %dma_wait3A_68] : memref<4x10240xf32, #tpu.memory_space<vmem>> -> memref<2x10240xf32, #tpu.memory_space<vmem>>
      tpu.wait_dma2 semaphore(%run_scoped3A : memref<!tpu.dma_semaphore, #tpu.memory_space<semaphore_mem>>) src(%dma_wait3A_69 : memref<2x10240xf32, #tpu.memory_space<vmem>>) dst(%dma_wait3A_66 : memref<2x10240xf32, #tpu.memory_space<hbm>>)
      tpu.yield
    }) : () -> ()
    return
  }
}

module attributes {stable_mosaic.version = 14 : i64} {
  func.func @_mm1_body(%arg0: i32, %arg1: memref<256x128xf32, #tpu.memory_space<vmem>>, %arg2: memref<128x2048xf32, #tpu.memory_space<vmem>>, %arg3: memref<32x2048xf32, #tpu.memory_space<vmem>>, %arg4: memref<128x2048xi32, #tpu.memory_space<vmem>>, %arg5: memref<2048xf32, #tpu.memory_space<vmem>>) attributes {dimension_semantics = [#tpu.dimension_semantics<arbitrary>], iteration_bounds = array<i64: 5>, scalar_prefetch = 0 : i64, scratch_operands = 0 : i64, tpu.core_type = #tpu.core_type<tc>, window_params = [{pipeline_mode = #tpu.pipeline_mode<synchronous>, transform_indices = @transform_0, window_bounds = array<i64: 256, 128>}, {transform_indices = @transform_1, window_bounds = array<i64: 128, 2048>}, {transform_indices = @transform_2, window_bounds = array<i64: 32, 2048>}, {transform_indices = @transform_3, window_bounds = array<i64: 128, 2048>}, {transform_indices = @transform_4, window_bounds = array<i64: 2048>}]} {
    %get3A = arith.constant 0 : index
    %get3A_0 = arith.constant 0 : index
    %get3A_1 = vector.load %arg3[%get3A, %get3A_0] : memref<32x2048xf32, #tpu.memory_space<vmem>>, vector<32x2048xf32>
    %reduce_sum3A = arith.constant dense<0.000000e+00> : vector<2048xf32>
    %reduce_sum3A_2 = vector.multi_reduction <add>, %get3A_1, %reduce_sum3A [0] : vector<32x2048xf32> to vector<2048xf32>
    %add3A = arith.constant 1.000000e+00 : f32
    %add3A_3 = vector.broadcast %add3A : f32 to vector<2048xf32>
    %add3A_4 = arith.addf %reduce_sum3A_2, %add3A_3 : vector<2048xf32>
    %sqrt3A = math.sqrt %add3A_4 : vector<2048xf32>
    %div3A = arith.constant 1.000000e+00 : f32
    %div3A_5 = vector.broadcast %div3A : f32 to vector<2048xf32>
    %div3A_6 = arith.divf %div3A_5, %sqrt3A : vector<2048xf32>
    %swap3A = arith.constant 0 : index
    %swap3A_7 = vector.load %arg5[%swap3A] : memref<2048xf32, #tpu.memory_space<vmem>>, vector<2048xf32>
    tpu.vector_store %arg5[%swap3A], %div3A_6 {strides = array<i32>} : memref<2048xf32, #tpu.memory_space<vmem>>, vector<2048xf32>,
    %get3A_8 = arith.constant 0 : index
    %get3A_9 = arith.constant 0 : index
    %get3A_10 = vector.load %arg1[%get3A_8, %get3A_9] : memref<256x128xf32, #tpu.memory_space<vmem>>, vector<256x128xf32>
    %get3A_11 = arith.constant 0 : index
    %get3A_12 = arith.constant 0 : index
    %get3A_13 = vector.load %arg2[%get3A_11, %get3A_12] : memref<128x2048xf32, #tpu.memory_space<vmem>>, vector<128x2048xf32>
    %dot_general3A = arith.constant dense<0.000000e+00> : vector<256x2048xf32>
    %dot_general3A_14 = tpu.matmul %get3A_10, %get3A_13, %dot_general3A {dimension_numbers = #tpu.dot_dimension_numbers<[1], [0], [0], [1], [0, 0, 1, 1], [], []>, precision = #tpu.contract_precision<fp32>, transpose_lhs_hint = false} : vector<256x128xf32>, vector<128x2048xf32>, vector<256x2048xf32> -> vector<256x2048xf32>
    %broadcast_in_dim3A = vector.shape_cast %div3A_6 : vector<2048xf32> to vector<1x2048xf32>
    %mul3A = vector.broadcast %broadcast_in_dim3A : vector<1x2048xf32> to vector<256x2048xf32>
    %mul3A_15 = arith.mulf %dot_general3A_14, %mul3A : vector<256x2048xf32>
    %slice3A = vector.extract_strided_slice %mul3A_15 {offsets = [0, 0], sizes = [128, 2048], strides = [1, 1]} : vector<256x2048xf32> to vector<128x2048xf32>
    %convert_element_type3A = arith.truncf %slice3A : vector<128x2048xf32> to vector<128x2048xbf16>
    %bitcast_convert_type3A = tpu.bitcast %convert_element_type3A : vector<128x2048xbf16> -> vector<128x2048xi16>
    %convert_element_type3A_16 = arith.extui %bitcast_convert_type3A : vector<128x2048xi16> to vector<128x2048xi32>
    %slice3A_17 = vector.extract_strided_slice %mul3A_15 {offsets = [128, 0], sizes = [128, 2048], strides = [1, 1]} : vector<256x2048xf32> to vector<128x2048xf32>
    %convert_element_type3A_18 = arith.truncf %slice3A_17 : vector<128x2048xf32> to vector<128x2048xbf16>
    %bitcast_convert_type3A_19 = tpu.bitcast %convert_element_type3A_18 : vector<128x2048xbf16> -> vector<128x2048xi16>
    %convert_element_type3A_20 = arith.extui %bitcast_convert_type3A_19 : vector<128x2048xi16> to vector<128x2048xi32>
    %shift_left3A = arith.constant 16 : i32
    %shift_left3A_21 = vector.broadcast %shift_left3A : i32 to vector<128x2048xi32>
    %shift_left3A_22 = arith.shli %convert_element_type3A_20, %shift_left3A_21 : vector<128x2048xi32>
    %or3A = arith.ori %convert_element_type3A_16, %shift_left3A_22 : vector<128x2048xi32>
    %bitcast_convert_type3A_23 = tpu.bitcast %or3A : vector<128x2048xi32> -> vector<128x2048xi32>
    %swap3A_24 = arith.constant 0 : index
    %swap3A_25 = arith.constant 0 : index
    %swap3A_26 = vector.load %arg4[%swap3A_24, %swap3A_25] : memref<128x2048xi32, #tpu.memory_space<vmem>>, vector<128x2048xi32>
    tpu.vector_store %arg4[%swap3A_24, %swap3A_25], %bitcast_convert_type3A_23 {strides = array<i32>} : memref<128x2048xi32, #tpu.memory_space<vmem>>, vector<128x2048xi32>,
    return
  }
  func.func @transform_0(%arg0: i32) -> (i32, i32) {
    %c0_i32 = arith.constant 0 : i32
    %c0_i32_0 = arith.constant 0 : i32
    %c0_i32_1 = arith.constant 0 : i32
    return %c0_i32, %c0_i32_0 : i32, i32
  }
  func.func @transform_1(%arg0: i32) -> (i32, i32) {
    %c0_i32 = arith.constant 0 : i32
    %c0_i32_0 = arith.constant 0 : i32
    return %c0_i32, %arg0 : i32, i32
  }
  func.func @transform_2(%arg0: i32) -> (i32, i32) {
    %c0_i32 = arith.constant 0 : i32
    %c0_i32_0 = arith.constant 0 : i32
    return %c0_i32, %arg0 : i32, i32
  }
  func.func @transform_3(%arg0: i32) -> (i32, i32) {
    %c0_i32 = arith.constant 0 : i32
    %c0_i32_0 = arith.constant 0 : i32
    return %c0_i32, %arg0 : i32, i32
  }
  func.func @transform_4(%arg0: i32) -> i32 {
    %c0_i32 = arith.constant 0 : i32
    return %arg0 : i32
  }
}

module attributes {stable_mosaic.version = 14 : i64} {
  func.func @_bnmm_body(%arg0: memref<256x10240xf32, #tpu.memory_space<vmem>>, %arg1: memref<128x10240xi32, #tpu.memory_space<vmem>>, %arg2: memref<10240xf32, #tpu.memory_space<vmem>>, %arg3: memref<256xf32, #tpu.memory_space<vmem>>, %arg4: memref<256xf32, #tpu.memory_space<vmem>>, %arg5: memref<256xf32, #tpu.memory_space<vmem>>, %arg6: memref<128x256xf32, #tpu.memory_space<vmem>>, %arg7: memref<64x10240xi32, #tpu.memory_space<vmem>>) attributes {dimension_semantics = [], scalar_prefetch = 0 : i64, scratch_operands = 0 : i64, tpu.core_type = #tpu.core_type<tc>} {
    %get3A = arith.constant 0 : index
    %get3A_0 = arith.constant 0 : index
    %get3A_1 = vector.load %arg1[%get3A, %get3A_0] : memref<128x10240xi32, #tpu.memory_space<vmem>>, vector<128x10240xi32>
    %bitcast_convert_type3A = tpu.bitcast %get3A_1 : vector<128x10240xi32> -> vector<128x10240xi32>
    %shift_left3A = arith.constant 16 : i32
    %shift_left3A_2 = vector.broadcast %shift_left3A : i32 to vector<128x10240xi32>
    %shift_left3A_3 = arith.shli %bitcast_convert_type3A, %shift_left3A_2 : vector<128x10240xi32>
    %bitcast_convert_type3A_4 = tpu.bitcast %shift_left3A_3 : vector<128x10240xi32> -> vector<128x10240xf32>
    %and3A = arith.constant -65536 : i32
    %and3A_5 = vector.broadcast %and3A : i32 to vector<128x10240xi32>
    %and3A_6 = arith.andi %bitcast_convert_type3A, %and3A_5 : vector<128x10240xi32>
    %bitcast_convert_type3A_7 = tpu.bitcast %and3A_6 : vector<128x10240xi32> -> vector<128x10240xf32>
    %concatenate3A = tpu.concatenate %bitcast_convert_type3A_4, %bitcast_convert_type3A_7 in 0 : vector<128x10240xf32>, vector<128x10240xf32> -> vector<256x10240xf32>
    %get3A_8 = arith.constant 0 : index
    %get3A_9 = vector.load %arg2[%get3A_8] : memref<10240xf32, #tpu.memory_space<vmem>>, vector<10240xf32>
    %broadcast_in_dim3A = vector.shape_cast %get3A_9 : vector<10240xf32> to vector<1x10240xf32>
    %get3A_10 = arith.constant 0 : index
    %get3A_11 = arith.constant 0 : index
    %get3A_12 = vector.load %arg0[%get3A_10, %get3A_11] : memref<256x10240xf32, #tpu.memory_space<vmem>>, vector<256x10240xf32>
    %add3A = arith.addf %get3A_12, %concatenate3A : vector<256x10240xf32>
    %mul3A = vector.broadcast %broadcast_in_dim3A : vector<1x10240xf32> to vector<256x10240xf32>
    %mul3A_13 = arith.mulf %mul3A, %add3A : vector<256x10240xf32>
    %get3A_14 = arith.constant 0 : index
    %get3A_15 = vector.load %arg3[%get3A_14] : memref<256xf32, #tpu.memory_space<vmem>>, vector<256xf32>
    %broadcast_in_dim3A_16 = vector.shape_cast %get3A_15 : vector<256xf32> to vector<256x1xf32>
    %add3A_17 = vector.broadcast %broadcast_in_dim3A_16 : vector<256x1xf32> to vector<256x10240xf32>
    %add3A_18 = arith.addf %mul3A_13, %add3A_17 : vector<256x10240xf32>
    %iota3A = tpu.iota {dimensions = array<i32: 1>} : vector<256x10240xi32>
    %lt3A = arith.constant 10000 : i32
    %lt3A_19 = vector.broadcast %lt3A : i32 to vector<256x10240xi32>
    %lt3A_20 = arith.cmpi slt, %iota3A, %lt3A_19 : vector<256x10240xi32>
    %convert_element_type3A = arith.extui %lt3A_20 : vector<256x10240xi1> to vector<256x10240xi32>
    %convert_element_type3A_21 = arith.sitofp %convert_element_type3A : vector<256x10240xi32> to vector<256x10240xf32>
    %mul3A_22 = arith.mulf %add3A_18, %convert_element_type3A_21 : vector<256x10240xf32>
    %reduce_sum3A = arith.constant dense<0.000000e+00> : vector<256xf32>
    %reduce_sum3A_23 = vector.multi_reduction <add>, %mul3A_22, %reduce_sum3A [1] : vector<256x10240xf32> to vector<256xf32>
    %mul3A_24 = arith.mulf %mul3A_22, %mul3A_22 : vector<256x10240xf32>
    %reduce_sum3A_25 = arith.constant dense<0.000000e+00> : vector<256xf32>
    %reduce_sum3A_26 = vector.multi_reduction <add>, %mul3A_24, %reduce_sum3A_25 [1] : vector<256x10240xf32> to vector<256xf32>
    %div3A = arith.constant 1.000000e+04 : f32
    %div3A_27 = vector.broadcast %div3A : f32 to vector<256xf32>
    %div3A_28 = arith.divf %reduce_sum3A_23, %div3A_27 : vector<256xf32>
    %div3A_29 = arith.constant 1.000000e+04 : f32
    %div3A_30 = vector.broadcast %div3A_29 : f32 to vector<256xf32>
    %div3A_31 = arith.divf %reduce_sum3A_26, %div3A_30 : vector<256xf32>
    %mul3A_32 = arith.mulf %div3A_28, %div3A_28 : vector<256xf32>
    %sub3A = arith.subf %div3A_31, %mul3A_32 : vector<256xf32>
    %add3A_33 = arith.constant 9.99999974E-6 : f32
    %add3A_34 = vector.broadcast %add3A_33 : f32 to vector<256xf32>
    %add3A_35 = arith.addf %sub3A, %add3A_34 : vector<256xf32>
    %sqrt3A = math.sqrt %add3A_35 : vector<256xf32>
    %div3A_36 = arith.constant 1.000000e+00 : f32
    %div3A_37 = vector.broadcast %div3A_36 : f32 to vector<256xf32>
    %div3A_38 = arith.divf %div3A_37, %sqrt3A : vector<256xf32>
    %broadcast_in_dim3A_39 = vector.shape_cast %div3A_28 : vector<256xf32> to vector<256x1xf32>
    %sub3A_40 = vector.broadcast %broadcast_in_dim3A_39 : vector<256x1xf32> to vector<256x10240xf32>
    %sub3A_41 = arith.subf %add3A_18, %sub3A_40 : vector<256x10240xf32>
    %broadcast_in_dim3A_42 = vector.shape_cast %div3A_38 : vector<256xf32> to vector<256x1xf32>
    %mul3A_43 = vector.broadcast %broadcast_in_dim3A_42 : vector<256x1xf32> to vector<256x10240xf32>
    %mul3A_44 = arith.mulf %sub3A_41, %mul3A_43 : vector<256x10240xf32>
    %get3A_45 = arith.constant 0 : index
    %get3A_46 = vector.load %arg4[%get3A_45] : memref<256xf32, #tpu.memory_space<vmem>>, vector<256xf32>
    %broadcast_in_dim3A_47 = vector.shape_cast %get3A_46 : vector<256xf32> to vector<256x1xf32>
    %mul3A_48 = vector.broadcast %broadcast_in_dim3A_47 : vector<256x1xf32> to vector<256x10240xf32>
    %mul3A_49 = arith.mulf %mul3A_44, %mul3A_48 : vector<256x10240xf32>
    %get3A_50 = arith.constant 0 : index
    %get3A_51 = vector.load %arg5[%get3A_50] : memref<256xf32, #tpu.memory_space<vmem>>, vector<256xf32>
    %broadcast_in_dim3A_52 = vector.shape_cast %get3A_51 : vector<256xf32> to vector<256x1xf32>
    %add3A_53 = vector.broadcast %broadcast_in_dim3A_52 : vector<256x1xf32> to vector<256x10240xf32>
    %add3A_54 = arith.addf %mul3A_49, %add3A_53 : vector<256x10240xf32>
    %max3A = arith.constant 0.000000e+00 : f32
    %max3A_55 = vector.broadcast %max3A : f32 to vector<256x10240xf32>
    %max3A_56 = arith.maximumf %add3A_54, %max3A_55 : vector<256x10240xf32>
    %get3A_57 = arith.constant 0 : index
    %get3A_58 = arith.constant 0 : index
    %get3A_59 = vector.load %arg6[%get3A_57, %get3A_58] : memref<128x256xf32, #tpu.memory_space<vmem>>, vector<128x256xf32>
    %dot_general3A = arith.constant dense<0.000000e+00> : vector<128x10240xf32>
    %dot_general3A_60 = tpu.matmul %get3A_59, %max3A_56, %dot_general3A {dimension_numbers = #tpu.dot_dimension_numbers<[1], [0], [0], [1], [0, 0, 1, 1], [], []>, precision = #tpu.contract_precision<fp32>, transpose_lhs_hint = false} : vector<128x256xf32>, vector<256x10240xf32>, vector<128x10240xf32> -> vector<128x10240xf32>
    %broadcast_in_dim3A_61 = vector.shape_cast %get3A_9 : vector<10240xf32> to vector<1x10240xf32>
    %mul3A_62 = vector.broadcast %broadcast_in_dim3A_61 : vector<1x10240xf32> to vector<128x10240xf32>
    %mul3A_63 = arith.mulf %dot_general3A_60, %mul3A_62 : vector<128x10240xf32>
    %slice3A = vector.extract_strided_slice %mul3A_63 {offsets = [0, 0], sizes = [64, 10240], strides = [1, 1]} : vector<128x10240xf32> to vector<64x10240xf32>
    %convert_element_type3A_64 = arith.truncf %slice3A : vector<64x10240xf32> to vector<64x10240xbf16>
    %bitcast_convert_type3A_65 = tpu.bitcast %convert_element_type3A_64 : vector<64x10240xbf16> -> vector<64x10240xi16>
    %convert_element_type3A_66 = arith.extui %bitcast_convert_type3A_65 : vector<64x10240xi16> to vector<64x10240xi32>
    %slice3A_67 = vector.extract_strided_slice %mul3A_63 {offsets = [64, 0], sizes = [64, 10240], strides = [1, 1]} : vector<128x10240xf32> to vector<64x10240xf32>
    %convert_element_type3A_68 = arith.truncf %slice3A_67 : vector<64x10240xf32> to vector<64x10240xbf16>
    %bitcast_convert_type3A_69 = tpu.bitcast %convert_element_type3A_68 : vector<64x10240xbf16> -> vector<64x10240xi16>
    %convert_element_type3A_70 = arith.extui %bitcast_convert_type3A_69 : vector<64x10240xi16> to vector<64x10240xi32>
    %shift_left3A_71 = arith.constant 16 : i32
    %shift_left3A_72 = vector.broadcast %shift_left3A_71 : i32 to vector<64x10240xi32>
    %shift_left3A_73 = arith.shli %convert_element_type3A_70, %shift_left3A_72 : vector<64x10240xi32>
    %or3A = arith.ori %convert_element_type3A_66, %shift_left3A_73 : vector<64x10240xi32>
    %bitcast_convert_type3A_74 = tpu.bitcast %or3A : vector<64x10240xi32> -> vector<64x10240xi32>
    %swap3A = arith.constant 0 : index
    %swap3A_75 = arith.constant 0 : index
    %swap3A_76 = vector.load %arg7[%swap3A, %swap3A_75] : memref<64x10240xi32, #tpu.memory_space<vmem>>, vector<64x10240xi32>
    tpu.vector_store %arg7[%swap3A, %swap3A_75], %bitcast_convert_type3A_74 {strides = array<i32>} : memref<64x10240xi32, #tpu.memory_space<vmem>>, vector<64x10240xi32>,
    return
  }
}

module attributes {stable_mosaic.version = 14 : i64} {
  func.func @_final_body(%arg0: i32, %arg1: memref<128x2048xf32, #tpu.memory_space<vmem>>, %arg2: memref<64x2048xi32, #tpu.memory_space<vmem>>, %arg3: memref<2048xf32, #tpu.memory_space<vmem>>, %arg4: memref<128xf32, #tpu.memory_space<vmem>>, %arg5: memref<2048x128xf32, #tpu.memory_space<vmem>>) attributes {dimension_semantics = [#tpu.dimension_semantics<arbitrary>], iteration_bounds = array<i64: 5>, scalar_prefetch = 0 : i64, scratch_operands = 0 : i64, tpu.core_type = #tpu.core_type<tc>, window_params = [{transform_indices = @transform_0, window_bounds = array<i64: 128, 2048>}, {transform_indices = @transform_1, window_bounds = array<i64: 64, 2048>}, {transform_indices = @transform_2, window_bounds = array<i64: 2048>}, {pipeline_mode = #tpu.pipeline_mode<synchronous>, transform_indices = @transform_3, window_bounds = array<i64: 128>}, {transform_indices = @transform_4, window_bounds = array<i64: 2048, 128>}]} {
    %get3A = arith.constant 0 : index
    %get3A_0 = arith.constant 0 : index
    %get3A_1 = vector.load %arg2[%get3A, %get3A_0] : memref<64x2048xi32, #tpu.memory_space<vmem>>, vector<64x2048xi32>
    %bitcast_convert_type3A = tpu.bitcast %get3A_1 : vector<64x2048xi32> -> vector<64x2048xi32>
    %shift_left3A = arith.constant 16 : i32
    %shift_left3A_2 = vector.broadcast %shift_left3A : i32 to vector<64x2048xi32>
    %shift_left3A_3 = arith.shli %bitcast_convert_type3A, %shift_left3A_2 : vector<64x2048xi32>
    %bitcast_convert_type3A_4 = tpu.bitcast %shift_left3A_3 : vector<64x2048xi32> -> vector<64x2048xf32>
    %and3A = arith.constant -65536 : i32
    %and3A_5 = vector.broadcast %and3A : i32 to vector<64x2048xi32>
    %and3A_6 = arith.andi %bitcast_convert_type3A, %and3A_5 : vector<64x2048xi32>
    %bitcast_convert_type3A_7 = tpu.bitcast %and3A_6 : vector<64x2048xi32> -> vector<64x2048xf32>
    %concatenate3A = tpu.concatenate %bitcast_convert_type3A_4, %bitcast_convert_type3A_7 in 0 : vector<64x2048xf32>, vector<64x2048xf32> -> vector<128x2048xf32>
    %get3A_8 = arith.constant 0 : index
    %get3A_9 = vector.load %arg3[%get3A_8] : memref<2048xf32, #tpu.memory_space<vmem>>, vector<2048xf32>
    %broadcast_in_dim3A = vector.shape_cast %get3A_9 : vector<2048xf32> to vector<1x2048xf32>
    %get3A_10 = arith.constant 0 : index
    %get3A_11 = arith.constant 0 : index
    %get3A_12 = vector.load %arg1[%get3A_10, %get3A_11] : memref<128x2048xf32, #tpu.memory_space<vmem>>, vector<128x2048xf32>
    %add3A = arith.addf %get3A_12, %concatenate3A : vector<128x2048xf32>
    %mul3A = vector.broadcast %broadcast_in_dim3A : vector<1x2048xf32> to vector<128x2048xf32>
    %mul3A_13 = arith.mulf %mul3A, %add3A : vector<128x2048xf32>
    %get3A_14 = arith.constant 0 : index
    %get3A_15 = vector.load %arg4[%get3A_14] : memref<128xf32, #tpu.memory_space<vmem>>, vector<128xf32>
    %broadcast_in_dim3A_16 = vector.shape_cast %get3A_15 : vector<128xf32> to vector<128x1xf32>
    %add3A_17 = vector.broadcast %broadcast_in_dim3A_16 : vector<128x1xf32> to vector<128x2048xf32>
    %add3A_18 = arith.addf %mul3A_13, %add3A_17 : vector<128x2048xf32>
    %transpose3A = tpu.transpose %add3A_18, [1, 0] : vector<128x2048xf32> -> vector<2048x128xf32>
    %swap3A = arith.constant 0 : index
    %swap3A_19 = arith.constant 0 : index
    %swap3A_20 = vector.load %arg5[%swap3A, %swap3A_19] : memref<2048x128xf32, #tpu.memory_space<vmem>>, vector<2048x128xf32>
    tpu.vector_store %arg5[%swap3A, %swap3A_19], %transpose3A {strides = array<i32>} : memref<2048x128xf32, #tpu.memory_space<vmem>>, vector<2048x128xf32>,
    return
  }
  func.func @transform_0(%arg0: i32) -> (i32, i32) {
    %c0_i32 = arith.constant 0 : i32
    %c0_i32_0 = arith.constant 0 : i32
    return %c0_i32, %arg0 : i32, i32
  }
  func.func @transform_1(%arg0: i32) -> (i32, i32) {
    %c0_i32 = arith.constant 0 : i32
    %c0_i32_0 = arith.constant 0 : i32
    return %c0_i32, %arg0 : i32, i32
  }
  func.func @transform_2(%arg0: i32) -> i32 {
    %c0_i32 = arith.constant 0 : i32
    return %arg0 : i32
  }
  func.func @transform_3(%arg0: i32) -> i32 {
    %c0_i32 = arith.constant 0 : i32
    %c0_i32_0 = arith.constant 0 : i32
    return %c0_i32 : i32
  }
  func.func @transform_4(%arg0: i32) -> (i32, i32) {
    %c0_i32 = arith.constant 0 : i32
    %c0_i32_0 = arith.constant 0 : i32
    return %arg0, %c0_i32 : i32, i32
  }
}

</mosaic_0001>

<sc_bundles>
// kernel: kernel.11.cloned.1.call-start
scs
__scs_entry_jumppad:
0x0: {  	(pc) =	sbr.rel $0x88, $3  }
0x1: {  	(tag) =	ssettag $0x0;
	lr =	simm.s32 $0x1  }
0x2: {  	[smem:$0x3F99] =	sst lr;
	_ =	strace $0xD0000000  }
0x3: {  	_ = 	snop  }
0x4: {  	_ = 	snop  }
0x5: {  	_ = 	snop  }
0x6: {  	_ = 	snop  }
0x7: {  	_ = 	snop  }
__scs_overlays_trampoline_lowered:
0x8: {  	[smem:$0x3FA8] =	sst s0  }
0x9: {  	[smem:$0x3FA9] =	sst s1  }
0xa: {  	[smem:$0x3FAA] =	sst s2  }
0xb: {  	[smem:$0x3FAB] =	sst s3  }
0xc: {  	[smem:$0x3FAC] =	sst s4  }
0xd: {  	[smem:$0x3FAD] =	sst s5  }
0xe: {  	[smem:$0x3FAE] =	sst s6  }
0xf: {  	[smem:$0x3FAF] =	sst s7  }
0x10: {  	[smem:$0x3FB0] =	sst s8  }
0x11: {  	[smem:$0x3FB1] =	sst s9;
	s0 =	simm.s32 @!p0 $0x0  }
0x12: {  	s1 =	sld [smem:$0x3F97];
	s0 =	simm.s32 @p0 $0x1  }
0x13: {  	[smem:$0x3FB2] =	sst s0;
	s0 =	simm.s32 @!p1 $0x0  }
0x14: {  	s2 =	sld [smem:$0x3F96];
	s0 =	simm.s32 @p1 $0x1  }
0x15: {  	[smem:$0x3FB3] =	sst s0;
	s0 =	simm.s32 @!p2 $0x0  }
0x16: {  	s3 =	sld [smem:$0x3FDB];
	s0 =	simm.s32 @p2 $0x1  }
0x17: {  	s4 =	simm.s32 $0x1BF5;
	[smem:$0x3FB5] =	sst s0  }
0x18: {  	s0 =	sld [smem:$0x3F98];
	_ =	swait.ge [sflag:s4], $0x0  }
0x19: {  	s7 =	sld [smem:$0x3F99]  }
0x1a: {  	s8 =	sadd.s32 $0xFFFFE003, lr  }
0x1b: {  	s9 =	sadd.s32 $0xFFFFFEF7, lr;
	s5 =	simm.s32 $0xFFFFFFFF;
	p2 =	slt.u32 s8, $0xFFFFF086  }
0x1c: {  	p1 =	slt.u32 s9, $0xF7A;
	s5 =	simm.s32 @!p2 $0x0  }
0x1d: {  	s5 =	simm.s32 @p1 $0x1;
	p0 =	seq.s32 s7, s2  }
0x1e: {  	s7 =	smul.u32 @!p0 $0xF7A, s2;
	p2 =	seq.s32 @!p0 s5, $0x0  }
0x1f: {  	s9 =	smul.u32 $0xF7A, s1;
	s8 =	simm.s32 @!p0 $0x1BF5;
	p2 =	por !p2, p0  }
0x20: {  	[sflag:s8] =	ssyncset.s32 @!p0 $0xFFFFF086;
	s6 =	sadd.s32 @!p0 s3, s7;
	s7 =	simm.s32 @!p0 $0x108  }
0x21: {  	s3 =	sadd.s32 s3, s9;
	s6 =	sadd.s32 @!p0 $0x88, s6;
	s7 =	simm.s32 @p2 $0x1082  }
0x22: {  	[simem:s7], [sflag:s8] =	dma.local @!p0 [hbm:s6], $0xF7A  }
0x23: {  	s9 =	sor.u32 $0xD0000000, s2;
	s6 =	simm.s32 $0x108;
	_ =	swait.ge @!p0 [sflag:s8], $0x0  }
0x24: {  	s3 =	sadd.s32 $0x88, s3;
	s6 =	simm.s32 @!p1 $0x1082;
	[sflag:s4] =	ssyncset.s32 $0xFFFFF086  }
0x25: {  	[simem:s6], [sflag:s4] =	dma.local [hbm:s3], $0xF7A  }
0x26: {  	[smem:$0x3F99] =	sst s1;
	(tag) =	ssettag s2;
	_ =	strace s9  }
0x27: {  	s1 =	sld [smem:$0x3FA9]  }
0x28: {  	s2 =	sld [smem:$0x3FAA]  }
0x29: {  	s4 =	sld [smem:$0x3FAC]  }
0x2a: {  	p0 =	seq.s32 s5, $0x0;
	s5 =	sld [smem:$0x3FAD]  }
0x2b: {  	s6 =	sld [smem:$0x3FAE]  }
0x2c: {  	s7 =	sld [smem:$0x3FAF]  }
0x2d: {  	s3 =	simm.s32 $0x108;
	s8 =	sld [smem:$0x3FB0]  }
0x2e: {  	s3 =	simm.s32 @!p0 $0x1082;
	s9 =	sld [smem:$0x3FB1]  }
0x2f: {  	lr =	sadd.s32 s0, s3;
	s0 =	sld [smem:$0x3FA8]  }
0x30: {  	s3 =	sld [smem:$0x3FAB]  }
0x31: {  	[smem:$0x3FB4] =	sst s10  }
0x32: {  	s10 =	sld [smem:$0x3FB2];
	_ =	sdelay $0x3  }
0x33: {  	p0 =	seq.s32 s10, $0x1;
	s10 =	sld [smem:$0x3FB4];
	_ =	sdelay $0x3  }
0x34: {  	[smem:$0x3FB4] =	sst s10  }
0x35: {  	s10 =	sld [smem:$0x3FB3];
	_ =	sdelay $0x3  }
0x36: {  	p1 =	seq.s32 s10, $0x1;
	s10 =	sld [smem:$0x3FB4];
	_ =	sdelay $0x3  }
0x37: {  	[smem:$0x3FB4] =	sst s10  }
0x38: {  	s10 =	sld [smem:$0x3FB5]  }
0x39: {  	_ = 	snop;
	(pc) =	sbr.ind lr, $3  }
0x3a: {  	_ = 	snop  }
0x3b: {  	_ = 	snop  }
0x3c: {  	p2 =	seq.s32 s10, $0x1;
	s10 =	sld [smem:$0x3FB4]  }
0x3d: {  	_ =	shalt  }
0x3e: {  	_ =	shalt  }
0x3f: {  	_ =	shalt  }
0x40: {  	_ =	shalt  }
0x41: {  	_ =	shalt  }
0x42: {  	_ =	shalt  }
0x43: {  	_ =	shalt  }
0x44: {  	_ =	shalt  }
0x45: {  	_ =	shalt  }
0x46: {  	_ =	shalt  }
0x47: {  	_ =	shalt  }
0x48: {  	_ =	shalt  }
0x49: {  	_ =	shalt  }
0x4a: {  	_ =	shalt  }
0x4b: {  	_ =	shalt  }
0x4c: {  	_ =	shalt  }
0x4d: {  	_ =	shalt  }
0x4e: {  	_ =	shalt  }
0x4f: {  	_ =	shalt  }
0x50: {  	_ =	shalt  }
0x51: {  	_ =	shalt  }
0x52: {  	_ =	shalt  }
0x53: {  	_ =	shalt  }
0x54: {  	_ =	shalt  }
0x55: {  	_ =	shalt  }
0x56: {  	_ =	shalt  }
0x57: {  	_ =	shalt  }
0x58: {  	_ =	shalt  }
0x59: {  	_ =	shalt  }
0x5a: {  	_ =	shalt  }
0x5b: {  	_ =	shalt  }
0x5c: {  	_ =	shalt  }
0x5d: {  	_ =	shalt  }
0x5e: {  	_ =	shalt  }
0x5f: {  	_ =	shalt  }
0x60: {  	_ =	shalt  }
0x61: {  	_ =	shalt  }
0x62: {  	_ =	shalt  }
0x63: {  	_ =	shalt  }
0x64: {  	_ =	shalt  }
0x65: {  	_ =	shalt  }
0x66: {  	_ =	shalt  }
0x67: {  	_ =	shalt  }
0x68: {  	_ =	shalt  }
0x69: {  	_ =	shalt  }
0x6a: {  	_ =	shalt  }
0x6b: {  	_ =	shalt  }
0x6c: {  	_ =	shalt  }
0x6d: {  	_ =	shalt  }
0x6e: {  	_ =	shalt  }
0x6f: {  	_ =	shalt  }
0x70: {  	_ =	shalt  }
0x71: {  	_ =	shalt  }
0x72: {  	_ =	shalt  }
0x73: {  	_ =	shalt  }
0x74: {  	_ =	shalt  }
0x75: {  	_ =	shalt  }
0x76: {  	_ =	shalt  }
0x77: {  	_ =	shalt  }
0x78: {  	_ =	shalt  }
0x79: {  	_ =	shalt  }
0x7a: {  	_ =	shalt  }
0x7b: {  	_ =	shalt  }
0x7c: {  	_ =	shalt  }
0x7d: {  	_ =	shalt  }
0x7e: {  	_ =	shalt  }
0x7f: {  	_ =	shalt  }
0x80: {  	_ =	shalt  }
0x81: {  	_ =	shalt  }
0x82: {  	_ =	shalt  }
0x83: {  	_ =	shalt  }
0x84: {  	_ =	shalt  }
0x85: {  	_ =	shalt  }
0x86: {  	_ =	shalt  }
0x87: {  	_ =	shalt  }
.Lfunc_end0:
.L_simem_size_0:
called_computation.1_lowered:
.L_overlay_start_0:
0x88: {  	s2 =	sld [smem:$0x3FD9]  }
0x89: {  	s3 =	sld [smem:$0x3FFE];
	_ =	sdelay $0x1  }
0x8a: {  	s1 =	srdreg.scid  }
0x8b: {  	s0 =	sand.u32 $0x1, s1  }
0x8c: {  	s16 =	sshll.u32 s0, $0xA;
	s2 =	sadd.s32 s3, s2  }
0x8d: {  	s2 =	sadd.s32 s2, s16  }
0x8e: {  	[smem:$0x3FC0] =	sst s2  }
0x8f: {  	_ = 	snop  }
0x90: {  	(tm) =	ssettm $0x1  }
0x91: {  	s17 =	sld [smem:$0x3FFB];
	_ =	sdelay $0x3  }
0x92: {  	_ =	strace s17  }
0x93: {  	s2 =	sld [smem:$0x3FFC];
	_ =	sdelay $0x3  }
0x94: {  	_ =	strace s2  }
0x95: {  	s2 =	sld [smem:$0x3FFD];
	_ =	sdelay $0x3  }
0x96: {  	_ =	strace s2  }
0x97: {  	_ =	strace $0x8FFFFFFF  }
0x98: {  	s18 =	sld [smem:$0x3FDB];
	_ =	sdelay $0x1  }
0x99: {  	s19 =	simm.s32 $_scs_section_size  }
0x9a: {  	s4 =	simm.s32 $_size__tile_overlayer_lowered;
	s5 =	simm.s32 $_tile_overlayer_lowered  }
0x9b: {  	s22 =	simm.s32 $0x1BFF;
	s21 =	sshll.u32 s5, $0x1;
	s2 =	sadd.s32 s19, s18  }
0x9c: {  	s6 =	simm.s32 $0x0;
	s20 =	sshll.u32 s4, $0x1;
	s4 =	sadd.s32 s21, s2  }
0x9d: {  	[timem:s6], [sflag:s22] =	dma.local [hbm:s4], s20  }
0x9e: {  	_ =	swait.ge [sflag:s22], s20  }
0x9f: {  	s3 =	ssub.s32 $0x0, s20;
	[sflag:s22] =	ssyncset.done $0x0  }
0xa0: {  	[sflag:s22] =	ssyncadd.s32 s3;
	_ =	sdelay $0x1  }
0xa1: {  	s23 =	simm.s32 $0x1B8B  }
0xa2: {  	_ =	swait.ge [sflag:s23], $0x1  }
0xa3: {  	[sflag:s23] =	ssyncset.done $0x0  }
0xa4: {  	s25 =	simm.s32 $0x1B8E;
	s24 =	sld [smem:$0x3FFE];
	[sflag:s23] =	ssyncadd.s32 $0xFFFFFFFF  }
0xa5: {  	s26 =	simm.s32 $execute0_lowered;
	[smem:$0x3FD2] =	sst s25  }
0xa6: {  	s4 =	sshll.u32 s26, $0x1;
	_ =	strace $0x80000049;
	[dreg:$0x1] =	wrdreg $0xFFFFFFFF  }
0xa7: {  	s28 =	simm.s32 $_size_execute0_lowered;
	s2 =	sadd.s32 s2, s4;
	[dreg:$0x0] =	wrdreg $0x0  }
0xa8: {  	s4 =	sshll.u32 s28, $0x1;
	[dreg:$0x2] =	wrdreg s2  }
0xa9: {  	[dreg:$0x3] =	wrdreg s4  }
0xaa: {  	[dreg:$0x4] =	wrdreg $0xC0  }
0xab: {  	_ =	task [dreg:s6], $0x5FFFF  }
0xac: {  	[dreg:$0x1] =	wrdreg $0xFFFFFFFF  }
0xad: {  	[dreg:$0x0] =	wrdreg $0x60  }
0xae: {  	[dreg:$0x2] =	wrdreg s24  }
0xaf: {  	[dreg:$0x3] =	wrdreg $0x9  }
0xb0: {  	_ =	task.clear_ibuf [dreg:s6], $0x4FFFF;
	_ =	strace $0x90000049  }
0xb1: {  	s29 =	simm.s32 $0x9;
	_ =	strace $0x8000004B  }
0xb2: {  	_ =	swait.ge [sflag:s29], $0x1  }
0xb3: {  	[sflag:s29] =	ssyncadd.s32 $0xFFFFFFFF  }
0xb4: {  	_ =	strace $0x9000004B  }
0xb5: {  	_ =	sfence  }
0xb6: {  	s30 =	sld [smem:$0x0];
	_ =	sdelay $0x2  }
0xb7: {  	s31 =	sshll.u32 s1, $0xD;
	s1 =	sshrl.u32 s1, $0x2  }
0xb8: {  	s3 =	sand.u32 $0x4000, s31;
	s1 =	sadd.s32 s1, s30  }
0xb9: {  	s0 =	sor.u32 s3, s0;
	s1 =	sshll.u32 s1, $0x11  }
0xba: {  	s0 =	sor.u32 s1, s0  }
0xbb: {  	s0 =	sadd.s32 $0x8F2B, s0  }
0xbc: {  	[sflag:s0] =	ssyncadd.remote.s32 $0x1  }
0xbd: {  	_ =	sfence.sel $0xFFFF  }
0xbe: {  	[dreg:$0x0] =	wrdreg $0xFFFFFFFF;
	(pc) =	sbr.abs _section_cstart, $3  }
0xbf: {  	[dreg:$0x1] =	wrdreg $0xFFFFFFFF  }
0xc0: {  	_ =	task.clear_ibuf [dreg:s6], $0x2FFFF;
	_ =	strace $0x9FFFFFFF  }
0xc1: {  	(tm) =	ssettm $0x7FFFFFFF  }
tec
execute0_lowered:
.L_overlay_start_1:
0x0: {  	(tag) =	ssettag $0x1  }
0x1: {  	s1 =	srdreg.scid  }
0x2: {  	s0 =	stileid.u32;
	s5 =	rddreg [dreg:$0x0]  }
0x3: {  	s2 =	simm.s32 $0x0;
	s11 =	simm.s32 $0x1EC80;
	s12 =	simm.s32 $0x1  }
0x4: {  	s13 =	simm.s32 $0xA000;
	s14 =	simm.s32 $0x2;
	s3 =	sand.u32 $0x1, s1  }
0x5: {  	s15 =	simm.s32 $0x4;
	s4 =	sshll.u32 s0, $0x3;
	s6 =	sshll.u32 s3, $0x2  }
0x6: {  	s16 =	simm.s32 $0x14000;
	s1 =	rddreg [dreg:$0x1];
	s4 =	sor.u32 s6, s4  }
0x7: {  	s17 =	simm.s32 $0x0;
	[smem:$0x7FF] =	sst s2;
	s6 =	smul.u32 $0x500, s4  }
0x8: {  	s10 =	sadd.s32 $0x3E000, s5;
	s7 =	ssub.s32 $0x2, s3;
	s4 =	smul.u32 $0x2800, s4  }
.Ltmp0:
0x9: {  	_ =	strace $0x8000004A;
	s9 =	sshrl.u32 s7, $0x1;
	(pc) =	sbr.rel .LBB2_1-.Ltmp0, $4  }
0xa: {  	s3 =	sadd.s32 $0xC200, s5;
	s9 =	ssub.s32 s7, s9;
	s8 =	sadd.s32 s6, s5  }
0xb: {  	s31 =	sshrl.u32 s4, $0x3;
	s5 =	sadd.s32 $0xC390, s5;
	s6 =	sadd.s32 s10, s6  }
0xc: {  	s4 =	sadd.s32 $0x16000, s8;
	s7 =	sadd.s32 s10, s31;
	s8 =	smax.u32 s9, $0x1  }
0xd: {  	v0 =	vimm.f32 $0.0e+00;
	s9 =	simm.s32 $0x3;
	s10 =	simm.s32 $0x1E000;
	s7 =	sadd.s32 $0x28000, s7  }
.LBB2_10:
0xe: {  	[hbm4b:s6+s2] =	stream.linear.scatter [tilespmem:s13], [sflag:$0x4], $0xA000, $0x38;
	[tilespmem:$0x1F900] =	vst v63  }
0xf: {  	s17 =	sadd.s32 $0x1, s17;
	_ =	swait.ge [sflag:s15], $0xA000  }
0x10: {  	p0 =	sne.s32 s17, s8;
	[sflag:s15] =	ssyncset.done $0x0  }
.Ltmp1:
0x11: {  	[sflag:s15] =	ssyncadd.s32 $0xFFFF6000;
	(pc) =	sbr.rel @!p0 .LBB2_11-.Ltmp1, $4  }
0x12: {  	[hbm4b:s7+s2] =	stream.linear.scatter [tilespmem:s16], [sflag:$0x4], $0xA000, $0x38;
	[tilespmem:$0x1F900] =	vst v63  }
0x13: {  	_ =	swait.ge [sflag:s15], $0xA000  }
0x14: {  	[sflag:s15] =	ssyncset.done $0x0  }
0x15: {  	[sflag:s15] =	ssyncadd.s32 $0xFFFF6000  }
.LBB2_1:
0x16: {  	[tilespmem:s2], [sflag:$0x3] =	stream.linear.gather [hbm4b:s4+s2], $0xA000, $0x38;
	[tilespmem:$0x1F900] =	vst v63  }
0x17: {  	s18 =	simm.s32 $0x0;
	s19 =	simm.s32 $0x40  }
.LBB2_2:
0x18: {  	p0 =	sne.s32 s19, $0x9FC0;
	[tilespmem:s18+$0x1B800] =	vst v0  }
0x19: {  	[tilespmem:s18+$0xA000] =	vst v0  }
0x1a: {  	[tilespmem:s18+$0xC800] =	vst v0  }
.Ltmp2:
0x1b: {  	[tilespmem:s18+$0xF000] =	vst v0;
	(pc) =	sbr.rel @p0 .LBB2_2-.Ltmp2, $4  }
0x1c: {  	[tilespmem:s18+$0x11800] =	vst v0  }
0x1d: {  	[tilespmem:s18+$0x14000] =	vst v0  }
0x1e: {  	[tilespmem:s18+$0x16800] =	vst v0  }
0x1f: {  	[tilespmem:s18+$0x19000] =	vst v0;
	s18 =	sshra.s32 s19, $0x2;
	s19 =	sadd.s32 $0x40, s19  }
0x20: {  	[tilespmem:s18+$0x1B800] =	vst v0  }
0x21: {  	[tilespmem:s18+$0xA000] =	vst v0  }
0x22: {  	[tilespmem:s18+$0xC800] =	vst v0  }
0x23: {  	[tilespmem:s18+$0xF000] =	vst v0  }
0x24: {  	[tilespmem:s18+$0x11800] =	vst v0  }
0x25: {  	[tilespmem:s18+$0x14000] =	vst v0  }
0x26: {  	[tilespmem:s18+$0x16800] =	vst v0  }
0x27: {  	[tilespmem:s18+$0x19000] =	vst v0  }
0x28: {  	_ =	swait.ge [sflag:s9], $0xA000  }
0x29: {  	[sflag:s9] =	ssyncset.done $0x0  }
0x2a: {  	s18 =	simm.s32 $0x0;
	[sflag:s9] =	ssyncadd.s32 $0xFFFF6000  }
0x2b: {  	[tilespmem:s10], [sflag:$0x1] =	stream.linear.gather [hbm4b:s3+s18], $0xC80, $0x38;
	[tilespmem:$0x1F900] =	vst v63  }
0x2c: {  	s19 =	simm.s32 $0x0  }
0x2d: {  	[tilespmem:s11], [sflag:$0x2] =	stream.linear.gather [hbm4b:s5+s18], $0xC80, $0x38;
	[tilespmem:$0x1F900] =	vst v63  }
.LBB2_4:
0x2e: {  	_ =	swait.ge [sflag:s12], $0xC80  }
0x2f: {  	[sflag:s12] =	ssyncset.done $0x0  }
0x30: {  	[sflag:s12] =	ssyncadd.s32 $0xFFFFF380  }
0x31: {  	v11 =	vld [tilespmem:$0x1E000]  }
0x32: {  	s20 =	simm.s32 $0x0;
	v16 =	vld [tilespmem:$0x1E010]  }
0x33: {  	v38 =	vld [tilespmem:s20+$0x1E060]  }
0x34: {  	v39 =	vld [tilespmem:s20+$0x1E050]  }
0x35: {  	v40 =	vld [tilespmem:s20+$0x1E040]  }
0x36: {  	v1 =	vand.u32 $0xFFFF, v11  }
0x37: {  	v5 =	vand.u32 $0xFFFF, v16  }
0x38: {  	v21 =	vld [tilespmem:$0x1E020];
	v12 =	vand.u32 $0xFFFF, v38  }
0x39: {  	v32 =	vld [tilespmem:$0x1E030];
	v15 =	vand.u32 $0xFFFF, v39  }
0x3a: {  	v34 =	vld [tilespmem:s20+$0x1E070];
	v22 =	vand.u32 $0xFFFF, v40  }
0x3b: {  	v2 =	vadd.s32 $0x2800, v1;
	v23 =	vld.idx.msk [tilespmem:v1+s18+$0x0], $0xffff  }
0x3c: {  	v3 =	vadd.s32 $0x5000, v1;
	v30 =	vld.idx.msk [tilespmem:v5+s18+$0x0], $0xffff  }
0x3d: {  	v4 =	vadd.s32 $0x7800, v1;
	v14 =	vld.idx.msk [tilespmem:v12+s2+$0x0], $0xffff  }
0x3e: {  	v20 =	vadd.s32 $0x7800, v12;
	v17 =	vld.idx.msk [tilespmem:v15+s2+$0x0], $0xffff  }
0x3f: {  	v1 =	vadd.s32 $0x2800, v5;
	v25 =	vld.idx.msk [tilespmem:v22+s2+$0x0], $0xffff  }
0x40: {  	v27 =	vld.idx.msk [tilespmem:v2+s18+$0x0], $0xffff;
	v2 =	vadd.s32 $0x5000, v5  }
0x41: {  	v26 =	vadd.s32 $0x2800, v12;
	v28 =	vld.idx.msk [tilespmem:v3+s18+$0x0], $0xffff  }
0x42: {  	v41 =	vadd.s32 $0x7800, v22;
	v29 =	vld.idx.msk [tilespmem:v4+s18+$0x0], $0xffff  }
0x43: {  	v18 =	vadd.s32 $0x5000, v12;
	v3 =	vadd.s32 $0x7800, v5;
	v4 =	vand.u32 $0xFFFF, v21;
	v12 =	vld.idx.msk [tilespmem:v20+s2+$0x0], $0xffff  }
0x44: {  	v31 =	vld.idx.msk [tilespmem:v1+s18+$0x0], $0xffff;
	v1 =	vadd.s32 $0x2800, v4  }
0x45: {  	v33 =	vld.idx.msk [tilespmem:v2+s18+$0x0], $0xffff;
	v2 =	vadd.s32 $0x5000, v4  }
0x46: {  	v19 =	vadd.s32 $0x2800, v15;
	v24 =	vadd.s32 $0x5000, v15;
	v42 =	vadd.s32 $0x7800, v15;
	v15 =	vld.idx.msk [tilespmem:v26+s2+$0x0], $0xffff  }
0x47: {  	v43 =	vadd.s32 $0x5000, v22;
	v44 =	vadd.s32 $0x2800, v22;
	v22 =	vld.idx.msk [tilespmem:v41+s2+$0x0], $0xffff  }
0x48: {  	v35 =	vld.idx.msk [tilespmem:v3+s18+$0x0], $0xffff;
	v3 =	vadd.s32 $0x7800, v4  }
0x49: {  	v37 =	vld.idx.msk [tilespmem:v1+s18+$0x0], $0xffff;
	v1 =	vand.u32 $0xFFFF, v32  }
0x4a: {  	v10 =	vld.idx.msk [tilespmem:v2+s18+$0x0], $0xffff;
	v2 =	vadd.s32 $0x5000, v1  }
0x4b: {  	v36 =	vld.idx.msk [tilespmem:v4+s18+$0x0], $0xffff;
	v4 =	vadd.s32 $0x2800, v1  }
0x4c: {  	v20 =	vld.idx.msk [tilespmem:v42+s2+$0x0], $0xffff  }
0x4d: {  	v9 =	vld.idx.msk [tilespmem:v3+s18+$0x0], $0xffff;
	v3 =	vadd.s32 $0x7800, v1  }
0x4e: {  	v8 =	vld.idx.msk [tilespmem:v1+s18+$0x0], $0xffff;
	v1 =	vand.u32 $0xFFFF, v34  }
0x4f: {  	v6 =	vld.idx.msk [tilespmem:v2+s18+$0x0], $0xffff;
	v2 =	vadd.s32 $0x5000, v1  }
0x50: {  	v7 =	vld.idx.msk [tilespmem:v4+s18+$0x0], $0xffff;
	v4 =	vadd.s32 $0x2800, v1  }
0x51: {  	v26 =	vld.idx.msk [tilespmem:v44+s2+$0x0], $0xffff;
	v13 =	vadd.s32 $0x7800, v1  }
0x52: {  	v5 =	vld.idx.msk [tilespmem:v3+s18+$0x0], $0xffff  }
0x53: {  	v3 =	vld.idx.msk [tilespmem:v1+s2+$0x0], $0xffff  }
0x54: {  	v1 =	vld.idx.msk [tilespmem:v2+s2+$0x0], $0xffff  }
0x55: {  	v11 =	vshrl.u32 v11, $0x10;
	v4 =	vld.idx.msk [tilespmem:v4+s2+$0x0], $0xffff  }
0x56: {  	v45 =	vand.u32 $0xFFFF, v11;
	v2 =	vld.idx.msk [tilespmem:v13+s2+$0x0], $0xffff  }
0x57: {  	v46 =	vadd.s32 $0xA000, v45;
	v13 =	vld.idx.msk [tilespmem:v18+s2+$0x0], $0xffff  }
0x58: {  	v52 =	vadd.s32 $0x2800, v45;
	v18 =	vld.idx.msk [tilespmem:v19+s2+$0x0], $0xffff  }
0x59: {  	v53 =	vadd.s32 $0xC800, v45;
	v19 =	vld.idx.msk [tilespmem:v24+s2+$0x0], $0xffff  }
0x5a: {  	v47 =	vadd.s32 $0x5000, v45;
	v54 =	vshll.u32 v23, $0x10;
	v24 =	vld.idx.msk [tilespmem:v43+s2+$0x0], $0xffff  }
0x5b: {  	v55 =	vadd.s32 $0xF000, v45;
	v23 =	vand.u32 $0xFFFF0000, v23;
	[tilespmem:v11+s13+$0x0] =	vst.idx.add.f32.msk $0xffff, v54  }
0x5c: {  	v56 =	vadd.s32 $0x7800, v45;
	v11 =	vshll.u32 v27, $0x10;
	[tilespmem:v46+s13+$0x0] =	vst.idx.add.f32.msk $0xffff, v23  }
0x5d: {  	v23 =	vshrl.u32 v16, $0x10;
	v16 =	vand.u32 $0xFFFF0000, v27;
	v27 =	vadd.s32 $0x11800, v45;
	[tilespmem:v52+s13+$0x0] =	vst.idx.add.f32.msk $0xffff, v11  }
0x5e: {  	v11 =	vshll.u32 v28, $0x10;
	v57 =	vand.u32 $0xFFFF, v23;
	[tilespmem:v53+s13+$0x0] =	vst.idx.add.f32.msk $0xffff, v16  }
0x5f: {  	v16 =	vand.u32 $0xFFFF0000, v28;
	v28 =	vadd.s32 $0xA000, v57;
	[tilespmem:v47+s13+$0x0] =	vst.idx.add.f32.msk $0xffff, v11  }
0x60: {  	v58 =	vadd.s32 $0x2800, v57;
	v11 =	vshll.u32 v29, $0x10;
	[tilespmem:v55+s13+$0x0] =	vst.idx.add.f32.msk $0xffff, v16  }
0x61: {  	v59 =	vadd.s32 $0xC800, v57;
	v29 =	vand.u32 $0xFFFF0000, v29;
	[tilespmem:v56+s13+$0x0] =	vst.idx.add.f32.msk $0xffff, v11  }
0x62: {  	v61 =	vshrl.u32 v21, $0x10;
	v60 =	vadd.s32 $0x5000, v57;
	v11 =	vshll.u32 v30, $0x10;
	[tilespmem:v27+s13+$0x0] =	vst.idx.add.f32.msk $0xffff, v29  }
0x63: {  	v62 =	vshll.u32 v33, $0x10;
	v27 =	vand.u32 $0xFFFF0000, v30;
	v29 =	vadd.s32 $0xF000, v57;
	[tilespmem:v23+s13+$0x0] =	vst.idx.add.f32.msk $0xffff, v11  }
0x64: {  	v33 =	vand.u32 $0xFFFF0000, v33;
	v30 =	vadd.s32 $0x7800, v57;
	v23 =	vshll.u32 v31, $0x10;
	[tilespmem:v28+s13+$0x0] =	vst.idx.add.f32.msk $0xffff, v27  }
0x65: {  	v63 =	vshll.u32 v35, $0x10;
	v41 =	vadd.s32 $0x11800, v57;
	v28 =	vand.u32 $0xFFFF0000, v31;
	[tilespmem:v58+s13+$0x0] =	vst.idx.add.f32.msk $0xffff, v23  }
0x66: {  	v21 =	vand.u32 $0xFFFF0000, v37;
	v16 =	vshrl.u32 v32, $0x10;
	[tilespmem:v59+s13+$0x0] =	vst.idx.add.f32.msk $0xffff, v28;
	v28 =	vand.u32 $0xFFFF, v61  }
0x67: {  	v11 =	vshrl.u32 v34, $0x10;
	v27 =	vshrl.u32 v39, $0x10;
	[tilespmem:v60+s13+$0x0] =	vst.idx.add.f32.msk $0xffff, v62;
	v32 =	vadd.s32 $0xA000, v28  }
0x68: {  	v31 =	vshrl.u32 v40, $0x10;
	v23 =	vshrl.u32 v38, $0x10;
	v34 =	vadd.s32 $0x2800, v28;
	[tilespmem:v29+s13+$0x0] =	vst.idx.add.f32.msk $0xffff, v33  }
0x69: {  	v40 =	vadd.s32 $0x11800, v28;
	v29 =	vand.u32 $0xFFFF0000, v35;
	v35 =	vadd.s32 $0xC800, v28;
	[tilespmem:v30+s13+$0x0] =	vst.idx.add.f32.msk $0xffff, v63  }
0x6a: {  	v42 =	vadd.s32 $0xF000, v28;
	v33 =	vadd.s32 $0x5000, v28;
	v30 =	vshll.u32 v36, $0x10;
	[tilespmem:v41+s13+$0x0] =	vst.idx.add.f32.msk $0xffff, v29  }
0x6b: {  	s20 =	simm.s32 $0x100;
	v29 =	vand.u32 $0xFFFF0000, v36;
	v41 =	vadd.s32 $0x7800, v28;
	[tilespmem:v61+s13+$0x0] =	vst.idx.add.f32.msk $0xffff, v30;
	v30 =	vshll.u32 v37, $0x10  }
.LBB2_5:
0x6c: {  	v38 =	vand.u32 $0xFFFF0000, v15;
	p0 =	sne.s32 s20, $0x3000;
	[tilespmem:v32+s13+$0x0] =	vst.idx.add.f32.msk $0xffff, v29;
	v32 =	vmovc v27;
	v28 =	vmovc v23;
	v29 =	vmov v14;
	v37 =	vmov v31;
	s21 =	smov.u32 s20;
	s20 =	sadd.s32 $0x100, s20  }
0x6d: {  	v14 =	vshll.u32 v10, $0x10;
	v23 =	vand.u32 $0xFFFF, v16;
	v36 =	vmovc v17;
	v39 =	vmovc v25;
	[tilespmem:v34+s13+$0x0] =	vst.idx.add.f32.msk $0xffff, v30;
	v34 =	vmov v18  }
0x6e: {  	v17 =	vand.u32 $0xFFFF0000, v10;
	v10 =	vmovc v13;
	v18 =	vadd.s32 $0xA000, v23;
	[tilespmem:v35+s13+$0x0] =	vst.idx.add.f32.msk $0xffff, v21;
	v21 =	vmovc v38;
	v35 =	vmov v19  }
0x6f: {  	v13 =	vshll.u32 v9, $0x10;
	v30 =	vmovc v15;
	[tilespmem:v33+s13+$0x0] =	vst.idx.add.f32.msk $0xffff, v14;
	v14 =	vadd.s32 $0x2800, v23;
	v38 =	vmovc v22;
	v33 =	vmov v20  }
0x70: {  	v43 =	vmovc v26;
	v15 =	vand.u32 $0xFFFF0000, v9;
	v9 =	vmovc v12;
	[tilespmem:v42+s13+$0x0] =	vst.idx.add.f32.msk $0xffff, v17;
	v17 =	vadd.s32 $0xC800, v23;
	v42 =	vmov v24  }
0x71: {  	v12 =	vshll.u32 v8, $0x10;
	[tilespmem:v41+s13+$0x0] =	vst.idx.add.f32.msk $0xffff, v13;
	v13 =	vadd.s32 $0x5000, v23  }
0x72: {  	v19 =	vadd.s32 $0xF000, v23;
	[tilespmem:v40+s13+$0x0] =	vst.idx.add.f32.msk $0xffff, v15;
	v15 =	vand.u32 $0xFFFF0000, v8;
	v8 =	vmov v3  }
0x73: {  	v3 =	vshll.u32 v7, $0x10;
	[tilespmem:v16+s13+$0x0] =	vst.idx.add.f32.msk $0xffff, v12;
	v12 =	vadd.s32 $0x7800, v23;
	v16 =	vmov v11  }
0x74: {  	v11 =	vand.u32 $0xFFFF0000, v7;
	v7 =	vmov v4;
	[tilespmem:v18+s13+$0x0] =	vst.idx.add.f32.msk $0xffff, v15;
	v15 =	vadd.s32 $0x11800, v23  }
0x75: {  	[tilespmem:v14+s13+$0x0] =	vst.idx.add.f32.msk $0xffff, v3;
	v3 =	vshll.u32 v6, $0x10  }
0x76: {  	v4 =	vand.u32 $0xFFFF0000, v6;
	v6 =	vmov v1;
	[tilespmem:v17+s13+$0x0] =	vst.idx.add.f32.msk $0xffff, v11  }
0x77: {  	v1 =	vshll.u32 v5, $0x10;
	[tilespmem:v13+s13+$0x0] =	vst.idx.add.f32.msk $0xffff, v3  }
0x78: {  	v3 =	vand.u32 $0xFFFF0000, v5;
	v5 =	vmov v2;
	[tilespmem:v19+s13+$0x0] =	vst.idx.add.f32.msk $0xffff, v4  }
0x79: {  	[tilespmem:v12+s13+$0x0] =	vst.idx.add.f32.msk $0xffff, v1  }
0x7a: {  	s21 =	sshra.s32 s21, $0x2;
	[tilespmem:v15+s13+$0x0] =	vst.idx.add.f32.msk $0xffff, v3  }
0x7b: {  	v1 =	vld [tilespmem:s21+$0x1E070]  }
0x7c: {  	v2 =	vld [tilespmem:s21+$0x1E060]  }
0x7d: {  	v3 =	vld [tilespmem:s21+$0x1E050];
	_ =	sdelay $0x2  }
0x7e: {  	v4 =	vand.u32 $0xFFFF, v1;
	v11 =	vshrl.u32 v1, $0x10  }
0x7f: {  	v1 =	vld [tilespmem:s21+$0x1E040];
	v12 =	vand.u32 $0xFFFF, v2;
	v13 =	vadd.s32 $0x2800, v4;
	v15 =	vadd.s32 $0x5000, v4  }
0x80: {  	v19 =	vadd.s32 $0x7800, v4;
	v17 =	vand.u32 $0xFFFF, v3;
	v18 =	vadd.s32 $0x5000, v12  }
0x81: {  	v22 =	vadd.s32 $0x2800, v12;
	v24 =	vadd.s32 $0x7800, v12;
	v20 =	vadd.s32 $0x2800, v17  }
0x82: {  	v27 =	vshrl.u32 v3, $0x10;
	v26 =	vadd.s32 $0x5000, v17;
	v40 =	vadd.s32 $0x7800, v17  }
0x83: {  	v23 =	vshrl.u32 v2, $0x10;
	v3 =	vld.idx.msk [tilespmem:v4+s2+$0x0], $0xffff  }
0x84: {  	v25 =	vand.u32 $0xFFFF, v1;
	v14 =	vld.idx.msk [tilespmem:v12+s2+$0x0], $0xffff;
	v31 =	vshrl.u32 v1, $0x10  }
0x85: {  	v41 =	vadd.s32 $0x2800, v25;
	v44 =	vadd.s32 $0x5000, v25;
	v45 =	vadd.s32 $0x7800, v25;
	v1 =	vld.idx.msk [tilespmem:v15+s2+$0x0], $0xffff  }
0x86: {  	v4 =	vld.idx.msk [tilespmem:v13+s2+$0x0], $0xffff  }
0x87: {  	v17 =	vld.idx.msk [tilespmem:v17+s2+$0x0], $0xffff  }
0x88: {  	v2 =	vld.idx.msk [tilespmem:v19+s2+$0x0], $0xffff  }
0x89: {  	v13 =	vld.idx.msk [tilespmem:v18+s2+$0x0], $0xffff  }
0x8a: {  	v18 =	vld.idx.msk [tilespmem:v20+s2+$0x0], $0xffff  }
0x8b: {  	v12 =	vld.idx.msk [tilespmem:v24+s2+$0x0], $0xffff  }
0x8c: {  	v25 =	vld.idx.msk [tilespmem:v25+s2+$0x0], $0xffff  }
0x8d: {  	v46 =	vand.u32 $0xFFFF, v37;
	v19 =	vld.idx.msk [tilespmem:v26+s2+$0x0], $0xffff  }
0x8e: {  	v47 =	vadd.s32 $0xA000, v46;
	v15 =	vld.idx.msk [tilespmem:v22+s2+$0x0], $0xffff  }
0x8f: {  	v22 =	vld.idx.msk [tilespmem:v45+s2+$0x0], $0xffff;
	v45 =	vadd.s32 $0x2800, v46  }
0x90: {  	v20 =	vld.idx.msk [tilespmem:v40+s2+$0x0], $0xffff;
	v40 =	vadd.s32 $0xC800, v46  }
0x91: {  	v48 =	vadd.s32 $0x5000, v46;
	v24 =	vld.idx.msk [tilespmem:v44+s2+$0x0], $0xffff;
	v44 =	vshll.u32 v39, $0x10  }
0x92: {  	v39 =	vand.u32 $0xFFFF0000, v39;
	v26 =	vld.idx.msk [tilespmem:v41+s2+$0x0], $0xffff;
	v41 =	vadd.s32 $0xF000, v46  }
0x93: {  	[tilespmem:v37+s13+$0x0] =	vst.idx.add.f32.msk $0xffff, v44;
	v37 =	vshll.u32 v43, $0x10;
	v44 =	vadd.s32 $0x7800, v46  }
0x94: {  	[tilespmem:v47+s13+$0x0] =	vst.idx.add.f32.msk $0xffff, v39;
	v39 =	vand.u32 $0xFFFF0000, v43;
	v43 =	vadd.s32 $0x11800, v46  }
0x95: {  	[tilespmem:v45+s13+$0x0] =	vst.idx.add.f32.msk $0xffff, v37;
	v37 =	vshll.u32 v42, $0x10;
	v45 =	vand.u32 $0xFFFF, v32  }
0x96: {  	[tilespmem:v40+s13+$0x0] =	vst.idx.add.f32.msk $0xffff, v39;
	v39 =	vand.u32 $0xFFFF0000, v42;
	v40 =	vadd.s32 $0xA000, v45  }
0x97: {  	v42 =	vadd.s32 $0x2800, v45;
	[tilespmem:v48+s13+$0x0] =	vst.idx.add.f32.msk $0xffff, v37;
	v37 =	vshll.u32 v38, $0x10  }
0x98: {  	v38 =	vand.u32 $0xFFFF0000, v38;
	[tilespmem:v41+s13+$0x0] =	vst.idx.add.f32.msk $0xffff, v39;
	v39 =	vadd.s32 $0xC800, v45  }
0x99: {  	v41 =	vadd.s32 $0x5000, v45;
	[tilespmem:v44+s13+$0x0] =	vst.idx.add.f32.msk $0xffff, v37;
	v37 =	vshll.u32 v36, $0x10  }
0x9a: {  	v36 =	vand.u32 $0xFFFF0000, v36;
	[tilespmem:v43+s13+$0x0] =	vst.idx.add.f32.msk $0xffff, v38;
	v38 =	vadd.s32 $0xF000, v45  }
0x9b: {  	[tilespmem:v32+s13+$0x0] =	vst.idx.add.f32.msk $0xffff, v37;
	v32 =	vshll.u32 v34, $0x10;
	v37 =	vadd.s32 $0x7800, v45  }
0x9c: {  	v34 =	vand.u32 $0xFFFF0000, v34;
	[tilespmem:v40+s13+$0x0] =	vst.idx.add.f32.msk $0xffff, v36;
	v36 =	vadd.s32 $0x11800, v45  }
0x9d: {  	v43 =	vand.u32 $0xFFFF, v28;
	[tilespmem:v42+s13+$0x0] =	vst.idx.add.f32.msk $0xffff, v32;
	v42 =	vshll.u32 v35, $0x10  }
0x9e: {  	v40 =	vadd.s32 $0x11800, v43;
	v35 =	vand.u32 $0xFFFF0000, v35;
	v32 =	vadd.s32 $0xA000, v43;
	[tilespmem:v39+s13+$0x0] =	vst.idx.add.f32.msk $0xffff, v34  }
.Ltmp3:
0x9f: {  	v39 =	vshll.u32 v33, $0x10;
	v34 =	vadd.s32 $0x2800, v43;
	[tilespmem:v41+s13+$0x0] =	vst.idx.add.f32.msk $0xffff, v42;
	(pc) =	sbr.rel @p0 .LBB2_5-.Ltmp3, $4  }
0xa0: {  	[tilespmem:v38+s13+$0x0] =	vst.idx.add.f32.msk $0xffff, v35;
	v38 =	vand.u32 $0xFFFF0000, v33;
	v35 =	vadd.s32 $0xC800, v43  }
0xa1: {  	v33 =	vadd.s32 $0x5000, v43;
	[tilespmem:v37+s13+$0x0] =	vst.idx.add.f32.msk $0xffff, v39;
	v37 =	vshll.u32 v29, $0x10  }
0xa2: {  	v42 =	vadd.s32 $0xF000, v43;
	v29 =	vand.u32 $0xFFFF0000, v29;
	[tilespmem:v36+s13+$0x0] =	vst.idx.add.f32.msk $0xffff, v38  }
0xa3: {  	v30 =	vshll.u32 v30, $0x10;
	v41 =	vadd.s32 $0x7800, v43;
	[tilespmem:v28+s13+$0x0] =	vst.idx.add.f32.msk $0xffff, v37  }
0xa4: {  	_ =	sdelay $0x3  }
0xa5: {  	[tilespmem:v32+s13+$0x0] =	vst.idx.add.f32.msk $0xffff, v29  }
0xa6: {  	[tilespmem:v34+s13+$0x0] =	vst.idx.add.f32.msk $0xffff, v30  }
0xa7: {  	v28 =	vshll.u32 v10, $0x10;
	v29 =	vand.u32 $0xFFFF, v16;
	[tilespmem:v35+s13+$0x0] =	vst.idx.add.f32.msk $0xffff, v21  }
0xa8: {  	v10 =	vand.u32 $0xFFFF0000, v10;
	v21 =	vadd.s32 $0xA000, v29;
	[tilespmem:v33+s13+$0x0] =	vst.idx.add.f32.msk $0xffff, v28  }
0xa9: {  	v30 =	vadd.s32 $0x2800, v29;
	v28 =	vshll.u32 v9, $0x10;
	[tilespmem:v42+s13+$0x0] =	vst.idx.add.f32.msk $0xffff, v10  }
0xaa: {  	v9 =	vand.u32 $0xFFFF0000, v9;
	v10 =	vadd.s32 $0xC800, v29;
	[tilespmem:v41+s13+$0x0] =	vst.idx.add.f32.msk $0xffff, v28  }
0xab: {  	v61 =	vadd.s32 $0x5000, v29;
	v28 =	vshll.u32 v8, $0x10;
	[tilespmem:v40+s13+$0x0] =	vst.idx.add.f32.msk $0xffff, v9  }
0xac: {  	v8 =	vand.u32 $0xFFFF0000, v8;
	v9 =	vadd.s32 $0xF000, v29;
	[tilespmem:v16+s13+$0x0] =	vst.idx.add.f32.msk $0xffff, v28  }
0xad: {  	v16 =	vshll.u32 v7, $0x10;
	v28 =	vadd.s32 $0x7800, v29;
	[tilespmem:v21+s13+$0x0] =	vst.idx.add.f32.msk $0xffff, v8  }
0xae: {  	v7 =	vand.u32 $0xFFFF0000, v7;
	v8 =	vadd.s32 $0x11800, v29;
	[tilespmem:v30+s13+$0x0] =	vst.idx.add.f32.msk $0xffff, v16  }
0xaf: {  	v16 =	vshll.u32 v6, $0x10;
	[tilespmem:v10+s13+$0x0] =	vst.idx.add.f32.msk $0xffff, v7  }
0xb0: {  	v6 =	vand.u32 $0xFFFF0000, v6;
	v7 =	vadd.s32 $0xA000, v31;
	[tilespmem:v61+s13+$0x0] =	vst.idx.add.f32.msk $0xffff, v16  }
0xb1: {  	v10 =	vshll.u32 v5, $0x10;
	[tilespmem:v9+s13+$0x0] =	vst.idx.add.f32.msk $0xffff, v6;
	v6 =	vadd.s32 $0x2800, v31  }
0xb2: {  	v5 =	vand.u32 $0xFFFF0000, v5;
	v9 =	vadd.s32 $0xC800, v31;
	[tilespmem:v28+s13+$0x0] =	vst.idx.add.f32.msk $0xffff, v10  }
0xb3: {  	[tilespmem:v8+s13+$0x0] =	vst.idx.add.f32.msk $0xffff, v5;
	v5 =	vshll.u32 v25, $0x10;
	v8 =	vadd.s32 $0x5000, v31  }
0xb4: {  	v10 =	vand.u32 $0xFFFF0000, v25;
	[tilespmem:v31+s13+$0x0] =	vst.idx.add.f32.msk $0xffff, v5;
	v5 =	vadd.s32 $0xF000, v31  }
0xb5: {  	[tilespmem:v7+s13+$0x0] =	vst.idx.add.f32.msk $0xffff, v10;
	v7 =	vshll.u32 v26, $0x10;
	v10 =	vadd.s32 $0x7800, v31  }
0xb6: {  	v16 =	vand.u32 $0xFFFF0000, v26;
	[tilespmem:v6+s13+$0x0] =	vst.idx.add.f32.msk $0xffff, v7;
	v6 =	vadd.s32 $0x11800, v31  }
0xb7: {  	v7 =	vshll.u32 v24, $0x10;
	[tilespmem:v9+s13+$0x0] =	vst.idx.add.f32.msk $0xffff, v16  }
0xb8: {  	v9 =	vand.u32 $0xFFFF0000, v24;
	[tilespmem:v8+s13+$0x0] =	vst.idx.add.f32.msk $0xffff, v7;
	v7 =	vadd.s32 $0xA000, v27  }
0xb9: {  	v8 =	vadd.s32 $0x2800, v27;
	[tilespmem:v5+s13+$0x0] =	vst.idx.add.f32.msk $0xffff, v9;
	v5 =	vshll.u32 v22, $0x10  }
0xba: {  	v9 =	vand.u32 $0xFFFF0000, v22;
	[tilespmem:v10+s13+$0x0] =	vst.idx.add.f32.msk $0xffff, v5;
	v5 =	vadd.s32 $0xC800, v27  }
0xbb: {  	[tilespmem:v6+s13+$0x0] =	vst.idx.add.f32.msk $0xffff, v9;
	v6 =	vshll.u32 v17, $0x10;
	v9 =	vadd.s32 $0x5000, v27  }
0xbc: {  	v10 =	vand.u32 $0xFFFF0000, v17;
	[tilespmem:v27+s13+$0x0] =	vst.idx.add.f32.msk $0xffff, v6;
	v6 =	vadd.s32 $0xF000, v27  }
0xbd: {  	[tilespmem:v7+s13+$0x0] =	vst.idx.add.f32.msk $0xffff, v10;
	v7 =	vshll.u32 v18, $0x10;
	v10 =	vadd.s32 $0x7800, v27  }
0xbe: {  	v16 =	vand.u32 $0xFFFF0000, v18;
	[tilespmem:v8+s13+$0x0] =	vst.idx.add.f32.msk $0xffff, v7;
	v7 =	vadd.s32 $0x11800, v27  }
0xbf: {  	[tilespmem:v5+s13+$0x0] =	vst.idx.add.f32.msk $0xffff, v16;
	v5 =	vshll.u32 v19, $0x10  }
0xc0: {  	v8 =	vand.u32 $0xFFFF0000, v19;
	[tilespmem:v9+s13+$0x0] =	vst.idx.add.f32.msk $0xffff, v5;
	v5 =	vadd.s32 $0xA000, v23  }
0xc1: {  	[tilespmem:v6+s13+$0x0] =	vst.idx.add.f32.msk $0xffff, v8;
	v6 =	vshll.u32 v20, $0x10;
	v8 =	vadd.s32 $0x2800, v23  }
0xc2: {  	v9 =	vand.u32 $0xFFFF0000, v20;
	[tilespmem:v10+s13+$0x0] =	vst.idx.add.f32.msk $0xffff, v6;
	v6 =	vadd.s32 $0xC800, v23  }
0xc3: {  	[tilespmem:v7+s13+$0x0] =	vst.idx.add.f32.msk $0xffff, v9;
	v7 =	vshll.u32 v14, $0x10;
	v9 =	vadd.s32 $0x5000, v23  }
0xc4: {  	v10 =	vand.u32 $0xFFFF0000, v14;
	[tilespmem:v23+s13+$0x0] =	vst.idx.add.f32.msk $0xffff, v7;
	v7 =	vadd.s32 $0xF000, v23  }
0xc5: {  	[tilespmem:v5+s13+$0x0] =	vst.idx.add.f32.msk $0xffff, v10;
	v5 =	vshll.u32 v15, $0x10;
	v10 =	vadd.s32 $0x7800, v23  }
0xc6: {  	v14 =	vand.u32 $0xFFFF0000, v15;
	[tilespmem:v8+s13+$0x0] =	vst.idx.add.f32.msk $0xffff, v5;
	v5 =	vadd.s32 $0x11800, v23  }
0xc7: {  	[tilespmem:v6+s13+$0x0] =	vst.idx.add.f32.msk $0xffff, v14;
	v6 =	vshll.u32 v13, $0x10  }
0xc8: {  	v8 =	vand.u32 $0xFFFF0000, v13;
	[tilespmem:v9+s13+$0x0] =	vst.idx.add.f32.msk $0xffff, v6;
	v6 =	vadd.s32 $0xA000, v11  }
0xc9: {  	[tilespmem:v7+s13+$0x0] =	vst.idx.add.f32.msk $0xffff, v8;
	v7 =	vshll.u32 v12, $0x10;
	v8 =	vadd.s32 $0x2800, v11  }
0xca: {  	v9 =	vand.u32 $0xFFFF0000, v12;
	[tilespmem:v10+s13+$0x0] =	vst.idx.add.f32.msk $0xffff, v7;
	v7 =	vadd.s32 $0xC800, v11  }
0xcb: {  	[tilespmem:v5+s13+$0x0] =	vst.idx.add.f32.msk $0xffff, v9;
	v5 =	vshll.u32 v3, $0x10;
	v9 =	vadd.s32 $0x5000, v11  }
0xcc: {  	v3 =	vand.u32 $0xFFFF0000, v3;
	[tilespmem:v11+s13+$0x0] =	vst.idx.add.f32.msk $0xffff, v5;
	v5 =	vadd.s32 $0xF000, v11  }
0xcd: {  	[tilespmem:v6+s13+$0x0] =	vst.idx.add.f32.msk $0xffff, v3;
	v3 =	vshll.u32 v4, $0x10;
	v6 =	vadd.s32 $0x7800, v11  }
0xce: {  	p0 =	seq.s32 s19, $0x31;
	v4 =	vand.u32 $0xFFFF0000, v4;
	[tilespmem:v8+s13+$0x0] =	vst.idx.add.f32.msk $0xffff, v3;
	v3 =	vadd.s32 $0x11800, v11  }
0xcf: {  	s20 =	smul.u32 @!p0 $0x1900, s19;
	[tilespmem:v7+s13+$0x0] =	vst.idx.add.f32.msk $0xffff, v4;
	v4 =	vshll.u32 v1, $0x10  }
0xd0: {  	v1 =	vand.u32 $0xFFFF0000, v1;
	[tilespmem:v9+s13+$0x0] =	vst.idx.add.f32.msk $0xffff, v4  }
0xd1: {  	s20 =	sshrl.u32 @!p0 s20, $0x3;
	[tilespmem:v5+s13+$0x0] =	vst.idx.add.f32.msk $0xffff, v1;
	v1 =	vshll.u32 v2, $0x10  }
0xd2: {  	s20 =	sadd.s32 @!p0 s3, s20;
	v2 =	vand.u32 $0xFFFF0000, v2;
	[tilespmem:v6+s13+$0x0] =	vst.idx.add.f32.msk $0xffff, v1  }
0xd3: {  	s21 =	simm.s32 @!p0 $0x0;
	s22 =	simm.s32 @!p0 $0x1E000;
	s20 =	sadd.s32 @!p0 $0x320, s20;
	[tilespmem:v3+s13+$0x0] =	vst.idx.add.f32.msk $0xffff, v2  }
0xd4: {  	[tilespmem:s22], [sflag:$0x1] =	stream.linear.gather @!p0 [hbm4b:s20+s21], $0xC80, $0x38;
	[tilespmem:$0x1F900] =	vst v63  }
0xd5: {  	_ =	swait.ge [sflag:s14], $0xC80  }
0xd6: {  	[sflag:s14] =	ssyncset.done $0x0  }
0xd7: {  	[sflag:s14] =	ssyncadd.s32 $0xFFFFF380  }
0xd8: {  	v11 =	vld [tilespmem:$0x1EC80]  }
0xd9: {  	s31 =	simm.s32 $0x0;
	v16 =	vld [tilespmem:$0x1EC90]  }
0xda: {  	v38 =	vld [tilespmem:s31+$0x1ECE0]  }
0xdb: {  	v39 =	vld [tilespmem:s31+$0x1ECD0]  }
0xdc: {  	v49 =	vld [tilespmem:s31+$0x1ECC0]  }
0xdd: {  	v1 =	vand.u32 $0xFFFF, v11  }
0xde: {  	v5 =	vand.u32 $0xFFFF, v16  }
0xdf: {  	v21 =	vld [tilespmem:$0x1ECA0];
	v12 =	vand.u32 $0xFFFF, v38  }
0xe0: {  	v62 =	vld [tilespmem:$0x1ECB0];
	v15 =	vand.u32 $0xFFFF, v39  }
0xe1: {  	s30 =	simm.s32 $0x0;
	v48 =	vld [tilespmem:s31+$0x1ECF0];
	v22 =	vand.u32 $0xFFFF, v49  }
0xe2: {  	v2 =	vadd.s32 $0x2800, v1;
	v23 =	vld.idx.msk [tilespmem:v1+s30+$0x0], $0xffff  }
0xe3: {  	v3 =	vadd.s32 $0x5000, v1;
	v30 =	vld.idx.msk [tilespmem:v5+s30+$0x0], $0xffff  }
0xe4: {  	v4 =	vadd.s32 $0x7800, v1;
	v14 =	vld.idx.msk [tilespmem:v12+s2+$0x0], $0xffff  }
0xe5: {  	v20 =	vadd.s32 $0x7800, v12;
	v17 =	vld.idx.msk [tilespmem:v15+s2+$0x0], $0xffff  }
0xe6: {  	v1 =	vadd.s32 $0x2800, v5;
	v25 =	vld.idx.msk [tilespmem:v22+s2+$0x0], $0xffff  }
0xe7: {  	v27 =	vld.idx.msk [tilespmem:v2+s30+$0x0], $0xffff;
	v2 =	vadd.s32 $0x5000, v5  }
0xe8: {  	v26 =	vadd.s32 $0x2800, v12;
	v28 =	vld.idx.msk [tilespmem:v3+s30+$0x0], $0xffff  }
0xe9: {  	v50 =	vadd.s32 $0x7800, v22;
	v29 =	vld.idx.msk [tilespmem:v4+s30+$0x0], $0xffff  }
0xea: {  	v18 =	vadd.s32 $0x5000, v12;
	v3 =	vadd.s32 $0x7800, v5;
	v4 =	vand.u32 $0xFFFF, v21;
	v12 =	vld.idx.msk [tilespmem:v20+s2+$0x0], $0xffff  }
0xeb: {  	v31 =	vld.idx.msk [tilespmem:v1+s30+$0x0], $0xffff;
	v1 =	vadd.s32 $0x2800, v4  }
0xec: {  	v63 =	vld.idx.msk [tilespmem:v2+s30+$0x0], $0xffff;
	v2 =	vadd.s32 $0x5000, v4  }
0xed: {  	v19 =	vadd.s32 $0x2800, v15;
	v24 =	vadd.s32 $0x5000, v15;
	v51 =	vadd.s32 $0x7800, v15;
	v15 =	vld.idx.msk [tilespmem:v26+s2+$0x0], $0xffff  }
0xee: {  	v43 =	vadd.s32 $0x5000, v22;
	v44 =	vadd.s32 $0x2800, v22;
	v22 =	vld.idx.msk [tilespmem:v50+s2+$0x0], $0xffff  }
0xef: {  	v35 =	vld.idx.msk [tilespmem:v3+s30+$0x0], $0xffff;
	v3 =	vadd.s32 $0x7800, v4  }
0xf0: {  	v37 =	vld.idx.msk [tilespmem:v1+s30+$0x0], $0xffff;
	v1 =	vand.u32 $0xFFFF, v62  }
0xf1: {  	v10 =	vld.idx.msk [tilespmem:v2+s30+$0x0], $0xffff;
	v2 =	vadd.s32 $0x5000, v1  }
0xf2: {  	v36 =	vld.idx.msk [tilespmem:v4+s30+$0x0], $0xffff;
	v4 =	vadd.s32 $0x2800, v1  }
0xf3: {  	v20 =	vld.idx.msk [tilespmem:v51+s2+$0x0], $0xffff  }
0xf4: {  	v9 =	vld.idx.msk [tilespmem:v3+s30+$0x0], $0xffff;
	v3 =	vadd.s32 $0x7800, v1  }
0xf5: {  	v8 =	vld.idx.msk [tilespmem:v1+s30+$0x0], $0xffff;
	v1 =	vand.u32 $0xFFFF, v48  }
0xf6: {  	v6 =	vld.idx.msk [tilespmem:v2+s30+$0x0], $0xffff;
	v2 =	vadd.s32 $0x5000, v1  }
0xf7: {  	v7 =	vld.idx.msk [tilespmem:v4+s30+$0x0], $0xffff;
	v4 =	vadd.s32 $0x2800, v1  }
0xf8: {  	v26 =	vld.idx.msk [tilespmem:v44+s2+$0x0], $0xffff;
	v13 =	vadd.s32 $0x7800, v1  }
0xf9: {  	v5 =	vld.idx.msk [tilespmem:v3+s30+$0x0], $0xffff  }
0xfa: {  	v3 =	vld.idx.msk [tilespmem:v1+s2+$0x0], $0xffff  }
0xfb: {  	v1 =	vld.idx.msk [tilespmem:v2+s2+$0x0], $0xffff  }
0xfc: {  	v11 =	vshrl.u32 v11, $0x10;
	v4 =	vld.idx.msk [tilespmem:v4+s2+$0x0], $0xffff  }
0xfd: {  	v45 =	vand.u32 $0xFFFF, v11;
	v2 =	vld.idx.msk [tilespmem:v13+s2+$0x0], $0xffff  }
0xfe: {  	v46 =	vadd.s32 $0xA000, v45;
	v13 =	vld.idx.msk [tilespmem:v18+s2+$0x0], $0xffff  }
0xff: {  	v52 =	vadd.s32 $0x2800, v45;
	v18 =	vld.idx.msk [tilespmem:v19+s2+$0x0], $0xffff  }
0x100: {  	v53 =	vadd.s32 $0xC800, v45;
	v19 =	vld.idx.msk [tilespmem:v24+s2+$0x0], $0xffff  }
0x101: {  	v47 =	vadd.s32 $0x5000, v45;
	v54 =	vshll.u32 v23, $0x10;
	v24 =	vld.idx.msk [tilespmem:v43+s2+$0x0], $0xffff  }
0x102: {  	v55 =	vadd.s32 $0xF000, v45;
	v23 =	vand.u32 $0xFFFF0000, v23;
	[tilespmem:v11+s13+$0x0] =	vst.idx.add.f32.msk $0xffff, v54  }
0x103: {  	v56 =	vadd.s32 $0x7800, v45;
	v11 =	vshll.u32 v27, $0x10;
	[tilespmem:v46+s13+$0x0] =	vst.idx.add.f32.msk $0xffff, v23  }
0x104: {  	v23 =	vshrl.u32 v16, $0x10;
	v16 =	vand.u32 $0xFFFF0000, v27;
	v27 =	vadd.s32 $0x11800, v45;
	[tilespmem:v52+s13+$0x0] =	vst.idx.add.f32.msk $0xffff, v11  }
0x105: {  	v11 =	vshll.u32 v28, $0x10;
	v57 =	vand.u32 $0xFFFF, v23;
	[tilespmem:v53+s13+$0x0] =	vst.idx.add.f32.msk $0xffff, v16  }
0x106: {  	v16 =	vand.u32 $0xFFFF0000, v28;
	v28 =	vadd.s32 $0xA000, v57;
	[tilespmem:v47+s13+$0x0] =	vst.idx.add.f32.msk $0xffff, v11  }
0x107: {  	v58 =	vadd.s32 $0x2800, v57;
	v11 =	vshll.u32 v29, $0x10;
	[tilespmem:v55+s13+$0x0] =	vst.idx.add.f32.msk $0xffff, v16  }
0x108: {  	v59 =	vadd.s32 $0xC800, v57;
	v29 =	vand.u32 $0xFFFF0000, v29;
	[tilespmem:v56+s13+$0x0] =	vst.idx.add.f32.msk $0xffff, v11  }
0x109: {  	v61 =	vshrl.u32 v21, $0x10;
	v60 =	vadd.s32 $0x5000, v57;
	v11 =	vshll.u32 v30, $0x10;
	[tilespmem:v27+s13+$0x0] =	vst.idx.add.f32.msk $0xffff, v29  }
0x10a: {  	v33 =	vand.u32 $0xFFFF0000, v63;
	v27 =	vand.u32 $0xFFFF0000, v30;
	v29 =	vadd.s32 $0xF000, v57;
	[tilespmem:v23+s13+$0x0] =	vst.idx.add.f32.msk $0xffff, v11  }
0x10b: {  	v21 =	vand.u32 $0xFFFF0000, v37;
	v30 =	vadd.s32 $0x7800, v57;
	v23 =	vshll.u32 v31, $0x10;
	[tilespmem:v28+s13+$0x0] =	vst.idx.add.f32.msk $0xffff, v27  }
0x10c: {  	v41 =	vadd.s32 $0x11800, v57;
	v16 =	vshrl.u32 v62, $0x10;
	v28 =	vand.u32 $0xFFFF0000, v31;
	[tilespmem:v58+s13+$0x0] =	vst.idx.add.f32.msk $0xffff, v23  }
0x10d: {  	v62 =	vshll.u32 v63, $0x10;
	v63 =	vshll.u32 v35, $0x10;
	[tilespmem:v59+s13+$0x0] =	vst.idx.add.f32.msk $0xffff, v28;
	v28 =	vand.u32 $0xFFFF, v61  }
0x10e: {  	v11 =	vshrl.u32 v48, $0x10;
	v27 =	vshrl.u32 v39, $0x10;
	[tilespmem:v60+s13+$0x0] =	vst.idx.add.f32.msk $0xffff, v62;
	v32 =	vadd.s32 $0xA000, v28  }
0x10f: {  	v31 =	vshrl.u32 v49, $0x10;
	v23 =	vshrl.u32 v38, $0x10;
	v34 =	vadd.s32 $0x2800, v28;
	[tilespmem:v29+s13+$0x0] =	vst.idx.add.f32.msk $0xffff, v33  }
0x110: {  	v40 =	vadd.s32 $0x11800, v28;
	v29 =	vand.u32 $0xFFFF0000, v35;
	v35 =	vadd.s32 $0xC800, v28;
	[tilespmem:v30+s13+$0x0] =	vst.idx.add.f32.msk $0xffff, v63  }
0x111: {  	v42 =	vadd.s32 $0xF000, v28;
	v33 =	vadd.s32 $0x5000, v28;
	v30 =	vshll.u32 v36, $0x10;
	[tilespmem:v41+s13+$0x0] =	vst.idx.add.f32.msk $0xffff, v29  }
0x112: {  	s20 =	simm.s32 $0x100;
	v29 =	vand.u32 $0xFFFF0000, v36;
	v41 =	vadd.s32 $0x7800, v28;
	[tilespmem:v61+s13+$0x0] =	vst.idx.add.f32.msk $0xffff, v30;
	v30 =	vshll.u32 v37, $0x10  }
.LBB2_7:
0x113: {  	v38 =	vand.u32 $0xFFFF0000, v15;
	p1 =	sne.s32 s20, $0x3000;
	[tilespmem:v32+s13+$0x0] =	vst.idx.add.f32.msk $0xffff, v29;
	v32 =	vmovc v27;
	v28 =	vmovc v23;
	v29 =	vmov v14;
	v37 =	vmov v31;
	s21 =	smov.u32 s20;
	s20 =	sadd.s32 $0x100, s20  }
0x114: {  	v14 =	vshll.u32 v10, $0x10;
	v23 =	vand.u32 $0xFFFF, v16;
	v36 =	vmovc v17;
	v39 =	vmovc v25;
	[tilespmem:v34+s13+$0x0] =	vst.idx.add.f32.msk $0xffff, v30;
	v34 =	vmov v18  }
0x115: {  	v17 =	vand.u32 $0xFFFF0000, v10;
	v10 =	vmovc v13;
	v18 =	vadd.s32 $0xA000, v23;
	[tilespmem:v35+s13+$0x0] =	vst.idx.add.f32.msk $0xffff, v21;
	v21 =	vmovc v38;
	v35 =	vmov v19  }
0x116: {  	v13 =	vshll.u32 v9, $0x10;
	v30 =	vmovc v15;
	[tilespmem:v33+s13+$0x0] =	vst.idx.add.f32.msk $0xffff, v14;
	v14 =	vadd.s32 $0x2800, v23;
	v38 =	vmovc v22;
	v33 =	vmov v20  }
0x117: {  	v43 =	vmovc v26;
	v15 =	vand.u32 $0xFFFF0000, v9;
	v9 =	vmovc v12;
	[tilespmem:v42+s13+$0x0] =	vst.idx.add.f32.msk $0xffff, v17;
	v17 =	vadd.s32 $0xC800, v23;
	v42 =	vmov v24  }
0x118: {  	v12 =	vshll.u32 v8, $0x10;
	[tilespmem:v41+s13+$0x0] =	vst.idx.add.f32.msk $0xffff, v13;
	v13 =	vadd.s32 $0x5000, v23  }
0x119: {  	v19 =	vadd.s32 $0xF000, v23;
	[tilespmem:v40+s13+$0x0] =	vst.idx.add.f32.msk $0xffff, v15;
	v15 =	vand.u32 $0xFFFF0000, v8;
	v8 =	vmov v3  }
0x11a: {  	v3 =	vshll.u32 v7, $0x10;
	[tilespmem:v16+s13+$0x0] =	vst.idx.add.f32.msk $0xffff, v12;
	v12 =	vadd.s32 $0x7800, v23;
	v16 =	vmov v11  }
0x11b: {  	v11 =	vand.u32 $0xFFFF0000, v7;
	v7 =	vmov v4;
	[tilespmem:v18+s13+$0x0] =	vst.idx.add.f32.msk $0xffff, v15;
	v15 =	vadd.s32 $0x11800, v23  }
0x11c: {  	[tilespmem:v14+s13+$0x0] =	vst.idx.add.f32.msk $0xffff, v3;
	v3 =	vshll.u32 v6, $0x10  }
0x11d: {  	v4 =	vand.u32 $0xFFFF0000, v6;
	v6 =	vmov v1;
	[tilespmem:v17+s13+$0x0] =	vst.idx.add.f32.msk $0xffff, v11  }
0x11e: {  	v1 =	vshll.u32 v5, $0x10;
	[tilespmem:v13+s13+$0x0] =	vst.idx.add.f32.msk $0xffff, v3  }
0x11f: {  	v3 =	vand.u32 $0xFFFF0000, v5;
	v5 =	vmov v2;
	[tilespmem:v19+s13+$0x0] =	vst.idx.add.f32.msk $0xffff, v4  }
0x120: {  	[tilespmem:v12+s13+$0x0] =	vst.idx.add.f32.msk $0xffff, v1  }
0x121: {  	s21 =	sshra.s32 s21, $0x2;
	[tilespmem:v15+s13+$0x0] =	vst.idx.add.f32.msk $0xffff, v3  }
0x122: {  	v1 =	vld [tilespmem:s21+$0x1ECF0]  }
0x123: {  	v2 =	vld [tilespmem:s21+$0x1ECE0]  }
0x124: {  	v3 =	vld [tilespmem:s21+$0x1ECD0];
	_ =	sdelay $0x2  }
0x125: {  	v4 =	vand.u32 $0xFFFF, v1;
	v11 =	vshrl.u32 v1, $0x10  }
0x126: {  	v1 =	vld [tilespmem:s21+$0x1ECC0];
	v12 =	vand.u32 $0xFFFF, v2;
	v13 =	vadd.s32 $0x2800, v4;
	v15 =	vadd.s32 $0x5000, v4  }
0x127: {  	v19 =	vadd.s32 $0x7800, v4;
	v17 =	vand.u32 $0xFFFF, v3;
	v18 =	vadd.s32 $0x5000, v12  }
0x128: {  	v22 =	vadd.s32 $0x2800, v12;
	v24 =	vadd.s32 $0x7800, v12;
	v20 =	vadd.s32 $0x2800, v17  }
0x129: {  	v27 =	vshrl.u32 v3, $0x10;
	v26 =	vadd.s32 $0x5000, v17;
	v40 =	vadd.s32 $0x7800, v17  }
0x12a: {  	v23 =	vshrl.u32 v2, $0x10;
	v3 =	vld.idx.msk [tilespmem:v4+s2+$0x0], $0xffff  }
0x12b: {  	v25 =	vand.u32 $0xFFFF, v1;
	v14 =	vld.idx.msk [tilespmem:v12+s2+$0x0], $0xffff;
	v31 =	vshrl.u32 v1, $0x10  }
0x12c: {  	v41 =	vadd.s32 $0x2800, v25;
	v44 =	vadd.s32 $0x5000, v25;
	v45 =	vadd.s32 $0x7800, v25;
	v1 =	vld.idx.msk [tilespmem:v15+s2+$0x0], $0xffff  }
0x12d: {  	v4 =	vld.idx.msk [tilespmem:v13+s2+$0x0], $0xffff  }
0x12e: {  	v17 =	vld.idx.msk [tilespmem:v17+s2+$0x0], $0xffff  }
0x12f: {  	v2 =	vld.idx.msk [tilespmem:v19+s2+$0x0], $0xffff  }
0x130: {  	v13 =	vld.idx.msk [tilespmem:v18+s2+$0x0], $0xffff  }
0x131: {  	v18 =	vld.idx.msk [tilespmem:v20+s2+$0x0], $0xffff  }
0x132: {  	v12 =	vld.idx.msk [tilespmem:v24+s2+$0x0], $0xffff  }
0x133: {  	v25 =	vld.idx.msk [tilespmem:v25+s2+$0x0], $0xffff  }
0x134: {  	v46 =	vand.u32 $0xFFFF, v37;
	v19 =	vld.idx.msk [tilespmem:v26+s2+$0x0], $0xffff  }
0x135: {  	v47 =	vadd.s32 $0xA000, v46;
	v15 =	vld.idx.msk [tilespmem:v22+s2+$0x0], $0xffff  }
0x136: {  	v22 =	vld.idx.msk [tilespmem:v45+s2+$0x0], $0xffff;
	v45 =	vadd.s32 $0x2800, v46  }
0x137: {  	v20 =	vld.idx.msk [tilespmem:v40+s2+$0x0], $0xffff;
	v40 =	vadd.s32 $0xC800, v46  }
0x138: {  	v48 =	vadd.s32 $0x5000, v46;
	v24 =	vld.idx.msk [tilespmem:v44+s2+$0x0], $0xffff;
	v44 =	vshll.u32 v39, $0x10  }
0x139: {  	v39 =	vand.u32 $0xFFFF0000, v39;
	v26 =	vld.idx.msk [tilespmem:v41+s2+$0x0], $0xffff;
	v41 =	vadd.s32 $0xF000, v46  }
0x13a: {  	[tilespmem:v37+s13+$0x0] =	vst.idx.add.f32.msk $0xffff, v44;
	v37 =	vshll.u32 v43, $0x10;
	v44 =	vadd.s32 $0x7800, v46  }
0x13b: {  	[tilespmem:v47+s13+$0x0] =	vst.idx.add.f32.msk $0xffff, v39;
	v39 =	vand.u32 $0xFFFF0000, v43;
	v43 =	vadd.s32 $0x11800, v46  }
0x13c: {  	[tilespmem:v45+s13+$0x0] =	vst.idx.add.f32.msk $0xffff, v37;
	v37 =	vshll.u32 v42, $0x10;
	v45 =	vand.u32 $0xFFFF, v32  }
0x13d: {  	[tilespmem:v40+s13+$0x0] =	vst.idx.add.f32.msk $0xffff, v39;
	v39 =	vand.u32 $0xFFFF0000, v42;
	v40 =	vadd.s32 $0xA000, v45  }
0x13e: {  	v42 =	vadd.s32 $0x2800, v45;
	[tilespmem:v48+s13+$0x0] =	vst.idx.add.f32.msk $0xffff, v37;
	v37 =	vshll.u32 v38, $0x10  }
0x13f: {  	v38 =	vand.u32 $0xFFFF0000, v38;
	[tilespmem:v41+s13+$0x0] =	vst.idx.add.f32.msk $0xffff, v39;
	v39 =	vadd.s32 $0xC800, v45  }
0x140: {  	v41 =	vadd.s32 $0x5000, v45;
	[tilespmem:v44+s13+$0x0] =	vst.idx.add.f32.msk $0xffff, v37;
	v37 =	vshll.u32 v36, $0x10  }
0x141: {  	v36 =	vand.u32 $0xFFFF0000, v36;
	[tilespmem:v43+s13+$0x0] =	vst.idx.add.f32.msk $0xffff, v38;
	v38 =	vadd.s32 $0xF000, v45  }
0x142: {  	[tilespmem:v32+s13+$0x0] =	vst.idx.add.f32.msk $0xffff, v37;
	v32 =	vshll.u32 v34, $0x10;
	v37 =	vadd.s32 $0x7800, v45  }
0x143: {  	v34 =	vand.u32 $0xFFFF0000, v34;
	[tilespmem:v40+s13+$0x0] =	vst.idx.add.f32.msk $0xffff, v36;
	v36 =	vadd.s32 $0x11800, v45  }
0x144: {  	v43 =	vand.u32 $0xFFFF, v28;
	[tilespmem:v42+s13+$0x0] =	vst.idx.add.f32.msk $0xffff, v32;
	v42 =	vshll.u32 v35, $0x10  }
0x145: {  	v40 =	vadd.s32 $0x11800, v43;
	v35 =	vand.u32 $0xFFFF0000, v35;
	v32 =	vadd.s32 $0xA000, v43;
	[tilespmem:v39+s13+$0x0] =	vst.idx.add.f32.msk $0xffff, v34  }
.Ltmp4:
0x146: {  	v39 =	vshll.u32 v33, $0x10;
	v34 =	vadd.s32 $0x2800, v43;
	[tilespmem:v41+s13+$0x0] =	vst.idx.add.f32.msk $0xffff, v42;
	(pc) =	sbr.rel @p1 .LBB2_7-.Ltmp4, $4  }
0x147: {  	[tilespmem:v38+s13+$0x0] =	vst.idx.add.f32.msk $0xffff, v35;
	v38 =	vand.u32 $0xFFFF0000, v33;
	v35 =	vadd.s32 $0xC800, v43  }
0x148: {  	v33 =	vadd.s32 $0x5000, v43;
	[tilespmem:v37+s13+$0x0] =	vst.idx.add.f32.msk $0xffff, v39;
	v37 =	vshll.u32 v29, $0x10  }
0x149: {  	v42 =	vadd.s32 $0xF000, v43;
	v29 =	vand.u32 $0xFFFF0000, v29;
	[tilespmem:v36+s13+$0x0] =	vst.idx.add.f32.msk $0xffff, v38  }
0x14a: {  	v30 =	vshll.u32 v30, $0x10;
	v41 =	vadd.s32 $0x7800, v43;
	[tilespmem:v28+s13+$0x0] =	vst.idx.add.f32.msk $0xffff, v37  }
0x14b: {  	_ =	sdelay $0x3  }
0x14c: {  	[tilespmem:v32+s13+$0x0] =	vst.idx.add.f32.msk $0xffff, v29  }
0x14d: {  	[tilespmem:v34+s13+$0x0] =	vst.idx.add.f32.msk $0xffff, v30  }
0x14e: {  	v28 =	vshll.u32 v10, $0x10;
	v59 =	vand.u32 $0xFFFF, v16;
	[tilespmem:v35+s13+$0x0] =	vst.idx.add.f32.msk $0xffff, v21  }
0x14f: {  	v60 =	vand.u32 $0xFFFF0000, v10;
	v61 =	vadd.s32 $0xA000, v59;
	[tilespmem:v33+s13+$0x0] =	vst.idx.add.f32.msk $0xffff, v28  }
0x150: {  	v62 =	vshll.u32 v9, $0x10;
	v63 =	vadd.s32 $0x2800, v59;
	[tilespmem:v42+s13+$0x0] =	vst.idx.add.f32.msk $0xffff, v60  }
0x151: {  	v36 =	vand.u32 $0xFFFF0000, v9;
	v37 =	vadd.s32 $0xC800, v59;
	[tilespmem:v41+s13+$0x0] =	vst.idx.add.f32.msk $0xffff, v62  }
0x152: {  	v38 =	vshll.u32 v8, $0x10;
	v39 =	vadd.s32 $0x5000, v59;
	[tilespmem:v40+s13+$0x0] =	vst.idx.add.f32.msk $0xffff, v36  }
0x153: {  	v42 =	vadd.s32 $0xF000, v59;
	v41 =	vand.u32 $0xFFFF0000, v8;
	[tilespmem:v16+s13+$0x0] =	vst.idx.add.f32.msk $0xffff, v38  }
0x154: {  	v43 =	vshll.u32 v7, $0x10;
	v44 =	vadd.s32 $0x7800, v59;
	[tilespmem:v61+s13+$0x0] =	vst.idx.add.f32.msk $0xffff, v41  }
0x155: {  	v45 =	vand.u32 $0xFFFF0000, v7;
	v46 =	vadd.s32 $0x11800, v59;
	[tilespmem:v63+s13+$0x0] =	vst.idx.add.f32.msk $0xffff, v43  }
0x156: {  	v47 =	vshll.u32 v6, $0x10;
	[tilespmem:v37+s13+$0x0] =	vst.idx.add.f32.msk $0xffff, v45  }
0x157: {  	v48 =	vand.u32 $0xFFFF0000, v6;
	v49 =	vadd.s32 $0xA000, v31;
	[tilespmem:v39+s13+$0x0] =	vst.idx.add.f32.msk $0xffff, v47  }
0x158: {  	v50 =	vshll.u32 v5, $0x10;
	v51 =	vadd.s32 $0x2800, v31;
	[tilespmem:v42+s13+$0x0] =	vst.idx.add.f32.msk $0xffff, v48  }
0x159: {  	v52 =	vand.u32 $0xFFFF0000, v5;
	v53 =	vadd.s32 $0xC800, v31;
	[tilespmem:v44+s13+$0x0] =	vst.idx.add.f32.msk $0xffff, v50  }
0x15a: {  	v54 =	vshll.u32 v25, $0x10;
	v55 =	vadd.s32 $0x5000, v31;
	[tilespmem:v46+s13+$0x0] =	vst.idx.add.f32.msk $0xffff, v52  }
0x15b: {  	v56 =	vand.u32 $0xFFFF0000, v25;
	v57 =	vadd.s32 $0xF000, v31;
	[tilespmem:v31+s13+$0x0] =	vst.idx.add.f32.msk $0xffff, v54  }
0x15c: {  	v58 =	vshll.u32 v26, $0x10;
	v59 =	vadd.s32 $0x7800, v31;
	[tilespmem:v49+s13+$0x0] =	vst.idx.add.f32.msk $0xffff, v56  }
0x15d: {  	v60 =	vand.u32 $0xFFFF0000, v26;
	v61 =	vadd.s32 $0x11800, v31;
	[tilespmem:v51+s13+$0x0] =	vst.idx.add.f32.msk $0xffff, v58  }
0x15e: {  	v62 =	vshll.u32 v24, $0x10;
	[tilespmem:v53+s13+$0x0] =	vst.idx.add.f32.msk $0xffff, v60  }
0x15f: {  	v16 =	vadd.s32 $0xA000, v27;
	v63 =	vand.u32 $0xFFFF0000, v24;
	[tilespmem:v55+s13+$0x0] =	vst.idx.add.f32.msk $0xffff, v62  }
0x160: {  	v21 =	vshll.u32 v22, $0x10;
	v24 =	vadd.s32 $0x2800, v27;
	[tilespmem:v57+s13+$0x0] =	vst.idx.add.f32.msk $0xffff, v63  }
0x161: {  	v25 =	vand.u32 $0xFFFF0000, v22;
	v26 =	vadd.s32 $0xC800, v27;
	[tilespmem:v59+s13+$0x0] =	vst.idx.add.f32.msk $0xffff, v21  }
0x162: {  	v29 =	vadd.s32 $0x5000, v27;
	v28 =	vshll.u32 v17, $0x10;
	[tilespmem:v61+s13+$0x0] =	vst.idx.add.f32.msk $0xffff, v25  }
0x163: {  	v30 =	vand.u32 $0xFFFF0000, v17;
	v31 =	vadd.s32 $0xF000, v27;
	[tilespmem:v27+s13+$0x0] =	vst.idx.add.f32.msk $0xffff, v28  }
0x164: {  	v32 =	vshll.u32 v18, $0x10;
	v33 =	vadd.s32 $0x7800, v27;
	[tilespmem:v16+s13+$0x0] =	vst.idx.add.f32.msk $0xffff, v30  }
0x165: {  	v34 =	vand.u32 $0xFFFF0000, v18;
	v35 =	vadd.s32 $0x11800, v27;
	[tilespmem:v24+s13+$0x0] =	vst.idx.add.f32.msk $0xffff, v32  }
0x166: {  	v36 =	vshll.u32 v19, $0x10;
	[tilespmem:v26+s13+$0x0] =	vst.idx.add.f32.msk $0xffff, v34  }
0x167: {  	v38 =	vadd.s32 $0xA000, v23;
	v37 =	vand.u32 $0xFFFF0000, v19;
	[tilespmem:v29+s13+$0x0] =	vst.idx.add.f32.msk $0xffff, v36  }
0x168: {  	v40 =	vadd.s32 $0x2800, v23;
	v39 =	vshll.u32 v20, $0x10;
	[tilespmem:v31+s13+$0x0] =	vst.idx.add.f32.msk $0xffff, v37  }
0x169: {  	v41 =	vand.u32 $0xFFFF0000, v20;
	v42 =	vadd.s32 $0xC800, v23;
	[tilespmem:v33+s13+$0x0] =	vst.idx.add.f32.msk $0xffff, v39  }
0x16a: {  	v43 =	vshll.u32 v14, $0x10;
	v44 =	vadd.s32 $0x5000, v23;
	[tilespmem:v35+s13+$0x0] =	vst.idx.add.f32.msk $0xffff, v41  }
0x16b: {  	v45 =	vand.u32 $0xFFFF0000, v14;
	v46 =	vadd.s32 $0xF000, v23;
	[tilespmem:v23+s13+$0x0] =	vst.idx.add.f32.msk $0xffff, v43  }
0x16c: {  	v47 =	vshll.u32 v15, $0x10;
	v48 =	vadd.s32 $0x7800, v23;
	[tilespmem:v38+s13+$0x0] =	vst.idx.add.f32.msk $0xffff, v45  }
0x16d: {  	v50 =	vadd.s32 $0x11800, v23;
	v49 =	vand.u32 $0xFFFF0000, v15;
	[tilespmem:v40+s13+$0x0] =	vst.idx.add.f32.msk $0xffff, v47  }
0x16e: {  	v51 =	vshll.u32 v13, $0x10;
	[tilespmem:v42+s13+$0x0] =	vst.idx.add.f32.msk $0xffff, v49  }
0x16f: {  	v52 =	vand.u32 $0xFFFF0000, v13;
	v53 =	vadd.s32 $0xA000, v11;
	[tilespmem:v44+s13+$0x0] =	vst.idx.add.f32.msk $0xffff, v51  }
0x170: {  	v54 =	vshll.u32 v12, $0x10;
	v55 =	vadd.s32 $0x2800, v11;
	[tilespmem:v46+s13+$0x0] =	vst.idx.add.f32.msk $0xffff, v52  }
0x171: {  	v56 =	vand.u32 $0xFFFF0000, v12;
	v57 =	vadd.s32 $0xC800, v11;
	[tilespmem:v48+s13+$0x0] =	vst.idx.add.f32.msk $0xffff, v54  }
0x172: {  	v58 =	vshll.u32 v3, $0x10;
	v59 =	vadd.s32 $0x5000, v11;
	[tilespmem:v50+s13+$0x0] =	vst.idx.add.f32.msk $0xffff, v56  }
0x173: {  	v3 =	vand.u32 $0xFFFF0000, v3;
	v60 =	vadd.s32 $0xF000, v11;
	[tilespmem:v11+s13+$0x0] =	vst.idx.add.f32.msk $0xffff, v58  }
0x174: {  	v61 =	vadd.s32 $0x7800, v11;
	[tilespmem:v53+s13+$0x0] =	vst.idx.add.f32.msk $0xffff, v3;
	v3 =	vshll.u32 v4, $0x10  }
0x175: {  	v62 =	vand.u32 $0xFFFF0000, v4;
	[tilespmem:v55+s13+$0x0] =	vst.idx.add.f32.msk $0xffff, v3;
	v3 =	vadd.s32 $0x11800, v11  }
.Ltmp5:
0x176: {  	v63 =	vshll.u32 v1, $0x10;
	[tilespmem:v57+s13+$0x0] =	vst.idx.add.f32.msk $0xffff, v62;
	(pc) =	sbr.rel @p0 .LBB2_10-.Ltmp5, $4  }
0x177: {  	v1 =	vand.u32 $0xFFFF0000, v1;
	[tilespmem:v59+s13+$0x0] =	vst.idx.add.f32.msk $0xffff, v63  }
0x178: {  	[tilespmem:v60+s13+$0x0] =	vst.idx.add.f32.msk $0xffff, v1;
	v1 =	vshll.u32 v2, $0x10  }
0x179: {  	v2 =	vand.u32 $0xFFFF0000, v2;
	[tilespmem:v61+s13+$0x0] =	vst.idx.add.f32.msk $0xffff, v1  }
0x17a: {  	[tilespmem:v3+s13+$0x0] =	vst.idx.add.f32.msk $0xffff, v2  }
0x17b: {  	s20 =	smul.u32 $0x1900, s19  }
.Ltmp6:
0x17c: {  	_ = 	snop;
	(pc) =	sbr.rel .LBB2_4-.Ltmp6, $4  }
0x17d: {  	s20 =	sshrl.u32 s20, $0x3  }
0x17e: {  	s20 =	sadd.s32 s3, s20  }
0x17f: {  	s19 =	sadd.s32 $0x1, s19;
	s20 =	sadd.s32 $0x4B0, s20  }
0x180: {  	[tilespmem:s11], [sflag:$0x2] =	stream.linear.gather [hbm4b:s20+s2], $0xC80, $0x38;
	[tilespmem:$0x1F900] =	vst v63  }
.LBB2_11:
0x181: {  	_ =	sfence.sel $0x180000  }
0x182: {  	[bflag:$0x0] =	sbarrier.arrive $0xFFFF  }
0x183: {  	p0 =	sne.s32 s0, $0x0;
	_ =	strace $0x9000004A  }
0x184: {  	s0 =	sadd.s32 @!p0 $0x100000, s1;
	[bflag:$0x2] =	sbarrier.arrive $0xFFFF  }
0x185: {  	[sflag:s0] =	ssyncadd.tile.s32 @!p0 $0x1;
	_ =	shalt  }
.Lfunc_end2:
_tile_overlayer_lowered:
.L_overlay_start_2:
0x186: {  	(tag) =	ssettag $0x2  }
0x187: {  	s0 =	rddreg [dreg:$0x0];
	s2 =	stileid.u32  }
0x188: {  	s1 =	rddreg [dreg:$0x1];
	p0 =	sne.s32 s2, $0x0  }
0x189: {  	s3 =	rddreg [dreg:$0x2];
	[bflag:$0x3] =	sbarrier.arrive $0xFFFF;
	s2 =	simm.s32 @!p0 $0x1C04  }
0x18a: {  	[timem:s3], [sflag:s2] =	dma.local @!p0 [hbm:s0], s1  }
0x18b: {  	s0 =	simm.s32 @!p0 $0x4  }
0x18c: {  	_ =	swait.ge @!p0 [sflag:s0], s1  }
0x18d: {  	s1 =	ssub.s32 @!p0 $0x0, s1;
	[sflag:s0] =	ssyncset.done @!p0 $0x0  }
0x18e: {  	[sflag:s0] =	ssyncadd.s32 @!p0 s1  }
0x18f: {  	[bflag:$0x3] =	sbarrier.arrive $0xFFFF  }
0x190: {  	_ =	shalt  }

// kernel: kernel.14.cloned.1.call-start
scs
__scs_entry_jumppad:
0x0: {  	(pc) =	sbr.rel $0x88, $3  }
0x1: {  	(tag) =	ssettag $0x0;
	lr =	simm.s32 $0x1  }
0x2: {  	[smem:$0x3F99] =	sst lr;
	_ =	strace $0xD0000000  }
0x3: {  	_ = 	snop  }
0x4: {  	_ = 	snop  }
0x5: {  	_ = 	snop  }
0x6: {  	_ = 	snop  }
0x7: {  	_ = 	snop  }
__scs_overlays_trampoline_lowered:
0x8: {  	[smem:$0x3FA8] =	sst s0  }
0x9: {  	[smem:$0x3FA9] =	sst s1  }
0xa: {  	[smem:$0x3FAA] =	sst s2  }
0xb: {  	[smem:$0x3FAB] =	sst s3  }
0xc: {  	[smem:$0x3FAC] =	sst s4  }
0xd: {  	[smem:$0x3FAD] =	sst s5  }
0xe: {  	[smem:$0x3FAE] =	sst s6  }
0xf: {  	[smem:$0x3FAF] =	sst s7  }
0x10: {  	[smem:$0x3FB0] =	sst s8  }
0x11: {  	[smem:$0x3FB1] =	sst s9;
	s0 =	simm.s32 @!p0 $0x0  }
0x12: {  	s1 =	sld [smem:$0x3F97];
	s0 =	simm.s32 @p0 $0x1  }
0x13: {  	[smem:$0x3FB2] =	sst s0;
	s0 =	simm.s32 @!p1 $0x0  }
0x14: {  	s2 =	sld [smem:$0x3F96];
	s0 =	simm.s32 @p1 $0x1  }
0x15: {  	[smem:$0x3FB3] =	sst s0;
	s0 =	simm.s32 @!p2 $0x0  }
0x16: {  	s3 =	sld [smem:$0x3FDB];
	s0 =	simm.s32 @p2 $0x1  }
0x17: {  	s4 =	simm.s32 $0x1BF5;
	[smem:$0x3FB5] =	sst s0  }
0x18: {  	s0 =	sld [smem:$0x3F98];
	_ =	swait.ge [sflag:s4], $0x0  }
0x19: {  	s7 =	sld [smem:$0x3F99]  }
0x1a: {  	s8 =	sadd.s32 $0xFFFFE003, lr  }
0x1b: {  	s9 =	sadd.s32 $0xFFFFFEF7, lr;
	s5 =	simm.s32 $0xFFFFFFFF;
	p2 =	slt.u32 s8, $0xFFFFF086  }
0x1c: {  	p1 =	slt.u32 s9, $0xF7A;
	s5 =	simm.s32 @!p2 $0x0  }
0x1d: {  	s5 =	simm.s32 @p1 $0x1;
	p0 =	seq.s32 s7, s2  }
0x1e: {  	s7 =	smul.u32 @!p0 $0xF7A, s2;
	p2 =	seq.s32 @!p0 s5, $0x0  }
0x1f: {  	s9 =	smul.u32 $0xF7A, s1;
	s8 =	simm.s32 @!p0 $0x1BF5;
	p2 =	por !p2, p0  }
0x20: {  	[sflag:s8] =	ssyncset.s32 @!p0 $0xFFFFF086;
	s6 =	sadd.s32 @!p0 s3, s7;
	s7 =	simm.s32 @!p0 $0x108  }
0x21: {  	s3 =	sadd.s32 s3, s9;
	s6 =	sadd.s32 @!p0 $0x88, s6;
	s7 =	simm.s32 @p2 $0x1082  }
0x22: {  	[simem:s7], [sflag:s8] =	dma.local @!p0 [hbm:s6], $0xF7A  }
0x23: {  	s9 =	sor.u32 $0xD0000000, s2;
	s6 =	simm.s32 $0x108;
	_ =	swait.ge @!p0 [sflag:s8], $0x0  }
0x24: {  	s3 =	sadd.s32 $0x88, s3;
	s6 =	simm.s32 @!p1 $0x1082;
	[sflag:s4] =	ssyncset.s32 $0xFFFFF086  }
0x25: {  	[simem:s6], [sflag:s4] =	dma.local [hbm:s3], $0xF7A  }
0x26: {  	[smem:$0x3F99] =	sst s1;
	(tag) =	ssettag s2;
	_ =	strace s9  }
0x27: {  	s1 =	sld [smem:$0x3FA9]  }
0x28: {  	s2 =	sld [smem:$0x3FAA]  }
0x29: {  	s4 =	sld [smem:$0x3FAC]  }
0x2a: {  	p0 =	seq.s32 s5, $0x0;
	s5 =	sld [smem:$0x3FAD]  }
0x2b: {  	s6 =	sld [smem:$0x3FAE]  }
0x2c: {  	s7 =	sld [smem:$0x3FAF]  }
0x2d: {  	s3 =	simm.s32 $0x108;
	s8 =	sld [smem:$0x3FB0]  }
0x2e: {  	s3 =	simm.s32 @!p0 $0x1082;
	s9 =	sld [smem:$0x3FB1]  }
0x2f: {  	lr =	sadd.s32 s0, s3;
	s0 =	sld [smem:$0x3FA8]  }
0x30: {  	s3 =	sld [smem:$0x3FAB]  }
0x31: {  	[smem:$0x3FB4] =	sst s10  }
0x32: {  	s10 =	sld [smem:$0x3FB2];
	_ =	sdelay $0x3  }
0x33: {  	p0 =	seq.s32 s10, $0x1;
	s10 =	sld [smem:$0x3FB4];
	_ =	sdelay $0x3  }
0x34: {  	[smem:$0x3FB4] =	sst s10  }
0x35: {  	s10 =	sld [smem:$0x3FB3];
	_ =	sdelay $0x3  }
0x36: {  	p1 =	seq.s32 s10, $0x1;
	s10 =	sld [smem:$0x3FB4];
	_ =	sdelay $0x3  }
0x37: {  	[smem:$0x3FB4] =	sst s10  }
0x38: {  	s10 =	sld [smem:$0x3FB5]  }
0x39: {  	_ = 	snop;
	(pc) =	sbr.ind lr, $3  }
0x3a: {  	_ = 	snop  }
0x3b: {  	_ = 	snop  }
0x3c: {  	p2 =	seq.s32 s10, $0x1;
	s10 =	sld [smem:$0x3FB4]  }
0x3d: {  	_ =	shalt  }
0x3e: {  	_ =	shalt  }
0x3f: {  	_ =	shalt  }
0x40: {  	_ =	shalt  }
0x41: {  	_ =	shalt  }
0x42: {  	_ =	shalt  }
0x43: {  	_ =	shalt  }
0x44: {  	_ =	shalt  }
0x45: {  	_ =	shalt  }
0x46: {  	_ =	shalt  }
0x47: {  	_ =	shalt  }
0x48: {  	_ =	shalt  }
0x49: {  	_ =	shalt  }
0x4a: {  	_ =	shalt  }
0x4b: {  	_ =	shalt  }
0x4c: {  	_ =	shalt  }
0x4d: {  	_ =	shalt  }
0x4e: {  	_ =	shalt  }
0x4f: {  	_ =	shalt  }
0x50: {  	_ =	shalt  }
0x51: {  	_ =	shalt  }
0x52: {  	_ =	shalt  }
0x53: {  	_ =	shalt  }
0x54: {  	_ =	shalt  }
0x55: {  	_ =	shalt  }
0x56: {  	_ =	shalt  }
0x57: {  	_ =	shalt  }
0x58: {  	_ =	shalt  }
0x59: {  	_ =	shalt  }
0x5a: {  	_ =	shalt  }
0x5b: {  	_ =	shalt  }
0x5c: {  	_ =	shalt  }
0x5d: {  	_ =	shalt  }
0x5e: {  	_ =	shalt  }
0x5f: {  	_ =	shalt  }
0x60: {  	_ =	shalt  }
0x61: {  	_ =	shalt  }
0x62: {  	_ =	shalt  }
0x63: {  	_ =	shalt  }
0x64: {  	_ =	shalt  }
0x65: {  	_ =	shalt  }
0x66: {  	_ =	shalt  }
0x67: {  	_ =	shalt  }
0x68: {  	_ =	shalt  }
0x69: {  	_ =	shalt  }
0x6a: {  	_ =	shalt  }
0x6b: {  	_ =	shalt  }
0x6c: {  	_ =	shalt  }
0x6d: {  	_ =	shalt  }
0x6e: {  	_ =	shalt  }
0x6f: {  	_ =	shalt  }
0x70: {  	_ =	shalt  }
0x71: {  	_ =	shalt  }
0x72: {  	_ =	shalt  }
0x73: {  	_ =	shalt  }
0x74: {  	_ =	shalt  }
0x75: {  	_ =	shalt  }
0x76: {  	_ =	shalt  }
0x77: {  	_ =	shalt  }
0x78: {  	_ =	shalt  }
0x79: {  	_ =	shalt  }
0x7a: {  	_ =	shalt  }
0x7b: {  	_ =	shalt  }
0x7c: {  	_ =	shalt  }
0x7d: {  	_ =	shalt  }
0x7e: {  	_ =	shalt  }
0x7f: {  	_ =	shalt  }
0x80: {  	_ =	shalt  }
0x81: {  	_ =	shalt  }
0x82: {  	_ =	shalt  }
0x83: {  	_ =	shalt  }
0x84: {  	_ =	shalt  }
0x85: {  	_ =	shalt  }
0x86: {  	_ =	shalt  }
0x87: {  	_ =	shalt  }
.Lfunc_end0:
.L_simem_size_0:
called_computation.2_lowered:
.L_overlay_start_0:
0x88: {  	s2 =	sld [smem:$0x3FD9]  }
0x89: {  	s3 =	sld [smem:$0x3FFE];
	_ =	sdelay $0x1  }
0x8a: {  	s1 =	srdreg.scid  }
0x8b: {  	s0 =	sand.u32 $0x1, s1  }
0x8c: {  	s17 =	sshll.u32 s0, $0xA;
	s2 =	sadd.s32 s3, s2  }
0x8d: {  	s2 =	sadd.s32 s2, s17  }
0x8e: {  	[smem:$0x3FC0] =	sst s2  }
0x8f: {  	_ = 	snop  }
0x90: {  	s2 =	sld [smem:$0x3FD0];
	(tm) =	ssettm $0x1  }
0x91: {  	s18 =	sld [smem:$0x3FFB];
	_ =	sdelay $0x3  }
0x92: {  	_ =	strace s18  }
0x93: {  	s3 =	sld [smem:$0x3FFC];
	_ =	sdelay $0x3  }
0x94: {  	_ =	strace s3  }
0x95: {  	s3 =	sld [smem:$0x3FFD];
	_ =	sdelay $0x3  }
0x96: {  	_ =	strace s3  }
0x97: {  	_ =	strace $0x8FFFFFFF  }
0x98: {  	s19 =	sld [smem:$0x3FDB];
	_ =	sdelay $0x1  }
0x99: {  	s4 =	simm.s32 $_scs_section_size  }
0x9a: {  	s5 =	simm.s32 $_size__tile_overlayer_lowered;
	s6 =	simm.s32 $_tile_overlayer_lowered  }
0x9b: {  	s22 =	simm.s32 $0x1BFF;
	s21 =	sshll.u32 s6, $0x1;
	s3 =	sadd.s32 s4, s19  }
0x9c: {  	s7 =	simm.s32 $0x0;
	s20 =	sshll.u32 s5, $0x1;
	s5 =	sadd.s32 s21, s3  }
0x9d: {  	[timem:s7], [sflag:s22] =	dma.local [hbm:s5], s20  }
0x9e: {  	_ =	swait.ge [sflag:s22], s20  }
0x9f: {  	s4 =	ssub.s32 $0x0, s20;
	[sflag:s22] =	ssyncset.done $0x0  }
0xa0: {  	[sflag:s22] =	ssyncadd.s32 s4;
	_ =	sdelay $0x1  }
0xa1: {  	s23 =	simm.s32 $0x1B8B  }
0xa2: {  	_ =	swait.ge [sflag:s23], $0x1  }
0xa3: {  	[sflag:s23] =	ssyncset.done $0x0  }
0xa4: {  	s25 =	simm.s32 $0x1B8E;
	s24 =	sld [smem:$0x3FFE];
	[sflag:s23] =	ssyncadd.s32 $0xFFFFFFFF  }
0xa5: {  	s26 =	simm.s32 $execute0_lowered;
	[smem:$0x3FD2] =	sst s25  }
0xa6: {  	s5 =	sshll.u32 s26, $0x1;
	_ =	strace $0x8000004C;
	[dreg:$0x1] =	wrdreg $0xFFFFFFFF  }
0xa7: {  	s28 =	simm.s32 $_size_execute0_lowered;
	s3 =	sadd.s32 s3, s5;
	[dreg:$0x0] =	wrdreg $0x0  }
0xa8: {  	s5 =	sshll.u32 s28, $0x1;
	[dreg:$0x2] =	wrdreg s3  }
0xa9: {  	[dreg:$0x3] =	wrdreg s5  }
0xaa: {  	[dreg:$0x4] =	wrdreg $0xC0  }
0xab: {  	_ =	task [dreg:s7], $0x5FFFF  }
0xac: {  	[dreg:$0x1] =	wrdreg $0xFFFFFFFF  }
0xad: {  	[dreg:$0x0] =	wrdreg $0x60  }
0xae: {  	[dreg:$0x2] =	wrdreg s2  }
0xaf: {  	[dreg:$0x3] =	wrdreg s24  }
0xb0: {  	[dreg:$0x4] =	wrdreg $0x9  }
0xb1: {  	_ =	task.clear_ibuf [dreg:s7], $0x5FFFF;
	_ =	strace $0x9000004C  }
0xb2: {  	s29 =	simm.s32 $0x9;
	_ =	strace $0x8000004E  }
0xb3: {  	_ =	swait.ge [sflag:s29], $0x1  }
0xb4: {  	[sflag:s29] =	ssyncadd.s32 $0xFFFFFFFF  }
0xb5: {  	_ =	strace $0x9000004E  }
0xb6: {  	_ =	sfence  }
0xb7: {  	s30 =	sld [smem:$0x0];
	_ =	sdelay $0x2  }
0xb8: {  	s31 =	sshll.u32 s1, $0xD;
	s1 =	sshrl.u32 s1, $0x2  }
0xb9: {  	s3 =	sand.u32 $0x4000, s31;
	s1 =	sadd.s32 s1, s30  }
0xba: {  	s0 =	sor.u32 s3, s0;
	s1 =	sshll.u32 s1, $0x11  }
0xbb: {  	s0 =	sor.u32 s1, s0  }
0xbc: {  	s0 =	sadd.s32 $0x8F2B, s0  }
0xbd: {  	[sflag:s0] =	ssyncadd.remote.s32 $0x1  }
0xbe: {  	_ =	sfence.sel $0xFFFF  }
0xbf: {  	[dreg:$0x0] =	wrdreg $0xFFFFFFFF;
	(pc) =	sbr.abs _section_cstart, $3  }
0xc0: {  	[dreg:$0x1] =	wrdreg $0xFFFFFFFF  }
0xc1: {  	_ =	task.clear_ibuf [dreg:s7], $0x2FFFF;
	_ =	strace $0x9FFFFFFF  }
0xc2: {  	(tm) =	ssettm $0x7FFFFFFF  }
0xc3: {  	_ =	shalt  }
tec
execute0_lowered:
.L_overlay_start_1:
0x0: {  	(tag) =	ssettag $0x1  }
0x1: {  	s4 =	rddreg [dreg:$0x0]  }
0x2: {  	s5 =	rddreg [dreg:$0x1];
	s2 =	srdreg.scid  }
0x3: {  	s0 =	rddreg [dreg:$0x2];
	s1 =	stileid.u32;
	s11 =	simm.s32 $0x12E80  }
0x4: {  	s12 =	simm.s32 $0x1;
	s13 =	simm.s32 $0x5000;
	s3 =	sand.u32 $0x1, s2  }
0x5: {  	s14 =	simm.s32 $0x2;
	s6 =	sshll.u32 s1, $0x2;
	s7 =	sshll.u32 s3, $0x1  }
0x6: {  	s15 =	simm.s32 $0x4;
	s16 =	simm.s32 $0xA000;
	s6 =	sor.u32 s7, s6  }
0x7: {  	s17 =	simm.s32 $0x0;
	s2 =	simm.s32 $0x0;
	s8 =	smul.u32 $0x2800, s6  }
0x8: {  	s10 =	sadd.s32 $0x16000, s5;
	[smem:$0x7FF] =	sst s2;
	s6 =	smul.u32 $0x500, s6  }
.Ltmp0:
0x9: {  	s30 =	ssub.s32 $0x2, s3;
	s3 =	sadd.s32 $0xC200, s5;
	(pc) =	sbr.rel .LBB2_1-.Ltmp0, $4  }
0xa: {  	s5 =	sadd.s32 $0xC9D0, s5;
	_ =	strace $0x8000004D;
	s9 =	sshrl.u32 s30, $0x1  }
0xb: {  	s9 =	ssub.s32 s30, s9;
	s31 =	sshrl.u32 s8, $0x3;
	s4 =	sadd.s32 s4, s6  }
0xc: {  	s6 =	sadd.s32 s10, s6;
	s8 =	smax.u32 s9, $0x1;
	s7 =	sadd.s32 s10, s31  }
0xd: {  	v0 =	vimm.f32 $0.0e+00;
	s9 =	simm.s32 $0x3;
	s10 =	simm.s32 $0xF000;
	s7 =	sadd.s32 $0x14000, s7  }
.LBB2_10:
0xe: {  	[hbm4b:s6+s2] =	stream.linear.scatter [tilespmem:s13], [sflag:$0x4], $0x5000, $0x38;
	[tilespmem:$0x16D00] =	vst v63  }
0xf: {  	s17 =	sadd.s32 $0x1, s17;
	_ =	swait.ge [sflag:s15], $0x5000  }
0x10: {  	p0 =	sne.s32 s17, s8;
	[sflag:s15] =	ssyncset.done $0x0  }
.Ltmp1:
0x11: {  	[sflag:s15] =	ssyncadd.s32 $0xFFFFB000;
	(pc) =	sbr.rel @!p0 .LBB2_11-.Ltmp1, $4  }
0x12: {  	[hbm4b:s7+s2] =	stream.linear.scatter [tilespmem:s16], [sflag:$0x4], $0x5000, $0x38;
	[tilespmem:$0x16D00] =	vst v63  }
0x13: {  	_ =	swait.ge [sflag:s15], $0x5000  }
0x14: {  	[sflag:s15] =	ssyncset.done $0x0  }
0x15: {  	[sflag:s15] =	ssyncadd.s32 $0xFFFFB000  }
.LBB2_1:
0x16: {  	[tilespmem:s2], [sflag:$0x3] =	stream.linear.gather [hbm4b:s4+s2], $0x5000, $0x38;
	[tilespmem:$0x16D00] =	vst v63  }
0x17: {  	s19 =	simm.s32 $0x40;
	s18 =	simm.s32 $0x0  }
.LBB2_2:
0x18: {  	p0 =	sne.s32 s19, $0x9FC0;
	[tilespmem:s18+$0xC800] =	vst v0;
	s20 =	smov.u32 s19;
	s19 =	sadd.s32 $0x40, s19  }
.Ltmp2:
0x19: {  	[tilespmem:s18+$0xA000] =	vst v0;
	(pc) =	sbr.rel @p0 .LBB2_2-.Ltmp2, $3  }
0x1a: {  	[tilespmem:s18+$0x5000] =	vst v0  }
0x1b: {  	[tilespmem:s18+$0x7800] =	vst v0;
	_ =	sdelay $0x1  }
0x1c: {  	s18 =	sshra.s32 s20, $0x2  }
0x1d: {  	[tilespmem:s18+$0xC800] =	vst v0  }
0x1e: {  	[tilespmem:s18+$0xA000] =	vst v0  }
0x1f: {  	[tilespmem:s18+$0x5000] =	vst v0  }
0x20: {  	[tilespmem:s18+$0x7800] =	vst v0  }
0x21: {  	_ =	swait.ge [sflag:s9], $0x5000  }
0x22: {  	[sflag:s9] =	ssyncset.done $0x0  }
0x23: {  	s18 =	simm.s32 $0x0;
	[sflag:s9] =	ssyncadd.s32 $0xFFFFB000  }
0x24: {  	[tilespmem:s10], [sflag:$0x1] =	stream.linear.gather [hbm4b:s3+s18], $0x3E80, $0x38;
	[tilespmem:$0x16D00] =	vst v63  }
0x25: {  	s19 =	simm.s32 $0x0  }
0x26: {  	[tilespmem:s11], [sflag:$0x2] =	stream.linear.gather [hbm4b:s5+s18], $0x3E80, $0x38;
	[tilespmem:$0x16D00] =	vst v63  }
.LBB2_4:
0x27: {  	_ =	swait.ge [sflag:s12], $0x3E80  }
0x28: {  	[sflag:s12] =	ssyncset.done $0x0  }
0x29: {  	[sflag:s12] =	ssyncadd.s32 $0xFFFFC180  }
0x2a: {  	v8 =	vld [tilespmem:$0xF000]  }
0x2b: {  	v14 =	vld [tilespmem:$0xF010]  }
0x2c: {  	v16 =	vld [tilespmem:$0xF020]  }
0x2d: {  	v20 =	vld [tilespmem:$0xF030]  }
0x2e: {  	v22 =	vld [tilespmem:$0xF040]  }
0x2f: {  	v19 =	vld [tilespmem:$0xF050]  }
0x30: {  	v31 =	vld [tilespmem:$0xF060]  }
0x31: {  	s20 =	simm.s32 $0x0;
	v12 =	vld [tilespmem:$0xF070]  }
0x32: {  	v35 =	vld [tilespmem:s20+$0xF0C0]  }
0x33: {  	v38 =	vld [tilespmem:s20+$0xF090]  }
0x34: {  	v39 =	vld [tilespmem:s20+$0xF0D0];
	v1 =	vand.u32 $0xFFFF, v8  }
0x35: {  	v43 =	vld [tilespmem:s20+$0xF0E0]  }
0x36: {  	v44 =	vld [tilespmem:s20+$0xF0B0];
	v2 =	vadd.s32 $0x2800, v1  }
0x37: {  	v45 =	vld [tilespmem:s20+$0xF0A0];
	v3 =	vand.u32 $0xFFFF, v14  }
0x38: {  	v46 =	vld [tilespmem:s20+$0xF080];
	v5 =	vand.u32 $0xFFFF, v19  }
0x39: {  	v17 =	vld.idx.msk [tilespmem:v1+s18+$0x0], $0xffff;
	v1 =	vadd.s32 $0x2800, v3  }
0x3a: {  	v47 =	vld [tilespmem:s20+$0xF0F0];
	v21 =	vand.u32 $0xFFFF, v38  }
0x3b: {  	v25 =	vld.idx.msk [tilespmem:v2+s18+$0x0], $0xffff;
	v2 =	vand.u32 $0xFFFF, v16  }
0x3c: {  	v23 =	vand.u32 $0xFFFF, v39;
	v26 =	vld.idx.msk [tilespmem:v3+s18+$0x0], $0xffff  }
0x3d: {  	v7 =	vld.idx.msk [tilespmem:v5+s18+$0x0], $0xffff;
	v3 =	vadd.s32 $0x2800, v2  }
0x3e: {  	v33 =	vld.idx.msk [tilespmem:v1+s18+$0x0], $0xffff;
	v1 =	vand.u32 $0xFFFF, v20  }
0x3f: {  	v27 =	vld.idx.msk [tilespmem:v21+s2+$0x0], $0xffff;
	v4 =	vadd.s32 $0x2800, v1  }
0x40: {  	v36 =	vld.idx.msk [tilespmem:v2+s18+$0x0], $0xffff;
	v2 =	vand.u32 $0xFFFF, v22  }
0x41: {  	v24 =	vand.u32 $0xFFFF, v44;
	v13 =	vld.idx.msk [tilespmem:v23+s2+$0x0], $0xffff  }
0x42: {  	v30 =	vadd.s32 $0x2800, v24;
	v37 =	vld.idx.msk [tilespmem:v3+s18+$0x0], $0xffff  }
0x43: {  	v3 =	vadd.s32 $0x2800, v2;
	v40 =	vld.idx.msk [tilespmem:v1+s18+$0x0], $0xffff  }
0x44: {  	v1 =	vadd.s32 $0x2800, v5;
	v41 =	vld.idx.msk [tilespmem:v4+s18+$0x0], $0xffff;
	v4 =	vand.u32 $0xFFFF, v31  }
0x45: {  	v42 =	vld.idx.msk [tilespmem:v2+s18+$0x0], $0xffff;
	v2 =	vadd.s32 $0x2800, v4  }
0x46: {  	v32 =	vand.u32 $0xFFFF, v47;
	v24 =	vld.idx.msk [tilespmem:v24+s2+$0x0], $0xffff;
	v5 =	vand.u32 $0xFFFF, v12  }
0x47: {  	v48 =	vand.u32 $0xFFFF, v46;
	v34 =	vadd.s32 $0x2800, v32;
	v49 =	vadd.s32 $0x2800, v23;
	v23 =	vld.idx.msk [tilespmem:v30+s2+$0x0], $0xffff  }
0x48: {  	v51 =	vadd.s32 $0x2800, v48;
	v10 =	vld.idx.msk [tilespmem:v3+s18+$0x0], $0xffff  }
0x49: {  	v21 =	vadd.s32 $0x2800, v21;
	v6 =	vld.idx.msk [tilespmem:v1+s18+$0x0], $0xffff  }
0x4a: {  	v3 =	vld.idx.msk [tilespmem:v2+s18+$0x0], $0xffff  }
0x4b: {  	v1 =	vadd.s32 $0x2800, v5;
	v2 =	vld.idx.msk [tilespmem:v5+s18+$0x0], $0xffff;
	v5 =	vand.u32 $0xFFFF, v35  }
0x4c: {  	v50 =	vshrl.u32 v8, $0x10;
	v8 =	vld.idx.msk [tilespmem:v34+s2+$0x0], $0xffff;
	v9 =	vadd.s32 $0x2800, v5  }
0x4d: {  	v34 =	vld.idx.msk [tilespmem:v51+s2+$0x0], $0xffff  }
0x4e: {  	v30 =	vld.idx.msk [tilespmem:v21+s2+$0x0], $0xffff  }
0x4f: {  	v11 =	vand.u32 $0xFFFF, v43;
	v21 =	vld.idx.msk [tilespmem:v49+s2+$0x0], $0xffff  }
0x50: {  	v18 =	vld.idx.msk [tilespmem:v5+s2+$0x0], $0xffff;
	v5 =	vadd.s32 $0x2800, v11  }
0x51: {  	v15 =	vld.idx.msk [tilespmem:v9+s2+$0x0], $0xffff;
	v9 =	vand.u32 $0xFFFF, v45  }
0x52: {  	v4 =	vld.idx.msk [tilespmem:v4+s18+$0x0], $0xffff  }
0x53: {  	v1 =	vld.idx.msk [tilespmem:v1+s18+$0x0], $0xffff  }
0x54: {  	v11 =	vld.idx.msk [tilespmem:v11+s2+$0x0], $0xffff;
	v28 =	vadd.s32 $0x2800, v9  }
0x55: {  	v52 =	vand.u32 $0xFFFF, v50;
	v5 =	vld.idx.msk [tilespmem:v5+s2+$0x0], $0xffff  }
0x56: {  	v53 =	vadd.s32 $0x5000, v52;
	v29 =	vld.idx.msk [tilespmem:v9+s2+$0x0], $0xffff  }
0x57: {  	v54 =	vadd.s32 $0x2800, v52;
	v9 =	vld.idx.msk [tilespmem:v32+s2+$0x0], $0xffff  }
0x58: {  	v57 =	vshrl.u32 v14, $0x10;
	v14 =	vshrl.u32 v31, $0x10;
	v52 =	vadd.s32 $0x7800, v52;
	v32 =	vld.idx.msk [tilespmem:v48+s2+$0x0], $0xffff  }
0x59: {  	v19 =	vshrl.u32 v19, $0x10;
	v58 =	vand.u32 $0xFFFF, v57;
	v31 =	vshll.u32 v17, $0x10;
	v28 =	vld.idx.msk [tilespmem:v28+s2+$0x0], $0xffff  }
0x5a: {  	v59 =	vadd.s32 $0x5000, v58;
	v16 =	vshrl.u32 v16, $0x10;
	v17 =	vand.u32 $0xFFFF0000, v17;
	[tilespmem:v50+s13+$0x0] =	vst.idx.add.f32.msk $0xffff, v31  }
0x5b: {  	v60 =	vadd.s32 $0x2800, v58;
	v61 =	vand.u32 $0xFFFF, v16;
	v31 =	vshll.u32 v25, $0x10;
	[tilespmem:v53+s13+$0x0] =	vst.idx.add.f32.msk $0xffff, v17  }
0x5c: {  	v62 =	vadd.s32 $0x5000, v61;
	v49 =	vadd.s32 $0x7800, v58;
	v17 =	vand.u32 $0xFFFF0000, v25;
	[tilespmem:v54+s13+$0x0] =	vst.idx.add.f32.msk $0xffff, v31  }
0x5d: {  	v63 =	vadd.s32 $0x2800, v61;
	v53 =	vshrl.u32 v20, $0x10;
	v20 =	vshll.u32 v26, $0x10;
	[tilespmem:v52+s13+$0x0] =	vst.idx.add.f32.msk $0xffff, v17  }
0x5e: {  	v22 =	vshrl.u32 v22, $0x10;
	v12 =	vshrl.u32 v12, $0x10;
	v17 =	vand.u32 $0xFFFF0000, v26;
	[tilespmem:v57+s13+$0x0] =	vst.idx.add.f32.msk $0xffff, v20  }
0x5f: {  	v55 =	vshll.u32 v36, $0x10;
	v36 =	vand.u32 $0xFFFF0000, v36;
	v20 =	vshll.u32 v33, $0x10;
	[tilespmem:v59+s13+$0x0] =	vst.idx.add.f32.msk $0xffff, v17  }
0x60: {  	v25 =	vand.u32 $0xFFFF0000, v42;
	v54 =	vadd.s32 $0x7800, v61;
	v17 =	vand.u32 $0xFFFF0000, v33;
	[tilespmem:v60+s13+$0x0] =	vst.idx.add.f32.msk $0xffff, v20  }
0x61: {  	v31 =	vshrl.u32 v45, $0x10;
	v56 =	vand.u32 $0xFFFF, v53;
	v61 =	vand.u32 $0xFFFF, v22;
	[tilespmem:v49+s13+$0x0] =	vst.idx.add.f32.msk $0xffff, v17  }
0x62: {  	v45 =	vshll.u32 v42, $0x10;
	v26 =	vshrl.u32 v35, $0x10;
	v57 =	vadd.s32 $0x5000, v56;
	[tilespmem:v16+s13+$0x0] =	vst.idx.add.f32.msk $0xffff, v55  }
0x63: {  	v35 =	vshrl.u32 v38, $0x10;
	v58 =	vadd.s32 $0x2800, v56;
	v16 =	vshll.u32 v37, $0x10;
	[tilespmem:v62+s13+$0x0] =	vst.idx.add.f32.msk $0xffff, v36  }
0x64: {  	v38 =	vadd.s32 $0x7800, v56;
	v33 =	vshrl.u32 v44, $0x10;
	v59 =	vand.u32 $0xFFFF0000, v37;
	[tilespmem:v63+s13+$0x0] =	vst.idx.add.f32.msk $0xffff, v16  }
0x65: {  	v44 =	vand.u32 $0xFFFF, v19;
	v20 =	vshrl.u32 v39, $0x10;
	v60 =	vshll.u32 v40, $0x10;
	[tilespmem:v54+s13+$0x0] =	vst.idx.add.f32.msk $0xffff, v59  }
0x66: {  	v17 =	vshrl.u32 v43, $0x10;
	v43 =	vadd.s32 $0x5000, v61;
	v62 =	vand.u32 $0xFFFF0000, v40;
	[tilespmem:v53+s13+$0x0] =	vst.idx.add.f32.msk $0xffff, v60  }
0x67: {  	v39 =	vshrl.u32 v46, $0x10;
	v40 =	vadd.s32 $0x2800, v61;
	v63 =	vshll.u32 v41, $0x10;
	[tilespmem:v57+s13+$0x0] =	vst.idx.add.f32.msk $0xffff, v62  }
0x68: {  	s20 =	simm.s32 $0x200;
	v37 =	vand.u32 $0xFFFF0000, v41;
	v16 =	vshrl.u32 v47, $0x10;
	v41 =	vadd.s32 $0x7800, v61;
	[tilespmem:v58+s13+$0x0] =	vst.idx.add.f32.msk $0xffff, v63  }
.LBB2_5:
0x69: {  	s21 =	sshra.s32 s20, $0x2;
	v46 =	vand.u32 $0xFFFF0000, v18;
	p0 =	sne.s32 s20, $0xF600;
	s20 =	sadd.s32 $0x200, s20;
	[tilespmem:v38+s13+$0x0] =	vst.idx.add.f32.msk $0xffff, v37;
	v49 =	vadd.s32 $0x5000, v44;
	v38 =	vmovc v31;
	v42 =	vmovc v35;
	v36 =	vmov v18  }
0x6a: {  	v18 =	vshll.u32 v10, $0x10;
	v31 =	vadd.s32 $0x2800, v44;
	v37 =	vmovc v33;
	[tilespmem:v22+s13+$0x0] =	vst.idx.add.f32.msk $0xffff, v45;
	v22 =	vmovc v26;
	v45 =	vmov v27  }
0x6b: {  	v47 =	vmovc v39;
	v26 =	vand.u32 $0xFFFF0000, v10;
	v27 =	vadd.s32 $0x7800, v44;
	v10 =	vmovc v15;
	[tilespmem:v43+s13+$0x0] =	vst.idx.add.f32.msk $0xffff, v25;
	v25 =	vmov v46  }
0x6c: {  	v15 =	vshll.u32 v7, $0x10;
	v44 =	vmovc v29;
	v43 =	vmovc v28;
	[tilespmem:v40+s13+$0x0] =	vst.idx.add.f32.msk $0xffff, v18;
	v18 =	vand.u32 $0xFFFF, v14;
	v40 =	vmov v24  }
0x6d: {  	v24 =	vand.u32 $0xFFFF0000, v7;
	v7 =	vmovc v13;
	v46 =	vmovc v30;
	[tilespmem:v41+s13+$0x0] =	vst.idx.add.f32.msk $0xffff, v26;
	v26 =	vadd.s32 $0x5000, v18;
	v41 =	vmov v23  }
0x6e: {  	v50 =	vmovc v32;
	v48 =	vmovc v34;
	v13 =	vshll.u32 v6, $0x10;
	[tilespmem:v19+s13+$0x0] =	vst.idx.add.f32.msk $0xffff, v15;
	v15 =	vadd.s32 $0x2800, v18;
	v19 =	vmov v20  }
0x6f: {  	v20 =	vand.u32 $0xFFFF0000, v6;
	v18 =	vadd.s32 $0x7800, v18;
	v6 =	vmov v21;
	[tilespmem:v49+s13+$0x0] =	vst.idx.add.f32.msk $0xffff, v24  }
0x70: {  	v21 =	vand.u32 $0xFFFF, v12;
	[tilespmem:v31+s13+$0x0] =	vst.idx.add.f32.msk $0xffff, v13;
	v13 =	vshll.u32 v4, $0x10  }
0x71: {  	v23 =	vadd.s32 $0x5000, v21;
	[tilespmem:v27+s13+$0x0] =	vst.idx.add.f32.msk $0xffff, v20;
	v20 =	vand.u32 $0xFFFF0000, v4;
	v4 =	vmov v11  }
0x72: {  	v11 =	vshll.u32 v3, $0x10;
	[tilespmem:v14+s13+$0x0] =	vst.idx.add.f32.msk $0xffff, v13;
	v13 =	vadd.s32 $0x2800, v21;
	v14 =	vmov v17  }
0x73: {  	v17 =	vand.u32 $0xFFFF0000, v3;
	v3 =	vmov v5;
	[tilespmem:v26+s13+$0x0] =	vst.idx.add.f32.msk $0xffff, v20;
	v20 =	vadd.s32 $0x7800, v21  }
0x74: {  	v5 =	vshll.u32 v2, $0x10;
	[tilespmem:v15+s13+$0x0] =	vst.idx.add.f32.msk $0xffff, v11  }
0x75: {  	v11 =	vand.u32 $0xFFFF0000, v2;
	v2 =	vmov v9;
	[tilespmem:v18+s13+$0x0] =	vst.idx.add.f32.msk $0xffff, v17  }
0x76: {  	[tilespmem:v12+s13+$0x0] =	vst.idx.add.f32.msk $0xffff, v5;
	v5 =	vshll.u32 v1, $0x10;
	v12 =	vmov v16  }
0x77: {  	v9 =	vand.u32 $0xFFFF0000, v1;
	v1 =	vmov v8;
	[tilespmem:v23+s13+$0x0] =	vst.idx.add.f32.msk $0xffff, v11  }
0x78: {  	[tilespmem:v13+s13+$0x0] =	vst.idx.add.f32.msk $0xffff, v5  }
0x79: {  	[tilespmem:v20+s13+$0x0] =	vst.idx.add.f32.msk $0xffff, v9  }
0x7a: {  	v5 =	vld [tilespmem:s21+$0xF0C0]  }
0x7b: {  	v8 =	vld [tilespmem:s21+$0xF0A0]  }
0x7c: {  	v9 =	vld [tilespmem:s21+$0xF090]  }
0x7d: {  	v11 =	vld [tilespmem:s21+$0xF0D0]  }
0x7e: {  	v13 =	vld [tilespmem:s21+$0xF0E0]  }
0x7f: {  	v15 =	vld [tilespmem:s21+$0xF0B0];
	v16 =	vand.u32 $0xFFFF, v5;
	v26 =	vshrl.u32 v5, $0x10  }
0x80: {  	v21 =	vand.u32 $0xFFFF, v8;
	v5 =	vadd.s32 $0x2800, v16;
	v31 =	vshrl.u32 v8, $0x10  }
0x81: {  	v8 =	vld [tilespmem:s21+$0xF080];
	v23 =	vand.u32 $0xFFFF, v9;
	v28 =	vadd.s32 $0x2800, v21;
	v35 =	vshrl.u32 v9, $0x10  }
0x82: {  	v9 =	vand.u32 $0xFFFF, v11;
	v20 =	vshrl.u32 v11, $0x10  }
0x83: {  	v11 =	vand.u32 $0xFFFF, v13;
	v24 =	vld [tilespmem:s21+$0xF0F0];
	v17 =	vshrl.u32 v13, $0x10  }
0x84: {  	v29 =	vand.u32 $0xFFFF, v15;
	v18 =	vld.idx.msk [tilespmem:v16+s2+$0x0], $0xffff;
	v30 =	vadd.s32 $0x2800, v11;
	v33 =	vshrl.u32 v15, $0x10  }
0x85: {  	v32 =	vadd.s32 $0x2800, v29;
	v15 =	vld.idx.msk [tilespmem:v5+s2+$0x0], $0xffff  }
0x86: {  	v49 =	vadd.s32 $0x2800, v9;
	v34 =	vand.u32 $0xFFFF, v8;
	v27 =	vld.idx.msk [tilespmem:v23+s2+$0x0], $0xffff;
	v39 =	vshrl.u32 v8, $0x10  }
0x87: {  	v51 =	vadd.s32 $0x2800, v34;
	v13 =	vld.idx.msk [tilespmem:v9+s2+$0x0], $0xffff  }
0x88: {  	v11 =	vld.idx.msk [tilespmem:v11+s2+$0x0], $0xffff;
	v16 =	vshrl.u32 v24, $0x10  }
0x89: {  	v8 =	vand.u32 $0xFFFF, v24;
	v5 =	vld.idx.msk [tilespmem:v30+s2+$0x0], $0xffff  }
0x8a: {  	v30 =	vadd.s32 $0x2800, v23;
	v52 =	vadd.s32 $0x2800, v8;
	v24 =	vld.idx.msk [tilespmem:v29+s2+$0x0], $0xffff  }
0x8b: {  	v29 =	vld.idx.msk [tilespmem:v21+s2+$0x0], $0xffff  }
0x8c: {  	v28 =	vld.idx.msk [tilespmem:v28+s2+$0x0], $0xffff  }
0x8d: {  	v23 =	vld.idx.msk [tilespmem:v32+s2+$0x0], $0xffff  }
0x8e: {  	v21 =	vand.u32 $0xFFFF, v47;
	v9 =	vld.idx.msk [tilespmem:v8+s2+$0x0], $0xffff  }
0x8f: {  	v53 =	vadd.s32 $0x5000, v21;
	v30 =	vld.idx.msk [tilespmem:v30+s2+$0x0], $0xffff  }
0x90: {  	v8 =	vld.idx.msk [tilespmem:v52+s2+$0x0], $0xffff;
	v52 =	vadd.s32 $0x2800, v21  }
0x91: {  	v54 =	vadd.s32 $0x7800, v21;
	v32 =	vld.idx.msk [tilespmem:v34+s2+$0x0], $0xffff  }
0x92: {  	v55 =	vand.u32 $0xFFFF, v42;
	v21 =	vld.idx.msk [tilespmem:v49+s2+$0x0], $0xffff;
	v49 =	vshll.u32 v50, $0x10  }
0x93: {  	v50 =	vand.u32 $0xFFFF0000, v50;
	v34 =	vld.idx.msk [tilespmem:v51+s2+$0x0], $0xffff;
	v51 =	vadd.s32 $0x5000, v55  }
0x94: {  	[tilespmem:v47+s13+$0x0] =	vst.idx.add.f32.msk $0xffff, v49;
	v47 =	vshll.u32 v48, $0x10;
	v49 =	vadd.s32 $0x2800, v55  }
0x95: {  	v48 =	vand.u32 $0xFFFF0000, v48;
	[tilespmem:v53+s13+$0x0] =	vst.idx.add.f32.msk $0xffff, v50;
	v50 =	vadd.s32 $0x7800, v55  }
0x96: {  	[tilespmem:v52+s13+$0x0] =	vst.idx.add.f32.msk $0xffff, v47;
	v47 =	vshll.u32 v45, $0x10;
	v52 =	vand.u32 $0xFFFF, v38  }
0x97: {  	v45 =	vand.u32 $0xFFFF0000, v45;
	[tilespmem:v54+s13+$0x0] =	vst.idx.add.f32.msk $0xffff, v48;
	v48 =	vadd.s32 $0x5000, v52  }
0x98: {  	[tilespmem:v42+s13+$0x0] =	vst.idx.add.f32.msk $0xffff, v47;
	v42 =	vshll.u32 v46, $0x10;
	v47 =	vadd.s32 $0x2800, v52  }
0x99: {  	[tilespmem:v51+s13+$0x0] =	vst.idx.add.f32.msk $0xffff, v45;
	v45 =	vand.u32 $0xFFFF0000, v46;
	v46 =	vadd.s32 $0x7800, v52  }
0x9a: {  	[tilespmem:v49+s13+$0x0] =	vst.idx.add.f32.msk $0xffff, v42;
	v42 =	vshll.u32 v44, $0x10;
	v49 =	vand.u32 $0xFFFF, v37  }
0x9b: {  	v44 =	vand.u32 $0xFFFF0000, v44;
	[tilespmem:v50+s13+$0x0] =	vst.idx.add.f32.msk $0xffff, v45;
	v45 =	vadd.s32 $0x5000, v49  }
0x9c: {  	v50 =	vadd.s32 $0x2800, v49;
	[tilespmem:v38+s13+$0x0] =	vst.idx.add.f32.msk $0xffff, v42;
	v42 =	vshll.u32 v43, $0x10  }
0x9d: {  	v43 =	vand.u32 $0xFFFF0000, v43;
	v38 =	vadd.s32 $0x7800, v49;
	[tilespmem:v48+s13+$0x0] =	vst.idx.add.f32.msk $0xffff, v44  }
.Ltmp3:
0x9e: {  	v44 =	vand.u32 $0xFFFF, v22;
	[tilespmem:v47+s13+$0x0] =	vst.idx.add.f32.msk $0xffff, v42;
	v42 =	vshll.u32 v40, $0x10;
	(pc) =	sbr.rel @p0 .LBB2_5-.Ltmp3, $4  }
0x9f: {  	[tilespmem:v46+s13+$0x0] =	vst.idx.add.f32.msk $0xffff, v43;
	v46 =	vand.u32 $0xFFFF0000, v40;
	v43 =	vadd.s32 $0x5000, v44  }
0xa0: {  	v40 =	vadd.s32 $0x2800, v44;
	[tilespmem:v37+s13+$0x0] =	vst.idx.add.f32.msk $0xffff, v42;
	v42 =	vshll.u32 v41, $0x10  }
0xa1: {  	v37 =	vand.u32 $0xFFFF0000, v41;
	v41 =	vadd.s32 $0x7800, v44;
	[tilespmem:v45+s13+$0x0] =	vst.idx.add.f32.msk $0xffff, v46  }
0xa2: {  	v44 =	vand.u32 $0xFFFF, v19;
	v45 =	vshll.u32 v36, $0x10;
	[tilespmem:v50+s13+$0x0] =	vst.idx.add.f32.msk $0xffff, v42  }
0xa3: {  	_ =	sdelay $0x3  }
0xa4: {  	[tilespmem:v38+s13+$0x0] =	vst.idx.add.f32.msk $0xffff, v37  }
0xa5: {  	v36 =	vadd.s32 $0x5000, v44;
	[tilespmem:v22+s13+$0x0] =	vst.idx.add.f32.msk $0xffff, v45  }
0xa6: {  	v56 =	vadd.s32 $0x2800, v44;
	v22 =	vshll.u32 v10, $0x10;
	[tilespmem:v43+s13+$0x0] =	vst.idx.add.f32.msk $0xffff, v25  }
0xa7: {  	v10 =	vand.u32 $0xFFFF0000, v10;
	v25 =	vadd.s32 $0x7800, v44;
	[tilespmem:v40+s13+$0x0] =	vst.idx.add.f32.msk $0xffff, v22  }
0xa8: {  	v57 =	vand.u32 $0xFFFF, v14;
	v22 =	vshll.u32 v7, $0x10;
	[tilespmem:v41+s13+$0x0] =	vst.idx.add.f32.msk $0xffff, v10  }
0xa9: {  	v7 =	vand.u32 $0xFFFF0000, v7;
	v10 =	vadd.s32 $0x5000, v57;
	[tilespmem:v19+s13+$0x0] =	vst.idx.add.f32.msk $0xffff, v22  }
0xaa: {  	v19 =	vshll.u32 v6, $0x10;
	v22 =	vadd.s32 $0x2800, v57;
	[tilespmem:v36+s13+$0x0] =	vst.idx.add.f32.msk $0xffff, v7  }
0xab: {  	v6 =	vand.u32 $0xFFFF0000, v6;
	v7 =	vadd.s32 $0x7800, v57;
	[tilespmem:v56+s13+$0x0] =	vst.idx.add.f32.msk $0xffff, v19  }
0xac: {  	v58 =	vand.u32 $0xFFFF, v12;
	v19 =	vshll.u32 v4, $0x10;
	[tilespmem:v25+s13+$0x0] =	vst.idx.add.f32.msk $0xffff, v6  }
0xad: {  	v4 =	vand.u32 $0xFFFF0000, v4;
	v6 =	vadd.s32 $0x5000, v58;
	[tilespmem:v14+s13+$0x0] =	vst.idx.add.f32.msk $0xffff, v19  }
0xae: {  	v14 =	vshll.u32 v3, $0x10;
	v19 =	vadd.s32 $0x2800, v58;
	[tilespmem:v10+s13+$0x0] =	vst.idx.add.f32.msk $0xffff, v4  }
0xaf: {  	v3 =	vand.u32 $0xFFFF0000, v3;
	v4 =	vadd.s32 $0x7800, v58;
	[tilespmem:v22+s13+$0x0] =	vst.idx.add.f32.msk $0xffff, v14  }
0xb0: {  	v10 =	vshll.u32 v2, $0x10;
	[tilespmem:v7+s13+$0x0] =	vst.idx.add.f32.msk $0xffff, v3  }
0xb1: {  	v2 =	vand.u32 $0xFFFF0000, v2;
	v3 =	vadd.s32 $0x5000, v39;
	[tilespmem:v12+s13+$0x0] =	vst.idx.add.f32.msk $0xffff, v10  }
0xb2: {  	v7 =	vshll.u32 v1, $0x10;
	[tilespmem:v6+s13+$0x0] =	vst.idx.add.f32.msk $0xffff, v2;
	v2 =	vadd.s32 $0x2800, v39  }
0xb3: {  	v1 =	vand.u32 $0xFFFF0000, v1;
	v6 =	vadd.s32 $0x7800, v39;
	[tilespmem:v19+s13+$0x0] =	vst.idx.add.f32.msk $0xffff, v7  }
0xb4: {  	[tilespmem:v4+s13+$0x0] =	vst.idx.add.f32.msk $0xffff, v1;
	v1 =	vshll.u32 v32, $0x10  }
0xb5: {  	v4 =	vand.u32 $0xFFFF0000, v32;
	[tilespmem:v39+s13+$0x0] =	vst.idx.add.f32.msk $0xffff, v1;
	v1 =	vadd.s32 $0x5000, v35  }
0xb6: {  	[tilespmem:v3+s13+$0x0] =	vst.idx.add.f32.msk $0xffff, v4;
	v3 =	vshll.u32 v34, $0x10;
	v4 =	vadd.s32 $0x2800, v35  }
0xb7: {  	v7 =	vand.u32 $0xFFFF0000, v34;
	[tilespmem:v2+s13+$0x0] =	vst.idx.add.f32.msk $0xffff, v3;
	v2 =	vadd.s32 $0x7800, v35  }
0xb8: {  	v3 =	vshll.u32 v27, $0x10;
	[tilespmem:v6+s13+$0x0] =	vst.idx.add.f32.msk $0xffff, v7  }
0xb9: {  	v6 =	vand.u32 $0xFFFF0000, v27;
	[tilespmem:v35+s13+$0x0] =	vst.idx.add.f32.msk $0xffff, v3;
	v3 =	vadd.s32 $0x5000, v31  }
0xba: {  	[tilespmem:v1+s13+$0x0] =	vst.idx.add.f32.msk $0xffff, v6;
	v1 =	vshll.u32 v30, $0x10;
	v6 =	vadd.s32 $0x2800, v31  }
0xbb: {  	v7 =	vand.u32 $0xFFFF0000, v30;
	[tilespmem:v4+s13+$0x0] =	vst.idx.add.f32.msk $0xffff, v1;
	v1 =	vadd.s32 $0x7800, v31  }
0xbc: {  	[tilespmem:v2+s13+$0x0] =	vst.idx.add.f32.msk $0xffff, v7;
	v2 =	vshll.u32 v29, $0x10  }
0xbd: {  	v4 =	vand.u32 $0xFFFF0000, v29;
	[tilespmem:v31+s13+$0x0] =	vst.idx.add.f32.msk $0xffff, v2;
	v2 =	vadd.s32 $0x5000, v33  }
0xbe: {  	[tilespmem:v3+s13+$0x0] =	vst.idx.add.f32.msk $0xffff, v4;
	v3 =	vshll.u32 v28, $0x10;
	v4 =	vadd.s32 $0x2800, v33  }
0xbf: {  	v7 =	vand.u32 $0xFFFF0000, v28;
	[tilespmem:v6+s13+$0x0] =	vst.idx.add.f32.msk $0xffff, v3;
	v3 =	vadd.s32 $0x7800, v33  }
0xc0: {  	[tilespmem:v1+s13+$0x0] =	vst.idx.add.f32.msk $0xffff, v7;
	v1 =	vshll.u32 v24, $0x10  }
0xc1: {  	v6 =	vand.u32 $0xFFFF0000, v24;
	[tilespmem:v33+s13+$0x0] =	vst.idx.add.f32.msk $0xffff, v1;
	v1 =	vadd.s32 $0x5000, v26  }
0xc2: {  	[tilespmem:v2+s13+$0x0] =	vst.idx.add.f32.msk $0xffff, v6;
	v2 =	vshll.u32 v23, $0x10;
	v6 =	vadd.s32 $0x2800, v26  }
0xc3: {  	v7 =	vand.u32 $0xFFFF0000, v23;
	[tilespmem:v4+s13+$0x0] =	vst.idx.add.f32.msk $0xffff, v2;
	v2 =	vadd.s32 $0x7800, v26  }
0xc4: {  	[tilespmem:v3+s13+$0x0] =	vst.idx.add.f32.msk $0xffff, v7;
	v3 =	vshll.u32 v18, $0x10  }
0xc5: {  	v4 =	vand.u32 $0xFFFF0000, v18;
	[tilespmem:v26+s13+$0x0] =	vst.idx.add.f32.msk $0xffff, v3;
	v3 =	vadd.s32 $0x5000, v20  }
0xc6: {  	[tilespmem:v1+s13+$0x0] =	vst.idx.add.f32.msk $0xffff, v4;
	v1 =	vshll.u32 v15, $0x10;
	v4 =	vadd.s32 $0x2800, v20  }
0xc7: {  	v7 =	vand.u32 $0xFFFF0000, v15;
	[tilespmem:v6+s13+$0x0] =	vst.idx.add.f32.msk $0xffff, v1;
	v1 =	vadd.s32 $0x7800, v20  }
0xc8: {  	[tilespmem:v2+s13+$0x0] =	vst.idx.add.f32.msk $0xffff, v7;
	v2 =	vshll.u32 v13, $0x10  }
0xc9: {  	v6 =	vand.u32 $0xFFFF0000, v13;
	[tilespmem:v20+s13+$0x0] =	vst.idx.add.f32.msk $0xffff, v2;
	v2 =	vadd.s32 $0x5000, v17  }
0xca: {  	[tilespmem:v3+s13+$0x0] =	vst.idx.add.f32.msk $0xffff, v6;
	v3 =	vshll.u32 v21, $0x10;
	v6 =	vadd.s32 $0x2800, v17  }
0xcb: {  	v7 =	vand.u32 $0xFFFF0000, v21;
	[tilespmem:v4+s13+$0x0] =	vst.idx.add.f32.msk $0xffff, v3;
	v3 =	vadd.s32 $0x7800, v17  }
0xcc: {  	[tilespmem:v1+s13+$0x0] =	vst.idx.add.f32.msk $0xffff, v7;
	v1 =	vshll.u32 v11, $0x10  }
0xcd: {  	v4 =	vand.u32 $0xFFFF0000, v11;
	[tilespmem:v17+s13+$0x0] =	vst.idx.add.f32.msk $0xffff, v1;
	v1 =	vadd.s32 $0x5000, v16  }
0xce: {  	[tilespmem:v2+s13+$0x0] =	vst.idx.add.f32.msk $0xffff, v4;
	v2 =	vshll.u32 v5, $0x10;
	v4 =	vadd.s32 $0x2800, v16  }
0xcf: {  	p0 =	seq.s32 s19, $0x9;
	v5 =	vand.u32 $0xFFFF0000, v5;
	[tilespmem:v6+s13+$0x0] =	vst.idx.add.f32.msk $0xffff, v2;
	v2 =	vadd.s32 $0x7800, v16  }
0xd0: {  	s20 =	smul.u32 @!p0 $0x7D00, s19;
	[tilespmem:v3+s13+$0x0] =	vst.idx.add.f32.msk $0xffff, v5;
	v3 =	vshll.u32 v9, $0x10  }
0xd1: {  	v5 =	vand.u32 $0xFFFF0000, v9;
	[tilespmem:v16+s13+$0x0] =	vst.idx.add.f32.msk $0xffff, v3  }
0xd2: {  	s20 =	sshrl.u32 @!p0 s20, $0x3;
	[tilespmem:v1+s13+$0x0] =	vst.idx.add.f32.msk $0xffff, v5;
	v1 =	vshll.u32 v8, $0x10  }
0xd3: {  	s20 =	sadd.s32 @!p0 s3, s20;
	v3 =	vand.u32 $0xFFFF0000, v8;
	[tilespmem:v4+s13+$0x0] =	vst.idx.add.f32.msk $0xffff, v1  }
0xd4: {  	s21 =	simm.s32 @!p0 $0x0;
	s22 =	simm.s32 @!p0 $0xF000;
	s20 =	sadd.s32 @!p0 $0xFA0, s20;
	[tilespmem:v2+s13+$0x0] =	vst.idx.add.f32.msk $0xffff, v3  }
0xd5: {  	[tilespmem:s22], [sflag:$0x1] =	stream.linear.gather @!p0 [hbm4b:s20+s21], $0x3E80, $0x38;
	[tilespmem:$0x16D00] =	vst v63  }
0xd6: {  	_ =	swait.ge [sflag:s14], $0x3E80  }
0xd7: {  	[sflag:s14] =	ssyncset.done $0x0  }
0xd8: {  	[sflag:s14] =	ssyncadd.s32 $0xFFFFC180  }
0xd9: {  	v8 =	vld [tilespmem:$0x12E80]  }
0xda: {  	v14 =	vld [tilespmem:$0x12E90]  }
0xdb: {  	v16 =	vld [tilespmem:$0x12EA0]  }
0xdc: {  	v20 =	vld [tilespmem:$0x12EB0]  }
0xdd: {  	v22 =	vld [tilespmem:$0x12EC0]  }
0xde: {  	v19 =	vld [tilespmem:$0x12ED0]  }
0xdf: {  	v31 =	vld [tilespmem:$0x12EE0]  }
0xe0: {  	s31 =	simm.s32 $0x0;
	v12 =	vld [tilespmem:$0x12EF0]  }
0xe1: {  	v35 =	vld [tilespmem:s31+$0x12F40]  }
0xe2: {  	v38 =	vld [tilespmem:s31+$0x12F10]  }
0xe3: {  	v39 =	vld [tilespmem:s31+$0x12F50]  }
0xe4: {  	v43 =	vld [tilespmem:s31+$0x12F60];
	v1 =	vand.u32 $0xFFFF, v8  }
0xe5: {  	v44 =	vld [tilespmem:s31+$0x12F30];
	v3 =	vand.u32 $0xFFFF, v14  }
0xe6: {  	v45 =	vld [tilespmem:s31+$0x12F20];
	v5 =	vand.u32 $0xFFFF, v19  }
0xe7: {  	v46 =	vld [tilespmem:s31+$0x12F00];
	v11 =	vand.u32 $0xFFFF, v38  }
0xe8: {  	s30 =	simm.s32 $0x0;
	v47 =	vld [tilespmem:s31+$0x12F70];
	v21 =	vand.u32 $0xFFFF, v39  }
0xe9: {  	v2 =	vadd.s32 $0x2800, v1;
	v17 =	vld.idx.msk [tilespmem:v1+s30+$0x0], $0xffff  }
0xea: {  	v24 =	vand.u32 $0xFFFF, v44;
	v26 =	vld.idx.msk [tilespmem:v3+s30+$0x0], $0xffff  }
0xeb: {  	v28 =	vand.u32 $0xFFFF, v45;
	v7 =	vld.idx.msk [tilespmem:v5+s30+$0x0], $0xffff  }
0xec: {  	v1 =	vadd.s32 $0x2800, v3;
	v27 =	vld.idx.msk [tilespmem:v11+s2+$0x0], $0xffff  }
0xed: {  	v60 =	vand.u32 $0xFFFF, v47;
	v13 =	vld.idx.msk [tilespmem:v21+s2+$0x0], $0xffff  }
0xee: {  	v25 =	vld.idx.msk [tilespmem:v2+s30+$0x0], $0xffff;
	v2 =	vand.u32 $0xFFFF, v16  }
0xef: {  	v50 =	vand.u32 $0xFFFF, v46;
	v59 =	vadd.s32 $0x2800, v24;
	v24 =	vld.idx.msk [tilespmem:v24+s2+$0x0], $0xffff  }
0xf0: {  	v29 =	vld.idx.msk [tilespmem:v28+s2+$0x0], $0xffff;
	v3 =	vadd.s32 $0x2800, v2  }
0xf1: {  	v33 =	vld.idx.msk [tilespmem:v1+s30+$0x0], $0xffff;
	v1 =	vand.u32 $0xFFFF, v20  }
0xf2: {  	v48 =	vadd.s32 $0x2800, v11;
	v11 =	vld.idx.msk [tilespmem:v60+s2+$0x0], $0xffff;
	v4 =	vadd.s32 $0x2800, v1  }
0xf3: {  	v36 =	vld.idx.msk [tilespmem:v2+s30+$0x0], $0xffff;
	v2 =	vand.u32 $0xFFFF, v22  }
0xf4: {  	v30 =	vadd.s32 $0x2800, v28;
	v32 =	vld.idx.msk [tilespmem:v50+s2+$0x0], $0xffff  }
0xf5: {  	v37 =	vld.idx.msk [tilespmem:v3+s30+$0x0], $0xffff  }
0xf6: {  	v3 =	vadd.s32 $0x2800, v2;
	v40 =	vld.idx.msk [tilespmem:v1+s30+$0x0], $0xffff  }
0xf7: {  	v1 =	vadd.s32 $0x2800, v5;
	v41 =	vld.idx.msk [tilespmem:v4+s30+$0x0], $0xffff;
	v4 =	vand.u32 $0xFFFF, v31  }
0xf8: {  	v42 =	vld.idx.msk [tilespmem:v2+s30+$0x0], $0xffff;
	v2 =	vadd.s32 $0x2800, v4  }
0xf9: {  	v28 =	vld.idx.msk [tilespmem:v30+s2+$0x0], $0xffff;
	v5 =	vand.u32 $0xFFFF, v12  }
0xfa: {  	v49 =	vadd.s32 $0x2800, v60;
	v30 =	vld.idx.msk [tilespmem:v48+s2+$0x0], $0xffff  }
0xfb: {  	v52 =	vadd.s32 $0x2800, v50;
	v9 =	vld.idx.msk [tilespmem:v3+s30+$0x0], $0xffff  }
0xfc: {  	v21 =	vadd.s32 $0x2800, v21;
	v6 =	vld.idx.msk [tilespmem:v1+s30+$0x0], $0xffff  }
0xfd: {  	v3 =	vld.idx.msk [tilespmem:v2+s30+$0x0], $0xffff  }
0xfe: {  	v1 =	vadd.s32 $0x2800, v5;
	v2 =	vld.idx.msk [tilespmem:v5+s30+$0x0], $0xffff;
	v5 =	vand.u32 $0xFFFF, v35  }
0xff: {  	v51 =	vshrl.u32 v8, $0x10;
	v8 =	vld.idx.msk [tilespmem:v49+s2+$0x0], $0xffff  }
0x100: {  	v34 =	vld.idx.msk [tilespmem:v52+s2+$0x0], $0xffff;
	v10 =	vadd.s32 $0x2800, v5  }
0x101: {  	v23 =	vand.u32 $0xFFFF, v43;
	v21 =	vld.idx.msk [tilespmem:v21+s2+$0x0], $0xffff  }
0x102: {  	v4 =	vld.idx.msk [tilespmem:v4+s30+$0x0], $0xffff  }
0x103: {  	v18 =	vld.idx.msk [tilespmem:v5+s2+$0x0], $0xffff;
	v5 =	vadd.s32 $0x2800, v23  }
0x104: {  	v61 =	vand.u32 $0xFFFF, v51;
	v1 =	vld.idx.msk [tilespmem:v1+s30+$0x0], $0xffff  }
0x105: {  	v62 =	vadd.s32 $0x5000, v61;
	v15 =	vld.idx.msk [tilespmem:v10+s2+$0x0], $0xffff  }
0x106: {  	v63 =	vadd.s32 $0x2800, v61;
	v10 =	vld.idx.msk [tilespmem:v23+s2+$0x0], $0xffff  }
0x107: {  	v57 =	vshrl.u32 v14, $0x10;
	v14 =	vshrl.u32 v31, $0x10;
	v53 =	vadd.s32 $0x7800, v61;
	v23 =	vld.idx.msk [tilespmem:v59+s2+$0x0], $0xffff  }
0x108: {  	v19 =	vshrl.u32 v19, $0x10;
	v54 =	vand.u32 $0xFFFF, v57;
	v31 =	vshll.u32 v17, $0x10;
	v5 =	vld.idx.msk [tilespmem:v5+s2+$0x0], $0xffff  }
0x109: {  	v58 =	vadd.s32 $0x5000, v54;
	v60 =	vadd.s32 $0x7800, v54;
	v17 =	vand.u32 $0xFFFF0000, v17;
	[tilespmem:v51+s13+$0x0] =	vst.idx.add.f32.msk $0xffff, v31  }
0x10a: {  	v16 =	vshrl.u32 v16, $0x10;
	v59 =	vadd.s32 $0x2800, v54;
	v31 =	vshll.u32 v25, $0x10;
	[tilespmem:v62+s13+$0x0] =	vst.idx.add.f32.msk $0xffff, v17  }
0x10b: {  	v49 =	vshrl.u32 v20, $0x10;
	v61 =	vand.u32 $0xFFFF, v16;
	v17 =	vand.u32 $0xFFFF0000, v25;
	[tilespmem:v63+s13+$0x0] =	vst.idx.add.f32.msk $0xffff, v31  }
0x10c: {  	v56 =	vand.u32 $0xFFFF, v49;
	v20 =	vshll.u32 v26, $0x10;
	v22 =	vshrl.u32 v22, $0x10;
	[tilespmem:v53+s13+$0x0] =	vst.idx.add.f32.msk $0xffff, v17  }
0x10d: {  	v12 =	vshrl.u32 v12, $0x10;
	v62 =	vadd.s32 $0x5000, v61;
	v17 =	vand.u32 $0xFFFF0000, v26;
	[tilespmem:v57+s13+$0x0] =	vst.idx.add.f32.msk $0xffff, v20  }
0x10e: {  	v55 =	vshll.u32 v36, $0x10;
	v63 =	vadd.s32 $0x2800, v61;
	v20 =	vshll.u32 v33, $0x10;
	[tilespmem:v58+s13+$0x0] =	vst.idx.add.f32.msk $0xffff, v17  }
0x10f: {  	v54 =	vadd.s32 $0x7800, v61;
	v25 =	vand.u32 $0xFFFF0000, v42;
	v17 =	vand.u32 $0xFFFF0000, v33;
	[tilespmem:v59+s13+$0x0] =	vst.idx.add.f32.msk $0xffff, v20  }
0x110: {  	v31 =	vshrl.u32 v45, $0x10;
	v61 =	vand.u32 $0xFFFF, v22;
	v45 =	vshll.u32 v42, $0x10;
	[tilespmem:v60+s13+$0x0] =	vst.idx.add.f32.msk $0xffff, v17  }
0x111: {  	v26 =	vshrl.u32 v35, $0x10;
	v57 =	vadd.s32 $0x5000, v56;
	v17 =	vand.u32 $0xFFFF0000, v36;
	[tilespmem:v16+s13+$0x0] =	vst.idx.add.f32.msk $0xffff, v55  }
0x112: {  	v35 =	vshrl.u32 v38, $0x10;
	v58 =	vshll.u32 v37, $0x10;
	v59 =	vadd.s32 $0x2800, v56;
	[tilespmem:v62+s13+$0x0] =	vst.idx.add.f32.msk $0xffff, v17  }
0x113: {  	v38 =	vadd.s32 $0x7800, v56;
	v33 =	vshrl.u32 v44, $0x10;
	v37 =	vand.u32 $0xFFFF0000, v37;
	[tilespmem:v63+s13+$0x0] =	vst.idx.add.f32.msk $0xffff, v58  }
0x114: {  	v44 =	vand.u32 $0xFFFF, v19;
	v20 =	vshrl.u32 v39, $0x10;
	v60 =	vshll.u32 v40, $0x10;
	[tilespmem:v54+s13+$0x0] =	vst.idx.add.f32.msk $0xffff, v37  }
0x115: {  	v16 =	vshrl.u32 v43, $0x10;
	v43 =	vadd.s32 $0x5000, v61;
	v62 =	vand.u32 $0xFFFF0000, v40;
	[tilespmem:v49+s13+$0x0] =	vst.idx.add.f32.msk $0xffff, v60  }
0x116: {  	v39 =	vshrl.u32 v46, $0x10;
	v40 =	vadd.s32 $0x2800, v61;
	v63 =	vshll.u32 v41, $0x10;
	[tilespmem:v57+s13+$0x0] =	vst.idx.add.f32.msk $0xffff, v62  }
0x117: {  	s20 =	simm.s32 $0x200;
	v17 =	vshrl.u32 v47, $0x10;
	v37 =	vand.u32 $0xFFFF0000, v41;
	v41 =	vadd.s32 $0x7800, v61;
	[tilespmem:v59+s13+$0x0] =	vst.idx.add.f32.msk $0xffff, v63  }
.LBB2_7:
0x118: {  	s21 =	sshra.s32 s20, $0x2;
	v46 =	vand.u32 $0xFFFF0000, v18;
	p1 =	sne.s32 s20, $0xF600;
	s20 =	sadd.s32 $0x200, s20;
	[tilespmem:v38+s13+$0x0] =	vst.idx.add.f32.msk $0xffff, v37;
	v49 =	vadd.s32 $0x5000, v44;
	v38 =	vmovc v31;
	v42 =	vmovc v35;
	v36 =	vmov v18  }
0x119: {  	v18 =	vshll.u32 v9, $0x10;
	v31 =	vadd.s32 $0x2800, v44;
	v37 =	vmovc v33;
	[tilespmem:v22+s13+$0x0] =	vst.idx.add.f32.msk $0xffff, v45;
	v22 =	vmovc v26;
	v45 =	vmov v27  }
0x11a: {  	v47 =	vmovc v39;
	v26 =	vand.u32 $0xFFFF0000, v9;
	v27 =	vadd.s32 $0x7800, v44;
	v9 =	vmovc v15;
	[tilespmem:v43+s13+$0x0] =	vst.idx.add.f32.msk $0xffff, v25;
	v25 =	vmov v46  }
0x11b: {  	v15 =	vshll.u32 v7, $0x10;
	v44 =	vmovc v29;
	v43 =	vmovc v28;
	[tilespmem:v40+s13+$0x0] =	vst.idx.add.f32.msk $0xffff, v18;
	v18 =	vand.u32 $0xFFFF, v14;
	v40 =	vmov v24  }
0x11c: {  	v24 =	vand.u32 $0xFFFF0000, v7;
	v7 =	vmovc v13;
	v46 =	vmovc v30;
	[tilespmem:v41+s13+$0x0] =	vst.idx.add.f32.msk $0xffff, v26;
	v26 =	vadd.s32 $0x5000, v18;
	v41 =	vmov v23  }
0x11d: {  	v50 =	vmovc v32;
	v48 =	vmovc v34;
	v13 =	vshll.u32 v6, $0x10;
	[tilespmem:v19+s13+$0x0] =	vst.idx.add.f32.msk $0xffff, v15;
	v15 =	vadd.s32 $0x2800, v18;
	v19 =	vmov v20  }
0x11e: {  	v20 =	vand.u32 $0xFFFF0000, v6;
	v18 =	vadd.s32 $0x7800, v18;
	v6 =	vmov v21;
	[tilespmem:v49+s13+$0x0] =	vst.idx.add.f32.msk $0xffff, v24  }
0x11f: {  	v21 =	vand.u32 $0xFFFF, v12;
	[tilespmem:v31+s13+$0x0] =	vst.idx.add.f32.msk $0xffff, v13;
	v13 =	vshll.u32 v4, $0x10  }
0x120: {  	v23 =	vadd.s32 $0x5000, v21;
	[tilespmem:v27+s13+$0x0] =	vst.idx.add.f32.msk $0xffff, v20;
	v20 =	vand.u32 $0xFFFF0000, v4;
	v4 =	vmov v10  }
0x121: {  	v10 =	vshll.u32 v3, $0x10;
	[tilespmem:v14+s13+$0x0] =	vst.idx.add.f32.msk $0xffff, v13;
	v13 =	vadd.s32 $0x2800, v21;
	v14 =	vmov v16  }
0x122: {  	v16 =	vand.u32 $0xFFFF0000, v3;
	v3 =	vmov v5;
	[tilespmem:v26+s13+$0x0] =	vst.idx.add.f32.msk $0xffff, v20;
	v20 =	vadd.s32 $0x7800, v21  }
0x123: {  	v5 =	vshll.u32 v2, $0x10;
	[tilespmem:v15+s13+$0x0] =	vst.idx.add.f32.msk $0xffff, v10  }
0x124: {  	v10 =	vand.u32 $0xFFFF0000, v2;
	v2 =	vmov v11;
	[tilespmem:v18+s13+$0x0] =	vst.idx.add.f32.msk $0xffff, v16  }
0x125: {  	[tilespmem:v12+s13+$0x0] =	vst.idx.add.f32.msk $0xffff, v5;
	v5 =	vshll.u32 v1, $0x10;
	v12 =	vmov v17  }
0x126: {  	[tilespmem:v23+s13+$0x0] =	vst.idx.add.f32.msk $0xffff, v10;
	v10 =	vand.u32 $0xFFFF0000, v1;
	v1 =	vmov v8  }
0x127: {  	[tilespmem:v13+s13+$0x0] =	vst.idx.add.f32.msk $0xffff, v5  }
0x128: {  	[tilespmem:v20+s13+$0x0] =	vst.idx.add.f32.msk $0xffff, v10  }
0x129: {  	v5 =	vld [tilespmem:s21+$0x12F40]  }
0x12a: {  	v8 =	vld [tilespmem:s21+$0x12F20]  }
0x12b: {  	v10 =	vld [tilespmem:s21+$0x12F10]  }
0x12c: {  	v11 =	vld [tilespmem:s21+$0x12F50]  }
0x12d: {  	v13 =	vld [tilespmem:s21+$0x12F60]  }
0x12e: {  	v15 =	vld [tilespmem:s21+$0x12F30];
	v17 =	vand.u32 $0xFFFF, v5;
	v26 =	vshrl.u32 v5, $0x10  }
0x12f: {  	v21 =	vand.u32 $0xFFFF, v8;
	v5 =	vadd.s32 $0x2800, v17;
	v31 =	vshrl.u32 v8, $0x10  }
0x130: {  	v8 =	vld [tilespmem:s21+$0x12F00];
	v23 =	vand.u32 $0xFFFF, v10;
	v28 =	vadd.s32 $0x2800, v21;
	v35 =	vshrl.u32 v10, $0x10  }
0x131: {  	v10 =	vand.u32 $0xFFFF, v11;
	v20 =	vshrl.u32 v11, $0x10  }
0x132: {  	v11 =	vand.u32 $0xFFFF, v13;
	v24 =	vld [tilespmem:s21+$0x12F70];
	v16 =	vshrl.u32 v13, $0x10  }
0x133: {  	v29 =	vand.u32 $0xFFFF, v15;
	v18 =	vld.idx.msk [tilespmem:v17+s2+$0x0], $0xffff;
	v30 =	vadd.s32 $0x2800, v11;
	v33 =	vshrl.u32 v15, $0x10  }
0x134: {  	v32 =	vadd.s32 $0x2800, v29;
	v15 =	vld.idx.msk [tilespmem:v5+s2+$0x0], $0xffff  }
0x135: {  	v49 =	vadd.s32 $0x2800, v10;
	v34 =	vand.u32 $0xFFFF, v8;
	v27 =	vld.idx.msk [tilespmem:v23+s2+$0x0], $0xffff;
	v39 =	vshrl.u32 v8, $0x10  }
0x136: {  	v51 =	vadd.s32 $0x2800, v34;
	v13 =	vld.idx.msk [tilespmem:v10+s2+$0x0], $0xffff  }
0x137: {  	v10 =	vld.idx.msk [tilespmem:v11+s2+$0x0], $0xffff;
	v17 =	vshrl.u32 v24, $0x10  }
0x138: {  	v8 =	vand.u32 $0xFFFF, v24;
	v5 =	vld.idx.msk [tilespmem:v30+s2+$0x0], $0xffff  }
0x139: {  	v30 =	vadd.s32 $0x2800, v23;
	v52 =	vadd.s32 $0x2800, v8;
	v24 =	vld.idx.msk [tilespmem:v29+s2+$0x0], $0xffff  }
0x13a: {  	v29 =	vld.idx.msk [tilespmem:v21+s2+$0x0], $0xffff  }
0x13b: {  	v28 =	vld.idx.msk [tilespmem:v28+s2+$0x0], $0xffff  }
0x13c: {  	v23 =	vld.idx.msk [tilespmem:v32+s2+$0x0], $0xffff  }
0x13d: {  	v21 =	vand.u32 $0xFFFF, v47;
	v11 =	vld.idx.msk [tilespmem:v8+s2+$0x0], $0xffff  }
0x13e: {  	v53 =	vadd.s32 $0x5000, v21;
	v30 =	vld.idx.msk [tilespmem:v30+s2+$0x0], $0xffff  }
0x13f: {  	v8 =	vld.idx.msk [tilespmem:v52+s2+$0x0], $0xffff;
	v52 =	vadd.s32 $0x2800, v21  }
0x140: {  	v54 =	vadd.s32 $0x7800, v21;
	v32 =	vld.idx.msk [tilespmem:v34+s2+$0x0], $0xffff  }
0x141: {  	v55 =	vand.u32 $0xFFFF, v42;
	v21 =	vld.idx.msk [tilespmem:v49+s2+$0x0], $0xffff;
	v49 =	vshll.u32 v50, $0x10  }
0x142: {  	v50 =	vand.u32 $0xFFFF0000, v50;
	v34 =	vld.idx.msk [tilespmem:v51+s2+$0x0], $0xffff;
	v51 =	vadd.s32 $0x5000, v55  }
0x143: {  	[tilespmem:v47+s13+$0x0] =	vst.idx.add.f32.msk $0xffff, v49;
	v47 =	vshll.u32 v48, $0x10;
	v49 =	vadd.s32 $0x2800, v55  }
0x144: {  	v48 =	vand.u32 $0xFFFF0000, v48;
	[tilespmem:v53+s13+$0x0] =	vst.idx.add.f32.msk $0xffff, v50;
	v50 =	vadd.s32 $0x7800, v55  }
0x145: {  	[tilespmem:v52+s13+$0x0] =	vst.idx.add.f32.msk $0xffff, v47;
	v47 =	vshll.u32 v45, $0x10;
	v52 =	vand.u32 $0xFFFF, v38  }
0x146: {  	v45 =	vand.u32 $0xFFFF0000, v45;
	[tilespmem:v54+s13+$0x0] =	vst.idx.add.f32.msk $0xffff, v48;
	v48 =	vadd.s32 $0x5000, v52  }
0x147: {  	[tilespmem:v42+s13+$0x0] =	vst.idx.add.f32.msk $0xffff, v47;
	v42 =	vshll.u32 v46, $0x10;
	v47 =	vadd.s32 $0x2800, v52  }
0x148: {  	[tilespmem:v51+s13+$0x0] =	vst.idx.add.f32.msk $0xffff, v45;
	v45 =	vand.u32 $0xFFFF0000, v46;
	v46 =	vadd.s32 $0x7800, v52  }
0x149: {  	[tilespmem:v49+s13+$0x0] =	vst.idx.add.f32.msk $0xffff, v42;
	v42 =	vshll.u32 v44, $0x10;
	v49 =	vand.u32 $0xFFFF, v37  }
0x14a: {  	v44 =	vand.u32 $0xFFFF0000, v44;
	[tilespmem:v50+s13+$0x0] =	vst.idx.add.f32.msk $0xffff, v45;
	v45 =	vadd.s32 $0x5000, v49  }
0x14b: {  	v50 =	vadd.s32 $0x2800, v49;
	[tilespmem:v38+s13+$0x0] =	vst.idx.add.f32.msk $0xffff, v42;
	v42 =	vshll.u32 v43, $0x10  }
0x14c: {  	v43 =	vand.u32 $0xFFFF0000, v43;
	v38 =	vadd.s32 $0x7800, v49;
	[tilespmem:v48+s13+$0x0] =	vst.idx.add.f32.msk $0xffff, v44  }
.Ltmp4:
0x14d: {  	v44 =	vand.u32 $0xFFFF, v22;
	[tilespmem:v47+s13+$0x0] =	vst.idx.add.f32.msk $0xffff, v42;
	v42 =	vshll.u32 v40, $0x10;
	(pc) =	sbr.rel @p1 .LBB2_7-.Ltmp4, $4  }
0x14e: {  	[tilespmem:v46+s13+$0x0] =	vst.idx.add.f32.msk $0xffff, v43;
	v46 =	vand.u32 $0xFFFF0000, v40;
	v43 =	vadd.s32 $0x5000, v44  }
0x14f: {  	v40 =	vadd.s32 $0x2800, v44;
	[tilespmem:v37+s13+$0x0] =	vst.idx.add.f32.msk $0xffff, v42;
	v42 =	vshll.u32 v41, $0x10  }
0x150: {  	v37 =	vand.u32 $0xFFFF0000, v41;
	v41 =	vadd.s32 $0x7800, v44;
	[tilespmem:v45+s13+$0x0] =	vst.idx.add.f32.msk $0xffff, v46  }
0x151: {  	v44 =	vand.u32 $0xFFFF, v19;
	v45 =	vshll.u32 v36, $0x10;
	[tilespmem:v50+s13+$0x0] =	vst.idx.add.f32.msk $0xffff, v42  }
0x152: {  	_ =	sdelay $0x3  }
0x153: {  	[tilespmem:v38+s13+$0x0] =	vst.idx.add.f32.msk $0xffff, v37  }
0x154: {  	v36 =	vadd.s32 $0x5000, v44;
	[tilespmem:v22+s13+$0x0] =	vst.idx.add.f32.msk $0xffff, v45  }
0x155: {  	v47 =	vshll.u32 v9, $0x10;
	v48 =	vadd.s32 $0x2800, v44;
	[tilespmem:v43+s13+$0x0] =	vst.idx.add.f32.msk $0xffff, v25  }
0x156: {  	v49 =	vand.u32 $0xFFFF0000, v9;
	v50 =	vadd.s32 $0x7800, v44;
	[tilespmem:v40+s13+$0x0] =	vst.idx.add.f32.msk $0xffff, v47  }
0x157: {  	v51 =	vshll.u32 v7, $0x10;
	v52 =	vand.u32 $0xFFFF, v14;
	[tilespmem:v41+s13+$0x0] =	vst.idx.add.f32.msk $0xffff, v49  }
0x158: {  	v53 =	vand.u32 $0xFFFF0000, v7;
	v54 =	vadd.s32 $0x5000, v52;
	[tilespmem:v19+s13+$0x0] =	vst.idx.add.f32.msk $0xffff, v51  }
0x159: {  	v55 =	vshll.u32 v6, $0x10;
	v56 =	vadd.s32 $0x2800, v52;
	[tilespmem:v36+s13+$0x0] =	vst.idx.add.f32.msk $0xffff, v53  }
0x15a: {  	v57 =	vand.u32 $0xFFFF0000, v6;
	v58 =	vadd.s32 $0x7800, v52;
	[tilespmem:v48+s13+$0x0] =	vst.idx.add.f32.msk $0xffff, v55  }
0x15b: {  	v59 =	vshll.u32 v4, $0x10;
	v60 =	vand.u32 $0xFFFF, v12;
	[tilespmem:v50+s13+$0x0] =	vst.idx.add.f32.msk $0xffff, v57  }
0x15c: {  	v61 =	vand.u32 $0xFFFF0000, v4;
	v62 =	vadd.s32 $0x5000, v60;
	[tilespmem:v14+s13+$0x0] =	vst.idx.add.f32.msk $0xffff, v59  }
0x15d: {  	v63 =	vshll.u32 v3, $0x10;
	v25 =	vadd.s32 $0x2800, v60;
	[tilespmem:v54+s13+$0x0] =	vst.idx.add.f32.msk $0xffff, v61  }
0x15e: {  	v3 =	vand.u32 $0xFFFF0000, v3;
	v37 =	vadd.s32 $0x7800, v60;
	[tilespmem:v56+s13+$0x0] =	vst.idx.add.f32.msk $0xffff, v63  }
0x15f: {  	v38 =	vshll.u32 v2, $0x10;
	[tilespmem:v58+s13+$0x0] =	vst.idx.add.f32.msk $0xffff, v3  }
0x160: {  	v2 =	vand.u32 $0xFFFF0000, v2;
	v3 =	vadd.s32 $0x5000, v39;
	[tilespmem:v12+s13+$0x0] =	vst.idx.add.f32.msk $0xffff, v38  }
0x161: {  	v40 =	vshll.u32 v1, $0x10;
	[tilespmem:v62+s13+$0x0] =	vst.idx.add.f32.msk $0xffff, v2;
	v2 =	vadd.s32 $0x2800, v39  }
0x162: {  	v1 =	vand.u32 $0xFFFF0000, v1;
	v41 =	vadd.s32 $0x7800, v39;
	[tilespmem:v25+s13+$0x0] =	vst.idx.add.f32.msk $0xffff, v40  }
0x163: {  	[tilespmem:v37+s13+$0x0] =	vst.idx.add.f32.msk $0xffff, v1;
	v1 =	vshll.u32 v32, $0x10  }
0x164: {  	v42 =	vand.u32 $0xFFFF0000, v32;
	[tilespmem:v39+s13+$0x0] =	vst.idx.add.f32.msk $0xffff, v1;
	v1 =	vadd.s32 $0x5000, v35  }
0x165: {  	v43 =	vadd.s32 $0x2800, v35;
	[tilespmem:v3+s13+$0x0] =	vst.idx.add.f32.msk $0xffff, v42;
	v3 =	vshll.u32 v34, $0x10  }
0x166: {  	v44 =	vand.u32 $0xFFFF0000, v34;
	[tilespmem:v2+s13+$0x0] =	vst.idx.add.f32.msk $0xffff, v3;
	v2 =	vadd.s32 $0x7800, v35  }
0x167: {  	v3 =	vshll.u32 v27, $0x10;
	[tilespmem:v41+s13+$0x0] =	vst.idx.add.f32.msk $0xffff, v44  }
0x168: {  	v45 =	vand.u32 $0xFFFF0000, v27;
	[tilespmem:v35+s13+$0x0] =	vst.idx.add.f32.msk $0xffff, v3;
	v3 =	vadd.s32 $0x5000, v31  }
0x169: {  	v46 =	vadd.s32 $0x2800, v31;
	[tilespmem:v1+s13+$0x0] =	vst.idx.add.f32.msk $0xffff, v45;
	v1 =	vshll.u32 v30, $0x10  }
0x16a: {  	v47 =	vand.u32 $0xFFFF0000, v30;
	[tilespmem:v43+s13+$0x0] =	vst.idx.add.f32.msk $0xffff, v1;
	v1 =	vadd.s32 $0x7800, v31  }
0x16b: {  	[tilespmem:v2+s13+$0x0] =	vst.idx.add.f32.msk $0xffff, v47;
	v2 =	vshll.u32 v29, $0x10  }
0x16c: {  	v48 =	vand.u32 $0xFFFF0000, v29;
	[tilespmem:v31+s13+$0x0] =	vst.idx.add.f32.msk $0xffff, v2;
	v2 =	vadd.s32 $0x5000, v33  }
0x16d: {  	v49 =	vadd.s32 $0x2800, v33;
	[tilespmem:v3+s13+$0x0] =	vst.idx.add.f32.msk $0xffff, v48;
	v3 =	vshll.u32 v28, $0x10  }
0x16e: {  	v50 =	vand.u32 $0xFFFF0000, v28;
	[tilespmem:v46+s13+$0x0] =	vst.idx.add.f32.msk $0xffff, v3;
	v3 =	vadd.s32 $0x7800, v33  }
0x16f: {  	[tilespmem:v1+s13+$0x0] =	vst.idx.add.f32.msk $0xffff, v50;
	v1 =	vshll.u32 v24, $0x10  }
0x170: {  	v51 =	vand.u32 $0xFFFF0000, v24;
	[tilespmem:v33+s13+$0x0] =	vst.idx.add.f32.msk $0xffff, v1;
	v1 =	vadd.s32 $0x5000, v26  }
0x171: {  	v52 =	vadd.s32 $0x2800, v26;
	[tilespmem:v2+s13+$0x0] =	vst.idx.add.f32.msk $0xffff, v51;
	v2 =	vshll.u32 v23, $0x10  }
0x172: {  	v53 =	vand.u32 $0xFFFF0000, v23;
	[tilespmem:v49+s13+$0x0] =	vst.idx.add.f32.msk $0xffff, v2;
	v2 =	vadd.s32 $0x7800, v26  }
0x173: {  	[tilespmem:v3+s13+$0x0] =	vst.idx.add.f32.msk $0xffff, v53;
	v3 =	vshll.u32 v18, $0x10  }
0x174: {  	v54 =	vand.u32 $0xFFFF0000, v18;
	[tilespmem:v26+s13+$0x0] =	vst.idx.add.f32.msk $0xffff, v3;
	v3 =	vadd.s32 $0x5000, v20  }
0x175: {  	v55 =	vadd.s32 $0x2800, v20;
	[tilespmem:v1+s13+$0x0] =	vst.idx.add.f32.msk $0xffff, v54;
	v1 =	vshll.u32 v15, $0x10  }
0x176: {  	v56 =	vand.u32 $0xFFFF0000, v15;
	[tilespmem:v52+s13+$0x0] =	vst.idx.add.f32.msk $0xffff, v1;
	v1 =	vadd.s32 $0x7800, v20  }
0x177: {  	[tilespmem:v2+s13+$0x0] =	vst.idx.add.f32.msk $0xffff, v56;
	v2 =	vshll.u32 v13, $0x10  }
0x178: {  	v57 =	vand.u32 $0xFFFF0000, v13;
	[tilespmem:v20+s13+$0x0] =	vst.idx.add.f32.msk $0xffff, v2;
	v2 =	vadd.s32 $0x5000, v16  }
0x179: {  	v58 =	vadd.s32 $0x2800, v16;
	[tilespmem:v3+s13+$0x0] =	vst.idx.add.f32.msk $0xffff, v57;
	v3 =	vshll.u32 v21, $0x10  }
0x17a: {  	v59 =	vand.u32 $0xFFFF0000, v21;
	[tilespmem:v55+s13+$0x0] =	vst.idx.add.f32.msk $0xffff, v3;
	v3 =	vadd.s32 $0x7800, v16  }
0x17b: {  	[tilespmem:v1+s13+$0x0] =	vst.idx.add.f32.msk $0xffff, v59;
	v1 =	vshll.u32 v10, $0x10  }
0x17c: {  	v60 =	vand.u32 $0xFFFF0000, v10;
	[tilespmem:v16+s13+$0x0] =	vst.idx.add.f32.msk $0xffff, v1;
	v1 =	vadd.s32 $0x5000, v17  }
0x17d: {  	v61 =	vadd.s32 $0x2800, v17;
	[tilespmem:v2+s13+$0x0] =	vst.idx.add.f32.msk $0xffff, v60;
	v2 =	vshll.u32 v5, $0x10  }
0x17e: {  	v62 =	vand.u32 $0xFFFF0000, v5;
	[tilespmem:v58+s13+$0x0] =	vst.idx.add.f32.msk $0xffff, v2;
	v2 =	vadd.s32 $0x7800, v17  }
.Ltmp5:
0x17f: {  	[tilespmem:v3+s13+$0x0] =	vst.idx.add.f32.msk $0xffff, v62;
	v3 =	vshll.u32 v11, $0x10;
	(pc) =	sbr.rel @p0 .LBB2_10-.Ltmp5, $4  }
0x180: {  	v63 =	vand.u32 $0xFFFF0000, v11;
	[tilespmem:v17+s13+$0x0] =	vst.idx.add.f32.msk $0xffff, v3  }
0x181: {  	[tilespmem:v1+s13+$0x0] =	vst.idx.add.f32.msk $0xffff, v63;
	v1 =	vshll.u32 v8, $0x10  }
0x182: {  	v3 =	vand.u32 $0xFFFF0000, v8;
	[tilespmem:v61+s13+$0x0] =	vst.idx.add.f32.msk $0xffff, v1  }
0x183: {  	[tilespmem:v2+s13+$0x0] =	vst.idx.add.f32.msk $0xffff, v3  }
0x184: {  	s20 =	smul.u32 $0x7D00, s19  }
.Ltmp6:
0x185: {  	_ = 	snop;
	(pc) =	sbr.rel .LBB2_4-.Ltmp6, $4  }
0x186: {  	s20 =	sshrl.u32 s20, $0x3  }
0x187: {  	s20 =	sadd.s32 s3, s20  }
0x188: {  	s19 =	sadd.s32 $0x1, s19;
	s20 =	sadd.s32 $0x1770, s20  }
0x189: {  	[tilespmem:s11], [sflag:$0x2] =	stream.linear.gather [hbm4b:s20+s2], $0x3E80, $0x38;
	[tilespmem:$0x16D00] =	vst v63  }
.LBB2_11:
0x18a: {  	_ =	sfence.sel $0x180000  }
0x18b: {  	[bflag:$0x0] =	sbarrier.arrive $0xFFFF  }
0x18c: {  	p0 =	sne.s32 s1, $0x0;
	_ =	strace $0x9000004D  }
0x18d: {  	s0 =	sadd.s32 @!p0 $0x100000, s0;
	[bflag:$0x2] =	sbarrier.arrive $0xFFFF  }
0x18e: {  	[sflag:s0] =	ssyncadd.tile.s32 @!p0 $0x1;
	_ =	shalt  }
.Lfunc_end2:
_tile_overlayer_lowered:
.L_overlay_start_2:
0x18f: {  	(tag) =	ssettag $0x2  }
0x190: {  	s0 =	rddreg [dreg:$0x0];
	s2 =	stileid.u32  }
0x191: {  	s1 =	rddreg [dreg:$0x1];
	p0 =	sne.s32 s2, $0x0  }
0x192: {  	s3 =	rddreg [dreg:$0x2];
	[bflag:$0x3] =	sbarrier.arrive $0xFFFF;
	s2 =	simm.s32 @!p0 $0x1C04  }
0x193: {  	[timem:s3], [sflag:s2] =	dma.local @!p0 [hbm:s0], s1  }
0x194: {  	s0 =	simm.s32 @!p0 $0x4  }
0x195: {  	_ =	swait.ge @!p0 [sflag:s0], s1  }
0x196: {  	s1 =	ssub.s32 @!p0 $0x0, s1;
	[sflag:s0] =	ssyncset.done @!p0 $0x0  }
0x197: {  	[sflag:s0] =	ssyncadd.s32 @!p0 s1  }
0x198: {  	[bflag:$0x3] =	sbarrier.arrive $0xFFFF  }
0x199: {  	_ =	shalt  }

// kernel: kernel.8.cloned.1.call-start
scs
__scs_entry_jumppad:
0x0: {  	(pc) =	sbr.rel $0x88, $3  }
0x1: {  	(tag) =	ssettag $0x0;
	lr =	simm.s32 $0x1  }
0x2: {  	[smem:$0x3F99] =	sst lr;
	_ =	strace $0xD0000000  }
0x3: {  	_ = 	snop  }
0x4: {  	_ = 	snop  }
0x5: {  	_ = 	snop  }
0x6: {  	_ = 	snop  }
0x7: {  	_ = 	snop  }
__scs_overlays_trampoline_lowered:
0x8: {  	[smem:$0x3FA8] =	sst s0  }
0x9: {  	[smem:$0x3FA9] =	sst s1  }
0xa: {  	[smem:$0x3FAA] =	sst s2  }
0xb: {  	[smem:$0x3FAB] =	sst s3  }
0xc: {  	[smem:$0x3FAC] =	sst s4  }
0xd: {  	[smem:$0x3FAD] =	sst s5  }
0xe: {  	[smem:$0x3FAE] =	sst s6  }
0xf: {  	[smem:$0x3FAF] =	sst s7  }
0x10: {  	[smem:$0x3FB0] =	sst s8  }
0x11: {  	[smem:$0x3FB1] =	sst s9;
	s0 =	simm.s32 @!p0 $0x0  }
0x12: {  	s1 =	sld [smem:$0x3F97];
	s0 =	simm.s32 @p0 $0x1  }
0x13: {  	[smem:$0x3FB2] =	sst s0;
	s0 =	simm.s32 @!p1 $0x0  }
0x14: {  	s2 =	sld [smem:$0x3F96];
	s0 =	simm.s32 @p1 $0x1  }
0x15: {  	[smem:$0x3FB3] =	sst s0;
	s0 =	simm.s32 @!p2 $0x0  }
0x16: {  	s3 =	sld [smem:$0x3FDB];
	s0 =	simm.s32 @p2 $0x1  }
0x17: {  	s4 =	simm.s32 $0x1BF5;
	[smem:$0x3FB5] =	sst s0  }
0x18: {  	s0 =	sld [smem:$0x3F98];
	_ =	swait.ge [sflag:s4], $0x0  }
0x19: {  	s7 =	sld [smem:$0x3F99]  }
0x1a: {  	s8 =	sadd.s32 $0xFFFFE003, lr  }
0x1b: {  	s9 =	sadd.s32 $0xFFFFFEF7, lr;
	s5 =	simm.s32 $0xFFFFFFFF;
	p2 =	slt.u32 s8, $0xFFFFF086  }
0x1c: {  	p1 =	slt.u32 s9, $0xF7A;
	s5 =	simm.s32 @!p2 $0x0  }
0x1d: {  	s5 =	simm.s32 @p1 $0x1;
	p0 =	seq.s32 s7, s2  }
0x1e: {  	s7 =	smul.u32 @!p0 $0xF7A, s2;
	p2 =	seq.s32 @!p0 s5, $0x0  }
0x1f: {  	s9 =	smul.u32 $0xF7A, s1;
	s8 =	simm.s32 @!p0 $0x1BF5;
	p2 =	por !p2, p0  }
0x20: {  	[sflag:s8] =	ssyncset.s32 @!p0 $0xFFFFF086;
	s6 =	sadd.s32 @!p0 s3, s7;
	s7 =	simm.s32 @!p0 $0x108  }
0x21: {  	s3 =	sadd.s32 s3, s9;
	s6 =	sadd.s32 @!p0 $0x88, s6;
	s7 =	simm.s32 @p2 $0x1082  }
0x22: {  	[simem:s7], [sflag:s8] =	dma.local @!p0 [hbm:s6], $0xF7A  }
0x23: {  	s9 =	sor.u32 $0xD0000000, s2;
	s6 =	simm.s32 $0x108;
	_ =	swait.ge @!p0 [sflag:s8], $0x0  }
0x24: {  	s3 =	sadd.s32 $0x88, s3;
	s6 =	simm.s32 @!p1 $0x1082;
	[sflag:s4] =	ssyncset.s32 $0xFFFFF086  }
0x25: {  	[simem:s6], [sflag:s4] =	dma.local [hbm:s3], $0xF7A  }
0x26: {  	[smem:$0x3F99] =	sst s1;
	(tag) =	ssettag s2;
	_ =	strace s9  }
0x27: {  	s1 =	sld [smem:$0x3FA9]  }
0x28: {  	s2 =	sld [smem:$0x3FAA]  }
0x29: {  	s4 =	sld [smem:$0x3FAC]  }
0x2a: {  	p0 =	seq.s32 s5, $0x0;
	s5 =	sld [smem:$0x3FAD]  }
0x2b: {  	s6 =	sld [smem:$0x3FAE]  }
0x2c: {  	s7 =	sld [smem:$0x3FAF]  }
0x2d: {  	s3 =	simm.s32 $0x108;
	s8 =	sld [smem:$0x3FB0]  }
0x2e: {  	s3 =	simm.s32 @!p0 $0x1082;
	s9 =	sld [smem:$0x3FB1]  }
0x2f: {  	lr =	sadd.s32 s0, s3;
	s0 =	sld [smem:$0x3FA8]  }
0x30: {  	s3 =	sld [smem:$0x3FAB]  }
0x31: {  	[smem:$0x3FB4] =	sst s10  }
0x32: {  	s10 =	sld [smem:$0x3FB2];
	_ =	sdelay $0x3  }
0x33: {  	p0 =	seq.s32 s10, $0x1;
	s10 =	sld [smem:$0x3FB4];
	_ =	sdelay $0x3  }
0x34: {  	[smem:$0x3FB4] =	sst s10  }
0x35: {  	s10 =	sld [smem:$0x3FB3];
	_ =	sdelay $0x3  }
0x36: {  	p1 =	seq.s32 s10, $0x1;
	s10 =	sld [smem:$0x3FB4];
	_ =	sdelay $0x3  }
0x37: {  	[smem:$0x3FB4] =	sst s10  }
0x38: {  	s10 =	sld [smem:$0x3FB5]  }
0x39: {  	_ = 	snop;
	(pc) =	sbr.ind lr, $3  }
0x3a: {  	_ = 	snop  }
0x3b: {  	_ = 	snop  }
0x3c: {  	p2 =	seq.s32 s10, $0x1;
	s10 =	sld [smem:$0x3FB4]  }
0x3d: {  	_ =	shalt  }
0x3e: {  	_ =	shalt  }
0x3f: {  	_ =	shalt  }
0x40: {  	_ =	shalt  }
0x41: {  	_ =	shalt  }
0x42: {  	_ =	shalt  }
0x43: {  	_ =	shalt  }
0x44: {  	_ =	shalt  }
0x45: {  	_ =	shalt  }
0x46: {  	_ =	shalt  }
0x47: {  	_ =	shalt  }
0x48: {  	_ =	shalt  }
0x49: {  	_ =	shalt  }
0x4a: {  	_ =	shalt  }
0x4b: {  	_ =	shalt  }
0x4c: {  	_ =	shalt  }
0x4d: {  	_ =	shalt  }
0x4e: {  	_ =	shalt  }
0x4f: {  	_ =	shalt  }
0x50: {  	_ =	shalt  }
0x51: {  	_ =	shalt  }
0x52: {  	_ =	shalt  }
0x53: {  	_ =	shalt  }
0x54: {  	_ =	shalt  }
0x55: {  	_ =	shalt  }
0x56: {  	_ =	shalt  }
0x57: {  	_ =	shalt  }
0x58: {  	_ =	shalt  }
0x59: {  	_ =	shalt  }
0x5a: {  	_ =	shalt  }
0x5b: {  	_ =	shalt  }
0x5c: {  	_ =	shalt  }
0x5d: {  	_ =	shalt  }
0x5e: {  	_ =	shalt  }
0x5f: {  	_ =	shalt  }
0x60: {  	_ =	shalt  }
0x61: {  	_ =	shalt  }
0x62: {  	_ =	shalt  }
0x63: {  	_ =	shalt  }
0x64: {  	_ =	shalt  }
0x65: {  	_ =	shalt  }
0x66: {  	_ =	shalt  }
0x67: {  	_ =	shalt  }
0x68: {  	_ =	shalt  }
0x69: {  	_ =	shalt  }
0x6a: {  	_ =	shalt  }
0x6b: {  	_ =	shalt  }
0x6c: {  	_ =	shalt  }
0x6d: {  	_ =	shalt  }
0x6e: {  	_ =	shalt  }
0x6f: {  	_ =	shalt  }
0x70: {  	_ =	shalt  }
0x71: {  	_ =	shalt  }
0x72: {  	_ =	shalt  }
0x73: {  	_ =	shalt  }
0x74: {  	_ =	shalt  }
0x75: {  	_ =	shalt  }
0x76: {  	_ =	shalt  }
0x77: {  	_ =	shalt  }
0x78: {  	_ =	shalt  }
0x79: {  	_ =	shalt  }
0x7a: {  	_ =	shalt  }
0x7b: {  	_ =	shalt  }
0x7c: {  	_ =	shalt  }
0x7d: {  	_ =	shalt  }
0x7e: {  	_ =	shalt  }
0x7f: {  	_ =	shalt  }
0x80: {  	_ =	shalt  }
0x81: {  	_ =	shalt  }
0x82: {  	_ =	shalt  }
0x83: {  	_ =	shalt  }
0x84: {  	_ =	shalt  }
0x85: {  	_ =	shalt  }
0x86: {  	_ =	shalt  }
0x87: {  	_ =	shalt  }
.Lfunc_end0:
.L_simem_size_0:
called_computation_lowered:
.L_overlay_start_0:
0x88: {  	s2 =	sld [smem:$0x3FD9]  }
0x89: {  	s3 =	sld [smem:$0x3FFE];
	_ =	sdelay $0x1  }
0x8a: {  	s1 =	srdreg.scid  }
0x8b: {  	s0 =	sand.u32 $0x1, s1  }
0x8c: {  	s17 =	sshll.u32 s0, $0xA;
	s2 =	sadd.s32 s3, s2  }
0x8d: {  	s2 =	sadd.s32 s2, s17  }
0x8e: {  	[smem:$0x3FC0] =	sst s2  }
0x8f: {  	_ = 	snop  }
0x90: {  	s2 =	sld [smem:$0x3FD0];
	(tm) =	ssettm $0x1  }
0x91: {  	s18 =	sld [smem:$0x3FFB];
	_ =	sdelay $0x3  }
0x92: {  	_ =	strace s18  }
0x93: {  	s3 =	sld [smem:$0x3FFC];
	_ =	sdelay $0x3  }
0x94: {  	_ =	strace s3  }
0x95: {  	s3 =	sld [smem:$0x3FFD];
	_ =	sdelay $0x3  }
0x96: {  	_ =	strace s3  }
0x97: {  	_ =	strace $0x8FFFFFFF  }
0x98: {  	s19 =	sld [smem:$0x3FDB];
	_ =	sdelay $0x1  }
0x99: {  	s4 =	simm.s32 $_scs_section_size  }
0x9a: {  	s5 =	simm.s32 $_size__tile_overlayer_lowered;
	s6 =	simm.s32 $_tile_overlayer_lowered  }
0x9b: {  	s22 =	simm.s32 $0x1BFF;
	s21 =	sshll.u32 s6, $0x1;
	s3 =	sadd.s32 s4, s19  }
0x9c: {  	s7 =	simm.s32 $0x0;
	s20 =	sshll.u32 s5, $0x1;
	s5 =	sadd.s32 s21, s3  }
0x9d: {  	[timem:s7], [sflag:s22] =	dma.local [hbm:s5], s20  }
0x9e: {  	_ =	swait.ge [sflag:s22], s20  }
0x9f: {  	s4 =	ssub.s32 $0x0, s20;
	[sflag:s22] =	ssyncset.done $0x0  }
0xa0: {  	[sflag:s22] =	ssyncadd.s32 s4;
	_ =	sdelay $0x1  }
0xa1: {  	s23 =	simm.s32 $0x1B8B  }
0xa2: {  	_ =	swait.ge [sflag:s23], $0x1  }
0xa3: {  	[sflag:s23] =	ssyncset.done $0x0  }
0xa4: {  	s25 =	simm.s32 $0x1B8E;
	s24 =	sld [smem:$0x3FFE];
	[sflag:s23] =	ssyncadd.s32 $0xFFFFFFFF  }
0xa5: {  	s26 =	simm.s32 $execute0_lowered;
	[smem:$0x3FD2] =	sst s25  }
0xa6: {  	s5 =	sshll.u32 s26, $0x1;
	_ =	strace $0x80000046;
	[dreg:$0x1] =	wrdreg $0xFFFFFFFF  }
0xa7: {  	s28 =	simm.s32 $_size_execute0_lowered;
	s3 =	sadd.s32 s3, s5;
	[dreg:$0x0] =	wrdreg $0x0  }
0xa8: {  	s5 =	sshll.u32 s28, $0x1;
	[dreg:$0x2] =	wrdreg s3  }
0xa9: {  	[dreg:$0x3] =	wrdreg s5  }
0xaa: {  	[dreg:$0x4] =	wrdreg $0xC0  }
0xab: {  	_ =	task [dreg:s7], $0x5FFFF  }
0xac: {  	[dreg:$0x1] =	wrdreg $0xFFFFFFFF  }
0xad: {  	[dreg:$0x0] =	wrdreg $0x60  }
0xae: {  	[dreg:$0x2] =	wrdreg s2  }
0xaf: {  	[dreg:$0x3] =	wrdreg s24  }
0xb0: {  	[dreg:$0x4] =	wrdreg $0x9  }
0xb1: {  	_ =	task.clear_ibuf [dreg:s7], $0x5FFFF;
	_ =	strace $0x90000046  }
0xb2: {  	s29 =	simm.s32 $0x9;
	_ =	strace $0x80000048  }
0xb3: {  	_ =	swait.ge [sflag:s29], $0x1  }
0xb4: {  	[sflag:s29] =	ssyncadd.s32 $0xFFFFFFFF  }
0xb5: {  	_ =	strace $0x90000048  }
0xb6: {  	_ =	sfence  }
0xb7: {  	s30 =	sld [smem:$0x0];
	_ =	sdelay $0x2  }
0xb8: {  	s31 =	sshll.u32 s1, $0xD;
	s1 =	sshrl.u32 s1, $0x2  }
0xb9: {  	s3 =	sand.u32 $0x4000, s31;
	s1 =	sadd.s32 s1, s30  }
0xba: {  	s0 =	sor.u32 s3, s0;
	s1 =	sshll.u32 s1, $0x11  }
0xbb: {  	s0 =	sor.u32 s1, s0  }
0xbc: {  	s0 =	sadd.s32 $0x8F2B, s0  }
0xbd: {  	[sflag:s0] =	ssyncadd.remote.s32 $0x1  }
0xbe: {  	_ =	sfence.sel $0xFFFF  }
0xbf: {  	[dreg:$0x0] =	wrdreg $0xFFFFFFFF;
	(pc) =	sbr.abs _section_cstart, $3  }
0xc0: {  	[dreg:$0x1] =	wrdreg $0xFFFFFFFF  }
0xc1: {  	_ =	task.clear_ibuf [dreg:s7], $0x2FFFF;
	_ =	strace $0x9FFFFFFF  }
0xc2: {  	(tm) =	ssettm $0x7FFFFFFF  }
0xc3: {  	_ =	shalt  }
tec
execute0_lowered:
.L_overlay_start_1:
0x0: {  	(tag) =	ssettag $0x1  }
0x1: {  	s1 =	srdreg.scid;
	s0 =	stileid.u32  }
0x2: {  	s3 =	rddreg [dreg:$0x0];
	s4 =	sand.u32 $0x1, s1;
	s31 =	sshll.u32 s0, $0x1  }
0x3: {  	s5 =	rddreg [dreg:$0x1];
	s2 =	simm.s32 $0x0;
	s6 =	sor.u32 s4, s31  }
0x4: {  	s10 =	simm.s32 $0x7530;
	s11 =	simm.s32 $0x4E20;
	s7 =	smul.u32 $0x500, s6  }
0x5: {  	s1 =	rddreg [dreg:$0x2];
	s4 =	ssub.s32 $0x2, s4;
	s6 =	smul.u32 $0x2710, s6  }
0x6: {  	s12 =	simm.s32 $0x0;
	[smem:$0x7FF] =	sst s2;
	s8 =	sshrl.u32 s4, $0x1  }
0x7: {  	_ =	strace $0x80000047;
	s8 =	ssub.s32 s4, s8;
	s6 =	sshrl.u32 s6, $0x3  }
0x8: {  	s7 =	sadd.s32 s7, s5;
	s9 =	sadd.s32 s6, s5;
	s3 =	sadd.s32 s3, s6  }
0x9: {  	s5 =	sadd.s32 $0x2200, s7;
	s7 =	smax.u32 s8, $0x1;
	s8 =	simm.s32 $0x1  }
0xa: {  	v0 =	vimm.f32 $0.0e+00;
	v1 =	vimm.f32 $1.000000000e+00;
	s4 =	sadd.s32 $0x9C40, s3;
	s6 =	sadd.s32 $0xC200, s9;
	s9 =	simm.s32 $0x2710  }
.LBB2_1:
0xb: {  	s13 =	simm.s32 $0x40;
	s14 =	simm.s32 $0x0  }
.LBB2_2:
0xc: {  	p0 =	sne.s32 s13, $0x9FC0;
	[tilespmem:s14+$0x7530] =	vst v0;
	s14 =	smov.u32 s13;
	s13 =	sadd.s32 $0x40, s13  }
.Ltmp0:
0xd: {  	(pc) =	sbr.rel @p0 .LBB2_2-.Ltmp0, $2  }
0xe: {  	_ =	sdelay $0x2  }
0xf: {  	s14 =	sshra.s32 s14, $0x2  }
0x10: {  	[tilespmem:s14+$0x7530] =	vst v0;
	s13 =	simm.s32 $0x0  }
0x11: {  	[tilespmem:s13], [sflag:$0x1] =	stream.linear.gather [hbm4b:s3+s13], $0x2710, $0x38;
	[tilespmem:$0x9D30] =	vst v63  }
0x12: {  	_ =	swait.ge [sflag:s8], $0x2710  }
0x13: {  	[sflag:s8] =	ssyncset.done $0x0  }
0x14: {  	[sflag:s8] =	ssyncadd.s32 $0xFFFFD8F0  }
0x15: {  	[tilespmem:s9], [sflag:$0x1] =	stream.linear.gather [hbm4b:s4+s13], $0x2710, $0x38;
	[tilespmem:$0x9D30] =	vst v63  }
0x16: {  	_ =	swait.ge [sflag:s8], $0x2710  }
0x17: {  	[sflag:s8] =	ssyncset.done $0x0  }
0x18: {  	s14 =	simm.s32 $0x40;
	s13 =	simm.s32 $0x0;
	[sflag:s8] =	ssyncadd.s32 $0xFFFFD8F0  }
.LBB2_4:
0x19: {  	p0 =	sne.s32 s14, $0x9C00;
	v2 =	vld [tilespmem:s13+$0x2710]  }
0x1a: {  	v3 =	vld [tilespmem:s13+$0x0];
	_ =	sdelay $0x2  }
.Ltmp1:
0x1b: {  	(pc) =	sbr.rel @p0 .LBB2_4-.Ltmp1, $4  }
0x1c: {  	v4 =	vshll.u32 v2, $0x10  }
0x1d: {  	v3 =	vadd.s32 v3, v4  }
0x1e: {  	[tilespmem:s13+$0x4E20] =	vst v3  }
0x1f: {  	s13 =	sshra.s32 s14, $0x2;
	s14 =	sadd.s32 $0x40, s14;
	[tilespmem:v2+s10+$0x0] =	vst.idx.add.f32.msk $0xffff, v1  }
0x20: {  	v2 =	vld [tilespmem:s13+$0x2710]  }
0x21: {  	v3 =	vld [tilespmem:s13+$0x0];
	_ =	sdelay $0x3  }
0x22: {  	v4 =	vshll.u32 v2, $0x10  }
0x23: {  	v3 =	vadd.s32 v3, v4  }
0x24: {  	[tilespmem:s13+$0x4E20] =	vst v3  }
0x25: {  	[tilespmem:v2+s10+$0x0] =	vst.idx.add.f32.msk $0xffff, v1  }
0x26: {  	[hbm4b:s5+s2] =	stream.linear.scatter [tilespmem:s10], [sflag:$0x1], $0x2800, $0x38;
	[tilespmem:$0x9D30] =	vst v63  }
0x27: {  	s12 =	sadd.s32 $0x1, s12;
	_ =	swait.ge [sflag:s8], $0x2800  }
0x28: {  	p0 =	sne.s32 s12, s7;
	[sflag:s8] =	ssyncset.done $0x0  }
.Ltmp2:
0x29: {  	[sflag:s8] =	ssyncadd.s32 $0xFFFFD800;
	(pc) =	sbr.rel @p0 .LBB2_1-.Ltmp2, $4  }
0x2a: {  	[hbm4b:s6+s2] =	stream.linear.scatter [tilespmem:s11], [sflag:$0x1], $0x2710, $0x38;
	[tilespmem:$0x9D30] =	vst v63  }
0x2b: {  	_ =	swait.ge [sflag:s8], $0x2710  }
0x2c: {  	[sflag:s8] =	ssyncset.done $0x0  }
0x2d: {  	[sflag:s8] =	ssyncadd.s32 $0xFFFFD8F0  }
0x2e: {  	_ =	sfence.sel $0x180000  }
0x2f: {  	[bflag:$0x0] =	sbarrier.arrive $0xFFFF  }
0x30: {  	p0 =	sne.s32 s0, $0x0;
	_ =	strace $0x90000047  }
0x31: {  	s0 =	sadd.s32 @!p0 $0x100000, s1;
	[bflag:$0x2] =	sbarrier.arrive $0xFFFF  }
0x32: {  	[sflag:s0] =	ssyncadd.tile.s32 @!p0 $0x1;
	_ =	shalt  }
.Lfunc_end2:
_tile_overlayer_lowered:
.L_overlay_start_2:
0x33: {  	(tag) =	ssettag $0x2  }
0x34: {  	s0 =	rddreg [dreg:$0x0];
	s2 =	stileid.u32  }
0x35: {  	s1 =	rddreg [dreg:$0x1];
	p0 =	sne.s32 s2, $0x0  }
0x36: {  	s3 =	rddreg [dreg:$0x2];
	[bflag:$0x3] =	sbarrier.arrive $0xFFFF;
	s2 =	simm.s32 @!p0 $0x1C01  }
0x37: {  	[timem:s3], [sflag:s2] =	dma.local @!p0 [hbm:s0], s1  }
0x38: {  	s0 =	simm.s32 @!p0 $0x1  }
0x39: {  	_ =	swait.ge @!p0 [sflag:s0], s1  }
0x3a: {  	s1 =	ssub.s32 @!p0 $0x0, s1;
	[sflag:s0] =	ssyncset.done @!p0 $0x0  }
0x3b: {  	[sflag:s0] =	ssyncadd.s32 @!p0 s1  }
0x3c: {  	[bflag:$0x3] =	sbarrier.arrive $0xFFFF  }
0x3d: {  	_ =	shalt  }

</sc_bundles>
